<compile_context>
chip_gen: v7x
topology: tpu7x:2x2x1
jax: 0.10.2.dev20260603
libtpu: 0.0.44.dev20260713+nightly
codegen_flags: <defaults>
</compile_context>

<pallas_src>
import functools

import jax
import jax.numpy as jnp
from jax import lax
from jax.experimental import pallas as pl
from jax.experimental.pallas import tpu as pltpu
from jax.experimental.pallas import tpu_sc as plsc

_TW = 32768


def _repack_body(xt_ref, out_ref):
    h = _TW // 2
    c = 2048
    for q in range(h // c):
        s = q * c
        x = jnp.concatenate(
            [xt_ref[:, pl.ds(s, c)], xt_ref[:, pl.ds(h + s, c)]], axis=0
        )
        out_ref[pl.ds(s, c), :] = jnp.transpose(x, (1, 0))


def _repack(tablet):
    D, V = tablet.shape
    spans = (V + _TW - 1) // _TW
    h = _TW // 2
    return pl.pallas_call(
        _repack_body,
        grid=(spans,),
        in_specs=[pl.BlockSpec((D, _TW), lambda g: (0, g))],
        out_specs=pl.BlockSpec((h, 128), lambda g: (g, 0)),
        out_shape=jax.ShapeDtypeStruct((spans * h, 128), jnp.float32),
    )(tablet)


def _embed_call(B, D, b_per_w, num_cores):
    mesh = plsc.VectorSubcoreMesh(core_axis_name="c", subcore_axis_name="s")

    @functools.partial(
        pl.kernel,
        mesh=mesh,
        out_type=jax.ShapeDtypeStruct((B, D), jnp.float32),
        scratch_types=[
            pltpu.VMEM((b_per_w,), jnp.int32),
            pltpu.VMEM((b_per_w,), jnp.int32),
            pltpu.VMEM((b_per_w, 2 * D), jnp.float32),
            pltpu.VMEM((b_per_w, D), jnp.float32),
            pltpu.SemaphoreType.DMA,
            pltpu.SemaphoreType.DMA,
        ],
        compiler_params=pltpu.CompilerParams(use_tc_tiling_on_sc=False),
    )
    def k(labels_hbm, table_hbm, out_hbm, lab_v, idx_v, rows_v, out_v, gsem, osem):
        wid = lax.axis_index("s") * num_cores + lax.axis_index("c")
        base = wid * b_per_w
        nch = 4
        ch = b_per_w // nch
        pltpu.sync_copy(labels_hbm.at[pl.ds(base, b_per_w)], lab_v)
        sh_half = _TW.bit_length() - 2
        for j in range(b_per_w // 16):
            lab = lab_v[pl.ds(j * 16, 16)]
            idx_v[pl.ds(j * 16, 16)] = lax.shift_left(
                lax.shift_right_logical(lab, sh_half + 1), sh_half
            ) + (lab & (_TW // 2 - 1))

        def gather(i):
            return pltpu.async_copy(
                table_hbm.at[idx_v.at[pl.ds(i * ch, ch)]],
                rows_v.at[pl.ds(i * ch, ch)],
                gsem,
            )

        def select(i):
            def body(g):
                lab16 = lab_v[pl.ds(g * 16, 16)]
                off16 = (lax.shift_right_logical(lab16, sh_half) & 1) * D
                for k in range(16):
                    r = g * 16 + k
                    off = off16[k]
                    for c in range(D // 16):
                        out_v[r, pl.ds(c * 16, 16)] = rows_v[
                            r, pl.ds(off + c * 16, 16)
                        ]

            pl.loop(i * (ch // 16), (i + 1) * (ch // 16))(body)

        handles = [gather(0)]
        outs = []
        for i in range(nch):
            if i + 1 < nch:
                handles.append(gather(i + 1))
            handles[i].wait()
            select(i)
            outs.append(
                pltpu.async_copy(
                    out_v.at[pl.ds(i * ch, ch)],
                    out_hbm.at[pl.ds(base + i * ch, ch)],
                    osem,
                )
            )
        for o in outs:
            o.wait()

    return k


def kernel(labels, table):
    B = labels.shape[0]
    V, D = table.shape
    info = plsc.get_sparse_core_info()
    nw = info.num_cores * info.num_subcores
    b_per_w = B // nw
    labels = labels.astype(jnp.int32)
    table2 = _repack(table.T)
    return _embed_call(B, D, b_per_w, info.num_cores)(labels, table2)

# --- scband reference (transcript-rebuilt; emitter-appended) ---
"""Pipeline reference for scband-label-embedder-61272003445428 (READ-ONLY COPY).

The authoritative reference and input builder live on the scoring server;
editing this copy changes nothing except your own understanding.
"""

import jax, jax.numpy as jnp
import numpy as np

NUM_CLASSES = 1000000
HIDDEN_SIZE = 64
DROPOUT = 0.0
BATCH = 16384

# table rows = num_classes + (dropout > 0) = 1000000 + 0 = 1000000
TABLE_ROWS = NUM_CLASSES + (1 if DROPOUT > 0 else 0)


def setup_inputs(seed: int = 0) -> dict:
    key = jax.random.key(seed)
    k1, k2 = jax.random.split(key)
    labels = jax.random.randint(k1, (BATCH,), 0, NUM_CLASSES, dtype=jnp.int64 if jax.config.jax_enable_x64 else jnp.int32)
    table = jax.random.normal(k2, (TABLE_ROWS, HIDDEN_SIZE), dtype=jnp.float32)
    return {"labels": labels, "table": table}


def reference(labels, table):
    # drop(): dropout == 0.0 and drop_ids is None -> labels unchanged (eval / no-drop path)
    # embedding lookup: nn.Embedding(labels) -> table[labels]
    out = jnp.take(table, labels, axis=0)
    return out

if __name__ == "__main__":
    import jax
    _d = setup_inputs()
    print(jax.jit(kernel)(*tuple(_d.values())))

</pallas_src>

<mosaic_0001>
#map = affine_map<(d0, d1) -> (0)>
#map1 = affine_map<(d0, d1) -> (0, 0)>
module attributes {stable_mosaic.version = 14 : i64} {
  func.func @k(%arg0: i32, %arg1: i32, %arg2: memref<16384xi32, #tpu.memory_space<hbm>>, %arg3: memref<507904x128xf32, #tpu.memory_space<hbm>>, %arg4: memref<16384x64xf32, #tpu.memory_space<hbm>>, %arg5: memref<512xi32, #tpu.memory_space<vmem>>, %arg6: memref<512xi32, #tpu.memory_space<vmem>>, %arg7: memref<512x128xf32, #tpu.memory_space<vmem>>, %arg8: memref<512x64xf32, #tpu.memory_space<vmem>>, %arg9: memref<!tpu.dma_semaphore, #tpu.memory_space<semaphore_mem>>, %arg10: memref<!tpu.dma_semaphore, #tpu.memory_space<semaphore_mem>>) attributes {dimension_semantics = [#tpu.dimension_semantics<core_parallel>, #tpu.dimension_semantics<subcore_parallel>], iteration_bounds = array<i64: 2, 16>, scalar_prefetch = 0 : i64, scratch_operands = 6 : i64, tpu.core_type = #tpu.core_type<sc_vector_subcore>, window_params = [{transform_indices = #map}, {transform_indices = #map1}, {transform_indices = #map1}]} {
    %mul3A = arith.constant 2 : i32
    %mul3A_0 = arith.muli %arg1, %mul3A : i32
    %add3A = arith.addi %mul3A_0, %arg0 : i32
    %mul3A_1 = arith.constant 512 : i32
    %mul3A_2 = arith.muli %add3A, %mul3A_1 : i32
    "tpu.region"() ({
      %run_scoped3A = tpu.sem_alloc : memref<!tpu.dma_semaphore, #tpu.memory_space<semaphore_mem>>
      %dma_start3A_711 = tpu.memref_slice %arg2[%mul3A_2] : memref<16384xi32, #tpu.memory_space<hbm>> -> memref<512xi32, #tpu.memory_space<hbm>>
      %dma_start3A_712 = tpu.memref_slice %arg2[%mul3A_2] : memref<16384xi32, #tpu.memory_space<hbm>> -> memref<512xi32, #tpu.memory_space<hbm>>
      tpu.enqueue_dma source(%dma_start3A_712 : memref<512xi32, #tpu.memory_space<hbm>>) target(%arg5 : memref<512xi32, #tpu.memory_space<vmem>>) target_semaphore(%run_scoped3A : memref<!tpu.dma_semaphore, #tpu.memory_space<semaphore_mem>>)
      %dma_wait3A_713 = tpu.memref_slice %arg2[%mul3A_2] : memref<16384xi32, #tpu.memory_space<hbm>> -> memref<512xi32, #tpu.memory_space<hbm>>
      %dma_wait3A_714 = tpu.memref_slice %arg2[%mul3A_2] : memref<16384xi32, #tpu.memory_space<hbm>> -> memref<512xi32, #tpu.memory_space<hbm>>
      tpu.wait_dma2 semaphore(%run_scoped3A : memref<!tpu.dma_semaphore, #tpu.memory_space<semaphore_mem>>) src(%dma_wait3A_714 : memref<512xi32, #tpu.memory_space<hbm>>) dst(%arg5 : memref<512xi32, #tpu.memory_space<vmem>>)
      tpu.yield
    }) : () -> ()
    %get3A = arith.constant 0 : index
    %get3A_3 = tpu.vector_load %arg5[%get3A] {strides = array<i32>} : memref<512xi32, #tpu.memory_space<vmem>>, vector<16xi32>,
    %get3A_4 = vector.shape_cast %get3A_3 : vector<16xi32> to vector<16xi32>
    %shift_right_logical3A = arith.constant 15 : i32
    %shift_right_logical3A_5 = vector.broadcast %shift_right_logical3A : i32 to vector<16xi32>
    %shift_right_logical3A_6 = arith.shrui %get3A_4, %shift_right_logical3A_5 : vector<16xi32>
    %shift_left3A = arith.constant 14 : i32
    %shift_left3A_7 = vector.broadcast %shift_left3A : i32 to vector<16xi32>
    %shift_left3A_8 = arith.shli %shift_right_logical3A_6, %shift_left3A_7 : vector<16xi32>
    %and3A = arith.constant 16383 : i32
    %and3A_9 = vector.broadcast %and3A : i32 to vector<16xi32>
    %and3A_10 = arith.andi %get3A_4, %and3A_9 : vector<16xi32>
    %add3A_11 = arith.addi %shift_left3A_8, %and3A_10 : vector<16xi32>
    %swap3A = arith.constant 0 : index
    %swap3A_12 = tpu.vector_load %arg6[%swap3A] {strides = array<i32>} : memref<512xi32, #tpu.memory_space<vmem>>, vector<16xi32>,
    %swap3A_13 = vector.shape_cast %swap3A_12 : vector<16xi32> to vector<16xi32>
    %swap3A_14 = vector.shape_cast %add3A_11 : vector<16xi32> to vector<16xi32>
    tpu.vector_store %arg6[%swap3A], %swap3A_14 {strides = array<i32>} : memref<512xi32, #tpu.memory_space<vmem>>, vector<16xi32>,
    %get3A_15 = arith.constant 16 : index
    %get3A_16 = tpu.vector_load %arg5[%get3A_15] {strides = array<i32>} : memref<512xi32, #tpu.memory_space<vmem>>, vector<16xi32>,
    %get3A_17 = vector.shape_cast %get3A_16 : vector<16xi32> to vector<16xi32>
    %shift_right_logical3A_18 = arith.constant 15 : i32
    %shift_right_logical3A_19 = vector.broadcast %shift_right_logical3A_18 : i32 to vector<16xi32>
    %shift_right_logical3A_20 = arith.shrui %get3A_17, %shift_right_logical3A_19 : vector<16xi32>
    %shift_left3A_21 = arith.constant 14 : i32
    %shift_left3A_22 = vector.broadcast %shift_left3A_21 : i32 to vector<16xi32>
    %shift_left3A_23 = arith.shli %shift_right_logical3A_20, %shift_left3A_22 : vector<16xi32>
    %and3A_24 = arith.constant 16383 : i32
    %and3A_25 = vector.broadcast %and3A_24 : i32 to vector<16xi32>
    %and3A_26 = arith.andi %get3A_17, %and3A_25 : vector<16xi32>
    %add3A_27 = arith.addi %shift_left3A_23, %and3A_26 : vector<16xi32>
    %swap3A_28 = arith.constant 16 : index
    %swap3A_29 = tpu.vector_load %arg6[%swap3A_28] {strides = array<i32>} : memref<512xi32, #tpu.memory_space<vmem>>, vector<16xi32>,
    %swap3A_30 = vector.shape_cast %swap3A_29 : vector<16xi32> to vector<16xi32>
    %swap3A_31 = vector.shape_cast %add3A_27 : vector<16xi32> to vector<16xi32>
    tpu.vector_store %arg6[%swap3A_28], %swap3A_31 {strides = array<i32>} : memref<512xi32, #tpu.memory_space<vmem>>, vector<16xi32>,
    %get3A_32 = arith.constant 32 : index
    %get3A_33 = tpu.vector_load %arg5[%get3A_32] {strides = array<i32>} : memref<512xi32, #tpu.memory_space<vmem>>, vector<16xi32>,
    %get3A_34 = vector.shape_cast %get3A_33 : vector<16xi32> to vector<16xi32>
    %shift_right_logical3A_35 = arith.constant 15 : i32
    %shift_right_logical3A_36 = vector.broadcast %shift_right_logical3A_35 : i32 to vector<16xi32>
    %shift_right_logical3A_37 = arith.shrui %get3A_34, %shift_right_logical3A_36 : vector<16xi32>
    %shift_left3A_38 = arith.constant 14 : i32
    %shift_left3A_39 = vector.broadcast %shift_left3A_38 : i32 to vector<16xi32>
    %shift_left3A_40 = arith.shli %shift_right_logical3A_37, %shift_left3A_39 : vector<16xi32>
    %and3A_41 = arith.constant 16383 : i32
    %and3A_42 = vector.broadcast %and3A_41 : i32 to vector<16xi32>
    %and3A_43 = arith.andi %get3A_34, %and3A_42 : vector<16xi32>
    %add3A_44 = arith.addi %shift_left3A_40, %and3A_43 : vector<16xi32>
    %swap3A_45 = arith.constant 32 : index
    %swap3A_46 = tpu.vector_load %arg6[%swap3A_45] {strides = array<i32>} : memref<512xi32, #tpu.memory_space<vmem>>, vector<16xi32>,
    %swap3A_47 = vector.shape_cast %swap3A_46 : vector<16xi32> to vector<16xi32>
    %swap3A_48 = vector.shape_cast %add3A_44 : vector<16xi32> to vector<16xi32>
    tpu.vector_store %arg6[%swap3A_45], %swap3A_48 {strides = array<i32>} : memref<512xi32, #tpu.memory_space<vmem>>, vector<16xi32>,
    %get3A_49 = arith.constant 48 : index
    %get3A_50 = tpu.vector_load %arg5[%get3A_49] {strides = array<i32>} : memref<512xi32, #tpu.memory_space<vmem>>, vector<16xi32>,
    %get3A_51 = vector.shape_cast %get3A_50 : vector<16xi32> to vector<16xi32>
    %shift_right_logical3A_52 = arith.constant 15 : i32
    %shift_right_logical3A_53 = vector.broadcast %shift_right_logical3A_52 : i32 to vector<16xi32>
    %shift_right_logical3A_54 = arith.shrui %get3A_51, %shift_right_logical3A_53 : vector<16xi32>
    %shift_left3A_55 = arith.constant 14 : i32
    %shift_left3A_56 = vector.broadcast %shift_left3A_55 : i32 to vector<16xi32>
    %shift_left3A_57 = arith.shli %shift_right_logical3A_54, %shift_left3A_56 : vector<16xi32>
    %and3A_58 = arith.constant 16383 : i32
    %and3A_59 = vector.broadcast %and3A_58 : i32 to vector<16xi32>
    %and3A_60 = arith.andi %get3A_51, %and3A_59 : vector<16xi32>
    %add3A_61 = arith.addi %shift_left3A_57, %and3A_60 : vector<16xi32>
    %swap3A_62 = arith.constant 48 : index
    %swap3A_63 = tpu.vector_load %arg6[%swap3A_62] {strides = array<i32>} : memref<512xi32, #tpu.memory_space<vmem>>, vector<16xi32>,
    %swap3A_64 = vector.shape_cast %swap3A_63 : vector<16xi32> to vector<16xi32>
    %swap3A_65 = vector.shape_cast %add3A_61 : vector<16xi32> to vector<16xi32>
    tpu.vector_store %arg6[%swap3A_62], %swap3A_65 {strides = array<i32>} : memref<512xi32, #tpu.memory_space<vmem>>, vector<16xi32>,
    %get3A_66 = arith.constant 64 : index
    %get3A_67 = tpu.vector_load %arg5[%get3A_66] {strides = array<i32>} : memref<512xi32, #tpu.memory_space<vmem>>, vector<16xi32>,
    %get3A_68 = vector.shape_cast %get3A_67 : vector<16xi32> to vector<16xi32>
    %shift_right_logical3A_69 = arith.constant 15 : i32
    %shift_right_logical3A_70 = vector.broadcast %shift_right_logical3A_69 : i32 to vector<16xi32>
    %shift_right_logical3A_71 = arith.shrui %get3A_68, %shift_right_logical3A_70 : vector<16xi32>
    %shift_left3A_72 = arith.constant 14 : i32
    %shift_left3A_73 = vector.broadcast %shift_left3A_72 : i32 to vector<16xi32>
    %shift_left3A_74 = arith.shli %shift_right_logical3A_71, %shift_left3A_73 : vector<16xi32>
    %and3A_75 = arith.constant 16383 : i32
    %and3A_76 = vector.broadcast %and3A_75 : i32 to vector<16xi32>
    %and3A_77 = arith.andi %get3A_68, %and3A_76 : vector<16xi32>
    %add3A_78 = arith.addi %shift_left3A_74, %and3A_77 : vector<16xi32>
    %swap3A_79 = arith.constant 64 : index
    %swap3A_80 = tpu.vector_load %arg6[%swap3A_79] {strides = array<i32>} : memref<512xi32, #tpu.memory_space<vmem>>, vector<16xi32>,
    %swap3A_81 = vector.shape_cast %swap3A_80 : vector<16xi32> to vector<16xi32>
    %swap3A_82 = vector.shape_cast %add3A_78 : vector<16xi32> to vector<16xi32>
    tpu.vector_store %arg6[%swap3A_79], %swap3A_82 {strides = array<i32>} : memref<512xi32, #tpu.memory_space<vmem>>, vector<16xi32>,
    %get3A_83 = arith.constant 80 : index
    %get3A_84 = tpu.vector_load %arg5[%get3A_83] {strides = array<i32>} : memref<512xi32, #tpu.memory_space<vmem>>, vector<16xi32>,
    %get3A_85 = vector.shape_cast %get3A_84 : vector<16xi32> to vector<16xi32>
    %shift_right_logical3A_86 = arith.constant 15 : i32
    %shift_right_logical3A_87 = vector.broadcast %shift_right_logical3A_86 : i32 to vector<16xi32>
    %shift_right_logical3A_88 = arith.shrui %get3A_85, %shift_right_logical3A_87 : vector<16xi32>
    %shift_left3A_89 = arith.constant 14 : i32
    %shift_left3A_90 = vector.broadcast %shift_left3A_89 : i32 to vector<16xi32>
    %shift_left3A_91 = arith.shli %shift_right_logical3A_88, %shift_left3A_90 : vector<16xi32>
    %and3A_92 = arith.constant 16383 : i32
    %and3A_93 = vector.broadcast %and3A_92 : i32 to vector<16xi32>
    %and3A_94 = arith.andi %get3A_85, %and3A_93 : vector<16xi32>
    %add3A_95 = arith.addi %shift_left3A_91, %and3A_94 : vector<16xi32>
    %swap3A_96 = arith.constant 80 : index
    %swap3A_97 = tpu.vector_load %arg6[%swap3A_96] {strides = array<i32>} : memref<512xi32, #tpu.memory_space<vmem>>, vector<16xi32>,
    %swap3A_98 = vector.shape_cast %swap3A_97 : vector<16xi32> to vector<16xi32>
    %swap3A_99 = vector.shape_cast %add3A_95 : vector<16xi32> to vector<16xi32>
    tpu.vector_store %arg6[%swap3A_96], %swap3A_99 {strides = array<i32>} : memref<512xi32, #tpu.memory_space<vmem>>, vector<16xi32>,
    %get3A_100 = arith.constant 96 : index
    %get3A_101 = tpu.vector_load %arg5[%get3A_100] {strides = array<i32>} : memref<512xi32, #tpu.memory_space<vmem>>, vector<16xi32>,
    %get3A_102 = vector.shape_cast %get3A_101 : vector<16xi32> to vector<16xi32>
    %shift_right_logical3A_103 = arith.constant 15 : i32
    %shift_right_logical3A_104 = vector.broadcast %shift_right_logical3A_103 : i32 to vector<16xi32>
    %shift_right_logical3A_105 = arith.shrui %get3A_102, %shift_right_logical3A_104 : vector<16xi32>
    %shift_left3A_106 = arith.constant 14 : i32
    %shift_left3A_107 = vector.broadcast %shift_left3A_106 : i32 to vector<16xi32>
    %shift_left3A_108 = arith.shli %shift_right_logical3A_105, %shift_left3A_107 : vector<16xi32>
    %and3A_109 = arith.constant 16383 : i32
    %and3A_110 = vector.broadcast %and3A_109 : i32 to vector<16xi32>
    %and3A_111 = arith.andi %get3A_102, %and3A_110 : vector<16xi32>
    %add3A_112 = arith.addi %shift_left3A_108, %and3A_111 : vector<16xi32>
    %swap3A_113 = arith.constant 96 : index
    %swap3A_114 = tpu.vector_load %arg6[%swap3A_113] {strides = array<i32>} : memref<512xi32, #tpu.memory_space<vmem>>, vector<16xi32>,
    %swap3A_115 = vector.shape_cast %swap3A_114 : vector<16xi32> to vector<16xi32>
    %swap3A_116 = vector.shape_cast %add3A_112 : vector<16xi32> to vector<16xi32>
    tpu.vector_store %arg6[%swap3A_113], %swap3A_116 {strides = array<i32>} : memref<512xi32, #tpu.memory_space<vmem>>, vector<16xi32>,
    %get3A_117 = arith.constant 112 : index
    %get3A_118 = tpu.vector_load %arg5[%get3A_117] {strides = array<i32>} : memref<512xi32, #tpu.memory_space<vmem>>, vector<16xi32>,
    %get3A_119 = vector.shape_cast %get3A_118 : vector<16xi32> to vector<16xi32>
    %shift_right_logical3A_120 = arith.constant 15 : i32
    %shift_right_logical3A_121 = vector.broadcast %shift_right_logical3A_120 : i32 to vector<16xi32>
    %shift_right_logical3A_122 = arith.shrui %get3A_119, %shift_right_logical3A_121 : vector<16xi32>
    %shift_left3A_123 = arith.constant 14 : i32
    %shift_left3A_124 = vector.broadcast %shift_left3A_123 : i32 to vector<16xi32>
    %shift_left3A_125 = arith.shli %shift_right_logical3A_122, %shift_left3A_124 : vector<16xi32>
    %and3A_126 = arith.constant 16383 : i32
    %and3A_127 = vector.broadcast %and3A_126 : i32 to vector<16xi32>
    %and3A_128 = arith.andi %get3A_119, %and3A_127 : vector<16xi32>
    %add3A_129 = arith.addi %shift_left3A_125, %and3A_128 : vector<16xi32>
    %swap3A_130 = arith.constant 112 : index
    %swap3A_131 = tpu.vector_load %arg6[%swap3A_130] {strides = array<i32>} : memref<512xi32, #tpu.memory_space<vmem>>, vector<16xi32>,
    %swap3A_132 = vector.shape_cast %swap3A_131 : vector<16xi32> to vector<16xi32>
    %swap3A_133 = vector.shape_cast %add3A_129 : vector<16xi32> to vector<16xi32>
    tpu.vector_store %arg6[%swap3A_130], %swap3A_133 {strides = array<i32>} : memref<512xi32, #tpu.memory_space<vmem>>, vector<16xi32>,
    %get3A_134 = arith.constant 128 : index
    %get3A_135 = tpu.vector_load %arg5[%get3A_134] {strides = array<i32>} : memref<512xi32, #tpu.memory_space<vmem>>, vector<16xi32>,
    %get3A_136 = vector.shape_cast %get3A_135 : vector<16xi32> to vector<16xi32>
    %shift_right_logical3A_137 = arith.constant 15 : i32
    %shift_right_logical3A_138 = vector.broadcast %shift_right_logical3A_137 : i32 to vector<16xi32>
    %shift_right_logical3A_139 = arith.shrui %get3A_136, %shift_right_logical3A_138 : vector<16xi32>
    %shift_left3A_140 = arith.constant 14 : i32
    %shift_left3A_141 = vector.broadcast %shift_left3A_140 : i32 to vector<16xi32>
    %shift_left3A_142 = arith.shli %shift_right_logical3A_139, %shift_left3A_141 : vector<16xi32>
    %and3A_143 = arith.constant 16383 : i32
    %and3A_144 = vector.broadcast %and3A_143 : i32 to vector<16xi32>
    %and3A_145 = arith.andi %get3A_136, %and3A_144 : vector<16xi32>
    %add3A_146 = arith.addi %shift_left3A_142, %and3A_145 : vector<16xi32>
    %swap3A_147 = arith.constant 128 : index
    %swap3A_148 = tpu.vector_load %arg6[%swap3A_147] {strides = array<i32>} : memref<512xi32, #tpu.memory_space<vmem>>, vector<16xi32>,
    %swap3A_149 = vector.shape_cast %swap3A_148 : vector<16xi32> to vector<16xi32>
    %swap3A_150 = vector.shape_cast %add3A_146 : vector<16xi32> to vector<16xi32>
    tpu.vector_store %arg6[%swap3A_147], %swap3A_150 {strides = array<i32>} : memref<512xi32, #tpu.memory_space<vmem>>, vector<16xi32>,
    %get3A_151 = arith.constant 144 : index
    %get3A_152 = tpu.vector_load %arg5[%get3A_151] {strides = array<i32>} : memref<512xi32, #tpu.memory_space<vmem>>, vector<16xi32>,
    %get3A_153 = vector.shape_cast %get3A_152 : vector<16xi32> to vector<16xi32>
    %shift_right_logical3A_154 = arith.constant 15 : i32
    %shift_right_logical3A_155 = vector.broadcast %shift_right_logical3A_154 : i32 to vector<16xi32>
    %shift_right_logical3A_156 = arith.shrui %get3A_153, %shift_right_logical3A_155 : vector<16xi32>
    %shift_left3A_157 = arith.constant 14 : i32
    %shift_left3A_158 = vector.broadcast %shift_left3A_157 : i32 to vector<16xi32>
    %shift_left3A_159 = arith.shli %shift_right_logical3A_156, %shift_left3A_158 : vector<16xi32>
    %and3A_160 = arith.constant 16383 : i32
    %and3A_161 = vector.broadcast %and3A_160 : i32 to vector<16xi32>
    %and3A_162 = arith.andi %get3A_153, %and3A_161 : vector<16xi32>
    %add3A_163 = arith.addi %shift_left3A_159, %and3A_162 : vector<16xi32>
    %swap3A_164 = arith.constant 144 : index
    %swap3A_165 = tpu.vector_load %arg6[%swap3A_164] {strides = array<i32>} : memref<512xi32, #tpu.memory_space<vmem>>, vector<16xi32>,
    %swap3A_166 = vector.shape_cast %swap3A_165 : vector<16xi32> to vector<16xi32>
    %swap3A_167 = vector.shape_cast %add3A_163 : vector<16xi32> to vector<16xi32>
    tpu.vector_store %arg6[%swap3A_164], %swap3A_167 {strides = array<i32>} : memref<512xi32, #tpu.memory_space<vmem>>, vector<16xi32>,
    %get3A_168 = arith.constant 160 : index
    %get3A_169 = tpu.vector_load %arg5[%get3A_168] {strides = array<i32>} : memref<512xi32, #tpu.memory_space<vmem>>, vector<16xi32>,
    %get3A_170 = vector.shape_cast %get3A_169 : vector<16xi32> to vector<16xi32>
    %shift_right_logical3A_171 = arith.constant 15 : i32
    %shift_right_logical3A_172 = vector.broadcast %shift_right_logical3A_171 : i32 to vector<16xi32>
    %shift_right_logical3A_173 = arith.shrui %get3A_170, %shift_right_logical3A_172 : vector<16xi32>
    %shift_left3A_174 = arith.constant 14 : i32
    %shift_left3A_175 = vector.broadcast %shift_left3A_174 : i32 to vector<16xi32>
    %shift_left3A_176 = arith.shli %shift_right_logical3A_173, %shift_left3A_175 : vector<16xi32>
    %and3A_177 = arith.constant 16383 : i32
    %and3A_178 = vector.broadcast %and3A_177 : i32 to vector<16xi32>
    %and3A_179 = arith.andi %get3A_170, %and3A_178 : vector<16xi32>
    %add3A_180 = arith.addi %shift_left3A_176, %and3A_179 : vector<16xi32>
    %swap3A_181 = arith.constant 160 : index
    %swap3A_182 = tpu.vector_load %arg6[%swap3A_181] {strides = array<i32>} : memref<512xi32, #tpu.memory_space<vmem>>, vector<16xi32>,
    %swap3A_183 = vector.shape_cast %swap3A_182 : vector<16xi32> to vector<16xi32>
    %swap3A_184 = vector.shape_cast %add3A_180 : vector<16xi32> to vector<16xi32>
    tpu.vector_store %arg6[%swap3A_181], %swap3A_184 {strides = array<i32>} : memref<512xi32, #tpu.memory_space<vmem>>, vector<16xi32>,
    %get3A_185 = arith.constant 176 : index
    %get3A_186 = tpu.vector_load %arg5[%get3A_185] {strides = array<i32>} : memref<512xi32, #tpu.memory_space<vmem>>, vector<16xi32>,
    %get3A_187 = vector.shape_cast %get3A_186 : vector<16xi32> to vector<16xi32>
    %shift_right_logical3A_188 = arith.constant 15 : i32
    %shift_right_logical3A_189 = vector.broadcast %shift_right_logical3A_188 : i32 to vector<16xi32>
    %shift_right_logical3A_190 = arith.shrui %get3A_187, %shift_right_logical3A_189 : vector<16xi32>
    %shift_left3A_191 = arith.constant 14 : i32
    %shift_left3A_192 = vector.broadcast %shift_left3A_191 : i32 to vector<16xi32>
    %shift_left3A_193 = arith.shli %shift_right_logical3A_190, %shift_left3A_192 : vector<16xi32>
    %and3A_194 = arith.constant 16383 : i32
    %and3A_195 = vector.broadcast %and3A_194 : i32 to vector<16xi32>
    %and3A_196 = arith.andi %get3A_187, %and3A_195 : vector<16xi32>
    %add3A_197 = arith.addi %shift_left3A_193, %and3A_196 : vector<16xi32>
    %swap3A_198 = arith.constant 176 : index
    %swap3A_199 = tpu.vector_load %arg6[%swap3A_198] {strides = array<i32>} : memref<512xi32, #tpu.memory_space<vmem>>, vector<16xi32>,
    %swap3A_200 = vector.shape_cast %swap3A_199 : vector<16xi32> to vector<16xi32>
    %swap3A_201 = vector.shape_cast %add3A_197 : vector<16xi32> to vector<16xi32>
    tpu.vector_store %arg6[%swap3A_198], %swap3A_201 {strides = array<i32>} : memref<512xi32, #tpu.memory_space<vmem>>, vector<16xi32>,
    %get3A_202 = arith.constant 192 : index
    %get3A_203 = tpu.vector_load %arg5[%get3A_202] {strides = array<i32>} : memref<512xi32, #tpu.memory_space<vmem>>, vector<16xi32>,
    %get3A_204 = vector.shape_cast %get3A_203 : vector<16xi32> to vector<16xi32>
    %shift_right_logical3A_205 = arith.constant 15 : i32
    %shift_right_logical3A_206 = vector.broadcast %shift_right_logical3A_205 : i32 to vector<16xi32>
    %shift_right_logical3A_207 = arith.shrui %get3A_204, %shift_right_logical3A_206 : vector<16xi32>
    %shift_left3A_208 = arith.constant 14 : i32
    %shift_left3A_209 = vector.broadcast %shift_left3A_208 : i32 to vector<16xi32>
    %shift_left3A_210 = arith.shli %shift_right_logical3A_207, %shift_left3A_209 : vector<16xi32>
    %and3A_211 = arith.constant 16383 : i32
    %and3A_212 = vector.broadcast %and3A_211 : i32 to vector<16xi32>
    %and3A_213 = arith.andi %get3A_204, %and3A_212 : vector<16xi32>
    %add3A_214 = arith.addi %shift_left3A_210, %and3A_213 : vector<16xi32>
    %swap3A_215 = arith.constant 192 : index
    %swap3A_216 = tpu.vector_load %arg6[%swap3A_215] {strides = array<i32>} : memref<512xi32, #tpu.memory_space<vmem>>, vector<16xi32>,
    %swap3A_217 = vector.shape_cast %swap3A_216 : vector<16xi32> to vector<16xi32>
    %swap3A_218 = vector.shape_cast %add3A_214 : vector<16xi32> to vector<16xi32>
    tpu.vector_store %arg6[%swap3A_215], %swap3A_218 {strides = array<i32>} : memref<512xi32, #tpu.memory_space<vmem>>, vector<16xi32>,
    %get3A_219 = arith.constant 208 : index
    %get3A_220 = tpu.vector_load %arg5[%get3A_219] {strides = array<i32>} : memref<512xi32, #tpu.memory_space<vmem>>, vector<16xi32>,
    %get3A_221 = vector.shape_cast %get3A_220 : vector<16xi32> to vector<16xi32>
    %shift_right_logical3A_222 = arith.constant 15 : i32
    %shift_right_logical3A_223 = vector.broadcast %shift_right_logical3A_222 : i32 to vector<16xi32>
    %shift_right_logical3A_224 = arith.shrui %get3A_221, %shift_right_logical3A_223 : vector<16xi32>
    %shift_left3A_225 = arith.constant 14 : i32
    %shift_left3A_226 = vector.broadcast %shift_left3A_225 : i32 to vector<16xi32>
    %shift_left3A_227 = arith.shli %shift_right_logical3A_224, %shift_left3A_226 : vector<16xi32>
    %and3A_228 = arith.constant 16383 : i32
    %and3A_229 = vector.broadcast %and3A_228 : i32 to vector<16xi32>
    %and3A_230 = arith.andi %get3A_221, %and3A_229 : vector<16xi32>
    %add3A_231 = arith.addi %shift_left3A_227, %and3A_230 : vector<16xi32>
    %swap3A_232 = arith.constant 208 : index
    %swap3A_233 = tpu.vector_load %arg6[%swap3A_232] {strides = array<i32>} : memref<512xi32, #tpu.memory_space<vmem>>, vector<16xi32>,
    %swap3A_234 = vector.shape_cast %swap3A_233 : vector<16xi32> to vector<16xi32>
    %swap3A_235 = vector.shape_cast %add3A_231 : vector<16xi32> to vector<16xi32>
    tpu.vector_store %arg6[%swap3A_232], %swap3A_235 {strides = array<i32>} : memref<512xi32, #tpu.memory_space<vmem>>, vector<16xi32>,
    %get3A_236 = arith.constant 224 : index
    %get3A_237 = tpu.vector_load %arg5[%get3A_236] {strides = array<i32>} : memref<512xi32, #tpu.memory_space<vmem>>, vector<16xi32>,
    %get3A_238 = vector.shape_cast %get3A_237 : vector<16xi32> to vector<16xi32>
    %shift_right_logical3A_239 = arith.constant 15 : i32
    %shift_right_logical3A_240 = vector.broadcast %shift_right_logical3A_239 : i32 to vector<16xi32>
    %shift_right_logical3A_241 = arith.shrui %get3A_238, %shift_right_logical3A_240 : vector<16xi32>
    %shift_left3A_242 = arith.constant 14 : i32
    %shift_left3A_243 = vector.broadcast %shift_left3A_242 : i32 to vector<16xi32>
    %shift_left3A_244 = arith.shli %shift_right_logical3A_241, %shift_left3A_243 : vector<16xi32>
    %and3A_245 = arith.constant 16383 : i32
    %and3A_246 = vector.broadcast %and3A_245 : i32 to vector<16xi32>
    %and3A_247 = arith.andi %get3A_238, %and3A_246 : vector<16xi32>
    %add3A_248 = arith.addi %shift_left3A_244, %and3A_247 : vector<16xi32>
    %swap3A_249 = arith.constant 224 : index
    %swap3A_250 = tpu.vector_load %arg6[%swap3A_249] {strides = array<i32>} : memref<512xi32, #tpu.memory_space<vmem>>, vector<16xi32>,
    %swap3A_251 = vector.shape_cast %swap3A_250 : vector<16xi32> to vector<16xi32>
    %swap3A_252 = vector.shape_cast %add3A_248 : vector<16xi32> to vector<16xi32>
    tpu.vector_store %arg6[%swap3A_249], %swap3A_252 {strides = array<i32>} : memref<512xi32, #tpu.memory_space<vmem>>, vector<16xi32>,
    %get3A_253 = arith.constant 240 : index
    %get3A_254 = tpu.vector_load %arg5[%get3A_253] {strides = array<i32>} : memref<512xi32, #tpu.memory_space<vmem>>, vector<16xi32>,
    %get3A_255 = vector.shape_cast %get3A_254 : vector<16xi32> to vector<16xi32>
    %shift_right_logical3A_256 = arith.constant 15 : i32
    %shift_right_logical3A_257 = vector.broadcast %shift_right_logical3A_256 : i32 to vector<16xi32>
    %shift_right_logical3A_258 = arith.shrui %get3A_255, %shift_right_logical3A_257 : vector<16xi32>
    %shift_left3A_259 = arith.constant 14 : i32
    %shift_left3A_260 = vector.broadcast %shift_left3A_259 : i32 to vector<16xi32>
    %shift_left3A_261 = arith.shli %shift_right_logical3A_258, %shift_left3A_260 : vector<16xi32>
    %and3A_262 = arith.constant 16383 : i32
    %and3A_263 = vector.broadcast %and3A_262 : i32 to vector<16xi32>
    %and3A_264 = arith.andi %get3A_255, %and3A_263 : vector<16xi32>
    %add3A_265 = arith.addi %shift_left3A_261, %and3A_264 : vector<16xi32>
    %swap3A_266 = arith.constant 240 : index
    %swap3A_267 = tpu.vector_load %arg6[%swap3A_266] {strides = array<i32>} : memref<512xi32, #tpu.memory_space<vmem>>, vector<16xi32>,
    %swap3A_268 = vector.shape_cast %swap3A_267 : vector<16xi32> to vector<16xi32>
    %swap3A_269 = vector.shape_cast %add3A_265 : vector<16xi32> to vector<16xi32>
    tpu.vector_store %arg6[%swap3A_266], %swap3A_269 {strides = array<i32>} : memref<512xi32, #tpu.memory_space<vmem>>, vector<16xi32>,
    %get3A_270 = arith.constant 256 : index
    %get3A_271 = tpu.vector_load %arg5[%get3A_270] {strides = array<i32>} : memref<512xi32, #tpu.memory_space<vmem>>, vector<16xi32>,
    %get3A_272 = vector.shape_cast %get3A_271 : vector<16xi32> to vector<16xi32>
    %shift_right_logical3A_273 = arith.constant 15 : i32
    %shift_right_logical3A_274 = vector.broadcast %shift_right_logical3A_273 : i32 to vector<16xi32>
    %shift_right_logical3A_275 = arith.shrui %get3A_272, %shift_right_logical3A_274 : vector<16xi32>
    %shift_left3A_276 = arith.constant 14 : i32
    %shift_left3A_277 = vector.broadcast %shift_left3A_276 : i32 to vector<16xi32>
    %shift_left3A_278 = arith.shli %shift_right_logical3A_275, %shift_left3A_277 : vector<16xi32>
    %and3A_279 = arith.constant 16383 : i32
    %and3A_280 = vector.broadcast %and3A_279 : i32 to vector<16xi32>
    %and3A_281 = arith.andi %get3A_272, %and3A_280 : vector<16xi32>
    %add3A_282 = arith.addi %shift_left3A_278, %and3A_281 : vector<16xi32>
    %swap3A_283 = arith.constant 256 : index
    %swap3A_284 = tpu.vector_load %arg6[%swap3A_283] {strides = array<i32>} : memref<512xi32, #tpu.memory_space<vmem>>, vector<16xi32>,
    %swap3A_285 = vector.shape_cast %swap3A_284 : vector<16xi32> to vector<16xi32>
    %swap3A_286 = vector.shape_cast %add3A_282 : vector<16xi32> to vector<16xi32>
    tpu.vector_store %arg6[%swap3A_283], %swap3A_286 {strides = array<i32>} : memref<512xi32, #tpu.memory_space<vmem>>, vector<16xi32>,
    %get3A_287 = arith.constant 272 : index
    %get3A_288 = tpu.vector_load %arg5[%get3A_287] {strides = array<i32>} : memref<512xi32, #tpu.memory_space<vmem>>, vector<16xi32>,
    %get3A_289 = vector.shape_cast %get3A_288 : vector<16xi32> to vector<16xi32>
    %shift_right_logical3A_290 = arith.constant 15 : i32
    %shift_right_logical3A_291 = vector.broadcast %shift_right_logical3A_290 : i32 to vector<16xi32>
    %shift_right_logical3A_292 = arith.shrui %get3A_289, %shift_right_logical3A_291 : vector<16xi32>
    %shift_left3A_293 = arith.constant 14 : i32
    %shift_left3A_294 = vector.broadcast %shift_left3A_293 : i32 to vector<16xi32>
    %shift_left3A_295 = arith.shli %shift_right_logical3A_292, %shift_left3A_294 : vector<16xi32>
    %and3A_296 = arith.constant 16383 : i32
    %and3A_297 = vector.broadcast %and3A_296 : i32 to vector<16xi32>
    %and3A_298 = arith.andi %get3A_289, %and3A_297 : vector<16xi32>
    %add3A_299 = arith.addi %shift_left3A_295, %and3A_298 : vector<16xi32>
    %swap3A_300 = arith.constant 272 : index
    %swap3A_301 = tpu.vector_load %arg6[%swap3A_300] {strides = array<i32>} : memref<512xi32, #tpu.memory_space<vmem>>, vector<16xi32>,
    %swap3A_302 = vector.shape_cast %swap3A_301 : vector<16xi32> to vector<16xi32>
    %swap3A_303 = vector.shape_cast %add3A_299 : vector<16xi32> to vector<16xi32>
    tpu.vector_store %arg6[%swap3A_300], %swap3A_303 {strides = array<i32>} : memref<512xi32, #tpu.memory_space<vmem>>, vector<16xi32>,
    %get3A_304 = arith.constant 288 : index
    %get3A_305 = tpu.vector_load %arg5[%get3A_304] {strides = array<i32>} : memref<512xi32, #tpu.memory_space<vmem>>, vector<16xi32>,
    %get3A_306 = vector.shape_cast %get3A_305 : vector<16xi32> to vector<16xi32>
    %shift_right_logical3A_307 = arith.constant 15 : i32
    %shift_right_logical3A_308 = vector.broadcast %shift_right_logical3A_307 : i32 to vector<16xi32>
    %shift_right_logical3A_309 = arith.shrui %get3A_306, %shift_right_logical3A_308 : vector<16xi32>
    %shift_left3A_310 = arith.constant 14 : i32
    %shift_left3A_311 = vector.broadcast %shift_left3A_310 : i32 to vector<16xi32>
    %shift_left3A_312 = arith.shli %shift_right_logical3A_309, %shift_left3A_311 : vector<16xi32>
    %and3A_313 = arith.constant 16383 : i32
    %and3A_314 = vector.broadcast %and3A_313 : i32 to vector<16xi32>
    %and3A_315 = arith.andi %get3A_306, %and3A_314 : vector<16xi32>
    %add3A_316 = arith.addi %shift_left3A_312, %and3A_315 : vector<16xi32>
    %swap3A_317 = arith.constant 288 : index
    %swap3A_318 = tpu.vector_load %arg6[%swap3A_317] {strides = array<i32>} : memref<512xi32, #tpu.memory_space<vmem>>, vector<16xi32>,
    %swap3A_319 = vector.shape_cast %swap3A_318 : vector<16xi32> to vector<16xi32>
    %swap3A_320 = vector.shape_cast %add3A_316 : vector<16xi32> to vector<16xi32>
    tpu.vector_store %arg6[%swap3A_317], %swap3A_320 {strides = array<i32>} : memref<512xi32, #tpu.memory_space<vmem>>, vector<16xi32>,
    %get3A_321 = arith.constant 304 : index
    %get3A_322 = tpu.vector_load %arg5[%get3A_321] {strides = array<i32>} : memref<512xi32, #tpu.memory_space<vmem>>, vector<16xi32>,
    %get3A_323 = vector.shape_cast %get3A_322 : vector<16xi32> to vector<16xi32>
    %shift_right_logical3A_324 = arith.constant 15 : i32
    %shift_right_logical3A_325 = vector.broadcast %shift_right_logical3A_324 : i32 to vector<16xi32>
    %shift_right_logical3A_326 = arith.shrui %get3A_323, %shift_right_logical3A_325 : vector<16xi32>
    %shift_left3A_327 = arith.constant 14 : i32
    %shift_left3A_328 = vector.broadcast %shift_left3A_327 : i32 to vector<16xi32>
    %shift_left3A_329 = arith.shli %shift_right_logical3A_326, %shift_left3A_328 : vector<16xi32>
    %and3A_330 = arith.constant 16383 : i32
    %and3A_331 = vector.broadcast %and3A_330 : i32 to vector<16xi32>
    %and3A_332 = arith.andi %get3A_323, %and3A_331 : vector<16xi32>
    %add3A_333 = arith.addi %shift_left3A_329, %and3A_332 : vector<16xi32>
    %swap3A_334 = arith.constant 304 : index
    %swap3A_335 = tpu.vector_load %arg6[%swap3A_334] {strides = array<i32>} : memref<512xi32, #tpu.memory_space<vmem>>, vector<16xi32>,
    %swap3A_336 = vector.shape_cast %swap3A_335 : vector<16xi32> to vector<16xi32>
    %swap3A_337 = vector.shape_cast %add3A_333 : vector<16xi32> to vector<16xi32>
    tpu.vector_store %arg6[%swap3A_334], %swap3A_337 {strides = array<i32>} : memref<512xi32, #tpu.memory_space<vmem>>, vector<16xi32>,
    %get3A_338 = arith.constant 320 : index
    %get3A_339 = tpu.vector_load %arg5[%get3A_338] {strides = array<i32>} : memref<512xi32, #tpu.memory_space<vmem>>, vector<16xi32>,
    %get3A_340 = vector.shape_cast %get3A_339 : vector<16xi32> to vector<16xi32>
    %shift_right_logical3A_341 = arith.constant 15 : i32
    %shift_right_logical3A_342 = vector.broadcast %shift_right_logical3A_341 : i32 to vector<16xi32>
    %shift_right_logical3A_343 = arith.shrui %get3A_340, %shift_right_logical3A_342 : vector<16xi32>
    %shift_left3A_344 = arith.constant 14 : i32
    %shift_left3A_345 = vector.broadcast %shift_left3A_344 : i32 to vector<16xi32>
    %shift_left3A_346 = arith.shli %shift_right_logical3A_343, %shift_left3A_345 : vector<16xi32>
    %and3A_347 = arith.constant 16383 : i32
    %and3A_348 = vector.broadcast %and3A_347 : i32 to vector<16xi32>
    %and3A_349 = arith.andi %get3A_340, %and3A_348 : vector<16xi32>
    %add3A_350 = arith.addi %shift_left3A_346, %and3A_349 : vector<16xi32>
    %swap3A_351 = arith.constant 320 : index
    %swap3A_352 = tpu.vector_load %arg6[%swap3A_351] {strides = array<i32>} : memref<512xi32, #tpu.memory_space<vmem>>, vector<16xi32>,
    %swap3A_353 = vector.shape_cast %swap3A_352 : vector<16xi32> to vector<16xi32>
    %swap3A_354 = vector.shape_cast %add3A_350 : vector<16xi32> to vector<16xi32>
    tpu.vector_store %arg6[%swap3A_351], %swap3A_354 {strides = array<i32>} : memref<512xi32, #tpu.memory_space<vmem>>, vector<16xi32>,
    %get3A_355 = arith.constant 336 : index
    %get3A_356 = tpu.vector_load %arg5[%get3A_355] {strides = array<i32>} : memref<512xi32, #tpu.memory_space<vmem>>, vector<16xi32>,
    %get3A_357 = vector.shape_cast %get3A_356 : vector<16xi32> to vector<16xi32>
    %shift_right_logical3A_358 = arith.constant 15 : i32
    %shift_right_logical3A_359 = vector.broadcast %shift_right_logical3A_358 : i32 to vector<16xi32>
    %shift_right_logical3A_360 = arith.shrui %get3A_357, %shift_right_logical3A_359 : vector<16xi32>
    %shift_left3A_361 = arith.constant 14 : i32
    %shift_left3A_362 = vector.broadcast %shift_left3A_361 : i32 to vector<16xi32>
    %shift_left3A_363 = arith.shli %shift_right_logical3A_360, %shift_left3A_362 : vector<16xi32>
    %and3A_364 = arith.constant 16383 : i32
    %and3A_365 = vector.broadcast %and3A_364 : i32 to vector<16xi32>
    %and3A_366 = arith.andi %get3A_357, %and3A_365 : vector<16xi32>
    %add3A_367 = arith.addi %shift_left3A_363, %and3A_366 : vector<16xi32>
    %swap3A_368 = arith.constant 336 : index
    %swap3A_369 = tpu.vector_load %arg6[%swap3A_368] {strides = array<i32>} : memref<512xi32, #tpu.memory_space<vmem>>, vector<16xi32>,
    %swap3A_370 = vector.shape_cast %swap3A_369 : vector<16xi32> to vector<16xi32>
    %swap3A_371 = vector.shape_cast %add3A_367 : vector<16xi32> to vector<16xi32>
    tpu.vector_store %arg6[%swap3A_368], %swap3A_371 {strides = array<i32>} : memref<512xi32, #tpu.memory_space<vmem>>, vector<16xi32>,
    %get3A_372 = arith.constant 352 : index
    %get3A_373 = tpu.vector_load %arg5[%get3A_372] {strides = array<i32>} : memref<512xi32, #tpu.memory_space<vmem>>, vector<16xi32>,
    %get3A_374 = vector.shape_cast %get3A_373 : vector<16xi32> to vector<16xi32>
    %shift_right_logical3A_375 = arith.constant 15 : i32
    %shift_right_logical3A_376 = vector.broadcast %shift_right_logical3A_375 : i32 to vector<16xi32>
    %shift_right_logical3A_377 = arith.shrui %get3A_374, %shift_right_logical3A_376 : vector<16xi32>
    %shift_left3A_378 = arith.constant 14 : i32
    %shift_left3A_379 = vector.broadcast %shift_left3A_378 : i32 to vector<16xi32>
    %shift_left3A_380 = arith.shli %shift_right_logical3A_377, %shift_left3A_379 : vector<16xi32>
    %and3A_381 = arith.constant 16383 : i32
    %and3A_382 = vector.broadcast %and3A_381 : i32 to vector<16xi32>
    %and3A_383 = arith.andi %get3A_374, %and3A_382 : vector<16xi32>
    %add3A_384 = arith.addi %shift_left3A_380, %and3A_383 : vector<16xi32>
    %swap3A_385 = arith.constant 352 : index
    %swap3A_386 = tpu.vector_load %arg6[%swap3A_385] {strides = array<i32>} : memref<512xi32, #tpu.memory_space<vmem>>, vector<16xi32>,
    %swap3A_387 = vector.shape_cast %swap3A_386 : vector<16xi32> to vector<16xi32>
    %swap3A_388 = vector.shape_cast %add3A_384 : vector<16xi32> to vector<16xi32>
    tpu.vector_store %arg6[%swap3A_385], %swap3A_388 {strides = array<i32>} : memref<512xi32, #tpu.memory_space<vmem>>, vector<16xi32>,
    %get3A_389 = arith.constant 368 : index
    %get3A_390 = tpu.vector_load %arg5[%get3A_389] {strides = array<i32>} : memref<512xi32, #tpu.memory_space<vmem>>, vector<16xi32>,
    %get3A_391 = vector.shape_cast %get3A_390 : vector<16xi32> to vector<16xi32>
    %shift_right_logical3A_392 = arith.constant 15 : i32
    %shift_right_logical3A_393 = vector.broadcast %shift_right_logical3A_392 : i32 to vector<16xi32>
    %shift_right_logical3A_394 = arith.shrui %get3A_391, %shift_right_logical3A_393 : vector<16xi32>
    %shift_left3A_395 = arith.constant 14 : i32
    %shift_left3A_396 = vector.broadcast %shift_left3A_395 : i32 to vector<16xi32>
    %shift_left3A_397 = arith.shli %shift_right_logical3A_394, %shift_left3A_396 : vector<16xi32>
    %and3A_398 = arith.constant 16383 : i32
    %and3A_399 = vector.broadcast %and3A_398 : i32 to vector<16xi32>
    %and3A_400 = arith.andi %get3A_391, %and3A_399 : vector<16xi32>
    %add3A_401 = arith.addi %shift_left3A_397, %and3A_400 : vector<16xi32>
    %swap3A_402 = arith.constant 368 : index
    %swap3A_403 = tpu.vector_load %arg6[%swap3A_402] {strides = array<i32>} : memref<512xi32, #tpu.memory_space<vmem>>, vector<16xi32>,
    %swap3A_404 = vector.shape_cast %swap3A_403 : vector<16xi32> to vector<16xi32>
    %swap3A_405 = vector.shape_cast %add3A_401 : vector<16xi32> to vector<16xi32>
    tpu.vector_store %arg6[%swap3A_402], %swap3A_405 {strides = array<i32>} : memref<512xi32, #tpu.memory_space<vmem>>, vector<16xi32>,
    %get3A_406 = arith.constant 384 : index
    %get3A_407 = tpu.vector_load %arg5[%get3A_406] {strides = array<i32>} : memref<512xi32, #tpu.memory_space<vmem>>, vector<16xi32>,
    %get3A_408 = vector.shape_cast %get3A_407 : vector<16xi32> to vector<16xi32>
    %shift_right_logical3A_409 = arith.constant 15 : i32
    %shift_right_logical3A_410 = vector.broadcast %shift_right_logical3A_409 : i32 to vector<16xi32>
    %shift_right_logical3A_411 = arith.shrui %get3A_408, %shift_right_logical3A_410 : vector<16xi32>
    %shift_left3A_412 = arith.constant 14 : i32
    %shift_left3A_413 = vector.broadcast %shift_left3A_412 : i32 to vector<16xi32>
    %shift_left3A_414 = arith.shli %shift_right_logical3A_411, %shift_left3A_413 : vector<16xi32>
    %and3A_415 = arith.constant 16383 : i32
    %and3A_416 = vector.broadcast %and3A_415 : i32 to vector<16xi32>
    %and3A_417 = arith.andi %get3A_408, %and3A_416 : vector<16xi32>
    %add3A_418 = arith.addi %shift_left3A_414, %and3A_417 : vector<16xi32>
    %swap3A_419 = arith.constant 384 : index
    %swap3A_420 = tpu.vector_load %arg6[%swap3A_419] {strides = array<i32>} : memref<512xi32, #tpu.memory_space<vmem>>, vector<16xi32>,
    %swap3A_421 = vector.shape_cast %swap3A_420 : vector<16xi32> to vector<16xi32>
    %swap3A_422 = vector.shape_cast %add3A_418 : vector<16xi32> to vector<16xi32>
    tpu.vector_store %arg6[%swap3A_419], %swap3A_422 {strides = array<i32>} : memref<512xi32, #tpu.memory_space<vmem>>, vector<16xi32>,
    %get3A_423 = arith.constant 400 : index
    %get3A_424 = tpu.vector_load %arg5[%get3A_423] {strides = array<i32>} : memref<512xi32, #tpu.memory_space<vmem>>, vector<16xi32>,
    %get3A_425 = vector.shape_cast %get3A_424 : vector<16xi32> to vector<16xi32>
    %shift_right_logical3A_426 = arith.constant 15 : i32
    %shift_right_logical3A_427 = vector.broadcast %shift_right_logical3A_426 : i32 to vector<16xi32>
    %shift_right_logical3A_428 = arith.shrui %get3A_425, %shift_right_logical3A_427 : vector<16xi32>
    %shift_left3A_429 = arith.constant 14 : i32
    %shift_left3A_430 = vector.broadcast %shift_left3A_429 : i32 to vector<16xi32>
    %shift_left3A_431 = arith.shli %shift_right_logical3A_428, %shift_left3A_430 : vector<16xi32>
    %and3A_432 = arith.constant 16383 : i32
    %and3A_433 = vector.broadcast %and3A_432 : i32 to vector<16xi32>
    %and3A_434 = arith.andi %get3A_425, %and3A_433 : vector<16xi32>
    %add3A_435 = arith.addi %shift_left3A_431, %and3A_434 : vector<16xi32>
    %swap3A_436 = arith.constant 400 : index
    %swap3A_437 = tpu.vector_load %arg6[%swap3A_436] {strides = array<i32>} : memref<512xi32, #tpu.memory_space<vmem>>, vector<16xi32>,
    %swap3A_438 = vector.shape_cast %swap3A_437 : vector<16xi32> to vector<16xi32>
    %swap3A_439 = vector.shape_cast %add3A_435 : vector<16xi32> to vector<16xi32>
    tpu.vector_store %arg6[%swap3A_436], %swap3A_439 {strides = array<i32>} : memref<512xi32, #tpu.memory_space<vmem>>, vector<16xi32>,
    %get3A_440 = arith.constant 416 : index
    %get3A_441 = tpu.vector_load %arg5[%get3A_440] {strides = array<i32>} : memref<512xi32, #tpu.memory_space<vmem>>, vector<16xi32>,
    %get3A_442 = vector.shape_cast %get3A_441 : vector<16xi32> to vector<16xi32>
    %shift_right_logical3A_443 = arith.constant 15 : i32
    %shift_right_logical3A_444 = vector.broadcast %shift_right_logical3A_443 : i32 to vector<16xi32>
    %shift_right_logical3A_445 = arith.shrui %get3A_442, %shift_right_logical3A_444 : vector<16xi32>
    %shift_left3A_446 = arith.constant 14 : i32
    %shift_left3A_447 = vector.broadcast %shift_left3A_446 : i32 to vector<16xi32>
    %shift_left3A_448 = arith.shli %shift_right_logical3A_445, %shift_left3A_447 : vector<16xi32>
    %and3A_449 = arith.constant 16383 : i32
    %and3A_450 = vector.broadcast %and3A_449 : i32 to vector<16xi32>
    %and3A_451 = arith.andi %get3A_442, %and3A_450 : vector<16xi32>
    %add3A_452 = arith.addi %shift_left3A_448, %and3A_451 : vector<16xi32>
    %swap3A_453 = arith.constant 416 : index
    %swap3A_454 = tpu.vector_load %arg6[%swap3A_453] {strides = array<i32>} : memref<512xi32, #tpu.memory_space<vmem>>, vector<16xi32>,
    %swap3A_455 = vector.shape_cast %swap3A_454 : vector<16xi32> to vector<16xi32>
    %swap3A_456 = vector.shape_cast %add3A_452 : vector<16xi32> to vector<16xi32>
    tpu.vector_store %arg6[%swap3A_453], %swap3A_456 {strides = array<i32>} : memref<512xi32, #tpu.memory_space<vmem>>, vector<16xi32>,
    %get3A_457 = arith.constant 432 : index
    %get3A_458 = tpu.vector_load %arg5[%get3A_457] {strides = array<i32>} : memref<512xi32, #tpu.memory_space<vmem>>, vector<16xi32>,
    %get3A_459 = vector.shape_cast %get3A_458 : vector<16xi32> to vector<16xi32>
    %shift_right_logical3A_460 = arith.constant 15 : i32
    %shift_right_logical3A_461 = vector.broadcast %shift_right_logical3A_460 : i32 to vector<16xi32>
    %shift_right_logical3A_462 = arith.shrui %get3A_459, %shift_right_logical3A_461 : vector<16xi32>
    %shift_left3A_463 = arith.constant 14 : i32
    %shift_left3A_464 = vector.broadcast %shift_left3A_463 : i32 to vector<16xi32>
    %shift_left3A_465 = arith.shli %shift_right_logical3A_462, %shift_left3A_464 : vector<16xi32>
    %and3A_466 = arith.constant 16383 : i32
    %and3A_467 = vector.broadcast %and3A_466 : i32 to vector<16xi32>
    %and3A_468 = arith.andi %get3A_459, %and3A_467 : vector<16xi32>
    %add3A_469 = arith.addi %shift_left3A_465, %and3A_468 : vector<16xi32>
    %swap3A_470 = arith.constant 432 : index
    %swap3A_471 = tpu.vector_load %arg6[%swap3A_470] {strides = array<i32>} : memref<512xi32, #tpu.memory_space<vmem>>, vector<16xi32>,
    %swap3A_472 = vector.shape_cast %swap3A_471 : vector<16xi32> to vector<16xi32>
    %swap3A_473 = vector.shape_cast %add3A_469 : vector<16xi32> to vector<16xi32>
    tpu.vector_store %arg6[%swap3A_470], %swap3A_473 {strides = array<i32>} : memref<512xi32, #tpu.memory_space<vmem>>, vector<16xi32>,
    %get3A_474 = arith.constant 448 : index
    %get3A_475 = tpu.vector_load %arg5[%get3A_474] {strides = array<i32>} : memref<512xi32, #tpu.memory_space<vmem>>, vector<16xi32>,
    %get3A_476 = vector.shape_cast %get3A_475 : vector<16xi32> to vector<16xi32>
    %shift_right_logical3A_477 = arith.constant 15 : i32
    %shift_right_logical3A_478 = vector.broadcast %shift_right_logical3A_477 : i32 to vector<16xi32>
    %shift_right_logical3A_479 = arith.shrui %get3A_476, %shift_right_logical3A_478 : vector<16xi32>
    %shift_left3A_480 = arith.constant 14 : i32
    %shift_left3A_481 = vector.broadcast %shift_left3A_480 : i32 to vector<16xi32>
    %shift_left3A_482 = arith.shli %shift_right_logical3A_479, %shift_left3A_481 : vector<16xi32>
    %and3A_483 = arith.constant 16383 : i32
    %and3A_484 = vector.broadcast %and3A_483 : i32 to vector<16xi32>
    %and3A_485 = arith.andi %get3A_476, %and3A_484 : vector<16xi32>
    %add3A_486 = arith.addi %shift_left3A_482, %and3A_485 : vector<16xi32>
    %swap3A_487 = arith.constant 448 : index
    %swap3A_488 = tpu.vector_load %arg6[%swap3A_487] {strides = array<i32>} : memref<512xi32, #tpu.memory_space<vmem>>, vector<16xi32>,
    %swap3A_489 = vector.shape_cast %swap3A_488 : vector<16xi32> to vector<16xi32>
    %swap3A_490 = vector.shape_cast %add3A_486 : vector<16xi32> to vector<16xi32>
    tpu.vector_store %arg6[%swap3A_487], %swap3A_490 {strides = array<i32>} : memref<512xi32, #tpu.memory_space<vmem>>, vector<16xi32>,
    %get3A_491 = arith.constant 464 : index
    %get3A_492 = tpu.vector_load %arg5[%get3A_491] {strides = array<i32>} : memref<512xi32, #tpu.memory_space<vmem>>, vector<16xi32>,
    %get3A_493 = vector.shape_cast %get3A_492 : vector<16xi32> to vector<16xi32>
    %shift_right_logical3A_494 = arith.constant 15 : i32
    %shift_right_logical3A_495 = vector.broadcast %shift_right_logical3A_494 : i32 to vector<16xi32>
    %shift_right_logical3A_496 = arith.shrui %get3A_493, %shift_right_logical3A_495 : vector<16xi32>
    %shift_left3A_497 = arith.constant 14 : i32
    %shift_left3A_498 = vector.broadcast %shift_left3A_497 : i32 to vector<16xi32>
    %shift_left3A_499 = arith.shli %shift_right_logical3A_496, %shift_left3A_498 : vector<16xi32>
    %and3A_500 = arith.constant 16383 : i32
    %and3A_501 = vector.broadcast %and3A_500 : i32 to vector<16xi32>
    %and3A_502 = arith.andi %get3A_493, %and3A_501 : vector<16xi32>
    %add3A_503 = arith.addi %shift_left3A_499, %and3A_502 : vector<16xi32>
    %swap3A_504 = arith.constant 464 : index
    %swap3A_505 = tpu.vector_load %arg6[%swap3A_504] {strides = array<i32>} : memref<512xi32, #tpu.memory_space<vmem>>, vector<16xi32>,
    %swap3A_506 = vector.shape_cast %swap3A_505 : vector<16xi32> to vector<16xi32>
    %swap3A_507 = vector.shape_cast %add3A_503 : vector<16xi32> to vector<16xi32>
    tpu.vector_store %arg6[%swap3A_504], %swap3A_507 {strides = array<i32>} : memref<512xi32, #tpu.memory_space<vmem>>, vector<16xi32>,
    %get3A_508 = arith.constant 480 : index
    %get3A_509 = tpu.vector_load %arg5[%get3A_508] {strides = array<i32>} : memref<512xi32, #tpu.memory_space<vmem>>, vector<16xi32>,
    %get3A_510 = vector.shape_cast %get3A_509 : vector<16xi32> to vector<16xi32>
    %shift_right_logical3A_511 = arith.constant 15 : i32
    %shift_right_logical3A_512 = vector.broadcast %shift_right_logical3A_511 : i32 to vector<16xi32>
    %shift_right_logical3A_513 = arith.shrui %get3A_510, %shift_right_logical3A_512 : vector<16xi32>
    %shift_left3A_514 = arith.constant 14 : i32
    %shift_left3A_515 = vector.broadcast %shift_left3A_514 : i32 to vector<16xi32>
    %shift_left3A_516 = arith.shli %shift_right_logical3A_513, %shift_left3A_515 : vector<16xi32>
    %and3A_517 = arith.constant 16383 : i32
    %and3A_518 = vector.broadcast %and3A_517 : i32 to vector<16xi32>
    %and3A_519 = arith.andi %get3A_510, %and3A_518 : vector<16xi32>
    %add3A_520 = arith.addi %shift_left3A_516, %and3A_519 : vector<16xi32>
    %swap3A_521 = arith.constant 480 : index
    %swap3A_522 = tpu.vector_load %arg6[%swap3A_521] {strides = array<i32>} : memref<512xi32, #tpu.memory_space<vmem>>, vector<16xi32>,
    %swap3A_523 = vector.shape_cast %swap3A_522 : vector<16xi32> to vector<16xi32>
    %swap3A_524 = vector.shape_cast %add3A_520 : vector<16xi32> to vector<16xi32>
    tpu.vector_store %arg6[%swap3A_521], %swap3A_524 {strides = array<i32>} : memref<512xi32, #tpu.memory_space<vmem>>, vector<16xi32>,
    %get3A_525 = arith.constant 496 : index
    %get3A_526 = tpu.vector_load %arg5[%get3A_525] {strides = array<i32>} : memref<512xi32, #tpu.memory_space<vmem>>, vector<16xi32>,
    %get3A_527 = vector.shape_cast %get3A_526 : vector<16xi32> to vector<16xi32>
    %shift_right_logical3A_528 = arith.constant 15 : i32
    %shift_right_logical3A_529 = vector.broadcast %shift_right_logical3A_528 : i32 to vector<16xi32>
    %shift_right_logical3A_530 = arith.shrui %get3A_527, %shift_right_logical3A_529 : vector<16xi32>
    %shift_left3A_531 = arith.constant 14 : i32
    %shift_left3A_532 = vector.broadcast %shift_left3A_531 : i32 to vector<16xi32>
    %shift_left3A_533 = arith.shli %shift_right_logical3A_530, %shift_left3A_532 : vector<16xi32>
    %and3A_534 = arith.constant 16383 : i32
    %and3A_535 = vector.broadcast %and3A_534 : i32 to vector<16xi32>
    %and3A_536 = arith.andi %get3A_527, %and3A_535 : vector<16xi32>
    %add3A_537 = arith.addi %shift_left3A_533, %and3A_536 : vector<16xi32>
    %swap3A_538 = arith.constant 496 : index
    %swap3A_539 = tpu.vector_load %arg6[%swap3A_538] {strides = array<i32>} : memref<512xi32, #tpu.memory_space<vmem>>, vector<16xi32>,
    %swap3A_540 = vector.shape_cast %swap3A_539 : vector<16xi32> to vector<16xi32>
    %swap3A_541 = vector.shape_cast %add3A_537 : vector<16xi32> to vector<16xi32>
    tpu.vector_store %arg6[%swap3A_538], %swap3A_541 {strides = array<i32>} : memref<512xi32, #tpu.memory_space<vmem>>, vector<16xi32>,
    %dma_start3A = arith.constant 0 : i32
    %dma_start3A_542 = arith.constant 0 : i32
    %dma_start3A_543 = tpu.memref_slice %arg7[%dma_start3A, %dma_start3A_542] : memref<512x128xf32, #tpu.memory_space<vmem>> -> memref<128x128xf32, #tpu.memory_space<vmem>>
    %dma_start3A_544 = arith.constant 0 : i32
    %dma_start3A_545 = tpu.memref_slice %arg6[%dma_start3A_544] : memref<512xi32, #tpu.memory_space<vmem>> -> memref<128xi32, #tpu.memory_space<vmem>>
    %dma_start3A_546 = arith.constant 0 : i32
    %dma_start3A_547 = arith.constant 0 : i32
    %dma_start3A_548 = tpu.memref_slice %arg3[%dma_start3A_546, %dma_start3A_547] : memref<507904x128xf32, #tpu.memory_space<hbm>> -> memref<507904x128xf32, #tpu.memory_space<hbm>>
    tpu.enqueue_indirect_dma source(%dma_start3A_548 : memref<507904x128xf32, #tpu.memory_space<hbm>>) target(%dma_start3A_543 : memref<128x128xf32, #tpu.memory_space<vmem>>) offsets(%dma_start3A_545 : memref<128xi32, #tpu.memory_space<vmem>>) semaphore(%arg9 : memref<!tpu.dma_semaphore, #tpu.memory_space<semaphore_mem>>)
    %dma_start3A_549 = arith.constant 128 : i32
    %dma_start3A_550 = arith.constant 0 : i32
    %dma_start3A_551 = tpu.memref_slice %arg7[%dma_start3A_549, %dma_start3A_550] : memref<512x128xf32, #tpu.memory_space<vmem>> -> memref<128x128xf32, #tpu.memory_space<vmem>>
    %dma_start3A_552 = arith.constant 128 : i32
    %dma_start3A_553 = tpu.memref_slice %arg6[%dma_start3A_552] : memref<512xi32, #tpu.memory_space<vmem>> -> memref<128xi32, #tpu.memory_space<vmem>>
    %dma_start3A_554 = arith.constant 0 : i32
    %dma_start3A_555 = arith.constant 0 : i32
    %dma_start3A_556 = tpu.memref_slice %arg3[%dma_start3A_554, %dma_start3A_555] : memref<507904x128xf32, #tpu.memory_space<hbm>> -> memref<507904x128xf32, #tpu.memory_space<hbm>>
    tpu.enqueue_indirect_dma source(%dma_start3A_556 : memref<507904x128xf32, #tpu.memory_space<hbm>>) target(%dma_start3A_551 : memref<128x128xf32, #tpu.memory_space<vmem>>) offsets(%dma_start3A_553 : memref<128xi32, #tpu.memory_space<vmem>>) semaphore(%arg9 : memref<!tpu.dma_semaphore, #tpu.memory_space<semaphore_mem>>)
    %dma_wait3A = arith.constant 0 : i32
    %dma_wait3A_557 = arith.constant 0 : i32
    %dma_wait3A_558 = tpu.memref_slice %arg7[%dma_wait3A, %dma_wait3A_557] : memref<512x128xf32, #tpu.memory_space<vmem>> -> memref<128x128xf32, #tpu.memory_space<vmem>>
    %dma_wait3A_559 = arith.constant 0 : i32
    %dma_wait3A_560 = tpu.memref_slice %arg6[%dma_wait3A_559] : memref<512xi32, #tpu.memory_space<vmem>> -> memref<128xi32, #tpu.memory_space<vmem>>
    %dma_wait3A_561 = arith.constant 0 : i32
    %dma_wait3A_562 = arith.constant 0 : i32
    %dma_wait3A_563 = tpu.memref_slice %arg3[%dma_wait3A_561, %dma_wait3A_562] : memref<507904x128xf32, #tpu.memory_space<hbm>> -> memref<507904x128xf32, #tpu.memory_space<hbm>>
    tpu.wait_indirect_dma semaphore(%arg9 : memref<!tpu.dma_semaphore, #tpu.memory_space<semaphore_mem>>) src(%dma_wait3A_563 : memref<507904x128xf32, #tpu.memory_space<hbm>>) dst(%dma_wait3A_558 : memref<128x128xf32, #tpu.memory_space<vmem>>)
    %scan3A = arith.constant 0 : i32
    %scan3A_564 = arith.constant 8 : i32
    %scan3A_565 = arith.addi %scan3A, %scan3A_564 : i32
    %scan3A_566 = arith.constant 1 : i32
    scf.for %scan3A_711 = %scan3A to %scan3A_565 step %scan3A_566  : i32 {
      %mul3A_712 = arith.constant 1 : i32
      %mul3A_713 = arith.muli %scan3A_711, %mul3A_712 : i32
      %add3A_714 = arith.constant 0 : i32
      %add3A_715 = arith.addi %add3A_714, %mul3A_713 : i32
      %mul3A_716 = arith.constant 16 : i32
      %mul3A_717 = arith.muli %add3A_715, %mul3A_716 : i32
      %get3A_718 = arith.index_cast %mul3A_717 : i32 to index
      %get3A_719 = tpu.vector_load %arg5[%get3A_718] {strides = array<i32>} : memref<512xi32, #tpu.memory_space<vmem>>, vector<16xi32>,
      %get3A_720 = vector.shape_cast %get3A_719 : vector<16xi32> to vector<16xi32>
      %shift_right_logical3A_721 = arith.constant 14 : i32
      %shift_right_logical3A_722 = vector.broadcast %shift_right_logical3A_721 : i32 to vector<16xi32>
      %shift_right_logical3A_723 = arith.shrui %get3A_720, %shift_right_logical3A_722 : vector<16xi32>
      %and3A_724 = arith.constant 1 : i32
      %and3A_725 = vector.broadcast %and3A_724 : i32 to vector<16xi32>
      %and3A_726 = arith.andi %shift_right_logical3A_723, %and3A_725 : vector<16xi32>
      %mul3A_727 = arith.constant 64 : i32
      %mul3A_728 = vector.broadcast %mul3A_727 : i32 to vector<16xi32>
      %mul3A_729 = arith.muli %and3A_726, %mul3A_728 : vector<16xi32>
      %mul3A_730 = arith.constant 16 : i32
      %mul3A_731 = arith.muli %add3A_715, %mul3A_730 : i32
      %add3A_732 = arith.constant 0 : i32
      %add3A_733 = arith.addi %mul3A_731, %add3A_732 : i32
      %slice3A = vector.extract_strided_slice %mul3A_729 {offsets = [0], sizes = [1], strides = [1]} : vector<16xi32> to vector<1xi32>
      %squeeze3A = vector.extract %slice3A[0] : i32 from vector<1xi32>
      %add3A_734 = arith.constant 0 : i32
      %add3A_735 = arith.addi %squeeze3A, %add3A_734 : i32
      %get3A_736 = arith.index_cast %add3A_733 : i32 to index
      %get3A_737 = arith.index_cast %add3A_735 : i32 to index
      %get3A_738 = tpu.vector_load %arg7[%get3A_736, %get3A_737] {strides = array<i32>} : memref<512x128xf32, #tpu.memory_space<vmem>>, vector<1x16xf32>,
      %get3A_739 = vector.shape_cast %get3A_738 : vector<1x16xf32> to vector<16xf32>
      %swap3A_740 = arith.index_cast %add3A_733 : i32 to index
      %swap3A_741 = arith.constant 0 : index
      %swap3A_742 = tpu.vector_load %arg8[%swap3A_740, %swap3A_741] {strides = array<i32>} : memref<512x64xf32, #tpu.memory_space<vmem>>, vector<1x16xf32>,
      %swap3A_743 = vector.shape_cast %swap3A_742 : vector<1x16xf32> to vector<16xf32>
      %swap3A_744 = vector.shape_cast %get3A_739 : vector<16xf32> to vector<1x16xf32>
      tpu.vector_store %arg8[%swap3A_740, %swap3A_741], %swap3A_744 {strides = array<i32>} : memref<512x64xf32, #tpu.memory_space<vmem>>, vector<1x16xf32>,
      %add3A_745 = arith.constant 16 : i32
      %add3A_746 = arith.addi %squeeze3A, %add3A_745 : i32
      %get3A_747 = arith.index_cast %add3A_733 : i32 to index
      %get3A_748 = arith.index_cast %add3A_746 : i32 to index
      %get3A_749 = tpu.vector_load %arg7[%get3A_747, %get3A_748] {strides = array<i32>} : memref<512x128xf32, #tpu.memory_space<vmem>>, vector<1x16xf32>,
      %get3A_750 = vector.shape_cast %get3A_749 : vector<1x16xf32> to vector<16xf32>
      %swap3A_751 = arith.index_cast %add3A_733 : i32 to index
      %swap3A_752 = arith.constant 16 : index
      %swap3A_753 = tpu.vector_load %arg8[%swap3A_751, %swap3A_752] {strides = array<i32>} : memref<512x64xf32, #tpu.memory_space<vmem>>, vector<1x16xf32>,
      %swap3A_754 = vector.shape_cast %swap3A_753 : vector<1x16xf32> to vector<16xf32>
      %swap3A_755 = vector.shape_cast %get3A_750 : vector<16xf32> to vector<1x16xf32>
      tpu.vector_store %arg8[%swap3A_751, %swap3A_752], %swap3A_755 {strides = array<i32>} : memref<512x64xf32, #tpu.memory_space<vmem>>, vector<1x16xf32>,
      %add3A_756 = arith.constant 32 : i32
      %add3A_757 = arith.addi %squeeze3A, %add3A_756 : i32
      %get3A_758 = arith.index_cast %add3A_733 : i32 to index
      %get3A_759 = arith.index_cast %add3A_757 : i32 to index
      %get3A_760 = tpu.vector_load %arg7[%get3A_758, %get3A_759] {strides = array<i32>} : memref<512x128xf32, #tpu.memory_space<vmem>>, vector<1x16xf32>,
      %get3A_761 = vector.shape_cast %get3A_760 : vector<1x16xf32> to vector<16xf32>
      %swap3A_762 = arith.index_cast %add3A_733 : i32 to index
      %swap3A_763 = arith.constant 32 : index
      %swap3A_764 = tpu.vector_load %arg8[%swap3A_762, %swap3A_763] {strides = array<i32>} : memref<512x64xf32, #tpu.memory_space<vmem>>, vector<1x16xf32>,
      %swap3A_765 = vector.shape_cast %swap3A_764 : vector<1x16xf32> to vector<16xf32>
      %swap3A_766 = vector.shape_cast %get3A_761 : vector<16xf32> to vector<1x16xf32>
      tpu.vector_store %arg8[%swap3A_762, %swap3A_763], %swap3A_766 {strides = array<i32>} : memref<512x64xf32, #tpu.memory_space<vmem>>, vector<1x16xf32>,
      %add3A_767 = arith.constant 48 : i32
      %add3A_768 = arith.addi %squeeze3A, %add3A_767 : i32
      %get3A_769 = arith.index_cast %add3A_733 : i32 to index
      %get3A_770 = arith.index_cast %add3A_768 : i32 to index
      %get3A_771 = tpu.vector_load %arg7[%get3A_769, %get3A_770] {strides = array<i32>} : memref<512x128xf32, #tpu.memory_space<vmem>>, vector<1x16xf32>,
      %get3A_772 = vector.shape_cast %get3A_771 : vector<1x16xf32> to vector<16xf32>
      %swap3A_773 = arith.index_cast %add3A_733 : i32 to index
      %swap3A_774 = arith.constant 48 : index
      %swap3A_775 = tpu.vector_load %arg8[%swap3A_773, %swap3A_774] {strides = array<i32>} : memref<512x64xf32, #tpu.memory_space<vmem>>, vector<1x16xf32>,
      %swap3A_776 = vector.shape_cast %swap3A_775 : vector<1x16xf32> to vector<16xf32>
      %swap3A_777 = vector.shape_cast %get3A_772 : vector<16xf32> to vector<1x16xf32>
      tpu.vector_store %arg8[%swap3A_773, %swap3A_774], %swap3A_777 {strides = array<i32>} : memref<512x64xf32, #tpu.memory_space<vmem>>, vector<1x16xf32>,
      %mul3A_778 = arith.constant 16 : i32
      %mul3A_779 = arith.muli %add3A_715, %mul3A_778 : i32
      %add3A_780 = arith.constant 1 : i32
      %add3A_781 = arith.addi %mul3A_779, %add3A_780 : i32
      %slice3A_782 = vector.extract_strided_slice %mul3A_729 {offsets = [1], sizes = [1], strides = [1]} : vector<16xi32> to vector<1xi32>
      %squeeze3A_783 = vector.extract %slice3A_782[0] : i32 from vector<1xi32>
      %add3A_784 = arith.constant 0 : i32
      %add3A_785 = arith.addi %squeeze3A_783, %add3A_784 : i32
      %get3A_786 = arith.index_cast %add3A_781 : i32 to index
      %get3A_787 = arith.index_cast %add3A_785 : i32 to index
      %get3A_788 = tpu.vector_load %arg7[%get3A_786, %get3A_787] {strides = array<i32>} : memref<512x128xf32, #tpu.memory_space<vmem>>, vector<1x16xf32>,
      %get3A_789 = vector.shape_cast %get3A_788 : vector<1x16xf32> to vector<16xf32>
      %swap3A_790 = arith.index_cast %add3A_781 : i32 to index
      %swap3A_791 = arith.constant 0 : index
      %swap3A_792 = tpu.vector_load %arg8[%swap3A_790, %swap3A_791] {strides = array<i32>} : memref<512x64xf32, #tpu.memory_space<vmem>>, vector<1x16xf32>,
      %swap3A_793 = vector.shape_cast %swap3A_792 : vector<1x16xf32> to vector<16xf32>
      %swap3A_794 = vector.shape_cast %get3A_789 : vector<16xf32> to vector<1x16xf32>
      tpu.vector_store %arg8[%swap3A_790, %swap3A_791], %swap3A_794 {strides = array<i32>} : memref<512x64xf32, #tpu.memory_space<vmem>>, vector<1x16xf32>,
      %add3A_795 = arith.constant 16 : i32
      %add3A_796 = arith.addi %squeeze3A_783, %add3A_795 : i32
      %get3A_797 = arith.index_cast %add3A_781 : i32 to index
      %get3A_798 = arith.index_cast %add3A_796 : i32 to index
      %get3A_799 = tpu.vector_load %arg7[%get3A_797, %get3A_798] {strides = array<i32>} : memref<512x128xf32, #tpu.memory_space<vmem>>, vector<1x16xf32>,
      %get3A_800 = vector.shape_cast %get3A_799 : vector<1x16xf32> to vector<16xf32>
      %swap3A_801 = arith.index_cast %add3A_781 : i32 to index
      %swap3A_802 = arith.constant 16 : index
      %swap3A_803 = tpu.vector_load %arg8[%swap3A_801, %swap3A_802] {strides = array<i32>} : memref<512x64xf32, #tpu.memory_space<vmem>>, vector<1x16xf32>,
      %swap3A_804 = vector.shape_cast %swap3A_803 : vector<1x16xf32> to vector<16xf32>
      %swap3A_805 = vector.shape_cast %get3A_800 : vector<16xf32> to vector<1x16xf32>
      tpu.vector_store %arg8[%swap3A_801, %swap3A_802], %swap3A_805 {strides = array<i32>} : memref<512x64xf32, #tpu.memory_space<vmem>>, vector<1x16xf32>,
      %add3A_806 = arith.constant 32 : i32
      %add3A_807 = arith.addi %squeeze3A_783, %add3A_806 : i32
      %get3A_808 = arith.index_cast %add3A_781 : i32 to index
      %get3A_809 = arith.index_cast %add3A_807 : i32 to index
      %get3A_810 = tpu.vector_load %arg7[%get3A_808, %get3A_809] {strides = array<i32>} : memref<512x128xf32, #tpu.memory_space<vmem>>, vector<1x16xf32>,
      %get3A_811 = vector.shape_cast %get3A_810 : vector<1x16xf32> to vector<16xf32>
      %swap3A_812 = arith.index_cast %add3A_781 : i32 to index
      %swap3A_813 = arith.constant 32 : index
      %swap3A_814 = tpu.vector_load %arg8[%swap3A_812, %swap3A_813] {strides = array<i32>} : memref<512x64xf32, #tpu.memory_space<vmem>>, vector<1x16xf32>,
      %swap3A_815 = vector.shape_cast %swap3A_814 : vector<1x16xf32> to vector<16xf32>
      %swap3A_816 = vector.shape_cast %get3A_811 : vector<16xf32> to vector<1x16xf32>
      tpu.vector_store %arg8[%swap3A_812, %swap3A_813], %swap3A_816 {strides = array<i32>} : memref<512x64xf32, #tpu.memory_space<vmem>>, vector<1x16xf32>,
      %add3A_817 = arith.constant 48 : i32
      %add3A_818 = arith.addi %squeeze3A_783, %add3A_817 : i32
      %get3A_819 = arith.index_cast %add3A_781 : i32 to index
      %get3A_820 = arith.index_cast %add3A_818 : i32 to index
      %get3A_821 = tpu.vector_load %arg7[%get3A_819, %get3A_820] {strides = array<i32>} : memref<512x128xf32, #tpu.memory_space<vmem>>, vector<1x16xf32>,
      %get3A_822 = vector.shape_cast %get3A_821 : vector<1x16xf32> to vector<16xf32>
      %swap3A_823 = arith.index_cast %add3A_781 : i32 to index
      %swap3A_824 = arith.constant 48 : index
      %swap3A_825 = tpu.vector_load %arg8[%swap3A_823, %swap3A_824] {strides = array<i32>} : memref<512x64xf32, #tpu.memory_space<vmem>>, vector<1x16xf32>,
      %swap3A_826 = vector.shape_cast %swap3A_825 : vector<1x16xf32> to vector<16xf32>
      %swap3A_827 = vector.shape_cast %get3A_822 : vector<16xf32> to vector<1x16xf32>
      tpu.vector_store %arg8[%swap3A_823, %swap3A_824], %swap3A_827 {strides = array<i32>} : memref<512x64xf32, #tpu.memory_space<vmem>>, vector<1x16xf32>,
      %mul3A_828 = arith.constant 16 : i32
      %mul3A_829 = arith.muli %add3A_715, %mul3A_828 : i32
      %add3A_830 = arith.constant 2 : i32
      %add3A_831 = arith.addi %mul3A_829, %add3A_830 : i32
      %slice3A_832 = vector.extract_strided_slice %mul3A_729 {offsets = [2], sizes = [1], strides = [1]} : vector<16xi32> to vector<1xi32>
      %squeeze3A_833 = vector.extract %slice3A_832[0] : i32 from vector<1xi32>
      %add3A_834 = arith.constant 0 : i32
      %add3A_835 = arith.addi %squeeze3A_833, %add3A_834 : i32
      %get3A_836 = arith.index_cast %add3A_831 : i32 to index
      %get3A_837 = arith.index_cast %add3A_835 : i32 to index
      %get3A_838 = tpu.vector_load %arg7[%get3A_836, %get3A_837] {strides = array<i32>} : memref<512x128xf32, #tpu.memory_space<vmem>>, vector<1x16xf32>,
      %get3A_839 = vector.shape_cast %get3A_838 : vector<1x16xf32> to vector<16xf32>
      %swap3A_840 = arith.index_cast %add3A_831 : i32 to index
      %swap3A_841 = arith.constant 0 : index
      %swap3A_842 = tpu.vector_load %arg8[%swap3A_840, %swap3A_841] {strides = array<i32>} : memref<512x64xf32, #tpu.memory_space<vmem>>, vector<1x16xf32>,
      %swap3A_843 = vector.shape_cast %swap3A_842 : vector<1x16xf32> to vector<16xf32>
      %swap3A_844 = vector.shape_cast %get3A_839 : vector<16xf32> to vector<1x16xf32>
      tpu.vector_store %arg8[%swap3A_840, %swap3A_841], %swap3A_844 {strides = array<i32>} : memref<512x64xf32, #tpu.memory_space<vmem>>, vector<1x16xf32>,
      %add3A_845 = arith.constant 16 : i32
      %add3A_846 = arith.addi %squeeze3A_833, %add3A_845 : i32
      %get3A_847 = arith.index_cast %add3A_831 : i32 to index
      %get3A_848 = arith.index_cast %add3A_846 : i32 to index
      %get3A_849 = tpu.vector_load %arg7[%get3A_847, %get3A_848] {strides = array<i32>} : memref<512x128xf32, #tpu.memory_space<vmem>>, vector<1x16xf32>,
      %get3A_850 = vector.shape_cast %get3A_849 : vector<1x16xf32> to vector<16xf32>
      %swap3A_851 = arith.index_cast %add3A_831 : i32 to index
      %swap3A_852 = arith.constant 16 : index
      %swap3A_853 = tpu.vector_load %arg8[%swap3A_851, %swap3A_852] {strides = array<i32>} : memref<512x64xf32, #tpu.memory_space<vmem>>, vector<1x16xf32>,
      %swap3A_854 = vector.shape_cast %swap3A_853 : vector<1x16xf32> to vector<16xf32>
      %swap3A_855 = vector.shape_cast %get3A_850 : vector<16xf32> to vector<1x16xf32>
      tpu.vector_store %arg8[%swap3A_851, %swap3A_852], %swap3A_855 {strides = array<i32>} : memref<512x64xf32, #tpu.memory_space<vmem>>, vector<1x16xf32>,
      %add3A_856 = arith.constant 32 : i32
      %add3A_857 = arith.addi %squeeze3A_833, %add3A_856 : i32
      %get3A_858 = arith.index_cast %add3A_831 : i32 to index
      %get3A_859 = arith.index_cast %add3A_857 : i32 to index
      %get3A_860 = tpu.vector_load %arg7[%get3A_858, %get3A_859] {strides = array<i32>} : memref<512x128xf32, #tpu.memory_space<vmem>>, vector<1x16xf32>,
      %get3A_861 = vector.shape_cast %get3A_860 : vector<1x16xf32> to vector<16xf32>
      %swap3A_862 = arith.index_cast %add3A_831 : i32 to index
      %swap3A_863 = arith.constant 32 : index
      %swap3A_864 = tpu.vector_load %arg8[%swap3A_862, %swap3A_863] {strides = array<i32>} : memref<512x64xf32, #tpu.memory_space<vmem>>, vector<1x16xf32>,
      %swap3A_865 = vector.shape_cast %swap3A_864 : vector<1x16xf32> to vector<16xf32>
      %swap3A_866 = vector.shape_cast %get3A_861 : vector<16xf32> to vector<1x16xf32>
      tpu.vector_store %arg8[%swap3A_862, %swap3A_863], %swap3A_866 {strides = array<i32>} : memref<512x64xf32, #tpu.memory_space<vmem>>, vector<1x16xf32>,
      %add3A_867 = arith.constant 48 : i32
      %add3A_868 = arith.addi %squeeze3A_833, %add3A_867 : i32
      %get3A_869 = arith.index_cast %add3A_831 : i32 to index
      %get3A_870 = arith.index_cast %add3A_868 : i32 to index
      %get3A_871 = tpu.vector_load %arg7[%get3A_869, %get3A_870] {strides = array<i32>} : memref<512x128xf32, #tpu.memory_space<vmem>>, vector<1x16xf32>,
      %get3A_872 = vector.shape_cast %get3A_871 : vector<1x16xf32> to vector<16xf32>
      %swap3A_873 = arith.index_cast %add3A_831 : i32 to index
      %swap3A_874 = arith.constant 48 : index
      %swap3A_875 = tpu.vector_load %arg8[%swap3A_873, %swap3A_874] {strides = array<i32>} : memref<512x64xf32, #tpu.memory_space<vmem>>, vector<1x16xf32>,
      %swap3A_876 = vector.shape_cast %swap3A_875 : vector<1x16xf32> to vector<16xf32>
      %swap3A_877 = vector.shape_cast %get3A_872 : vector<16xf32> to vector<1x16xf32>
      tpu.vector_store %arg8[%swap3A_873, %swap3A_874], %swap3A_877 {strides = array<i32>} : memref<512x64xf32, #tpu.memory_space<vmem>>, vector<1x16xf32>,
      %mul3A_878 = arith.constant 16 : i32
      %mul3A_879 = arith.muli %add3A_715, %mul3A_878 : i32
      %add3A_880 = arith.constant 3 : i32
      %add3A_881 = arith.addi %mul3A_879, %add3A_880 : i32
      %slice3A_882 = vector.extract_strided_slice %mul3A_729 {offsets = [3], sizes = [1], strides = [1]} : vector<16xi32> to vector<1xi32>
      %squeeze3A_883 = vector.extract %slice3A_882[0] : i32 from vector<1xi32>
      %add3A_884 = arith.constant 0 : i32
      %add3A_885 = arith.addi %squeeze3A_883, %add3A_884 : i32
      %get3A_886 = arith.index_cast %add3A_881 : i32 to index
      %get3A_887 = arith.index_cast %add3A_885 : i32 to index
      %get3A_888 = tpu.vector_load %arg7[%get3A_886, %get3A_887] {strides = array<i32>} : memref<512x128xf32, #tpu.memory_space<vmem>>, vector<1x16xf32>,
      %get3A_889 = vector.shape_cast %get3A_888 : vector<1x16xf32> to vector<16xf32>
      %swap3A_890 = arith.index_cast %add3A_881 : i32 to index
      %swap3A_891 = arith.constant 0 : index
      %swap3A_892 = tpu.vector_load %arg8[%swap3A_890, %swap3A_891] {strides = array<i32>} : memref<512x64xf32, #tpu.memory_space<vmem>>, vector<1x16xf32>,
      %swap3A_893 = vector.shape_cast %swap3A_892 : vector<1x16xf32> to vector<16xf32>
      %swap3A_894 = vector.shape_cast %get3A_889 : vector<16xf32> to vector<1x16xf32>
      tpu.vector_store %arg8[%swap3A_890, %swap3A_891], %swap3A_894 {strides = array<i32>} : memref<512x64xf32, #tpu.memory_space<vmem>>, vector<1x16xf32>,
      %add3A_895 = arith.constant 16 : i32
      %add3A_896 = arith.addi %squeeze3A_883, %add3A_895 : i32
      %get3A_897 = arith.index_cast %add3A_881 : i32 to index
      %get3A_898 = arith.index_cast %add3A_896 : i32 to index
      %get3A_899 = tpu.vector_load %arg7[%get3A_897, %get3A_898] {strides = array<i32>} : memref<512x128xf32, #tpu.memory_space<vmem>>, vector<1x16xf32>,
      %get3A_900 = vector.shape_cast %get3A_899 : vector<1x16xf32> to vector<16xf32>
      %swap3A_901 = arith.index_cast %add3A_881 : i32 to index
      %swap3A_902 = arith.constant 16 : index
      %swap3A_903 = tpu.vector_load %arg8[%swap3A_901, %swap3A_902] {strides = array<i32>} : memref<512x64xf32, #tpu.memory_space<vmem>>, vector<1x16xf32>,
      %swap3A_904 = vector.shape_cast %swap3A_903 : vector<1x16xf32> to vector<16xf32>
      %swap3A_905 = vector.shape_cast %get3A_900 : vector<16xf32> to vector<1x16xf32>
      tpu.vector_store %arg8[%swap3A_901, %swap3A_902], %swap3A_905 {strides = array<i32>} : memref<512x64xf32, #tpu.memory_space<vmem>>, vector<1x16xf32>,
      %add3A_906 = arith.constant 32 : i32
      %add3A_907 = arith.addi %squeeze3A_883, %add3A_906 : i32
      %get3A_908 = arith.index_cast %add3A_881 : i32 to index
      %get3A_909 = arith.index_cast %add3A_907 : i32 to index
      %get3A_910 = tpu.vector_load %arg7[%get3A_908, %get3A_909] {strides = array<i32>} : memref<512x128xf32, #tpu.memory_space<vmem>>, vector<1x16xf32>,
      %get3A_911 = vector.shape_cast %get3A_910 : vector<1x16xf32> to vector<16xf32>
      %swap3A_912 = arith.index_cast %add3A_881 : i32 to index
      %swap3A_913 = arith.constant 32 : index
      %swap3A_914 = tpu.vector_load %arg8[%swap3A_912, %swap3A_913] {strides = array<i32>} : memref<512x64xf32, #tpu.memory_space<vmem>>, vector<1x16xf32>,
      %swap3A_915 = vector.shape_cast %swap3A_914 : vector<1x16xf32> to vector<16xf32>
      %swap3A_916 = vector.shape_cast %get3A_911 : vector<16xf32> to vector<1x16xf32>
      tpu.vector_store %arg8[%swap3A_912, %swap3A_913], %swap3A_916 {strides = array<i32>} : memref<512x64xf32, #tpu.memory_space<vmem>>, vector<1x16xf32>,
      %add3A_917 = arith.constant 48 : i32
      %add3A_918 = arith.addi %squeeze3A_883, %add3A_917 : i32
      %get3A_919 = arith.index_cast %add3A_881 : i32 to index
      %get3A_920 = arith.index_cast %add3A_918 : i32 to index
      %get3A_921 = tpu.vector_load %arg7[%get3A_919, %get3A_920] {strides = array<i32>} : memref<512x128xf32, #tpu.memory_space<vmem>>, vector<1x16xf32>,
      %get3A_922 = vector.shape_cast %get3A_921 : vector<1x16xf32> to vector<16xf32>
      %swap3A_923 = arith.index_cast %add3A_881 : i32 to index
      %swap3A_924 = arith.constant 48 : index
      %swap3A_925 = tpu.vector_load %arg8[%swap3A_923, %swap3A_924] {strides = array<i32>} : memref<512x64xf32, #tpu.memory_space<vmem>>, vector<1x16xf32>,
      %swap3A_926 = vector.shape_cast %swap3A_925 : vector<1x16xf32> to vector<16xf32>
      %swap3A_927 = vector.shape_cast %get3A_922 : vector<16xf32> to vector<1x16xf32>
      tpu.vector_store %arg8[%swap3A_923, %swap3A_924], %swap3A_927 {strides = array<i32>} : memref<512x64xf32, #tpu.memory_space<vmem>>, vector<1x16xf32>,
      %mul3A_928 = arith.constant 16 : i32
      %mul3A_929 = arith.muli %add3A_715, %mul3A_928 : i32
      %add3A_930 = arith.constant 4 : i32
      %add3A_931 = arith.addi %mul3A_929, %add3A_930 : i32
      %slice3A_932 = vector.extract_strided_slice %mul3A_729 {offsets = [4], sizes = [1], strides = [1]} : vector<16xi32> to vector<1xi32>
      %squeeze3A_933 = vector.extract %slice3A_932[0] : i32 from vector<1xi32>
      %add3A_934 = arith.constant 0 : i32
      %add3A_935 = arith.addi %squeeze3A_933, %add3A_934 : i32
      %get3A_936 = arith.index_cast %add3A_931 : i32 to index
      %get3A_937 = arith.index_cast %add3A_935 : i32 to index
      %get3A_938 = tpu.vector_load %arg7[%get3A_936, %get3A_937] {strides = array<i32>} : memref<512x128xf32, #tpu.memory_space<vmem>>, vector<1x16xf32>,
      %get3A_939 = vector.shape_cast %get3A_938 : vector<1x16xf32> to vector<16xf32>
      %swap3A_940 = arith.index_cast %add3A_931 : i32 to index
      %swap3A_941 = arith.constant 0 : index
      %swap3A_942 = tpu.vector_load %arg8[%swap3A_940, %swap3A_941] {strides = array<i32>} : memref<512x64xf32, #tpu.memory_space<vmem>>, vector<1x16xf32>,
      %swap3A_943 = vector.shape_cast %swap3A_942 : vector<1x16xf32> to vector<16xf32>
      %swap3A_944 = vector.shape_cast %get3A_939 : vector<16xf32> to vector<1x16xf32>
      tpu.vector_store %arg8[%swap3A_940, %swap3A_941], %swap3A_944 {strides = array<i32>} : memref<512x64xf32, #tpu.memory_space<vmem>>, vector<1x16xf32>,
      %add3A_945 = arith.constant 16 : i32
      %add3A_946 = arith.addi %squeeze3A_933, %add3A_945 : i32
      %get3A_947 = arith.index_cast %add3A_931 : i32 to index
      %get3A_948 = arith.index_cast %add3A_946 : i32 to index
      %get3A_949 = tpu.vector_load %arg7[%get3A_947, %get3A_948] {strides = array<i32>} : memref<512x128xf32, #tpu.memory_space<vmem>>, vector<1x16xf32>,
      %get3A_950 = vector.shape_cast %get3A_949 : vector<1x16xf32> to vector<16xf32>
      %swap3A_951 = arith.index_cast %add3A_931 : i32 to index
      %swap3A_952 = arith.constant 16 : index
      %swap3A_953 = tpu.vector_load %arg8[%swap3A_951, %swap3A_952] {strides = array<i32>} : memref<512x64xf32, #tpu.memory_space<vmem>>, vector<1x16xf32>,
      %swap3A_954 = vector.shape_cast %swap3A_953 : vector<1x16xf32> to vector<16xf32>
      %swap3A_955 = vector.shape_cast %get3A_950 : vector<16xf32> to vector<1x16xf32>
      tpu.vector_store %arg8[%swap3A_951, %swap3A_952], %swap3A_955 {strides = array<i32>} : memref<512x64xf32, #tpu.memory_space<vmem>>, vector<1x16xf32>,
      %add3A_956 = arith.constant 32 : i32
      %add3A_957 = arith.addi %squeeze3A_933, %add3A_956 : i32
      %get3A_958 = arith.index_cast %add3A_931 : i32 to index
      %get3A_959 = arith.index_cast %add3A_957 : i32 to index
      %get3A_960 = tpu.vector_load %arg7[%get3A_958, %get3A_959] {strides = array<i32>} : memref<512x128xf32, #tpu.memory_space<vmem>>, vector<1x16xf32>,
      %get3A_961 = vector.shape_cast %get3A_960 : vector<1x16xf32> to vector<16xf32>
      %swap3A_962 = arith.index_cast %add3A_931 : i32 to index
      %swap3A_963 = arith.constant 32 : index
      %swap3A_964 = tpu.vector_load %arg8[%swap3A_962, %swap3A_963] {strides = array<i32>} : memref<512x64xf32, #tpu.memory_space<vmem>>, vector<1x16xf32>,
      %swap3A_965 = vector.shape_cast %swap3A_964 : vector<1x16xf32> to vector<16xf32>
      %swap3A_966 = vector.shape_cast %get3A_961 : vector<16xf32> to vector<1x16xf32>
      tpu.vector_store %arg8[%swap3A_962, %swap3A_963], %swap3A_966 {strides = array<i32>} : memref<512x64xf32, #tpu.memory_space<vmem>>, vector<1x16xf32>,
      %add3A_967 = arith.constant 48 : i32
      %add3A_968 = arith.addi %squeeze3A_933, %add3A_967 : i32
      %get3A_969 = arith.index_cast %add3A_931 : i32 to index
      %get3A_970 = arith.index_cast %add3A_968 : i32 to index
      %get3A_971 = tpu.vector_load %arg7[%get3A_969, %get3A_970] {strides = array<i32>} : memref<512x128xf32, #tpu.memory_space<vmem>>, vector<1x16xf32>,
      %get3A_972 = vector.shape_cast %get3A_971 : vector<1x16xf32> to vector<16xf32>
      %swap3A_973 = arith.index_cast %add3A_931 : i32 to index
      %swap3A_974 = arith.constant 48 : index
      %swap3A_975 = tpu.vector_load %arg8[%swap3A_973, %swap3A_974] {strides = array<i32>} : memref<512x64xf32, #tpu.memory_space<vmem>>, vector<1x16xf32>,
      %swap3A_976 = vector.shape_cast %swap3A_975 : vector<1x16xf32> to vector<16xf32>
      %swap3A_977 = vector.shape_cast %get3A_972 : vector<16xf32> to vector<1x16xf32>
      tpu.vector_store %arg8[%swap3A_973, %swap3A_974], %swap3A_977 {strides = array<i32>} : memref<512x64xf32, #tpu.memory_space<vmem>>, vector<1x16xf32>,
      %mul3A_978 = arith.constant 16 : i32
      %mul3A_979 = arith.muli %add3A_715, %mul3A_978 : i32
      %add3A_980 = arith.constant 5 : i32
      %add3A_981 = arith.addi %mul3A_979, %add3A_980 : i32
      %slice3A_982 = vector.extract_strided_slice %mul3A_729 {offsets = [5], sizes = [1], strides = [1]} : vector<16xi32> to vector<1xi32>
      %squeeze3A_983 = vector.extract %slice3A_982[0] : i32 from vector<1xi32>
      %add3A_984 = arith.constant 0 : i32
      %add3A_985 = arith.addi %squeeze3A_983, %add3A_984 : i32
      %get3A_986 = arith.index_cast %add3A_981 : i32 to index
      %get3A_987 = arith.index_cast %add3A_985 : i32 to index
      %get3A_988 = tpu.vector_load %arg7[%get3A_986, %get3A_987] {strides = array<i32>} : memref<512x128xf32, #tpu.memory_space<vmem>>, vector<1x16xf32>,
      %get3A_989 = vector.shape_cast %get3A_988 : vector<1x16xf32> to vector<16xf32>
      %swap3A_990 = arith.index_cast %add3A_981 : i32 to index
      %swap3A_991 = arith.constant 0 : index
      %swap3A_992 = tpu.vector_load %arg8[%swap3A_990, %swap3A_991] {strides = array<i32>} : memref<512x64xf32, #tpu.memory_space<vmem>>, vector<1x16xf32>,
      %swap3A_993 = vector.shape_cast %swap3A_992 : vector<1x16xf32> to vector<16xf32>
      %swap3A_994 = vector.shape_cast %get3A_989 : vector<16xf32> to vector<1x16xf32>
      tpu.vector_store %arg8[%swap3A_990, %swap3A_991], %swap3A_994 {strides = array<i32>} : memref<512x64xf32, #tpu.memory_space<vmem>>, vector<1x16xf32>,
      %add3A_995 = arith.constant 16 : i32
      %add3A_996 = arith.addi %squeeze3A_983, %add3A_995 : i32
      %get3A_997 = arith.index_cast %add3A_981 : i32 to index
      %get3A_998 = arith.index_cast %add3A_996 : i32 to index
      %get3A_999 = tpu.vector_load %arg7[%get3A_997, %get3A_998] {strides = array<i32>} : memref<512x128xf32, #tpu.memory_space<vmem>>, vector<1x16xf32>,
      %get3A_1000 = vector.shape_cast %get3A_999 : vector<1x16xf32> to vector<16xf32>
      %swap3A_1001 = arith.index_cast %add3A_981 : i32 to index
      %swap3A_1002 = arith.constant 16 : index
      %swap3A_1003 = tpu.vector_load %arg8[%swap3A_1001, %swap3A_1002] {strides = array<i32>} : memref<512x64xf32, #tpu.memory_space<vmem>>, vector<1x16xf32>,
      %swap3A_1004 = vector.shape_cast %swap3A_1003 : vector<1x16xf32> to vector<16xf32>
      %swap3A_1005 = vector.shape_cast %get3A_1000 : vector<16xf32> to vector<1x16xf32>
      tpu.vector_store %arg8[%swap3A_1001, %swap3A_1002], %swap3A_1005 {strides = array<i32>} : memref<512x64xf32, #tpu.memory_space<vmem>>, vector<1x16xf32>,
      %add3A_1006 = arith.constant 32 : i32
      %add3A_1007 = arith.addi %squeeze3A_983, %add3A_1006 : i32
      %get3A_1008 = arith.index_cast %add3A_981 : i32 to index
      %get3A_1009 = arith.index_cast %add3A_1007 : i32 to index
      %get3A_1010 = tpu.vector_load %arg7[%get3A_1008, %get3A_1009] {strides = array<i32>} : memref<512x128xf32, #tpu.memory_space<vmem>>, vector<1x16xf32>,
      %get3A_1011 = vector.shape_cast %get3A_1010 : vector<1x16xf32> to vector<16xf32>
      %swap3A_1012 = arith.index_cast %add3A_981 : i32 to index
      %swap3A_1013 = arith.constant 32 : index
      %swap3A_1014 = tpu.vector_load %arg8[%swap3A_1012, %swap3A_1013] {strides = array<i32>} : memref<512x64xf32, #tpu.memory_space<vmem>>, vector<1x16xf32>,
      %swap3A_1015 = vector.shape_cast %swap3A_1014 : vector<1x16xf32> to vector<16xf32>
      %swap3A_1016 = vector.shape_cast %get3A_1011 : vector<16xf32> to vector<1x16xf32>
      tpu.vector_store %arg8[%swap3A_1012, %swap3A_1013], %swap3A_1016 {strides = array<i32>} : memref<512x64xf32, #tpu.memory_space<vmem>>, vector<1x16xf32>,
      %add3A_1017 = arith.constant 48 : i32
      %add3A_1018 = arith.addi %squeeze3A_983, %add3A_1017 : i32
      %get3A_1019 = arith.index_cast %add3A_981 : i32 to index
      %get3A_1020 = arith.index_cast %add3A_1018 : i32 to index
      %get3A_1021 = tpu.vector_load %arg7[%get3A_1019, %get3A_1020] {strides = array<i32>} : memref<512x128xf32, #tpu.memory_space<vmem>>, vector<1x16xf32>,
      %get3A_1022 = vector.shape_cast %get3A_1021 : vector<1x16xf32> to vector<16xf32>
      %swap3A_1023 = arith.index_cast %add3A_981 : i32 to index
      %swap3A_1024 = arith.constant 48 : index
      %swap3A_1025 = tpu.vector_load %arg8[%swap3A_1023, %swap3A_1024] {strides = array<i32>} : memref<512x64xf32, #tpu.memory_space<vmem>>, vector<1x16xf32>,
      %swap3A_1026 = vector.shape_cast %swap3A_1025 : vector<1x16xf32> to vector<16xf32>
      %swap3A_1027 = vector.shape_cast %get3A_1022 : vector<16xf32> to vector<1x16xf32>
      tpu.vector_store %arg8[%swap3A_1023, %swap3A_1024], %swap3A_1027 {strides = array<i32>} : memref<512x64xf32, #tpu.memory_space<vmem>>, vector<1x16xf32>,
      %mul3A_1028 = arith.constant 16 : i32
      %mul3A_1029 = arith.muli %add3A_715, %mul3A_1028 : i32
      %add3A_1030 = arith.constant 6 : i32
      %add3A_1031 = arith.addi %mul3A_1029, %add3A_1030 : i32
      %slice3A_1032 = vector.extract_strided_slice %mul3A_729 {offsets = [6], sizes = [1], strides = [1]} : vector<16xi32> to vector<1xi32>
      %squeeze3A_1033 = vector.extract %slice3A_1032[0] : i32 from vector<1xi32>
      %add3A_1034 = arith.constant 0 : i32
      %add3A_1035 = arith.addi %squeeze3A_1033, %add3A_1034 : i32
      %get3A_1036 = arith.index_cast %add3A_1031 : i32 to index
      %get3A_1037 = arith.index_cast %add3A_1035 : i32 to index
      %get3A_1038 = tpu.vector_load %arg7[%get3A_1036, %get3A_1037] {strides = array<i32>} : memref<512x128xf32, #tpu.memory_space<vmem>>, vector<1x16xf32>,
      %get3A_1039 = vector.shape_cast %get3A_1038 : vector<1x16xf32> to vector<16xf32>
      %swap3A_1040 = arith.index_cast %add3A_1031 : i32 to index
      %swap3A_1041 = arith.constant 0 : index
      %swap3A_1042 = tpu.vector_load %arg8[%swap3A_1040, %swap3A_1041] {strides = array<i32>} : memref<512x64xf32, #tpu.memory_space<vmem>>, vector<1x16xf32>,
      %swap3A_1043 = vector.shape_cast %swap3A_1042 : vector<1x16xf32> to vector<16xf32>
      %swap3A_1044 = vector.shape_cast %get3A_1039 : vector<16xf32> to vector<1x16xf32>
      tpu.vector_store %arg8[%swap3A_1040, %swap3A_1041], %swap3A_1044 {strides = array<i32>} : memref<512x64xf32, #tpu.memory_space<vmem>>, vector<1x16xf32>,
      %add3A_1045 = arith.constant 16 : i32
      %add3A_1046 = arith.addi %squeeze3A_1033, %add3A_1045 : i32
      %get3A_1047 = arith.index_cast %add3A_1031 : i32 to index
      %get3A_1048 = arith.index_cast %add3A_1046 : i32 to index
      %get3A_1049 = tpu.vector_load %arg7[%get3A_1047, %get3A_1048] {strides = array<i32>} : memref<512x128xf32, #tpu.memory_space<vmem>>, vector<1x16xf32>,
      %get3A_1050 = vector.shape_cast %get3A_1049 : vector<1x16xf32> to vector<16xf32>
      %swap3A_1051 = arith.index_cast %add3A_1031 : i32 to index
      %swap3A_1052 = arith.constant 16 : index
      %swap3A_1053 = tpu.vector_load %arg8[%swap3A_1051, %swap3A_1052] {strides = array<i32>} : memref<512x64xf32, #tpu.memory_space<vmem>>, vector<1x16xf32>,
      %swap3A_1054 = vector.shape_cast %swap3A_1053 : vector<1x16xf32> to vector<16xf32>
      %swap3A_1055 = vector.shape_cast %get3A_1050 : vector<16xf32> to vector<1x16xf32>
      tpu.vector_store %arg8[%swap3A_1051, %swap3A_1052], %swap3A_1055 {strides = array<i32>} : memref<512x64xf32, #tpu.memory_space<vmem>>, vector<1x16xf32>,
      %add3A_1056 = arith.constant 32 : i32
      %add3A_1057 = arith.addi %squeeze3A_1033, %add3A_1056 : i32
      %get3A_1058 = arith.index_cast %add3A_1031 : i32 to index
      %get3A_1059 = arith.index_cast %add3A_1057 : i32 to index
      %get3A_1060 = tpu.vector_load %arg7[%get3A_1058, %get3A_1059] {strides = array<i32>} : memref<512x128xf32, #tpu.memory_space<vmem>>, vector<1x16xf32>,
      %get3A_1061 = vector.shape_cast %get3A_1060 : vector<1x16xf32> to vector<16xf32>
      %swap3A_1062 = arith.index_cast %add3A_1031 : i32 to index
      %swap3A_1063 = arith.constant 32 : index
      %swap3A_1064 = tpu.vector_load %arg8[%swap3A_1062, %swap3A_1063] {strides = array<i32>} : memref<512x64xf32, #tpu.memory_space<vmem>>, vector<1x16xf32>,
      %swap3A_1065 = vector.shape_cast %swap3A_1064 : vector<1x16xf32> to vector<16xf32>
      %swap3A_1066 = vector.shape_cast %get3A_1061 : vector<16xf32> to vector<1x16xf32>
      tpu.vector_store %arg8[%swap3A_1062, %swap3A_1063], %swap3A_1066 {strides = array<i32>} : memref<512x64xf32, #tpu.memory_space<vmem>>, vector<1x16xf32>,
      %add3A_1067 = arith.constant 48 : i32
      %add3A_1068 = arith.addi %squeeze3A_1033, %add3A_1067 : i32
      %get3A_1069 = arith.index_cast %add3A_1031 : i32 to index
      %get3A_1070 = arith.index_cast %add3A_1068 : i32 to index
      %get3A_1071 = tpu.vector_load %arg7[%get3A_1069, %get3A_1070] {strides = array<i32>} : memref<512x128xf32, #tpu.memory_space<vmem>>, vector<1x16xf32>,
      %get3A_1072 = vector.shape_cast %get3A_1071 : vector<1x16xf32> to vector<16xf32>
      %swap3A_1073 = arith.index_cast %add3A_1031 : i32 to index
      %swap3A_1074 = arith.constant 48 : index
      %swap3A_1075 = tpu.vector_load %arg8[%swap3A_1073, %swap3A_1074] {strides = array<i32>} : memref<512x64xf32, #tpu.memory_space<vmem>>, vector<1x16xf32>,
      %swap3A_1076 = vector.shape_cast %swap3A_1075 : vector<1x16xf32> to vector<16xf32>
      %swap3A_1077 = vector.shape_cast %get3A_1072 : vector<16xf32> to vector<1x16xf32>
      tpu.vector_store %arg8[%swap3A_1073, %swap3A_1074], %swap3A_1077 {strides = array<i32>} : memref<512x64xf32, #tpu.memory_space<vmem>>, vector<1x16xf32>,
      %mul3A_1078 = arith.constant 16 : i32
      %mul3A_1079 = arith.muli %add3A_715, %mul3A_1078 : i32
      %add3A_1080 = arith.constant 7 : i32
      %add3A_1081 = arith.addi %mul3A_1079, %add3A_1080 : i32
      %slice3A_1082 = vector.extract_strided_slice %mul3A_729 {offsets = [7], sizes = [1], strides = [1]} : vector<16xi32> to vector<1xi32>
      %squeeze3A_1083 = vector.extract %slice3A_1082[0] : i32 from vector<1xi32>
      %add3A_1084 = arith.constant 0 : i32
      %add3A_1085 = arith.addi %squeeze3A_1083, %add3A_1084 : i32
      %get3A_1086 = arith.index_cast %add3A_1081 : i32 to index
      %get3A_1087 = arith.index_cast %add3A_1085 : i32 to index
      %get3A_1088 = tpu.vector_load %arg7[%get3A_1086, %get3A_1087] {strides = array<i32>} : memref<512x128xf32, #tpu.memory_space<vmem>>, vector<1x16xf32>,
      %get3A_1089 = vector.shape_cast %get3A_1088 : vector<1x16xf32> to vector<16xf32>
      %swap3A_1090 = arith.index_cast %add3A_1081 : i32 to index
      %swap3A_1091 = arith.constant 0 : index
      %swap3A_1092 = tpu.vector_load %arg8[%swap3A_1090, %swap3A_1091] {strides = array<i32>} : memref<512x64xf32, #tpu.memory_space<vmem>>, vector<1x16xf32>,
      %swap3A_1093 = vector.shape_cast %swap3A_1092 : vector<1x16xf32> to vector<16xf32>
      %swap3A_1094 = vector.shape_cast %get3A_1089 : vector<16xf32> to vector<1x16xf32>
      tpu.vector_store %arg8[%swap3A_1090, %swap3A_1091], %swap3A_1094 {strides = array<i32>} : memref<512x64xf32, #tpu.memory_space<vmem>>, vector<1x16xf32>,
      %add3A_1095 = arith.constant 16 : i32
      %add3A_1096 = arith.addi %squeeze3A_1083, %add3A_1095 : i32
      %get3A_1097 = arith.index_cast %add3A_1081 : i32 to index
      %get3A_1098 = arith.index_cast %add3A_1096 : i32 to index
      %get3A_1099 = tpu.vector_load %arg7[%get3A_1097, %get3A_1098] {strides = array<i32>} : memref<512x128xf32, #tpu.memory_space<vmem>>, vector<1x16xf32>,
      %get3A_1100 = vector.shape_cast %get3A_1099 : vector<1x16xf32> to vector<16xf32>
      %swap3A_1101 = arith.index_cast %add3A_1081 : i32 to index
      %swap3A_1102 = arith.constant 16 : index
      %swap3A_1103 = tpu.vector_load %arg8[%swap3A_1101, %swap3A_1102] {strides = array<i32>} : memref<512x64xf32, #tpu.memory_space<vmem>>, vector<1x16xf32>,
      %swap3A_1104 = vector.shape_cast %swap3A_1103 : vector<1x16xf32> to vector<16xf32>
      %swap3A_1105 = vector.shape_cast %get3A_1100 : vector<16xf32> to vector<1x16xf32>
      tpu.vector_store %arg8[%swap3A_1101, %swap3A_1102], %swap3A_1105 {strides = array<i32>} : memref<512x64xf32, #tpu.memory_space<vmem>>, vector<1x16xf32>,
      %add3A_1106 = arith.constant 32 : i32
      %add3A_1107 = arith.addi %squeeze3A_1083, %add3A_1106 : i32
      %get3A_1108 = arith.index_cast %add3A_1081 : i32 to index
      %get3A_1109 = arith.index_cast %add3A_1107 : i32 to index
      %get3A_1110 = tpu.vector_load %arg7[%get3A_1108, %get3A_1109] {strides = array<i32>} : memref<512x128xf32, #tpu.memory_space<vmem>>, vector<1x16xf32>,
      %get3A_1111 = vector.shape_cast %get3A_1110 : vector<1x16xf32> to vector<16xf32>
      %swap3A_1112 = arith.index_cast %add3A_1081 : i32 to index
      %swap3A_1113 = arith.constant 32 : index
      %swap3A_1114 = tpu.vector_load %arg8[%swap3A_1112, %swap3A_1113] {strides = array<i32>} : memref<512x64xf32, #tpu.memory_space<vmem>>, vector<1x16xf32>,
      %swap3A_1115 = vector.shape_cast %swap3A_1114 : vector<1x16xf32> to vector<16xf32>
      %swap3A_1116 = vector.shape_cast %get3A_1111 : vector<16xf32> to vector<1x16xf32>
      tpu.vector_store %arg8[%swap3A_1112, %swap3A_1113], %swap3A_1116 {strides = array<i32>} : memref<512x64xf32, #tpu.memory_space<vmem>>, vector<1x16xf32>,
      %add3A_1117 = arith.constant 48 : i32
      %add3A_1118 = arith.addi %squeeze3A_1083, %add3A_1117 : i32
      %get3A_1119 = arith.index_cast %add3A_1081 : i32 to index
      %get3A_1120 = arith.index_cast %add3A_1118 : i32 to index
      %get3A_1121 = tpu.vector_load %arg7[%get3A_1119, %get3A_1120] {strides = array<i32>} : memref<512x128xf32, #tpu.memory_space<vmem>>, vector<1x16xf32>,
      %get3A_1122 = vector.shape_cast %get3A_1121 : vector<1x16xf32> to vector<16xf32>
      %swap3A_1123 = arith.index_cast %add3A_1081 : i32 to index
      %swap3A_1124 = arith.constant 48 : index
      %swap3A_1125 = tpu.vector_load %arg8[%swap3A_1123, %swap3A_1124] {strides = array<i32>} : memref<512x64xf32, #tpu.memory_space<vmem>>, vector<1x16xf32>,
      %swap3A_1126 = vector.shape_cast %swap3A_1125 : vector<1x16xf32> to vector<16xf32>
      %swap3A_1127 = vector.shape_cast %get3A_1122 : vector<16xf32> to vector<1x16xf32>
      tpu.vector_store %arg8[%swap3A_1123, %swap3A_1124], %swap3A_1127 {strides = array<i32>} : memref<512x64xf32, #tpu.memory_space<vmem>>, vector<1x16xf32>,
      %mul3A_1128 = arith.constant 16 : i32
      %mul3A_1129 = arith.muli %add3A_715, %mul3A_1128 : i32
      %add3A_1130 = arith.constant 8 : i32
      %add3A_1131 = arith.addi %mul3A_1129, %add3A_1130 : i32
      %slice3A_1132 = vector.extract_strided_slice %mul3A_729 {offsets = [8], sizes = [1], strides = [1]} : vector<16xi32> to vector<1xi32>
      %squeeze3A_1133 = vector.extract %slice3A_1132[0] : i32 from vector<1xi32>
      %add3A_1134 = arith.constant 0 : i32
      %add3A_1135 = arith.addi %squeeze3A_1133, %add3A_1134 : i32
      %get3A_1136 = arith.index_cast %add3A_1131 : i32 to index
      %get3A_1137 = arith.index_cast %add3A_1135 : i32 to index
      %get3A_1138 = tpu.vector_load %arg7[%get3A_1136, %get3A_1137] {strides = array<i32>} : memref<512x128xf32, #tpu.memory_space<vmem>>, vector<1x16xf32>,
      %get3A_1139 = vector.shape_cast %get3A_1138 : vector<1x16xf32> to vector<16xf32>
      %swap3A_1140 = arith.index_cast %add3A_1131 : i32 to index
      %swap3A_1141 = arith.constant 0 : index
      %swap3A_1142 = tpu.vector_load %arg8[%swap3A_1140, %swap3A_1141] {strides = array<i32>} : memref<512x64xf32, #tpu.memory_space<vmem>>, vector<1x16xf32>,
      %swap3A_1143 = vector.shape_cast %swap3A_1142 : vector<1x16xf32> to vector<16xf32>
      %swap3A_1144 = vector.shape_cast %get3A_1139 : vector<16xf32> to vector<1x16xf32>
      tpu.vector_store %arg8[%swap3A_1140, %swap3A_1141], %swap3A_1144 {strides = array<i32>} : memref<512x64xf32, #tpu.memory_space<vmem>>, vector<1x16xf32>,
      %add3A_1145 = arith.constant 16 : i32
      %add3A_1146 = arith.addi %squeeze3A_1133, %add3A_1145 : i32
      %get3A_1147 = arith.index_cast %add3A_1131 : i32 to index
      %get3A_1148 = arith.index_cast %add3A_1146 : i32 to index
      %get3A_1149 = tpu.vector_load %arg7[%get3A_1147, %get3A_1148] {strides = array<i32>} : memref<512x128xf32, #tpu.memory_space<vmem>>, vector<1x16xf32>,
      %get3A_1150 = vector.shape_cast %get3A_1149 : vector<1x16xf32> to vector<16xf32>
      %swap3A_1151 = arith.index_cast %add3A_1131 : i32 to index
      %swap3A_1152 = arith.constant 16 : index
      %swap3A_1153 = tpu.vector_load %arg8[%swap3A_1151, %swap3A_1152] {strides = array<i32>} : memref<512x64xf32, #tpu.memory_space<vmem>>, vector<1x16xf32>,
      %swap3A_1154 = vector.shape_cast %swap3A_1153 : vector<1x16xf32> to vector<16xf32>
      %swap3A_1155 = vector.shape_cast %get3A_1150 : vector<16xf32> to vector<1x16xf32>
      tpu.vector_store %arg8[%swap3A_1151, %swap3A_1152], %swap3A_1155 {strides = array<i32>} : memref<512x64xf32, #tpu.memory_space<vmem>>, vector<1x16xf32>,
      %add3A_1156 = arith.constant 32 : i32
      %add3A_1157 = arith.addi %squeeze3A_1133, %add3A_1156 : i32
      %get3A_1158 = arith.index_cast %add3A_1131 : i32 to index
      %get3A_1159 = arith.index_cast %add3A_1157 : i32 to index
      %get3A_1160 = tpu.vector_load %arg7[%get3A_1158, %get3A_1159] {strides = array<i32>} : memref<512x128xf32, #tpu.memory_space<vmem>>, vector<1x16xf32>,
      %get3A_1161 = vector.shape_cast %get3A_1160 : vector<1x16xf32> to vector<16xf32>
      %swap3A_1162 = arith.index_cast %add3A_1131 : i32 to index
      %swap3A_1163 = arith.constant 32 : index
      %swap3A_1164 = tpu.vector_load %arg8[%swap3A_1162, %swap3A_1163] {strides = array<i32>} : memref<512x64xf32, #tpu.memory_space<vmem>>, vector<1x16xf32>,
      %swap3A_1165 = vector.shape_cast %swap3A_1164 : vector<1x16xf32> to vector<16xf32>
      %swap3A_1166 = vector.shape_cast %get3A_1161 : vector<16xf32> to vector<1x16xf32>
      tpu.vector_store %arg8[%swap3A_1162, %swap3A_1163], %swap3A_1166 {strides = array<i32>} : memref<512x64xf32, #tpu.memory_space<vmem>>, vector<1x16xf32>,
      %add3A_1167 = arith.constant 48 : i32
      %add3A_1168 = arith.addi %squeeze3A_1133, %add3A_1167 : i32
      %get3A_1169 = arith.index_cast %add3A_1131 : i32 to index
      %get3A_1170 = arith.index_cast %add3A_1168 : i32 to index
      %get3A_1171 = tpu.vector_load %arg7[%get3A_1169, %get3A_1170] {strides = array<i32>} : memref<512x128xf32, #tpu.memory_space<vmem>>, vector<1x16xf32>,
      %get3A_1172 = vector.shape_cast %get3A_1171 : vector<1x16xf32> to vector<16xf32>
      %swap3A_1173 = arith.index_cast %add3A_1131 : i32 to index
      %swap3A_1174 = arith.constant 48 : index
      %swap3A_1175 = tpu.vector_load %arg8[%swap3A_1173, %swap3A_1174] {strides = array<i32>} : memref<512x64xf32, #tpu.memory_space<vmem>>, vector<1x16xf32>,
      %swap3A_1176 = vector.shape_cast %swap3A_1175 : vector<1x16xf32> to vector<16xf32>
      %swap3A_1177 = vector.shape_cast %get3A_1172 : vector<16xf32> to vector<1x16xf32>
      tpu.vector_store %arg8[%swap3A_1173, %swap3A_1174], %swap3A_1177 {strides = array<i32>} : memref<512x64xf32, #tpu.memory_space<vmem>>, vector<1x16xf32>,
      %mul3A_1178 = arith.constant 16 : i32
      %mul3A_1179 = arith.muli %add3A_715, %mul3A_1178 : i32
      %add3A_1180 = arith.constant 9 : i32
      %add3A_1181 = arith.addi %mul3A_1179, %add3A_1180 : i32
      %slice3A_1182 = vector.extract_strided_slice %mul3A_729 {offsets = [9], sizes = [1], strides = [1]} : vector<16xi32> to vector<1xi32>
      %squeeze3A_1183 = vector.extract %slice3A_1182[0] : i32 from vector<1xi32>
      %add3A_1184 = arith.constant 0 : i32
      %add3A_1185 = arith.addi %squeeze3A_1183, %add3A_1184 : i32
      %get3A_1186 = arith.index_cast %add3A_1181 : i32 to index
      %get3A_1187 = arith.index_cast %add3A_1185 : i32 to index
      %get3A_1188 = tpu.vector_load %arg7[%get3A_1186, %get3A_1187] {strides = array<i32>} : memref<512x128xf32, #tpu.memory_space<vmem>>, vector<1x16xf32>,
      %get3A_1189 = vector.shape_cast %get3A_1188 : vector<1x16xf32> to vector<16xf32>
      %swap3A_1190 = arith.index_cast %add3A_1181 : i32 to index
      %swap3A_1191 = arith.constant 0 : index
      %swap3A_1192 = tpu.vector_load %arg8[%swap3A_1190, %swap3A_1191] {strides = array<i32>} : memref<512x64xf32, #tpu.memory_space<vmem>>, vector<1x16xf32>,
      %swap3A_1193 = vector.shape_cast %swap3A_1192 : vector<1x16xf32> to vector<16xf32>
      %swap3A_1194 = vector.shape_cast %get3A_1189 : vector<16xf32> to vector<1x16xf32>
      tpu.vector_store %arg8[%swap3A_1190, %swap3A_1191], %swap3A_1194 {strides = array<i32>} : memref<512x64xf32, #tpu.memory_space<vmem>>, vector<1x16xf32>,
      %add3A_1195 = arith.constant 16 : i32
      %add3A_1196 = arith.addi %squeeze3A_1183, %add3A_1195 : i32
      %get3A_1197 = arith.index_cast %add3A_1181 : i32 to index
      %get3A_1198 = arith.index_cast %add3A_1196 : i32 to index
      %get3A_1199 = tpu.vector_load %arg7[%get3A_1197, %get3A_1198] {strides = array<i32>} : memref<512x128xf32, #tpu.memory_space<vmem>>, vector<1x16xf32>,
      %get3A_1200 = vector.shape_cast %get3A_1199 : vector<1x16xf32> to vector<16xf32>
      %swap3A_1201 = arith.index_cast %add3A_1181 : i32 to index
      %swap3A_1202 = arith.constant 16 : index
      %swap3A_1203 = tpu.vector_load %arg8[%swap3A_1201, %swap3A_1202] {strides = array<i32>} : memref<512x64xf32, #tpu.memory_space<vmem>>, vector<1x16xf32>,
      %swap3A_1204 = vector.shape_cast %swap3A_1203 : vector<1x16xf32> to vector<16xf32>
      %swap3A_1205 = vector.shape_cast %get3A_1200 : vector<16xf32> to vector<1x16xf32>
      tpu.vector_store %arg8[%swap3A_1201, %swap3A_1202], %swap3A_1205 {strides = array<i32>} : memref<512x64xf32, #tpu.memory_space<vmem>>, vector<1x16xf32>,
      %add3A_1206 = arith.constant 32 : i32
      %add3A_1207 = arith.addi %squeeze3A_1183, %add3A_1206 : i32
      %get3A_1208 = arith.index_cast %add3A_1181 : i32 to index
      %get3A_1209 = arith.index_cast %add3A_1207 : i32 to index
      %get3A_1210 = tpu.vector_load %arg7[%get3A_1208, %get3A_1209] {strides = array<i32>} : memref<512x128xf32, #tpu.memory_space<vmem>>, vector<1x16xf32>,
      %get3A_1211 = vector.shape_cast %get3A_1210 : vector<1x16xf32> to vector<16xf32>
      %swap3A_1212 = arith.index_cast %add3A_1181 : i32 to index
      %swap3A_1213 = arith.constant 32 : index
      %swap3A_1214 = tpu.vector_load %arg8[%swap3A_1212, %swap3A_1213] {strides = array<i32>} : memref<512x64xf32, #tpu.memory_space<vmem>>, vector<1x16xf32>,
      %swap3A_1215 = vector.shape_cast %swap3A_1214 : vector<1x16xf32> to vector<16xf32>
      %swap3A_1216 = vector.shape_cast %get3A_1211 : vector<16xf32> to vector<1x16xf32>
      tpu.vector_store %arg8[%swap3A_1212, %swap3A_1213], %swap3A_1216 {strides = array<i32>} : memref<512x64xf32, #tpu.memory_space<vmem>>, vector<1x16xf32>,
      %add3A_1217 = arith.constant 48 : i32
      %add3A_1218 = arith.addi %squeeze3A_1183, %add3A_1217 : i32
      %get3A_1219 = arith.index_cast %add3A_1181 : i32 to index
      %get3A_1220 = arith.index_cast %add3A_1218 : i32 to index
      %get3A_1221 = tpu.vector_load %arg7[%get3A_1219, %get3A_1220] {strides = array<i32>} : memref<512x128xf32, #tpu.memory_space<vmem>>, vector<1x16xf32>,
      %get3A_1222 = vector.shape_cast %get3A_1221 : vector<1x16xf32> to vector<16xf32>
      %swap3A_1223 = arith.index_cast %add3A_1181 : i32 to index
      %swap3A_1224 = arith.constant 48 : index
      %swap3A_1225 = tpu.vector_load %arg8[%swap3A_1223, %swap3A_1224] {strides = array<i32>} : memref<512x64xf32, #tpu.memory_space<vmem>>, vector<1x16xf32>,
      %swap3A_1226 = vector.shape_cast %swap3A_1225 : vector<1x16xf32> to vector<16xf32>
      %swap3A_1227 = vector.shape_cast %get3A_1222 : vector<16xf32> to vector<1x16xf32>
      tpu.vector_store %arg8[%swap3A_1223, %swap3A_1224], %swap3A_1227 {strides = array<i32>} : memref<512x64xf32, #tpu.memory_space<vmem>>, vector<1x16xf32>,
      %mul3A_1228 = arith.constant 16 : i32
      %mul3A_1229 = arith.muli %add3A_715, %mul3A_1228 : i32
      %add3A_1230 = arith.constant 10 : i32
      %add3A_1231 = arith.addi %mul3A_1229, %add3A_1230 : i32
      %slice3A_1232 = vector.extract_strided_slice %mul3A_729 {offsets = [10], sizes = [1], strides = [1]} : vector<16xi32> to vector<1xi32>
      %squeeze3A_1233 = vector.extract %slice3A_1232[0] : i32 from vector<1xi32>
      %add3A_1234 = arith.constant 0 : i32
      %add3A_1235 = arith.addi %squeeze3A_1233, %add3A_1234 : i32
      %get3A_1236 = arith.index_cast %add3A_1231 : i32 to index
      %get3A_1237 = arith.index_cast %add3A_1235 : i32 to index
      %get3A_1238 = tpu.vector_load %arg7[%get3A_1236, %get3A_1237] {strides = array<i32>} : memref<512x128xf32, #tpu.memory_space<vmem>>, vector<1x16xf32>,
      %get3A_1239 = vector.shape_cast %get3A_1238 : vector<1x16xf32> to vector<16xf32>
      %swap3A_1240 = arith.index_cast %add3A_1231 : i32 to index
      %swap3A_1241 = arith.constant 0 : index
      %swap3A_1242 = tpu.vector_load %arg8[%swap3A_1240, %swap3A_1241] {strides = array<i32>} : memref<512x64xf32, #tpu.memory_space<vmem>>, vector<1x16xf32>,
      %swap3A_1243 = vector.shape_cast %swap3A_1242 : vector<1x16xf32> to vector<16xf32>
      %swap3A_1244 = vector.shape_cast %get3A_1239 : vector<16xf32> to vector<1x16xf32>
      tpu.vector_store %arg8[%swap3A_1240, %swap3A_1241], %swap3A_1244 {strides = array<i32>} : memref<512x64xf32, #tpu.memory_space<vmem>>, vector<1x16xf32>,
      %add3A_1245 = arith.constant 16 : i32
      %add3A_1246 = arith.addi %squeeze3A_1233, %add3A_1245 : i32
      %get3A_1247 = arith.index_cast %add3A_1231 : i32 to index
      %get3A_1248 = arith.index_cast %add3A_1246 : i32 to index
      %get3A_1249 = tpu.vector_load %arg7[%get3A_1247, %get3A_1248] {strides = array<i32>} : memref<512x128xf32, #tpu.memory_space<vmem>>, vector<1x16xf32>,
      %get3A_1250 = vector.shape_cast %get3A_1249 : vector<1x16xf32> to vector<16xf32>
      %swap3A_1251 = arith.index_cast %add3A_1231 : i32 to index
      %swap3A_1252 = arith.constant 16 : index
      %swap3A_1253 = tpu.vector_load %arg8[%swap3A_1251, %swap3A_1252] {strides = array<i32>} : memref<512x64xf32, #tpu.memory_space<vmem>>, vector<1x16xf32>,
      %swap3A_1254 = vector.shape_cast %swap3A_1253 : vector<1x16xf32> to vector<16xf32>
      %swap3A_1255 = vector.shape_cast %get3A_1250 : vector<16xf32> to vector<1x16xf32>
      tpu.vector_store %arg8[%swap3A_1251, %swap3A_1252], %swap3A_1255 {strides = array<i32>} : memref<512x64xf32, #tpu.memory_space<vmem>>, vector<1x16xf32>,
      %add3A_1256 = arith.constant 32 : i32
      %add3A_1257 = arith.addi %squeeze3A_1233, %add3A_1256 : i32
      %get3A_1258 = arith.index_cast %add3A_1231 : i32 to index
      %get3A_1259 = arith.index_cast %add3A_1257 : i32 to index
      %get3A_1260 = tpu.vector_load %arg7[%get3A_1258, %get3A_1259] {strides = array<i32>} : memref<512x128xf32, #tpu.memory_space<vmem>>, vector<1x16xf32>,
      %get3A_1261 = vector.shape_cast %get3A_1260 : vector<1x16xf32> to vector<16xf32>
      %swap3A_1262 = arith.index_cast %add3A_1231 : i32 to index
      %swap3A_1263 = arith.constant 32 : index
      %swap3A_1264 = tpu.vector_load %arg8[%swap3A_1262, %swap3A_1263] {strides = array<i32>} : memref<512x64xf32, #tpu.memory_space<vmem>>, vector<1x16xf32>,
      %swap3A_1265 = vector.shape_cast %swap3A_1264 : vector<1x16xf32> to vector<16xf32>
      %swap3A_1266 = vector.shape_cast %get3A_1261 : vector<16xf32> to vector<1x16xf32>
      tpu.vector_store %arg8[%swap3A_1262, %swap3A_1263], %swap3A_1266 {strides = array<i32>} : memref<512x64xf32, #tpu.memory_space<vmem>>, vector<1x16xf32>,
      %add3A_1267 = arith.constant 48 : i32
      %add3A_1268 = arith.addi %squeeze3A_1233, %add3A_1267 : i32
      %get3A_1269 = arith.index_cast %add3A_1231 : i32 to index
      %get3A_1270 = arith.index_cast %add3A_1268 : i32 to index
      %get3A_1271 = tpu.vector_load %arg7[%get3A_1269, %get3A_1270] {strides = array<i32>} : memref<512x128xf32, #tpu.memory_space<vmem>>, vector<1x16xf32>,
      %get3A_1272 = vector.shape_cast %get3A_1271 : vector<1x16xf32> to vector<16xf32>
      %swap3A_1273 = arith.index_cast %add3A_1231 : i32 to index
      %swap3A_1274 = arith.constant 48 : index
      %swap3A_1275 = tpu.vector_load %arg8[%swap3A_1273, %swap3A_1274] {strides = array<i32>} : memref<512x64xf32, #tpu.memory_space<vmem>>, vector<1x16xf32>,
      %swap3A_1276 = vector.shape_cast %swap3A_1275 : vector<1x16xf32> to vector<16xf32>
      %swap3A_1277 = vector.shape_cast %get3A_1272 : vector<16xf32> to vector<1x16xf32>
      tpu.vector_store %arg8[%swap3A_1273, %swap3A_1274], %swap3A_1277 {strides = array<i32>} : memref<512x64xf32, #tpu.memory_space<vmem>>, vector<1x16xf32>,
      %mul3A_1278 = arith.constant 16 : i32
      %mul3A_1279 = arith.muli %add3A_715, %mul3A_1278 : i32
      %add3A_1280 = arith.constant 11 : i32
      %add3A_1281 = arith.addi %mul3A_1279, %add3A_1280 : i32
      %slice3A_1282 = vector.extract_strided_slice %mul3A_729 {offsets = [11], sizes = [1], strides = [1]} : vector<16xi32> to vector<1xi32>
      %squeeze3A_1283 = vector.extract %slice3A_1282[0] : i32 from vector<1xi32>
      %add3A_1284 = arith.constant 0 : i32
      %add3A_1285 = arith.addi %squeeze3A_1283, %add3A_1284 : i32
      %get3A_1286 = arith.index_cast %add3A_1281 : i32 to index
      %get3A_1287 = arith.index_cast %add3A_1285 : i32 to index
      %get3A_1288 = tpu.vector_load %arg7[%get3A_1286, %get3A_1287] {strides = array<i32>} : memref<512x128xf32, #tpu.memory_space<vmem>>, vector<1x16xf32>,
      %get3A_1289 = vector.shape_cast %get3A_1288 : vector<1x16xf32> to vector<16xf32>
      %swap3A_1290 = arith.index_cast %add3A_1281 : i32 to index
      %swap3A_1291 = arith.constant 0 : index
      %swap3A_1292 = tpu.vector_load %arg8[%swap3A_1290, %swap3A_1291] {strides = array<i32>} : memref<512x64xf32, #tpu.memory_space<vmem>>, vector<1x16xf32>,
      %swap3A_1293 = vector.shape_cast %swap3A_1292 : vector<1x16xf32> to vector<16xf32>
      %swap3A_1294 = vector.shape_cast %get3A_1289 : vector<16xf32> to vector<1x16xf32>
      tpu.vector_store %arg8[%swap3A_1290, %swap3A_1291], %swap3A_1294 {strides = array<i32>} : memref<512x64xf32, #tpu.memory_space<vmem>>, vector<1x16xf32>,
      %add3A_1295 = arith.constant 16 : i32
      %add3A_1296 = arith.addi %squeeze3A_1283, %add3A_1295 : i32
      %get3A_1297 = arith.index_cast %add3A_1281 : i32 to index
      %get3A_1298 = arith.index_cast %add3A_1296 : i32 to index
      %get3A_1299 = tpu.vector_load %arg7[%get3A_1297, %get3A_1298] {strides = array<i32>} : memref<512x128xf32, #tpu.memory_space<vmem>>, vector<1x16xf32>,
      %get3A_1300 = vector.shape_cast %get3A_1299 : vector<1x16xf32> to vector<16xf32>
      %swap3A_1301 = arith.index_cast %add3A_1281 : i32 to index
      %swap3A_1302 = arith.constant 16 : index
      %swap3A_1303 = tpu.vector_load %arg8[%swap3A_1301, %swap3A_1302] {strides = array<i32>} : memref<512x64xf32, #tpu.memory_space<vmem>>, vector<1x16xf32>,
      %swap3A_1304 = vector.shape_cast %swap3A_1303 : vector<1x16xf32> to vector<16xf32>
      %swap3A_1305 = vector.shape_cast %get3A_1300 : vector<16xf32> to vector<1x16xf32>
      tpu.vector_store %arg8[%swap3A_1301, %swap3A_1302], %swap3A_1305 {strides = array<i32>} : memref<512x64xf32, #tpu.memory_space<vmem>>, vector<1x16xf32>,
      %add3A_1306 = arith.constant 32 : i32
      %add3A_1307 = arith.addi %squeeze3A_1283, %add3A_1306 : i32
      %get3A_1308 = arith.index_cast %add3A_1281 : i32 to index
      %get3A_1309 = arith.index_cast %add3A_1307 : i32 to index
      %get3A_1310 = tpu.vector_load %arg7[%get3A_1308, %get3A_1309] {strides = array<i32>} : memref<512x128xf32, #tpu.memory_space<vmem>>, vector<1x16xf32>,
      %get3A_1311 = vector.shape_cast %get3A_1310 : vector<1x16xf32> to vector<16xf32>
      %swap3A_1312 = arith.index_cast %add3A_1281 : i32 to index
      %swap3A_1313 = arith.constant 32 : index
      %swap3A_1314 = tpu.vector_load %arg8[%swap3A_1312, %swap3A_1313] {strides = array<i32>} : memref<512x64xf32, #tpu.memory_space<vmem>>, vector<1x16xf32>,
      %swap3A_1315 = vector.shape_cast %swap3A_1314 : vector<1x16xf32> to vector<16xf32>
      %swap3A_1316 = vector.shape_cast %get3A_1311 : vector<16xf32> to vector<1x16xf32>
      tpu.vector_store %arg8[%swap3A_1312, %swap3A_1313], %swap3A_1316 {strides = array<i32>} : memref<512x64xf32, #tpu.memory_space<vmem>>, vector<1x16xf32>,
      %add3A_1317 = arith.constant 48 : i32
      %add3A_1318 = arith.addi %squeeze3A_1283, %add3A_1317 : i32
      %get3A_1319 = arith.index_cast %add3A_1281 : i32 to index
      %get3A_1320 = arith.index_cast %add3A_1318 : i32 to index
      %get3A_1321 = tpu.vector_load %arg7[%get3A_1319, %get3A_1320] {strides = array<i32>} : memref<512x128xf32, #tpu.memory_space<vmem>>, vector<1x16xf32>,
      %get3A_1322 = vector.shape_cast %get3A_1321 : vector<1x16xf32> to vector<16xf32>
      %swap3A_1323 = arith.index_cast %add3A_1281 : i32 to index
      %swap3A_1324 = arith.constant 48 : index
      %swap3A_1325 = tpu.vector_load %arg8[%swap3A_1323, %swap3A_1324] {strides = array<i32>} : memref<512x64xf32, #tpu.memory_space<vmem>>, vector<1x16xf32>,
      %swap3A_1326 = vector.shape_cast %swap3A_1325 : vector<1x16xf32> to vector<16xf32>
      %swap3A_1327 = vector.shape_cast %get3A_1322 : vector<16xf32> to vector<1x16xf32>
      tpu.vector_store %arg8[%swap3A_1323, %swap3A_1324], %swap3A_1327 {strides = array<i32>} : memref<512x64xf32, #tpu.memory_space<vmem>>, vector<1x16xf32>,
      %mul3A_1328 = arith.constant 16 : i32
      %mul3A_1329 = arith.muli %add3A_715, %mul3A_1328 : i32
      %add3A_1330 = arith.constant 12 : i32
      %add3A_1331 = arith.addi %mul3A_1329, %add3A_1330 : i32
      %slice3A_1332 = vector.extract_strided_slice %mul3A_729 {offsets = [12], sizes = [1], strides = [1]} : vector<16xi32> to vector<1xi32>
      %squeeze3A_1333 = vector.extract %slice3A_1332[0] : i32 from vector<1xi32>
      %add3A_1334 = arith.constant 0 : i32
      %add3A_1335 = arith.addi %squeeze3A_1333, %add3A_1334 : i32
      %get3A_1336 = arith.index_cast %add3A_1331 : i32 to index
      %get3A_1337 = arith.index_cast %add3A_1335 : i32 to index
      %get3A_1338 = tpu.vector_load %arg7[%get3A_1336, %get3A_1337] {strides = array<i32>} : memref<512x128xf32, #tpu.memory_space<vmem>>, vector<1x16xf32>,
      %get3A_1339 = vector.shape_cast %get3A_1338 : vector<1x16xf32> to vector<16xf32>
      %swap3A_1340 = arith.index_cast %add3A_1331 : i32 to index
      %swap3A_1341 = arith.constant 0 : index
      %swap3A_1342 = tpu.vector_load %arg8[%swap3A_1340, %swap3A_1341] {strides = array<i32>} : memref<512x64xf32, #tpu.memory_space<vmem>>, vector<1x16xf32>,
      %swap3A_1343 = vector.shape_cast %swap3A_1342 : vector<1x16xf32> to vector<16xf32>
      %swap3A_1344 = vector.shape_cast %get3A_1339 : vector<16xf32> to vector<1x16xf32>
      tpu.vector_store %arg8[%swap3A_1340, %swap3A_1341], %swap3A_1344 {strides = array<i32>} : memref<512x64xf32, #tpu.memory_space<vmem>>, vector<1x16xf32>,
      %add3A_1345 = arith.constant 16 : i32
      %add3A_1346 = arith.addi %squeeze3A_1333, %add3A_1345 : i32
      %get3A_1347 = arith.index_cast %add3A_1331 : i32 to index
      %get3A_1348 = arith.index_cast %add3A_1346 : i32 to index
      %get3A_1349 = tpu.vector_load %arg7[%get3A_1347, %get3A_1348] {strides = array<i32>} : memref<512x128xf32, #tpu.memory_space<vmem>>, vector<1x16xf32>,
      %get3A_1350 = vector.shape_cast %get3A_1349 : vector<1x16xf32> to vector<16xf32>
      %swap3A_1351 = arith.index_cast %add3A_1331 : i32 to index
      %swap3A_1352 = arith.constant 16 : index
      %swap3A_1353 = tpu.vector_load %arg8[%swap3A_1351, %swap3A_1352] {strides = array<i32>} : memref<512x64xf32, #tpu.memory_space<vmem>>, vector<1x16xf32>,
      %swap3A_1354 = vector.shape_cast %swap3A_1353 : vector<1x16xf32> to vector<16xf32>
      %swap3A_1355 = vector.shape_cast %get3A_1350 : vector<16xf32> to vector<1x16xf32>
      tpu.vector_store %arg8[%swap3A_1351, %swap3A_1352], %swap3A_1355 {strides = array<i32>} : memref<512x64xf32, #tpu.memory_space<vmem>>, vector<1x16xf32>,
      %add3A_1356 = arith.constant 32 : i32
      %add3A_1357 = arith.addi %squeeze3A_1333, %add3A_1356 : i32
      %get3A_1358 = arith.index_cast %add3A_1331 : i32 to index
      %get3A_1359 = arith.index_cast %add3A_1357 : i32 to index
      %get3A_1360 = tpu.vector_load %arg7[%get3A_1358, %get3A_1359] {strides = array<i32>} : memref<512x128xf32, #tpu.memory_space<vmem>>, vector<1x16xf32>,
      %get3A_1361 = vector.shape_cast %get3A_1360 : vector<1x16xf32> to vector<16xf32>
      %swap3A_1362 = arith.index_cast %add3A_1331 : i32 to index
      %swap3A_1363 = arith.constant 32 : index
      %swap3A_1364 = tpu.vector_load %arg8[%swap3A_1362, %swap3A_1363] {strides = array<i32>} : memref<512x64xf32, #tpu.memory_space<vmem>>, vector<1x16xf32>,
      %swap3A_1365 = vector.shape_cast %swap3A_1364 : vector<1x16xf32> to vector<16xf32>
      %swap3A_1366 = vector.shape_cast %get3A_1361 : vector<16xf32> to vector<1x16xf32>
      tpu.vector_store %arg8[%swap3A_1362, %swap3A_1363], %swap3A_1366 {strides = array<i32>} : memref<512x64xf32, #tpu.memory_space<vmem>>, vector<1x16xf32>,
      %add3A_1367 = arith.constant 48 : i32
      %add3A_1368 = arith.addi %squeeze3A_1333, %add3A_1367 : i32
      %get3A_1369 = arith.index_cast %add3A_1331 : i32 to index
      %get3A_1370 = arith.index_cast %add3A_1368 : i32 to index
      %get3A_1371 = tpu.vector_load %arg7[%get3A_1369, %get3A_1370] {strides = array<i32>} : memref<512x128xf32, #tpu.memory_space<vmem>>, vector<1x16xf32>,
      %get3A_1372 = vector.shape_cast %get3A_1371 : vector<1x16xf32> to vector<16xf32>
      %swap3A_1373 = arith.index_cast %add3A_1331 : i32 to index
      %swap3A_1374 = arith.constant 48 : index
      %swap3A_1375 = tpu.vector_load %arg8[%swap3A_1373, %swap3A_1374] {strides = array<i32>} : memref<512x64xf32, #tpu.memory_space<vmem>>, vector<1x16xf32>,
      %swap3A_1376 = vector.shape_cast %swap3A_1375 : vector<1x16xf32> to vector<16xf32>
      %swap3A_1377 = vector.shape_cast %get3A_1372 : vector<16xf32> to vector<1x16xf32>
      tpu.vector_store %arg8[%swap3A_1373, %swap3A_1374], %swap3A_1377 {strides = array<i32>} : memref<512x64xf32, #tpu.memory_space<vmem>>, vector<1x16xf32>,
      %mul3A_1378 = arith.constant 16 : i32
      %mul3A_1379 = arith.muli %add3A_715, %mul3A_1378 : i32
      %add3A_1380 = arith.constant 13 : i32
      %add3A_1381 = arith.addi %mul3A_1379, %add3A_1380 : i32
      %slice3A_1382 = vector.extract_strided_slice %mul3A_729 {offsets = [13], sizes = [1], strides = [1]} : vector<16xi32> to vector<1xi32>
      %squeeze3A_1383 = vector.extract %slice3A_1382[0] : i32 from vector<1xi32>
      %add3A_1384 = arith.constant 0 : i32
      %add3A_1385 = arith.addi %squeeze3A_1383, %add3A_1384 : i32
      %get3A_1386 = arith.index_cast %add3A_1381 : i32 to index
      %get3A_1387 = arith.index_cast %add3A_1385 : i32 to index
      %get3A_1388 = tpu.vector_load %arg7[%get3A_1386, %get3A_1387] {strides = array<i32>} : memref<512x128xf32, #tpu.memory_space<vmem>>, vector<1x16xf32>,
      %get3A_1389 = vector.shape_cast %get3A_1388 : vector<1x16xf32> to vector<16xf32>
      %swap3A_1390 = arith.index_cast %add3A_1381 : i32 to index
      %swap3A_1391 = arith.constant 0 : index
      %swap3A_1392 = tpu.vector_load %arg8[%swap3A_1390, %swap3A_1391] {strides = array<i32>} : memref<512x64xf32, #tpu.memory_space<vmem>>, vector<1x16xf32>,
      %swap3A_1393 = vector.shape_cast %swap3A_1392 : vector<1x16xf32> to vector<16xf32>
      %swap3A_1394 = vector.shape_cast %get3A_1389 : vector<16xf32> to vector<1x16xf32>
      tpu.vector_store %arg8[%swap3A_1390, %swap3A_1391], %swap3A_1394 {strides = array<i32>} : memref<512x64xf32, #tpu.memory_space<vmem>>, vector<1x16xf32>,
      %add3A_1395 = arith.constant 16 : i32
      %add3A_1396 = arith.addi %squeeze3A_1383, %add3A_1395 : i32
      %get3A_1397 = arith.index_cast %add3A_1381 : i32 to index
      %get3A_1398 = arith.index_cast %add3A_1396 : i32 to index
      %get3A_1399 = tpu.vector_load %arg7[%get3A_1397, %get3A_1398] {strides = array<i32>} : memref<512x128xf32, #tpu.memory_space<vmem>>, vector<1x16xf32>,
      %get3A_1400 = vector.shape_cast %get3A_1399 : vector<1x16xf32> to vector<16xf32>
      %swap3A_1401 = arith.index_cast %add3A_1381 : i32 to index
      %swap3A_1402 = arith.constant 16 : index
      %swap3A_1403 = tpu.vector_load %arg8[%swap3A_1401, %swap3A_1402] {strides = array<i32>} : memref<512x64xf32, #tpu.memory_space<vmem>>, vector<1x16xf32>,
      %swap3A_1404 = vector.shape_cast %swap3A_1403 : vector<1x16xf32> to vector<16xf32>
      %swap3A_1405 = vector.shape_cast %get3A_1400 : vector<16xf32> to vector<1x16xf32>
      tpu.vector_store %arg8[%swap3A_1401, %swap3A_1402], %swap3A_1405 {strides = array<i32>} : memref<512x64xf32, #tpu.memory_space<vmem>>, vector<1x16xf32>,
      %add3A_1406 = arith.constant 32 : i32
      %add3A_1407 = arith.addi %squeeze3A_1383, %add3A_1406 : i32
      %get3A_1408 = arith.index_cast %add3A_1381 : i32 to index
      %get3A_1409 = arith.index_cast %add3A_1407 : i32 to index
      %get3A_1410 = tpu.vector_load %arg7[%get3A_1408, %get3A_1409] {strides = array<i32>} : memref<512x128xf32, #tpu.memory_space<vmem>>, vector<1x16xf32>,
      %get3A_1411 = vector.shape_cast %get3A_1410 : vector<1x16xf32> to vector<16xf32>
      %swap3A_1412 = arith.index_cast %add3A_1381 : i32 to index
      %swap3A_1413 = arith.constant 32 : index
      %swap3A_1414 = tpu.vector_load %arg8[%swap3A_1412, %swap3A_1413] {strides = array<i32>} : memref<512x64xf32, #tpu.memory_space<vmem>>, vector<1x16xf32>,
      %swap3A_1415 = vector.shape_cast %swap3A_1414 : vector<1x16xf32> to vector<16xf32>
      %swap3A_1416 = vector.shape_cast %get3A_1411 : vector<16xf32> to vector<1x16xf32>
      tpu.vector_store %arg8[%swap3A_1412, %swap3A_1413], %swap3A_1416 {strides = array<i32>} : memref<512x64xf32, #tpu.memory_space<vmem>>, vector<1x16xf32>,
      %add3A_1417 = arith.constant 48 : i32
      %add3A_1418 = arith.addi %squeeze3A_1383, %add3A_1417 : i32
      %get3A_1419 = arith.index_cast %add3A_1381 : i32 to index
      %get3A_1420 = arith.index_cast %add3A_1418 : i32 to index
      %get3A_1421 = tpu.vector_load %arg7[%get3A_1419, %get3A_1420] {strides = array<i32>} : memref<512x128xf32, #tpu.memory_space<vmem>>, vector<1x16xf32>,
      %get3A_1422 = vector.shape_cast %get3A_1421 : vector<1x16xf32> to vector<16xf32>
      %swap3A_1423 = arith.index_cast %add3A_1381 : i32 to index
      %swap3A_1424 = arith.constant 48 : index
      %swap3A_1425 = tpu.vector_load %arg8[%swap3A_1423, %swap3A_1424] {strides = array<i32>} : memref<512x64xf32, #tpu.memory_space<vmem>>, vector<1x16xf32>,
      %swap3A_1426 = vector.shape_cast %swap3A_1425 : vector<1x16xf32> to vector<16xf32>
      %swap3A_1427 = vector.shape_cast %get3A_1422 : vector<16xf32> to vector<1x16xf32>
      tpu.vector_store %arg8[%swap3A_1423, %swap3A_1424], %swap3A_1427 {strides = array<i32>} : memref<512x64xf32, #tpu.memory_space<vmem>>, vector<1x16xf32>,
      %mul3A_1428 = arith.constant 16 : i32
      %mul3A_1429 = arith.muli %add3A_715, %mul3A_1428 : i32
      %add3A_1430 = arith.constant 14 : i32
      %add3A_1431 = arith.addi %mul3A_1429, %add3A_1430 : i32
      %slice3A_1432 = vector.extract_strided_slice %mul3A_729 {offsets = [14], sizes = [1], strides = [1]} : vector<16xi32> to vector<1xi32>
      %squeeze3A_1433 = vector.extract %slice3A_1432[0] : i32 from vector<1xi32>
      %add3A_1434 = arith.constant 0 : i32
      %add3A_1435 = arith.addi %squeeze3A_1433, %add3A_1434 : i32
      %get3A_1436 = arith.index_cast %add3A_1431 : i32 to index
      %get3A_1437 = arith.index_cast %add3A_1435 : i32 to index
      %get3A_1438 = tpu.vector_load %arg7[%get3A_1436, %get3A_1437] {strides = array<i32>} : memref<512x128xf32, #tpu.memory_space<vmem>>, vector<1x16xf32>,
      %get3A_1439 = vector.shape_cast %get3A_1438 : vector<1x16xf32> to vector<16xf32>
      %swap3A_1440 = arith.index_cast %add3A_1431 : i32 to index
      %swap3A_1441 = arith.constant 0 : index
      %swap3A_1442 = tpu.vector_load %arg8[%swap3A_1440, %swap3A_1441] {strides = array<i32>} : memref<512x64xf32, #tpu.memory_space<vmem>>, vector<1x16xf32>,
      %swap3A_1443 = vector.shape_cast %swap3A_1442 : vector<1x16xf32> to vector<16xf32>
      %swap3A_1444 = vector.shape_cast %get3A_1439 : vector<16xf32> to vector<1x16xf32>
      tpu.vector_store %arg8[%swap3A_1440, %swap3A_1441], %swap3A_1444 {strides = array<i32>} : memref<512x64xf32, #tpu.memory_space<vmem>>, vector<1x16xf32>,
      %add3A_1445 = arith.constant 16 : i32
      %add3A_1446 = arith.addi %squeeze3A_1433, %add3A_1445 : i32
      %get3A_1447 = arith.index_cast %add3A_1431 : i32 to index
      %get3A_1448 = arith.index_cast %add3A_1446 : i32 to index
      %get3A_1449 = tpu.vector_load %arg7[%get3A_1447, %get3A_1448] {strides = array<i32>} : memref<512x128xf32, #tpu.memory_space<vmem>>, vector<1x16xf32>,
      %get3A_1450 = vector.shape_cast %get3A_1449 : vector<1x16xf32> to vector<16xf32>
      %swap3A_1451 = arith.index_cast %add3A_1431 : i32 to index
      %swap3A_1452 = arith.constant 16 : index
      %swap3A_1453 = tpu.vector_load %arg8[%swap3A_1451, %swap3A_1452] {strides = array<i32>} : memref<512x64xf32, #tpu.memory_space<vmem>>, vector<1x16xf32>,
      %swap3A_1454 = vector.shape_cast %swap3A_1453 : vector<1x16xf32> to vector<16xf32>
      %swap3A_1455 = vector.shape_cast %get3A_1450 : vector<16xf32> to vector<1x16xf32>
      tpu.vector_store %arg8[%swap3A_1451, %swap3A_1452], %swap3A_1455 {strides = array<i32>} : memref<512x64xf32, #tpu.memory_space<vmem>>, vector<1x16xf32>,
      %add3A_1456 = arith.constant 32 : i32
      %add3A_1457 = arith.addi %squeeze3A_1433, %add3A_1456 : i32
      %get3A_1458 = arith.index_cast %add3A_1431 : i32 to index
      %get3A_1459 = arith.index_cast %add3A_1457 : i32 to index
      %get3A_1460 = tpu.vector_load %arg7[%get3A_1458, %get3A_1459] {strides = array<i32>} : memref<512x128xf32, #tpu.memory_space<vmem>>, vector<1x16xf32>,
      %get3A_1461 = vector.shape_cast %get3A_1460 : vector<1x16xf32> to vector<16xf32>
      %swap3A_1462 = arith.index_cast %add3A_1431 : i32 to index
      %swap3A_1463 = arith.constant 32 : index
      %swap3A_1464 = tpu.vector_load %arg8[%swap3A_1462, %swap3A_1463] {strides = array<i32>} : memref<512x64xf32, #tpu.memory_space<vmem>>, vector<1x16xf32>,
      %swap3A_1465 = vector.shape_cast %swap3A_1464 : vector<1x16xf32> to vector<16xf32>
      %swap3A_1466 = vector.shape_cast %get3A_1461 : vector<16xf32> to vector<1x16xf32>
      tpu.vector_store %arg8[%swap3A_1462, %swap3A_1463], %swap3A_1466 {strides = array<i32>} : memref<512x64xf32, #tpu.memory_space<vmem>>, vector<1x16xf32>,
      %add3A_1467 = arith.constant 48 : i32
      %add3A_1468 = arith.addi %squeeze3A_1433, %add3A_1467 : i32
      %get3A_1469 = arith.index_cast %add3A_1431 : i32 to index
      %get3A_1470 = arith.index_cast %add3A_1468 : i32 to index
      %get3A_1471 = tpu.vector_load %arg7[%get3A_1469, %get3A_1470] {strides = array<i32>} : memref<512x128xf32, #tpu.memory_space<vmem>>, vector<1x16xf32>,
      %get3A_1472 = vector.shape_cast %get3A_1471 : vector<1x16xf32> to vector<16xf32>
      %swap3A_1473 = arith.index_cast %add3A_1431 : i32 to index
      %swap3A_1474 = arith.constant 48 : index
      %swap3A_1475 = tpu.vector_load %arg8[%swap3A_1473, %swap3A_1474] {strides = array<i32>} : memref<512x64xf32, #tpu.memory_space<vmem>>, vector<1x16xf32>,
      %swap3A_1476 = vector.shape_cast %swap3A_1475 : vector<1x16xf32> to vector<16xf32>
      %swap3A_1477 = vector.shape_cast %get3A_1472 : vector<16xf32> to vector<1x16xf32>
      tpu.vector_store %arg8[%swap3A_1473, %swap3A_1474], %swap3A_1477 {strides = array<i32>} : memref<512x64xf32, #tpu.memory_space<vmem>>, vector<1x16xf32>,
      %mul3A_1478 = arith.constant 16 : i32
      %mul3A_1479 = arith.muli %add3A_715, %mul3A_1478 : i32
      %add3A_1480 = arith.constant 15 : i32
      %add3A_1481 = arith.addi %mul3A_1479, %add3A_1480 : i32
      %slice3A_1482 = vector.extract_strided_slice %mul3A_729 {offsets = [15], sizes = [1], strides = [1]} : vector<16xi32> to vector<1xi32>
      %squeeze3A_1483 = vector.extract %slice3A_1482[0] : i32 from vector<1xi32>
      %add3A_1484 = arith.constant 0 : i32
      %add3A_1485 = arith.addi %squeeze3A_1483, %add3A_1484 : i32
      %get3A_1486 = arith.index_cast %add3A_1481 : i32 to index
      %get3A_1487 = arith.index_cast %add3A_1485 : i32 to index
      %get3A_1488 = tpu.vector_load %arg7[%get3A_1486, %get3A_1487] {strides = array<i32>} : memref<512x128xf32, #tpu.memory_space<vmem>>, vector<1x16xf32>,
      %get3A_1489 = vector.shape_cast %get3A_1488 : vector<1x16xf32> to vector<16xf32>
      %swap3A_1490 = arith.index_cast %add3A_1481 : i32 to index
      %swap3A_1491 = arith.constant 0 : index
      %swap3A_1492 = tpu.vector_load %arg8[%swap3A_1490, %swap3A_1491] {strides = array<i32>} : memref<512x64xf32, #tpu.memory_space<vmem>>, vector<1x16xf32>,
      %swap3A_1493 = vector.shape_cast %swap3A_1492 : vector<1x16xf32> to vector<16xf32>
      %swap3A_1494 = vector.shape_cast %get3A_1489 : vector<16xf32> to vector<1x16xf32>
      tpu.vector_store %arg8[%swap3A_1490, %swap3A_1491], %swap3A_1494 {strides = array<i32>} : memref<512x64xf32, #tpu.memory_space<vmem>>, vector<1x16xf32>,
      %add3A_1495 = arith.constant 16 : i32
      %add3A_1496 = arith.addi %squeeze3A_1483, %add3A_1495 : i32
      %get3A_1497 = arith.index_cast %add3A_1481 : i32 to index
      %get3A_1498 = arith.index_cast %add3A_1496 : i32 to index
      %get3A_1499 = tpu.vector_load %arg7[%get3A_1497, %get3A_1498] {strides = array<i32>} : memref<512x128xf32, #tpu.memory_space<vmem>>, vector<1x16xf32>,
      %get3A_1500 = vector.shape_cast %get3A_1499 : vector<1x16xf32> to vector<16xf32>
      %swap3A_1501 = arith.index_cast %add3A_1481 : i32 to index
      %swap3A_1502 = arith.constant 16 : index
      %swap3A_1503 = tpu.vector_load %arg8[%swap3A_1501, %swap3A_1502] {strides = array<i32>} : memref<512x64xf32, #tpu.memory_space<vmem>>, vector<1x16xf32>,
      %swap3A_1504 = vector.shape_cast %swap3A_1503 : vector<1x16xf32> to vector<16xf32>
      %swap3A_1505 = vector.shape_cast %get3A_1500 : vector<16xf32> to vector<1x16xf32>
      tpu.vector_store %arg8[%swap3A_1501, %swap3A_1502], %swap3A_1505 {strides = array<i32>} : memref<512x64xf32, #tpu.memory_space<vmem>>, vector<1x16xf32>,
      %add3A_1506 = arith.constant 32 : i32
      %add3A_1507 = arith.addi %squeeze3A_1483, %add3A_1506 : i32
      %get3A_1508 = arith.index_cast %add3A_1481 : i32 to index
      %get3A_1509 = arith.index_cast %add3A_1507 : i32 to index
      %get3A_1510 = tpu.vector_load %arg7[%get3A_1508, %get3A_1509] {strides = array<i32>} : memref<512x128xf32, #tpu.memory_space<vmem>>, vector<1x16xf32>,
      %get3A_1511 = vector.shape_cast %get3A_1510 : vector<1x16xf32> to vector<16xf32>
      %swap3A_1512 = arith.index_cast %add3A_1481 : i32 to index
      %swap3A_1513 = arith.constant 32 : index
      %swap3A_1514 = tpu.vector_load %arg8[%swap3A_1512, %swap3A_1513] {strides = array<i32>} : memref<512x64xf32, #tpu.memory_space<vmem>>, vector<1x16xf32>,
      %swap3A_1515 = vector.shape_cast %swap3A_1514 : vector<1x16xf32> to vector<16xf32>
      %swap3A_1516 = vector.shape_cast %get3A_1511 : vector<16xf32> to vector<1x16xf32>
      tpu.vector_store %arg8[%swap3A_1512, %swap3A_1513], %swap3A_1516 {strides = array<i32>} : memref<512x64xf32, #tpu.memory_space<vmem>>, vector<1x16xf32>,
      %add3A_1517 = arith.constant 48 : i32
      %add3A_1518 = arith.addi %squeeze3A_1483, %add3A_1517 : i32
      %get3A_1519 = arith.index_cast %add3A_1481 : i32 to index
      %get3A_1520 = arith.index_cast %add3A_1518 : i32 to index
      %get3A_1521 = tpu.vector_load %arg7[%get3A_1519, %get3A_1520] {strides = array<i32>} : memref<512x128xf32, #tpu.memory_space<vmem>>, vector<1x16xf32>,
      %get3A_1522 = vector.shape_cast %get3A_1521 : vector<1x16xf32> to vector<16xf32>
      %swap3A_1523 = arith.index_cast %add3A_1481 : i32 to index
      %swap3A_1524 = arith.constant 48 : index
      %swap3A_1525 = tpu.vector_load %arg8[%swap3A_1523, %swap3A_1524] {strides = array<i32>} : memref<512x64xf32, #tpu.memory_space<vmem>>, vector<1x16xf32>,
      %swap3A_1526 = vector.shape_cast %swap3A_1525 : vector<1x16xf32> to vector<16xf32>
      %swap3A_1527 = vector.shape_cast %get3A_1522 : vector<16xf32> to vector<1x16xf32>
      tpu.vector_store %arg8[%swap3A_1523, %swap3A_1524], %swap3A_1527 {strides = array<i32>} : memref<512x64xf32, #tpu.memory_space<vmem>>, vector<1x16xf32>,
    }
    %scan3A_567 = arith.constant 8 : i32
    %add3A_568 = arith.constant 0 : i32
    %add3A_569 = arith.addi %mul3A_2, %add3A_568 : i32
    %dma_start3A_570 = arith.constant 0 : i32
    %dma_start3A_571 = arith.constant 0 : i32
    %dma_start3A_572 = tpu.memref_slice %arg8[%dma_start3A_570, %dma_start3A_571] : memref<512x64xf32, #tpu.memory_space<vmem>> -> memref<128x64xf32, #tpu.memory_space<vmem>>
    %dma_start3A_573 = arith.constant 0 : i32
    %dma_start3A_574 = tpu.memref_slice %arg4[%add3A_569, %dma_start3A_573] : memref<16384x64xf32, #tpu.memory_space<hbm>> -> memref<128x64xf32, #tpu.memory_space<hbm>>
    %dma_start3A_575 = arith.constant 0 : i32
    %dma_start3A_576 = tpu.memref_slice %arg4[%add3A_569, %dma_start3A_575] : memref<16384x64xf32, #tpu.memory_space<hbm>> -> memref<128x64xf32, #tpu.memory_space<hbm>>
    %dma_start3A_577 = arith.constant 0 : i32
    %dma_start3A_578 = arith.constant 0 : i32
    %dma_start3A_579 = tpu.memref_slice %arg8[%dma_start3A_577, %dma_start3A_578] : memref<512x64xf32, #tpu.memory_space<vmem>> -> memref<128x64xf32, #tpu.memory_space<vmem>>
    tpu.enqueue_dma source(%dma_start3A_579 : memref<128x64xf32, #tpu.memory_space<vmem>>) target(%dma_start3A_576 : memref<128x64xf32, #tpu.memory_space<hbm>>) target_semaphore(%arg10 : memref<!tpu.dma_semaphore, #tpu.memory_space<semaphore_mem>>)
    %dma_start3A_580 = arith.constant 256 : i32
    %dma_start3A_581 = arith.constant 0 : i32
    %dma_start3A_582 = tpu.memref_slice %arg7[%dma_start3A_580, %dma_start3A_581] : memref<512x128xf32, #tpu.memory_space<vmem>> -> memref<128x128xf32, #tpu.memory_space<vmem>>
    %dma_start3A_583 = arith.constant 256 : i32
    %dma_start3A_584 = tpu.memref_slice %arg6[%dma_start3A_583] : memref<512xi32, #tpu.memory_space<vmem>> -> memref<128xi32, #tpu.memory_space<vmem>>
    %dma_start3A_585 = arith.constant 0 : i32
    %dma_start3A_586 = arith.constant 0 : i32
    %dma_start3A_587 = tpu.memref_slice %arg3[%dma_start3A_585, %dma_start3A_586] : memref<507904x128xf32, #tpu.memory_space<hbm>> -> memref<507904x128xf32, #tpu.memory_space<hbm>>
    tpu.enqueue_indirect_dma source(%dma_start3A_587 : memref<507904x128xf32, #tpu.memory_space<hbm>>) target(%dma_start3A_582 : memref<128x128xf32, #tpu.memory_space<vmem>>) offsets(%dma_start3A_584 : memref<128xi32, #tpu.memory_space<vmem>>) semaphore(%arg9 : memref<!tpu.dma_semaphore, #tpu.memory_space<semaphore_mem>>)
    %dma_wait3A_588 = arith.constant 128 : i32
    %dma_wait3A_589 = arith.constant 0 : i32
    %dma_wait3A_590 = tpu.memref_slice %arg7[%dma_wait3A_588, %dma_wait3A_589] : memref<512x128xf32, #tpu.memory_space<vmem>> -> memref<128x128xf32, #tpu.memory_space<vmem>>
    %dma_wait3A_591 = arith.constant 128 : i32
    %dma_wait3A_592 = tpu.memref_slice %arg6[%dma_wait3A_591] : memref<512xi32, #tpu.memory_space<vmem>> -> memref<128xi32, #tpu.memory_space<vmem>>
    %dma_wait3A_593 = arith.constant 0 : i32
    %dma_wait3A_594 = arith.constant 0 : i32
    %dma_wait3A_595 = tpu.memref_slice %arg3[%dma_wait3A_593, %dma_wait3A_594] : memref<507904x128xf32, #tpu.memory_space<hbm>> -> memref<507904x128xf32, #tpu.memory_space<hbm>>
    tpu.wait_indirect_dma semaphore(%arg9 : memref<!tpu.dma_semaphore, #tpu.memory_space<semaphore_mem>>) src(%dma_wait3A_595 : memref<507904x128xf32, #tpu.memory_space<hbm>>) dst(%dma_wait3A_590 : memref<128x128xf32, #tpu.memory_space<vmem>>)
    %scan3A_596 = arith.constant 0 : i32
    %scan3A_597 = arith.constant 8 : i32
    %scan3A_598 = arith.addi %scan3A_596, %scan3A_597 : i32
    %scan3A_599 = arith.constant 1 : i32
    scf.for %scan3A_711 = %scan3A_596 to %scan3A_598 step %scan3A_599  : i32 {
      %mul3A_712 = arith.constant 1 : i32
      %mul3A_713 = arith.muli %scan3A_711, %mul3A_712 : i32
      %add3A_714 = arith.constant 8 : i32
      %add3A_715 = arith.addi %add3A_714, %mul3A_713 : i32
      %mul3A_716 = arith.constant 16 : i32
      %mul3A_717 = arith.muli %add3A_715, %mul3A_716 : i32
      %get3A_718 = arith.index_cast %mul3A_717 : i32 to index
      %get3A_719 = tpu.vector_load %arg5[%get3A_718] {strides = array<i32>} : memref<512xi32, #tpu.memory_space<vmem>>, vector<16xi32>,
      %get3A_720 = vector.shape_cast %get3A_719 : vector<16xi32> to vector<16xi32>
      %shift_right_logical3A_721 = arith.constant 14 : i32
      %shift_right_logical3A_722 = vector.broadcast %shift_right_logical3A_721 : i32 to vector<16xi32>
      %shift_right_logical3A_723 = arith.shrui %get3A_720, %shift_right_logical3A_722 : vector<16xi32>
      %and3A_724 = arith.constant 1 : i32
      %and3A_725 = vector.broadcast %and3A_724 : i32 to vector<16xi32>
      %and3A_726 = arith.andi %shift_right_logical3A_723, %and3A_725 : vector<16xi32>
      %mul3A_727 = arith.constant 64 : i32
      %mul3A_728 = vector.broadcast %mul3A_727 : i32 to vector<16xi32>
      %mul3A_729 = arith.muli %and3A_726, %mul3A_728 : vector<16xi32>
      %mul3A_730 = arith.constant 16 : i32
      %mul3A_731 = arith.muli %add3A_715, %mul3A_730 : i32
      %add3A_732 = arith.constant 0 : i32
      %add3A_733 = arith.addi %mul3A_731, %add3A_732 : i32
      %slice3A = vector.extract_strided_slice %mul3A_729 {offsets = [0], sizes = [1], strides = [1]} : vector<16xi32> to vector<1xi32>
      %squeeze3A = vector.extract %slice3A[0] : i32 from vector<1xi32>
      %add3A_734 = arith.constant 0 : i32
      %add3A_735 = arith.addi %squeeze3A, %add3A_734 : i32
      %get3A_736 = arith.index_cast %add3A_733 : i32 to index
      %get3A_737 = arith.index_cast %add3A_735 : i32 to index
      %get3A_738 = tpu.vector_load %arg7[%get3A_736, %get3A_737] {strides = array<i32>} : memref<512x128xf32, #tpu.memory_space<vmem>>, vector<1x16xf32>,
      %get3A_739 = vector.shape_cast %get3A_738 : vector<1x16xf32> to vector<16xf32>
      %swap3A_740 = arith.index_cast %add3A_733 : i32 to index
      %swap3A_741 = arith.constant 0 : index
      %swap3A_742 = tpu.vector_load %arg8[%swap3A_740, %swap3A_741] {strides = array<i32>} : memref<512x64xf32, #tpu.memory_space<vmem>>, vector<1x16xf32>,
      %swap3A_743 = vector.shape_cast %swap3A_742 : vector<1x16xf32> to vector<16xf32>
      %swap3A_744 = vector.shape_cast %get3A_739 : vector<16xf32> to vector<1x16xf32>
      tpu.vector_store %arg8[%swap3A_740, %swap3A_741], %swap3A_744 {strides = array<i32>} : memref<512x64xf32, #tpu.memory_space<vmem>>, vector<1x16xf32>,
      %add3A_745 = arith.constant 16 : i32
      %add3A_746 = arith.addi %squeeze3A, %add3A_745 : i32
      %get3A_747 = arith.index_cast %add3A_733 : i32 to index
      %get3A_748 = arith.index_cast %add3A_746 : i32 to index
      %get3A_749 = tpu.vector_load %arg7[%get3A_747, %get3A_748] {strides = array<i32>} : memref<512x128xf32, #tpu.memory_space<vmem>>, vector<1x16xf32>,
      %get3A_750 = vector.shape_cast %get3A_749 : vector<1x16xf32> to vector<16xf32>
      %swap3A_751 = arith.index_cast %add3A_733 : i32 to index
      %swap3A_752 = arith.constant 16 : index
      %swap3A_753 = tpu.vector_load %arg8[%swap3A_751, %swap3A_752] {strides = array<i32>} : memref<512x64xf32, #tpu.memory_space<vmem>>, vector<1x16xf32>,
      %swap3A_754 = vector.shape_cast %swap3A_753 : vector<1x16xf32> to vector<16xf32>
      %swap3A_755 = vector.shape_cast %get3A_750 : vector<16xf32> to vector<1x16xf32>
      tpu.vector_store %arg8[%swap3A_751, %swap3A_752], %swap3A_755 {strides = array<i32>} : memref<512x64xf32, #tpu.memory_space<vmem>>, vector<1x16xf32>,
      %add3A_756 = arith.constant 32 : i32
      %add3A_757 = arith.addi %squeeze3A, %add3A_756 : i32
      %get3A_758 = arith.index_cast %add3A_733 : i32 to index
      %get3A_759 = arith.index_cast %add3A_757 : i32 to index
      %get3A_760 = tpu.vector_load %arg7[%get3A_758, %get3A_759] {strides = array<i32>} : memref<512x128xf32, #tpu.memory_space<vmem>>, vector<1x16xf32>,
      %get3A_761 = vector.shape_cast %get3A_760 : vector<1x16xf32> to vector<16xf32>
      %swap3A_762 = arith.index_cast %add3A_733 : i32 to index
      %swap3A_763 = arith.constant 32 : index
      %swap3A_764 = tpu.vector_load %arg8[%swap3A_762, %swap3A_763] {strides = array<i32>} : memref<512x64xf32, #tpu.memory_space<vmem>>, vector<1x16xf32>,
      %swap3A_765 = vector.shape_cast %swap3A_764 : vector<1x16xf32> to vector<16xf32>
      %swap3A_766 = vector.shape_cast %get3A_761 : vector<16xf32> to vector<1x16xf32>
      tpu.vector_store %arg8[%swap3A_762, %swap3A_763], %swap3A_766 {strides = array<i32>} : memref<512x64xf32, #tpu.memory_space<vmem>>, vector<1x16xf32>,
      %add3A_767 = arith.constant 48 : i32
      %add3A_768 = arith.addi %squeeze3A, %add3A_767 : i32
      %get3A_769 = arith.index_cast %add3A_733 : i32 to index
      %get3A_770 = arith.index_cast %add3A_768 : i32 to index
      %get3A_771 = tpu.vector_load %arg7[%get3A_769, %get3A_770] {strides = array<i32>} : memref<512x128xf32, #tpu.memory_space<vmem>>, vector<1x16xf32>,
      %get3A_772 = vector.shape_cast %get3A_771 : vector<1x16xf32> to vector<16xf32>
      %swap3A_773 = arith.index_cast %add3A_733 : i32 to index
      %swap3A_774 = arith.constant 48 : index
      %swap3A_775 = tpu.vector_load %arg8[%swap3A_773, %swap3A_774] {strides = array<i32>} : memref<512x64xf32, #tpu.memory_space<vmem>>, vector<1x16xf32>,
      %swap3A_776 = vector.shape_cast %swap3A_775 : vector<1x16xf32> to vector<16xf32>
      %swap3A_777 = vector.shape_cast %get3A_772 : vector<16xf32> to vector<1x16xf32>
      tpu.vector_store %arg8[%swap3A_773, %swap3A_774], %swap3A_777 {strides = array<i32>} : memref<512x64xf32, #tpu.memory_space<vmem>>, vector<1x16xf32>,
      %mul3A_778 = arith.constant 16 : i32
      %mul3A_779 = arith.muli %add3A_715, %mul3A_778 : i32
      %add3A_780 = arith.constant 1 : i32
      %add3A_781 = arith.addi %mul3A_779, %add3A_780 : i32
      %slice3A_782 = vector.extract_strided_slice %mul3A_729 {offsets = [1], sizes = [1], strides = [1]} : vector<16xi32> to vector<1xi32>
      %squeeze3A_783 = vector.extract %slice3A_782[0] : i32 from vector<1xi32>
      %add3A_784 = arith.constant 0 : i32
      %add3A_785 = arith.addi %squeeze3A_783, %add3A_784 : i32
      %get3A_786 = arith.index_cast %add3A_781 : i32 to index
      %get3A_787 = arith.index_cast %add3A_785 : i32 to index
      %get3A_788 = tpu.vector_load %arg7[%get3A_786, %get3A_787] {strides = array<i32>} : memref<512x128xf32, #tpu.memory_space<vmem>>, vector<1x16xf32>,
      %get3A_789 = vector.shape_cast %get3A_788 : vector<1x16xf32> to vector<16xf32>
      %swap3A_790 = arith.index_cast %add3A_781 : i32 to index
      %swap3A_791 = arith.constant 0 : index
      %swap3A_792 = tpu.vector_load %arg8[%swap3A_790, %swap3A_791] {strides = array<i32>} : memref<512x64xf32, #tpu.memory_space<vmem>>, vector<1x16xf32>,
      %swap3A_793 = vector.shape_cast %swap3A_792 : vector<1x16xf32> to vector<16xf32>
      %swap3A_794 = vector.shape_cast %get3A_789 : vector<16xf32> to vector<1x16xf32>
      tpu.vector_store %arg8[%swap3A_790, %swap3A_791], %swap3A_794 {strides = array<i32>} : memref<512x64xf32, #tpu.memory_space<vmem>>, vector<1x16xf32>,
      %add3A_795 = arith.constant 16 : i32
      %add3A_796 = arith.addi %squeeze3A_783, %add3A_795 : i32
      %get3A_797 = arith.index_cast %add3A_781 : i32 to index
      %get3A_798 = arith.index_cast %add3A_796 : i32 to index
      %get3A_799 = tpu.vector_load %arg7[%get3A_797, %get3A_798] {strides = array<i32>} : memref<512x128xf32, #tpu.memory_space<vmem>>, vector<1x16xf32>,
      %get3A_800 = vector.shape_cast %get3A_799 : vector<1x16xf32> to vector<16xf32>
      %swap3A_801 = arith.index_cast %add3A_781 : i32 to index
      %swap3A_802 = arith.constant 16 : index
      %swap3A_803 = tpu.vector_load %arg8[%swap3A_801, %swap3A_802] {strides = array<i32>} : memref<512x64xf32, #tpu.memory_space<vmem>>, vector<1x16xf32>,
      %swap3A_804 = vector.shape_cast %swap3A_803 : vector<1x16xf32> to vector<16xf32>
      %swap3A_805 = vector.shape_cast %get3A_800 : vector<16xf32> to vector<1x16xf32>
      tpu.vector_store %arg8[%swap3A_801, %swap3A_802], %swap3A_805 {strides = array<i32>} : memref<512x64xf32, #tpu.memory_space<vmem>>, vector<1x16xf32>,
      %add3A_806 = arith.constant 32 : i32
      %add3A_807 = arith.addi %squeeze3A_783, %add3A_806 : i32
      %get3A_808 = arith.index_cast %add3A_781 : i32 to index
      %get3A_809 = arith.index_cast %add3A_807 : i32 to index
      %get3A_810 = tpu.vector_load %arg7[%get3A_808, %get3A_809] {strides = array<i32>} : memref<512x128xf32, #tpu.memory_space<vmem>>, vector<1x16xf32>,
      %get3A_811 = vector.shape_cast %get3A_810 : vector<1x16xf32> to vector<16xf32>
      %swap3A_812 = arith.index_cast %add3A_781 : i32 to index
      %swap3A_813 = arith.constant 32 : index
      %swap3A_814 = tpu.vector_load %arg8[%swap3A_812, %swap3A_813] {strides = array<i32>} : memref<512x64xf32, #tpu.memory_space<vmem>>, vector<1x16xf32>,
      %swap3A_815 = vector.shape_cast %swap3A_814 : vector<1x16xf32> to vector<16xf32>
      %swap3A_816 = vector.shape_cast %get3A_811 : vector<16xf32> to vector<1x16xf32>
      tpu.vector_store %arg8[%swap3A_812, %swap3A_813], %swap3A_816 {strides = array<i32>} : memref<512x64xf32, #tpu.memory_space<vmem>>, vector<1x16xf32>,
      %add3A_817 = arith.constant 48 : i32
      %add3A_818 = arith.addi %squeeze3A_783, %add3A_817 : i32
      %get3A_819 = arith.index_cast %add3A_781 : i32 to index
      %get3A_820 = arith.index_cast %add3A_818 : i32 to index
      %get3A_821 = tpu.vector_load %arg7[%get3A_819, %get3A_820] {strides = array<i32>} : memref<512x128xf32, #tpu.memory_space<vmem>>, vector<1x16xf32>,
      %get3A_822 = vector.shape_cast %get3A_821 : vector<1x16xf32> to vector<16xf32>
      %swap3A_823 = arith.index_cast %add3A_781 : i32 to index
      %swap3A_824 = arith.constant 48 : index
      %swap3A_825 = tpu.vector_load %arg8[%swap3A_823, %swap3A_824] {strides = array<i32>} : memref<512x64xf32, #tpu.memory_space<vmem>>, vector<1x16xf32>,
      %swap3A_826 = vector.shape_cast %swap3A_825 : vector<1x16xf32> to vector<16xf32>
      %swap3A_827 = vector.shape_cast %get3A_822 : vector<16xf32> to vector<1x16xf32>
      tpu.vector_store %arg8[%swap3A_823, %swap3A_824], %swap3A_827 {strides = array<i32>} : memref<512x64xf32, #tpu.memory_space<vmem>>, vector<1x16xf32>,
      %mul3A_828 = arith.constant 16 : i32
      %mul3A_829 = arith.muli %add3A_715, %mul3A_828 : i32
      %add3A_830 = arith.constant 2 : i32
      %add3A_831 = arith.addi %mul3A_829, %add3A_830 : i32
      %slice3A_832 = vector.extract_strided_slice %mul3A_729 {offsets = [2], sizes = [1], strides = [1]} : vector<16xi32> to vector<1xi32>
      %squeeze3A_833 = vector.extract %slice3A_832[0] : i32 from vector<1xi32>
      %add3A_834 = arith.constant 0 : i32
      %add3A_835 = arith.addi %squeeze3A_833, %add3A_834 : i32
      %get3A_836 = arith.index_cast %add3A_831 : i32 to index
      %get3A_837 = arith.index_cast %add3A_835 : i32 to index
      %get3A_838 = tpu.vector_load %arg7[%get3A_836, %get3A_837] {strides = array<i32>} : memref<512x128xf32, #tpu.memory_space<vmem>>, vector<1x16xf32>,
      %get3A_839 = vector.shape_cast %get3A_838 : vector<1x16xf32> to vector<16xf32>
      %swap3A_840 = arith.index_cast %add3A_831 : i32 to index
      %swap3A_841 = arith.constant 0 : index
      %swap3A_842 = tpu.vector_load %arg8[%swap3A_840, %swap3A_841] {strides = array<i32>} : memref<512x64xf32, #tpu.memory_space<vmem>>, vector<1x16xf32>,
      %swap3A_843 = vector.shape_cast %swap3A_842 : vector<1x16xf32> to vector<16xf32>
      %swap3A_844 = vector.shape_cast %get3A_839 : vector<16xf32> to vector<1x16xf32>
      tpu.vector_store %arg8[%swap3A_840, %swap3A_841], %swap3A_844 {strides = array<i32>} : memref<512x64xf32, #tpu.memory_space<vmem>>, vector<1x16xf32>,
      %add3A_845 = arith.constant 16 : i32
      %add3A_846 = arith.addi %squeeze3A_833, %add3A_845 : i32
      %get3A_847 = arith.index_cast %add3A_831 : i32 to index
      %get3A_848 = arith.index_cast %add3A_846 : i32 to index
      %get3A_849 = tpu.vector_load %arg7[%get3A_847, %get3A_848] {strides = array<i32>} : memref<512x128xf32, #tpu.memory_space<vmem>>, vector<1x16xf32>,
      %get3A_850 = vector.shape_cast %get3A_849 : vector<1x16xf32> to vector<16xf32>
      %swap3A_851 = arith.index_cast %add3A_831 : i32 to index
      %swap3A_852 = arith.constant 16 : index
      %swap3A_853 = tpu.vector_load %arg8[%swap3A_851, %swap3A_852] {strides = array<i32>} : memref<512x64xf32, #tpu.memory_space<vmem>>, vector<1x16xf32>,
      %swap3A_854 = vector.shape_cast %swap3A_853 : vector<1x16xf32> to vector<16xf32>
      %swap3A_855 = vector.shape_cast %get3A_850 : vector<16xf32> to vector<1x16xf32>
      tpu.vector_store %arg8[%swap3A_851, %swap3A_852], %swap3A_855 {strides = array<i32>} : memref<512x64xf32, #tpu.memory_space<vmem>>, vector<1x16xf32>,
      %add3A_856 = arith.constant 32 : i32
      %add3A_857 = arith.addi %squeeze3A_833, %add3A_856 : i32
      %get3A_858 = arith.index_cast %add3A_831 : i32 to index
      %get3A_859 = arith.index_cast %add3A_857 : i32 to index
      %get3A_860 = tpu.vector_load %arg7[%get3A_858, %get3A_859] {strides = array<i32>} : memref<512x128xf32, #tpu.memory_space<vmem>>, vector<1x16xf32>,
      %get3A_861 = vector.shape_cast %get3A_860 : vector<1x16xf32> to vector<16xf32>
      %swap3A_862 = arith.index_cast %add3A_831 : i32 to index
      %swap3A_863 = arith.constant 32 : index
      %swap3A_864 = tpu.vector_load %arg8[%swap3A_862, %swap3A_863] {strides = array<i32>} : memref<512x64xf32, #tpu.memory_space<vmem>>, vector<1x16xf32>,
      %swap3A_865 = vector.shape_cast %swap3A_864 : vector<1x16xf32> to vector<16xf32>
      %swap3A_866 = vector.shape_cast %get3A_861 : vector<16xf32> to vector<1x16xf32>
      tpu.vector_store %arg8[%swap3A_862, %swap3A_863], %swap3A_866 {strides = array<i32>} : memref<512x64xf32, #tpu.memory_space<vmem>>, vector<1x16xf32>,
      %add3A_867 = arith.constant 48 : i32
      %add3A_868 = arith.addi %squeeze3A_833, %add3A_867 : i32
      %get3A_869 = arith.index_cast %add3A_831 : i32 to index
      %get3A_870 = arith.index_cast %add3A_868 : i32 to index
      %get3A_871 = tpu.vector_load %arg7[%get3A_869, %get3A_870] {strides = array<i32>} : memref<512x128xf32, #tpu.memory_space<vmem>>, vector<1x16xf32>,
      %get3A_872 = vector.shape_cast %get3A_871 : vector<1x16xf32> to vector<16xf32>
      %swap3A_873 = arith.index_cast %add3A_831 : i32 to index
      %swap3A_874 = arith.constant 48 : index
      %swap3A_875 = tpu.vector_load %arg8[%swap3A_873, %swap3A_874] {strides = array<i32>} : memref<512x64xf32, #tpu.memory_space<vmem>>, vector<1x16xf32>,
      %swap3A_876 = vector.shape_cast %swap3A_875 : vector<1x16xf32> to vector<16xf32>
      %swap3A_877 = vector.shape_cast %get3A_872 : vector<16xf32> to vector<1x16xf32>
      tpu.vector_store %arg8[%swap3A_873, %swap3A_874], %swap3A_877 {strides = array<i32>} : memref<512x64xf32, #tpu.memory_space<vmem>>, vector<1x16xf32>,
      %mul3A_878 = arith.constant 16 : i32
      %mul3A_879 = arith.muli %add3A_715, %mul3A_878 : i32
      %add3A_880 = arith.constant 3 : i32
      %add3A_881 = arith.addi %mul3A_879, %add3A_880 : i32
      %slice3A_882 = vector.extract_strided_slice %mul3A_729 {offsets = [3], sizes = [1], strides = [1]} : vector<16xi32> to vector<1xi32>
      %squeeze3A_883 = vector.extract %slice3A_882[0] : i32 from vector<1xi32>
      %add3A_884 = arith.constant 0 : i32
      %add3A_885 = arith.addi %squeeze3A_883, %add3A_884 : i32
      %get3A_886 = arith.index_cast %add3A_881 : i32 to index
      %get3A_887 = arith.index_cast %add3A_885 : i32 to index
      %get3A_888 = tpu.vector_load %arg7[%get3A_886, %get3A_887] {strides = array<i32>} : memref<512x128xf32, #tpu.memory_space<vmem>>, vector<1x16xf32>,
      %get3A_889 = vector.shape_cast %get3A_888 : vector<1x16xf32> to vector<16xf32>
      %swap3A_890 = arith.index_cast %add3A_881 : i32 to index
      %swap3A_891 = arith.constant 0 : index
      %swap3A_892 = tpu.vector_load %arg8[%swap3A_890, %swap3A_891] {strides = array<i32>} : memref<512x64xf32, #tpu.memory_space<vmem>>, vector<1x16xf32>,
      %swap3A_893 = vector.shape_cast %swap3A_892 : vector<1x16xf32> to vector<16xf32>
      %swap3A_894 = vector.shape_cast %get3A_889 : vector<16xf32> to vector<1x16xf32>
      tpu.vector_store %arg8[%swap3A_890, %swap3A_891], %swap3A_894 {strides = array<i32>} : memref<512x64xf32, #tpu.memory_space<vmem>>, vector<1x16xf32>,
      %add3A_895 = arith.constant 16 : i32
      %add3A_896 = arith.addi %squeeze3A_883, %add3A_895 : i32
      %get3A_897 = arith.index_cast %add3A_881 : i32 to index
      %get3A_898 = arith.index_cast %add3A_896 : i32 to index
      %get3A_899 = tpu.vector_load %arg7[%get3A_897, %get3A_898] {strides = array<i32>} : memref<512x128xf32, #tpu.memory_space<vmem>>, vector<1x16xf32>,
      %get3A_900 = vector.shape_cast %get3A_899 : vector<1x16xf32> to vector<16xf32>
      %swap3A_901 = arith.index_cast %add3A_881 : i32 to index
      %swap3A_902 = arith.constant 16 : index
      %swap3A_903 = tpu.vector_load %arg8[%swap3A_901, %swap3A_902] {strides = array<i32>} : memref<512x64xf32, #tpu.memory_space<vmem>>, vector<1x16xf32>,
      %swap3A_904 = vector.shape_cast %swap3A_903 : vector<1x16xf32> to vector<16xf32>
      %swap3A_905 = vector.shape_cast %get3A_900 : vector<16xf32> to vector<1x16xf32>
      tpu.vector_store %arg8[%swap3A_901, %swap3A_902], %swap3A_905 {strides = array<i32>} : memref<512x64xf32, #tpu.memory_space<vmem>>, vector<1x16xf32>,
      %add3A_906 = arith.constant 32 : i32
      %add3A_907 = arith.addi %squeeze3A_883, %add3A_906 : i32
      %get3A_908 = arith.index_cast %add3A_881 : i32 to index
      %get3A_909 = arith.index_cast %add3A_907 : i32 to index
      %get3A_910 = tpu.vector_load %arg7[%get3A_908, %get3A_909] {strides = array<i32>} : memref<512x128xf32, #tpu.memory_space<vmem>>, vector<1x16xf32>,
      %get3A_911 = vector.shape_cast %get3A_910 : vector<1x16xf32> to vector<16xf32>
      %swap3A_912 = arith.index_cast %add3A_881 : i32 to index
      %swap3A_913 = arith.constant 32 : index
      %swap3A_914 = tpu.vector_load %arg8[%swap3A_912, %swap3A_913] {strides = array<i32>} : memref<512x64xf32, #tpu.memory_space<vmem>>, vector<1x16xf32>,
      %swap3A_915 = vector.shape_cast %swap3A_914 : vector<1x16xf32> to vector<16xf32>
      %swap3A_916 = vector.shape_cast %get3A_911 : vector<16xf32> to vector<1x16xf32>
      tpu.vector_store %arg8[%swap3A_912, %swap3A_913], %swap3A_916 {strides = array<i32>} : memref<512x64xf32, #tpu.memory_space<vmem>>, vector<1x16xf32>,
      %add3A_917 = arith.constant 48 : i32
      %add3A_918 = arith.addi %squeeze3A_883, %add3A_917 : i32
      %get3A_919 = arith.index_cast %add3A_881 : i32 to index
      %get3A_920 = arith.index_cast %add3A_918 : i32 to index
      %get3A_921 = tpu.vector_load %arg7[%get3A_919, %get3A_920] {strides = array<i32>} : memref<512x128xf32, #tpu.memory_space<vmem>>, vector<1x16xf32>,
      %get3A_922 = vector.shape_cast %get3A_921 : vector<1x16xf32> to vector<16xf32>
      %swap3A_923 = arith.index_cast %add3A_881 : i32 to index
      %swap3A_924 = arith.constant 48 : index
      %swap3A_925 = tpu.vector_load %arg8[%swap3A_923, %swap3A_924] {strides = array<i32>} : memref<512x64xf32, #tpu.memory_space<vmem>>, vector<1x16xf32>,
      %swap3A_926 = vector.shape_cast %swap3A_925 : vector<1x16xf32> to vector<16xf32>
      %swap3A_927 = vector.shape_cast %get3A_922 : vector<16xf32> to vector<1x16xf32>
      tpu.vector_store %arg8[%swap3A_923, %swap3A_924], %swap3A_927 {strides = array<i32>} : memref<512x64xf32, #tpu.memory_space<vmem>>, vector<1x16xf32>,
      %mul3A_928 = arith.constant 16 : i32
      %mul3A_929 = arith.muli %add3A_715, %mul3A_928 : i32
      %add3A_930 = arith.constant 4 : i32
      %add3A_931 = arith.addi %mul3A_929, %add3A_930 : i32
      %slice3A_932 = vector.extract_strided_slice %mul3A_729 {offsets = [4], sizes = [1], strides = [1]} : vector<16xi32> to vector<1xi32>
      %squeeze3A_933 = vector.extract %slice3A_932[0] : i32 from vector<1xi32>
      %add3A_934 = arith.constant 0 : i32
      %add3A_935 = arith.addi %squeeze3A_933, %add3A_934 : i32
      %get3A_936 = arith.index_cast %add3A_931 : i32 to index
      %get3A_937 = arith.index_cast %add3A_935 : i32 to index
      %get3A_938 = tpu.vector_load %arg7[%get3A_936, %get3A_937] {strides = array<i32>} : memref<512x128xf32, #tpu.memory_space<vmem>>, vector<1x16xf32>,
      %get3A_939 = vector.shape_cast %get3A_938 : vector<1x16xf32> to vector<16xf32>
      %swap3A_940 = arith.index_cast %add3A_931 : i32 to index
      %swap3A_941 = arith.constant 0 : index
      %swap3A_942 = tpu.vector_load %arg8[%swap3A_940, %swap3A_941] {strides = array<i32>} : memref<512x64xf32, #tpu.memory_space<vmem>>, vector<1x16xf32>,
      %swap3A_943 = vector.shape_cast %swap3A_942 : vector<1x16xf32> to vector<16xf32>
      %swap3A_944 = vector.shape_cast %get3A_939 : vector<16xf32> to vector<1x16xf32>
      tpu.vector_store %arg8[%swap3A_940, %swap3A_941], %swap3A_944 {strides = array<i32>} : memref<512x64xf32, #tpu.memory_space<vmem>>, vector<1x16xf32>,
      %add3A_945 = arith.constant 16 : i32
      %add3A_946 = arith.addi %squeeze3A_933, %add3A_945 : i32
      %get3A_947 = arith.index_cast %add3A_931 : i32 to index
      %get3A_948 = arith.index_cast %add3A_946 : i32 to index
      %get3A_949 = tpu.vector_load %arg7[%get3A_947, %get3A_948] {strides = array<i32>} : memref<512x128xf32, #tpu.memory_space<vmem>>, vector<1x16xf32>,
      %get3A_950 = vector.shape_cast %get3A_949 : vector<1x16xf32> to vector<16xf32>
      %swap3A_951 = arith.index_cast %add3A_931 : i32 to index
      %swap3A_952 = arith.constant 16 : index
      %swap3A_953 = tpu.vector_load %arg8[%swap3A_951, %swap3A_952] {strides = array<i32>} : memref<512x64xf32, #tpu.memory_space<vmem>>, vector<1x16xf32>,
      %swap3A_954 = vector.shape_cast %swap3A_953 : vector<1x16xf32> to vector<16xf32>
      %swap3A_955 = vector.shape_cast %get3A_950 : vector<16xf32> to vector<1x16xf32>
      tpu.vector_store %arg8[%swap3A_951, %swap3A_952], %swap3A_955 {strides = array<i32>} : memref<512x64xf32, #tpu.memory_space<vmem>>, vector<1x16xf32>,
      %add3A_956 = arith.constant 32 : i32
      %add3A_957 = arith.addi %squeeze3A_933, %add3A_956 : i32
      %get3A_958 = arith.index_cast %add3A_931 : i32 to index
      %get3A_959 = arith.index_cast %add3A_957 : i32 to index
      %get3A_960 = tpu.vector_load %arg7[%get3A_958, %get3A_959] {strides = array<i32>} : memref<512x128xf32, #tpu.memory_space<vmem>>, vector<1x16xf32>,
      %get3A_961 = vector.shape_cast %get3A_960 : vector<1x16xf32> to vector<16xf32>
      %swap3A_962 = arith.index_cast %add3A_931 : i32 to index
      %swap3A_963 = arith.constant 32 : index
      %swap3A_964 = tpu.vector_load %arg8[%swap3A_962, %swap3A_963] {strides = array<i32>} : memref<512x64xf32, #tpu.memory_space<vmem>>, vector<1x16xf32>,
      %swap3A_965 = vector.shape_cast %swap3A_964 : vector<1x16xf32> to vector<16xf32>
      %swap3A_966 = vector.shape_cast %get3A_961 : vector<16xf32> to vector<1x16xf32>
      tpu.vector_store %arg8[%swap3A_962, %swap3A_963], %swap3A_966 {strides = array<i32>} : memref<512x64xf32, #tpu.memory_space<vmem>>, vector<1x16xf32>,
      %add3A_967 = arith.constant 48 : i32
      %add3A_968 = arith.addi %squeeze3A_933, %add3A_967 : i32
      %get3A_969 = arith.index_cast %add3A_931 : i32 to index
      %get3A_970 = arith.index_cast %add3A_968 : i32 to index
      %get3A_971 = tpu.vector_load %arg7[%get3A_969, %get3A_970] {strides = array<i32>} : memref<512x128xf32, #tpu.memory_space<vmem>>, vector<1x16xf32>,
      %get3A_972 = vector.shape_cast %get3A_971 : vector<1x16xf32> to vector<16xf32>
      %swap3A_973 = arith.index_cast %add3A_931 : i32 to index
      %swap3A_974 = arith.constant 48 : index
      %swap3A_975 = tpu.vector_load %arg8[%swap3A_973, %swap3A_974] {strides = array<i32>} : memref<512x64xf32, #tpu.memory_space<vmem>>, vector<1x16xf32>,
      %swap3A_976 = vector.shape_cast %swap3A_975 : vector<1x16xf32> to vector<16xf32>
      %swap3A_977 = vector.shape_cast %get3A_972 : vector<16xf32> to vector<1x16xf32>
      tpu.vector_store %arg8[%swap3A_973, %swap3A_974], %swap3A_977 {strides = array<i32>} : memref<512x64xf32, #tpu.memory_space<vmem>>, vector<1x16xf32>,
      %mul3A_978 = arith.constant 16 : i32
      %mul3A_979 = arith.muli %add3A_715, %mul3A_978 : i32
      %add3A_980 = arith.constant 5 : i32
      %add3A_981 = arith.addi %mul3A_979, %add3A_980 : i32
      %slice3A_982 = vector.extract_strided_slice %mul3A_729 {offsets = [5], sizes = [1], strides = [1]} : vector<16xi32> to vector<1xi32>
      %squeeze3A_983 = vector.extract %slice3A_982[0] : i32 from vector<1xi32>
      %add3A_984 = arith.constant 0 : i32
      %add3A_985 = arith.addi %squeeze3A_983, %add3A_984 : i32
      %get3A_986 = arith.index_cast %add3A_981 : i32 to index
      %get3A_987 = arith.index_cast %add3A_985 : i32 to index
      %get3A_988 = tpu.vector_load %arg7[%get3A_986, %get3A_987] {strides = array<i32>} : memref<512x128xf32, #tpu.memory_space<vmem>>, vector<1x16xf32>,
      %get3A_989 = vector.shape_cast %get3A_988 : vector<1x16xf32> to vector<16xf32>
      %swap3A_990 = arith.index_cast %add3A_981 : i32 to index
      %swap3A_991 = arith.constant 0 : index
      %swap3A_992 = tpu.vector_load %arg8[%swap3A_990, %swap3A_991] {strides = array<i32>} : memref<512x64xf32, #tpu.memory_space<vmem>>, vector<1x16xf32>,
      %swap3A_993 = vector.shape_cast %swap3A_992 : vector<1x16xf32> to vector<16xf32>
      %swap3A_994 = vector.shape_cast %get3A_989 : vector<16xf32> to vector<1x16xf32>
      tpu.vector_store %arg8[%swap3A_990, %swap3A_991], %swap3A_994 {strides = array<i32>} : memref<512x64xf32, #tpu.memory_space<vmem>>, vector<1x16xf32>,
      %add3A_995 = arith.constant 16 : i32
      %add3A_996 = arith.addi %squeeze3A_983, %add3A_995 : i32
      %get3A_997 = arith.index_cast %add3A_981 : i32 to index
      %get3A_998 = arith.index_cast %add3A_996 : i32 to index
      %get3A_999 = tpu.vector_load %arg7[%get3A_997, %get3A_998] {strides = array<i32>} : memref<512x128xf32, #tpu.memory_space<vmem>>, vector<1x16xf32>,
      %get3A_1000 = vector.shape_cast %get3A_999 : vector<1x16xf32> to vector<16xf32>
      %swap3A_1001 = arith.index_cast %add3A_981 : i32 to index
      %swap3A_1002 = arith.constant 16 : index
      %swap3A_1003 = tpu.vector_load %arg8[%swap3A_1001, %swap3A_1002] {strides = array<i32>} : memref<512x64xf32, #tpu.memory_space<vmem>>, vector<1x16xf32>,
      %swap3A_1004 = vector.shape_cast %swap3A_1003 : vector<1x16xf32> to vector<16xf32>
      %swap3A_1005 = vector.shape_cast %get3A_1000 : vector<16xf32> to vector<1x16xf32>
      tpu.vector_store %arg8[%swap3A_1001, %swap3A_1002], %swap3A_1005 {strides = array<i32>} : memref<512x64xf32, #tpu.memory_space<vmem>>, vector<1x16xf32>,
      %add3A_1006 = arith.constant 32 : i32
      %add3A_1007 = arith.addi %squeeze3A_983, %add3A_1006 : i32
      %get3A_1008 = arith.index_cast %add3A_981 : i32 to index
      %get3A_1009 = arith.index_cast %add3A_1007 : i32 to index
      %get3A_1010 = tpu.vector_load %arg7[%get3A_1008, %get3A_1009] {strides = array<i32>} : memref<512x128xf32, #tpu.memory_space<vmem>>, vector<1x16xf32>,
      %get3A_1011 = vector.shape_cast %get3A_1010 : vector<1x16xf32> to vector<16xf32>
      %swap3A_1012 = arith.index_cast %add3A_981 : i32 to index
      %swap3A_1013 = arith.constant 32 : index
      %swap3A_1014 = tpu.vector_load %arg8[%swap3A_1012, %swap3A_1013] {strides = array<i32>} : memref<512x64xf32, #tpu.memory_space<vmem>>, vector<1x16xf32>,
      %swap3A_1015 = vector.shape_cast %swap3A_1014 : vector<1x16xf32> to vector<16xf32>
      %swap3A_1016 = vector.shape_cast %get3A_1011 : vector<16xf32> to vector<1x16xf32>
      tpu.vector_store %arg8[%swap3A_1012, %swap3A_1013], %swap3A_1016 {strides = array<i32>} : memref<512x64xf32, #tpu.memory_space<vmem>>, vector<1x16xf32>,
      %add3A_1017 = arith.constant 48 : i32
      %add3A_1018 = arith.addi %squeeze3A_983, %add3A_1017 : i32
      %get3A_1019 = arith.index_cast %add3A_981 : i32 to index
      %get3A_1020 = arith.index_cast %add3A_1018 : i32 to index
      %get3A_1021 = tpu.vector_load %arg7[%get3A_1019, %get3A_1020] {strides = array<i32>} : memref<512x128xf32, #tpu.memory_space<vmem>>, vector<1x16xf32>,
      %get3A_1022 = vector.shape_cast %get3A_1021 : vector<1x16xf32> to vector<16xf32>
      %swap3A_1023 = arith.index_cast %add3A_981 : i32 to index
      %swap3A_1024 = arith.constant 48 : index
      %swap3A_1025 = tpu.vector_load %arg8[%swap3A_1023, %swap3A_1024] {strides = array<i32>} : memref<512x64xf32, #tpu.memory_space<vmem>>, vector<1x16xf32>,
      %swap3A_1026 = vector.shape_cast %swap3A_1025 : vector<1x16xf32> to vector<16xf32>
      %swap3A_1027 = vector.shape_cast %get3A_1022 : vector<16xf32> to vector<1x16xf32>
      tpu.vector_store %arg8[%swap3A_1023, %swap3A_1024], %swap3A_1027 {strides = array<i32>} : memref<512x64xf32, #tpu.memory_space<vmem>>, vector<1x16xf32>,
      %mul3A_1028 = arith.constant 16 : i32
      %mul3A_1029 = arith.muli %add3A_715, %mul3A_1028 : i32
      %add3A_1030 = arith.constant 6 : i32
      %add3A_1031 = arith.addi %mul3A_1029, %add3A_1030 : i32
      %slice3A_1032 = vector.extract_strided_slice %mul3A_729 {offsets = [6], sizes = [1], strides = [1]} : vector<16xi32> to vector<1xi32>
      %squeeze3A_1033 = vector.extract %slice3A_1032[0] : i32 from vector<1xi32>
      %add3A_1034 = arith.constant 0 : i32
      %add3A_1035 = arith.addi %squeeze3A_1033, %add3A_1034 : i32
      %get3A_1036 = arith.index_cast %add3A_1031 : i32 to index
      %get3A_1037 = arith.index_cast %add3A_1035 : i32 to index
      %get3A_1038 = tpu.vector_load %arg7[%get3A_1036, %get3A_1037] {strides = array<i32>} : memref<512x128xf32, #tpu.memory_space<vmem>>, vector<1x16xf32>,
      %get3A_1039 = vector.shape_cast %get3A_1038 : vector<1x16xf32> to vector<16xf32>
      %swap3A_1040 = arith.index_cast %add3A_1031 : i32 to index
      %swap3A_1041 = arith.constant 0 : index
      %swap3A_1042 = tpu.vector_load %arg8[%swap3A_1040, %swap3A_1041] {strides = array<i32>} : memref<512x64xf32, #tpu.memory_space<vmem>>, vector<1x16xf32>,
      %swap3A_1043 = vector.shape_cast %swap3A_1042 : vector<1x16xf32> to vector<16xf32>
      %swap3A_1044 = vector.shape_cast %get3A_1039 : vector<16xf32> to vector<1x16xf32>
      tpu.vector_store %arg8[%swap3A_1040, %swap3A_1041], %swap3A_1044 {strides = array<i32>} : memref<512x64xf32, #tpu.memory_space<vmem>>, vector<1x16xf32>,
      %add3A_1045 = arith.constant 16 : i32
      %add3A_1046 = arith.addi %squeeze3A_1033, %add3A_1045 : i32
      %get3A_1047 = arith.index_cast %add3A_1031 : i32 to index
      %get3A_1048 = arith.index_cast %add3A_1046 : i32 to index
      %get3A_1049 = tpu.vector_load %arg7[%get3A_1047, %get3A_1048] {strides = array<i32>} : memref<512x128xf32, #tpu.memory_space<vmem>>, vector<1x16xf32>,
      %get3A_1050 = vector.shape_cast %get3A_1049 : vector<1x16xf32> to vector<16xf32>
      %swap3A_1051 = arith.index_cast %add3A_1031 : i32 to index
      %swap3A_1052 = arith.constant 16 : index
      %swap3A_1053 = tpu.vector_load %arg8[%swap3A_1051, %swap3A_1052] {strides = array<i32>} : memref<512x64xf32, #tpu.memory_space<vmem>>, vector<1x16xf32>,
      %swap3A_1054 = vector.shape_cast %swap3A_1053 : vector<1x16xf32> to vector<16xf32>
      %swap3A_1055 = vector.shape_cast %get3A_1050 : vector<16xf32> to vector<1x16xf32>
      tpu.vector_store %arg8[%swap3A_1051, %swap3A_1052], %swap3A_1055 {strides = array<i32>} : memref<512x64xf32, #tpu.memory_space<vmem>>, vector<1x16xf32>,
      %add3A_1056 = arith.constant 32 : i32
      %add3A_1057 = arith.addi %squeeze3A_1033, %add3A_1056 : i32
      %get3A_1058 = arith.index_cast %add3A_1031 : i32 to index
      %get3A_1059 = arith.index_cast %add3A_1057 : i32 to index
      %get3A_1060 = tpu.vector_load %arg7[%get3A_1058, %get3A_1059] {strides = array<i32>} : memref<512x128xf32, #tpu.memory_space<vmem>>, vector<1x16xf32>,
      %get3A_1061 = vector.shape_cast %get3A_1060 : vector<1x16xf32> to vector<16xf32>
      %swap3A_1062 = arith.index_cast %add3A_1031 : i32 to index
      %swap3A_1063 = arith.constant 32 : index
      %swap3A_1064 = tpu.vector_load %arg8[%swap3A_1062, %swap3A_1063] {strides = array<i32>} : memref<512x64xf32, #tpu.memory_space<vmem>>, vector<1x16xf32>,
      %swap3A_1065 = vector.shape_cast %swap3A_1064 : vector<1x16xf32> to vector<16xf32>
      %swap3A_1066 = vector.shape_cast %get3A_1061 : vector<16xf32> to vector<1x16xf32>
      tpu.vector_store %arg8[%swap3A_1062, %swap3A_1063], %swap3A_1066 {strides = array<i32>} : memref<512x64xf32, #tpu.memory_space<vmem>>, vector<1x16xf32>,
      %add3A_1067 = arith.constant 48 : i32
      %add3A_1068 = arith.addi %squeeze3A_1033, %add3A_1067 : i32
      %get3A_1069 = arith.index_cast %add3A_1031 : i32 to index
      %get3A_1070 = arith.index_cast %add3A_1068 : i32 to index
      %get3A_1071 = tpu.vector_load %arg7[%get3A_1069, %get3A_1070] {strides = array<i32>} : memref<512x128xf32, #tpu.memory_space<vmem>>, vector<1x16xf32>,
      %get3A_1072 = vector.shape_cast %get3A_1071 : vector<1x16xf32> to vector<16xf32>
      %swap3A_1073 = arith.index_cast %add3A_1031 : i32 to index
      %swap3A_1074 = arith.constant 48 : index
      %swap3A_1075 = tpu.vector_load %arg8[%swap3A_1073, %swap3A_1074] {strides = array<i32>} : memref<512x64xf32, #tpu.memory_space<vmem>>, vector<1x16xf32>,
      %swap3A_1076 = vector.shape_cast %swap3A_1075 : vector<1x16xf32> to vector<16xf32>
      %swap3A_1077 = vector.shape_cast %get3A_1072 : vector<16xf32> to vector<1x16xf32>
      tpu.vector_store %arg8[%swap3A_1073, %swap3A_1074], %swap3A_1077 {strides = array<i32>} : memref<512x64xf32, #tpu.memory_space<vmem>>, vector<1x16xf32>,
      %mul3A_1078 = arith.constant 16 : i32
      %mul3A_1079 = arith.muli %add3A_715, %mul3A_1078 : i32
      %add3A_1080 = arith.constant 7 : i32
      %add3A_1081 = arith.addi %mul3A_1079, %add3A_1080 : i32
      %slice3A_1082 = vector.extract_strided_slice %mul3A_729 {offsets = [7], sizes = [1], strides = [1]} : vector<16xi32> to vector<1xi32>
      %squeeze3A_1083 = vector.extract %slice3A_1082[0] : i32 from vector<1xi32>
      %add3A_1084 = arith.constant 0 : i32
      %add3A_1085 = arith.addi %squeeze3A_1083, %add3A_1084 : i32
      %get3A_1086 = arith.index_cast %add3A_1081 : i32 to index
      %get3A_1087 = arith.index_cast %add3A_1085 : i32 to index
      %get3A_1088 = tpu.vector_load %arg7[%get3A_1086, %get3A_1087] {strides = array<i32>} : memref<512x128xf32, #tpu.memory_space<vmem>>, vector<1x16xf32>,
      %get3A_1089 = vector.shape_cast %get3A_1088 : vector<1x16xf32> to vector<16xf32>
      %swap3A_1090 = arith.index_cast %add3A_1081 : i32 to index
      %swap3A_1091 = arith.constant 0 : index
      %swap3A_1092 = tpu.vector_load %arg8[%swap3A_1090, %swap3A_1091] {strides = array<i32>} : memref<512x64xf32, #tpu.memory_space<vmem>>, vector<1x16xf32>,
      %swap3A_1093 = vector.shape_cast %swap3A_1092 : vector<1x16xf32> to vector<16xf32>
      %swap3A_1094 = vector.shape_cast %get3A_1089 : vector<16xf32> to vector<1x16xf32>
      tpu.vector_store %arg8[%swap3A_1090, %swap3A_1091], %swap3A_1094 {strides = array<i32>} : memref<512x64xf32, #tpu.memory_space<vmem>>, vector<1x16xf32>,
      %add3A_1095 = arith.constant 16 : i32
      %add3A_1096 = arith.addi %squeeze3A_1083, %add3A_1095 : i32
      %get3A_1097 = arith.index_cast %add3A_1081 : i32 to index
      %get3A_1098 = arith.index_cast %add3A_1096 : i32 to index
      %get3A_1099 = tpu.vector_load %arg7[%get3A_1097, %get3A_1098] {strides = array<i32>} : memref<512x128xf32, #tpu.memory_space<vmem>>, vector<1x16xf32>,
      %get3A_1100 = vector.shape_cast %get3A_1099 : vector<1x16xf32> to vector<16xf32>
      %swap3A_1101 = arith.index_cast %add3A_1081 : i32 to index
      %swap3A_1102 = arith.constant 16 : index
      %swap3A_1103 = tpu.vector_load %arg8[%swap3A_1101, %swap3A_1102] {strides = array<i32>} : memref<512x64xf32, #tpu.memory_space<vmem>>, vector<1x16xf32>,
      %swap3A_1104 = vector.shape_cast %swap3A_1103 : vector<1x16xf32> to vector<16xf32>
      %swap3A_1105 = vector.shape_cast %get3A_1100 : vector<16xf32> to vector<1x16xf32>
      tpu.vector_store %arg8[%swap3A_1101, %swap3A_1102], %swap3A_1105 {strides = array<i32>} : memref<512x64xf32, #tpu.memory_space<vmem>>, vector<1x16xf32>,
      %add3A_1106 = arith.constant 32 : i32
      %add3A_1107 = arith.addi %squeeze3A_1083, %add3A_1106 : i32
      %get3A_1108 = arith.index_cast %add3A_1081 : i32 to index
      %get3A_1109 = arith.index_cast %add3A_1107 : i32 to index
      %get3A_1110 = tpu.vector_load %arg7[%get3A_1108, %get3A_1109] {strides = array<i32>} : memref<512x128xf32, #tpu.memory_space<vmem>>, vector<1x16xf32>,
      %get3A_1111 = vector.shape_cast %get3A_1110 : vector<1x16xf32> to vector<16xf32>
      %swap3A_1112 = arith.index_cast %add3A_1081 : i32 to index
      %swap3A_1113 = arith.constant 32 : index
      %swap3A_1114 = tpu.vector_load %arg8[%swap3A_1112, %swap3A_1113] {strides = array<i32>} : memref<512x64xf32, #tpu.memory_space<vmem>>, vector<1x16xf32>,
      %swap3A_1115 = vector.shape_cast %swap3A_1114 : vector<1x16xf32> to vector<16xf32>
      %swap3A_1116 = vector.shape_cast %get3A_1111 : vector<16xf32> to vector<1x16xf32>
      tpu.vector_store %arg8[%swap3A_1112, %swap3A_1113], %swap3A_1116 {strides = array<i32>} : memref<512x64xf32, #tpu.memory_space<vmem>>, vector<1x16xf32>,
      %add3A_1117 = arith.constant 48 : i32
      %add3A_1118 = arith.addi %squeeze3A_1083, %add3A_1117 : i32
      %get3A_1119 = arith.index_cast %add3A_1081 : i32 to index
      %get3A_1120 = arith.index_cast %add3A_1118 : i32 to index
      %get3A_1121 = tpu.vector_load %arg7[%get3A_1119, %get3A_1120] {strides = array<i32>} : memref<512x128xf32, #tpu.memory_space<vmem>>, vector<1x16xf32>,
      %get3A_1122 = vector.shape_cast %get3A_1121 : vector<1x16xf32> to vector<16xf32>
      %swap3A_1123 = arith.index_cast %add3A_1081 : i32 to index
      %swap3A_1124 = arith.constant 48 : index
      %swap3A_1125 = tpu.vector_load %arg8[%swap3A_1123, %swap3A_1124] {strides = array<i32>} : memref<512x64xf32, #tpu.memory_space<vmem>>, vector<1x16xf32>,
      %swap3A_1126 = vector.shape_cast %swap3A_1125 : vector<1x16xf32> to vector<16xf32>
      %swap3A_1127 = vector.shape_cast %get3A_1122 : vector<16xf32> to vector<1x16xf32>
      tpu.vector_store %arg8[%swap3A_1123, %swap3A_1124], %swap3A_1127 {strides = array<i32>} : memref<512x64xf32, #tpu.memory_space<vmem>>, vector<1x16xf32>,
      %mul3A_1128 = arith.constant 16 : i32
      %mul3A_1129 = arith.muli %add3A_715, %mul3A_1128 : i32
      %add3A_1130 = arith.constant 8 : i32
      %add3A_1131 = arith.addi %mul3A_1129, %add3A_1130 : i32
      %slice3A_1132 = vector.extract_strided_slice %mul3A_729 {offsets = [8], sizes = [1], strides = [1]} : vector<16xi32> to vector<1xi32>
      %squeeze3A_1133 = vector.extract %slice3A_1132[0] : i32 from vector<1xi32>
      %add3A_1134 = arith.constant 0 : i32
      %add3A_1135 = arith.addi %squeeze3A_1133, %add3A_1134 : i32
      %get3A_1136 = arith.index_cast %add3A_1131 : i32 to index
      %get3A_1137 = arith.index_cast %add3A_1135 : i32 to index
      %get3A_1138 = tpu.vector_load %arg7[%get3A_1136, %get3A_1137] {strides = array<i32>} : memref<512x128xf32, #tpu.memory_space<vmem>>, vector<1x16xf32>,
      %get3A_1139 = vector.shape_cast %get3A_1138 : vector<1x16xf32> to vector<16xf32>
      %swap3A_1140 = arith.index_cast %add3A_1131 : i32 to index
      %swap3A_1141 = arith.constant 0 : index
      %swap3A_1142 = tpu.vector_load %arg8[%swap3A_1140, %swap3A_1141] {strides = array<i32>} : memref<512x64xf32, #tpu.memory_space<vmem>>, vector<1x16xf32>,
      %swap3A_1143 = vector.shape_cast %swap3A_1142 : vector<1x16xf32> to vector<16xf32>
      %swap3A_1144 = vector.shape_cast %get3A_1139 : vector<16xf32> to vector<1x16xf32>
      tpu.vector_store %arg8[%swap3A_1140, %swap3A_1141], %swap3A_1144 {strides = array<i32>} : memref<512x64xf32, #tpu.memory_space<vmem>>, vector<1x16xf32>,
      %add3A_1145 = arith.constant 16 : i32
      %add3A_1146 = arith.addi %squeeze3A_1133, %add3A_1145 : i32
      %get3A_1147 = arith.index_cast %add3A_1131 : i32 to index
      %get3A_1148 = arith.index_cast %add3A_1146 : i32 to index
      %get3A_1149 = tpu.vector_load %arg7[%get3A_1147, %get3A_1148] {strides = array<i32>} : memref<512x128xf32, #tpu.memory_space<vmem>>, vector<1x16xf32>,
      %get3A_1150 = vector.shape_cast %get3A_1149 : vector<1x16xf32> to vector<16xf32>
      %swap3A_1151 = arith.index_cast %add3A_1131 : i32 to index
      %swap3A_1152 = arith.constant 16 : index
      %swap3A_1153 = tpu.vector_load %arg8[%swap3A_1151, %swap3A_1152] {strides = array<i32>} : memref<512x64xf32, #tpu.memory_space<vmem>>, vector<1x16xf32>,
      %swap3A_1154 = vector.shape_cast %swap3A_1153 : vector<1x16xf32> to vector<16xf32>
      %swap3A_1155 = vector.shape_cast %get3A_1150 : vector<16xf32> to vector<1x16xf32>
      tpu.vector_store %arg8[%swap3A_1151, %swap3A_1152], %swap3A_1155 {strides = array<i32>} : memref<512x64xf32, #tpu.memory_space<vmem>>, vector<1x16xf32>,
      %add3A_1156 = arith.constant 32 : i32
      %add3A_1157 = arith.addi %squeeze3A_1133, %add3A_1156 : i32
      %get3A_1158 = arith.index_cast %add3A_1131 : i32 to index
      %get3A_1159 = arith.index_cast %add3A_1157 : i32 to index
      %get3A_1160 = tpu.vector_load %arg7[%get3A_1158, %get3A_1159] {strides = array<i32>} : memref<512x128xf32, #tpu.memory_space<vmem>>, vector<1x16xf32>,
      %get3A_1161 = vector.shape_cast %get3A_1160 : vector<1x16xf32> to vector<16xf32>
      %swap3A_1162 = arith.index_cast %add3A_1131 : i32 to index
      %swap3A_1163 = arith.constant 32 : index
      %swap3A_1164 = tpu.vector_load %arg8[%swap3A_1162, %swap3A_1163] {strides = array<i32>} : memref<512x64xf32, #tpu.memory_space<vmem>>, vector<1x16xf32>,
      %swap3A_1165 = vector.shape_cast %swap3A_1164 : vector<1x16xf32> to vector<16xf32>
      %swap3A_1166 = vector.shape_cast %get3A_1161 : vector<16xf32> to vector<1x16xf32>
      tpu.vector_store %arg8[%swap3A_1162, %swap3A_1163], %swap3A_1166 {strides = array<i32>} : memref<512x64xf32, #tpu.memory_space<vmem>>, vector<1x16xf32>,
      %add3A_1167 = arith.constant 48 : i32
      %add3A_1168 = arith.addi %squeeze3A_1133, %add3A_1167 : i32
      %get3A_1169 = arith.index_cast %add3A_1131 : i32 to index
      %get3A_1170 = arith.index_cast %add3A_1168 : i32 to index
      %get3A_1171 = tpu.vector_load %arg7[%get3A_1169, %get3A_1170] {strides = array<i32>} : memref<512x128xf32, #tpu.memory_space<vmem>>, vector<1x16xf32>,
      %get3A_1172 = vector.shape_cast %get3A_1171 : vector<1x16xf32> to vector<16xf32>
      %swap3A_1173 = arith.index_cast %add3A_1131 : i32 to index
      %swap3A_1174 = arith.constant 48 : index
      %swap3A_1175 = tpu.vector_load %arg8[%swap3A_1173, %swap3A_1174] {strides = array<i32>} : memref<512x64xf32, #tpu.memory_space<vmem>>, vector<1x16xf32>,
      %swap3A_1176 = vector.shape_cast %swap3A_1175 : vector<1x16xf32> to vector<16xf32>
      %swap3A_1177 = vector.shape_cast %get3A_1172 : vector<16xf32> to vector<1x16xf32>
      tpu.vector_store %arg8[%swap3A_1173, %swap3A_1174], %swap3A_1177 {strides = array<i32>} : memref<512x64xf32, #tpu.memory_space<vmem>>, vector<1x16xf32>,
      %mul3A_1178 = arith.constant 16 : i32
      %mul3A_1179 = arith.muli %add3A_715, %mul3A_1178 : i32
      %add3A_1180 = arith.constant 9 : i32
      %add3A_1181 = arith.addi %mul3A_1179, %add3A_1180 : i32
      %slice3A_1182 = vector.extract_strided_slice %mul3A_729 {offsets = [9], sizes = [1], strides = [1]} : vector<16xi32> to vector<1xi32>
      %squeeze3A_1183 = vector.extract %slice3A_1182[0] : i32 from vector<1xi32>
      %add3A_1184 = arith.constant 0 : i32
      %add3A_1185 = arith.addi %squeeze3A_1183, %add3A_1184 : i32
      %get3A_1186 = arith.index_cast %add3A_1181 : i32 to index
      %get3A_1187 = arith.index_cast %add3A_1185 : i32 to index
      %get3A_1188 = tpu.vector_load %arg7[%get3A_1186, %get3A_1187] {strides = array<i32>} : memref<512x128xf32, #tpu.memory_space<vmem>>, vector<1x16xf32>,
      %get3A_1189 = vector.shape_cast %get3A_1188 : vector<1x16xf32> to vector<16xf32>
      %swap3A_1190 = arith.index_cast %add3A_1181 : i32 to index
      %swap3A_1191 = arith.constant 0 : index
      %swap3A_1192 = tpu.vector_load %arg8[%swap3A_1190, %swap3A_1191] {strides = array<i32>} : memref<512x64xf32, #tpu.memory_space<vmem>>, vector<1x16xf32>,
      %swap3A_1193 = vector.shape_cast %swap3A_1192 : vector<1x16xf32> to vector<16xf32>
      %swap3A_1194 = vector.shape_cast %get3A_1189 : vector<16xf32> to vector<1x16xf32>
      tpu.vector_store %arg8[%swap3A_1190, %swap3A_1191], %swap3A_1194 {strides = array<i32>} : memref<512x64xf32, #tpu.memory_space<vmem>>, vector<1x16xf32>,
      %add3A_1195 = arith.constant 16 : i32
      %add3A_1196 = arith.addi %squeeze3A_1183, %add3A_1195 : i32
      %get3A_1197 = arith.index_cast %add3A_1181 : i32 to index
      %get3A_1198 = arith.index_cast %add3A_1196 : i32 to index
      %get3A_1199 = tpu.vector_load %arg7[%get3A_1197, %get3A_1198] {strides = array<i32>} : memref<512x128xf32, #tpu.memory_space<vmem>>, vector<1x16xf32>,
      %get3A_1200 = vector.shape_cast %get3A_1199 : vector<1x16xf32> to vector<16xf32>
      %swap3A_1201 = arith.index_cast %add3A_1181 : i32 to index
      %swap3A_1202 = arith.constant 16 : index
      %swap3A_1203 = tpu.vector_load %arg8[%swap3A_1201, %swap3A_1202] {strides = array<i32>} : memref<512x64xf32, #tpu.memory_space<vmem>>, vector<1x16xf32>,
      %swap3A_1204 = vector.shape_cast %swap3A_1203 : vector<1x16xf32> to vector<16xf32>
      %swap3A_1205 = vector.shape_cast %get3A_1200 : vector<16xf32> to vector<1x16xf32>
      tpu.vector_store %arg8[%swap3A_1201, %swap3A_1202], %swap3A_1205 {strides = array<i32>} : memref<512x64xf32, #tpu.memory_space<vmem>>, vector<1x16xf32>,
      %add3A_1206 = arith.constant 32 : i32
      %add3A_1207 = arith.addi %squeeze3A_1183, %add3A_1206 : i32
      %get3A_1208 = arith.index_cast %add3A_1181 : i32 to index
      %get3A_1209 = arith.index_cast %add3A_1207 : i32 to index
      %get3A_1210 = tpu.vector_load %arg7[%get3A_1208, %get3A_1209] {strides = array<i32>} : memref<512x128xf32, #tpu.memory_space<vmem>>, vector<1x16xf32>,
      %get3A_1211 = vector.shape_cast %get3A_1210 : vector<1x16xf32> to vector<16xf32>
      %swap3A_1212 = arith.index_cast %add3A_1181 : i32 to index
      %swap3A_1213 = arith.constant 32 : index
      %swap3A_1214 = tpu.vector_load %arg8[%swap3A_1212, %swap3A_1213] {strides = array<i32>} : memref<512x64xf32, #tpu.memory_space<vmem>>, vector<1x16xf32>,
      %swap3A_1215 = vector.shape_cast %swap3A_1214 : vector<1x16xf32> to vector<16xf32>
      %swap3A_1216 = vector.shape_cast %get3A_1211 : vector<16xf32> to vector<1x16xf32>
      tpu.vector_store %arg8[%swap3A_1212, %swap3A_1213], %swap3A_1216 {strides = array<i32>} : memref<512x64xf32, #tpu.memory_space<vmem>>, vector<1x16xf32>,
      %add3A_1217 = arith.constant 48 : i32
      %add3A_1218 = arith.addi %squeeze3A_1183, %add3A_1217 : i32
      %get3A_1219 = arith.index_cast %add3A_1181 : i32 to index
      %get3A_1220 = arith.index_cast %add3A_1218 : i32 to index
      %get3A_1221 = tpu.vector_load %arg7[%get3A_1219, %get3A_1220] {strides = array<i32>} : memref<512x128xf32, #tpu.memory_space<vmem>>, vector<1x16xf32>,
      %get3A_1222 = vector.shape_cast %get3A_1221 : vector<1x16xf32> to vector<16xf32>
      %swap3A_1223 = arith.index_cast %add3A_1181 : i32 to index
      %swap3A_1224 = arith.constant 48 : index
      %swap3A_1225 = tpu.vector_load %arg8[%swap3A_1223, %swap3A_1224] {strides = array<i32>} : memref<512x64xf32, #tpu.memory_space<vmem>>, vector<1x16xf32>,
      %swap3A_1226 = vector.shape_cast %swap3A_1225 : vector<1x16xf32> to vector<16xf32>
      %swap3A_1227 = vector.shape_cast %get3A_1222 : vector<16xf32> to vector<1x16xf32>
      tpu.vector_store %arg8[%swap3A_1223, %swap3A_1224], %swap3A_1227 {strides = array<i32>} : memref<512x64xf32, #tpu.memory_space<vmem>>, vector<1x16xf32>,
      %mul3A_1228 = arith.constant 16 : i32
      %mul3A_1229 = arith.muli %add3A_715, %mul3A_1228 : i32
      %add3A_1230 = arith.constant 10 : i32
      %add3A_1231 = arith.addi %mul3A_1229, %add3A_1230 : i32
      %slice3A_1232 = vector.extract_strided_slice %mul3A_729 {offsets = [10], sizes = [1], strides = [1]} : vector<16xi32> to vector<1xi32>
      %squeeze3A_1233 = vector.extract %slice3A_1232[0] : i32 from vector<1xi32>
      %add3A_1234 = arith.constant 0 : i32
      %add3A_1235 = arith.addi %squeeze3A_1233, %add3A_1234 : i32
      %get3A_1236 = arith.index_cast %add3A_1231 : i32 to index
      %get3A_1237 = arith.index_cast %add3A_1235 : i32 to index
      %get3A_1238 = tpu.vector_load %arg7[%get3A_1236, %get3A_1237] {strides = array<i32>} : memref<512x128xf32, #tpu.memory_space<vmem>>, vector<1x16xf32>,
      %get3A_1239 = vector.shape_cast %get3A_1238 : vector<1x16xf32> to vector<16xf32>
      %swap3A_1240 = arith.index_cast %add3A_1231 : i32 to index
      %swap3A_1241 = arith.constant 0 : index
      %swap3A_1242 = tpu.vector_load %arg8[%swap3A_1240, %swap3A_1241] {strides = array<i32>} : memref<512x64xf32, #tpu.memory_space<vmem>>, vector<1x16xf32>,
      %swap3A_1243 = vector.shape_cast %swap3A_1242 : vector<1x16xf32> to vector<16xf32>
      %swap3A_1244 = vector.shape_cast %get3A_1239 : vector<16xf32> to vector<1x16xf32>
      tpu.vector_store %arg8[%swap3A_1240, %swap3A_1241], %swap3A_1244 {strides = array<i32>} : memref<512x64xf32, #tpu.memory_space<vmem>>, vector<1x16xf32>,
      %add3A_1245 = arith.constant 16 : i32
      %add3A_1246 = arith.addi %squeeze3A_1233, %add3A_1245 : i32
      %get3A_1247 = arith.index_cast %add3A_1231 : i32 to index
      %get3A_1248 = arith.index_cast %add3A_1246 : i32 to index
      %get3A_1249 = tpu.vector_load %arg7[%get3A_1247, %get3A_1248] {strides = array<i32>} : memref<512x128xf32, #tpu.memory_space<vmem>>, vector<1x16xf32>,
      %get3A_1250 = vector.shape_cast %get3A_1249 : vector<1x16xf32> to vector<16xf32>
      %swap3A_1251 = arith.index_cast %add3A_1231 : i32 to index
      %swap3A_1252 = arith.constant 16 : index
      %swap3A_1253 = tpu.vector_load %arg8[%swap3A_1251, %swap3A_1252] {strides = array<i32>} : memref<512x64xf32, #tpu.memory_space<vmem>>, vector<1x16xf32>,
      %swap3A_1254 = vector.shape_cast %swap3A_1253 : vector<1x16xf32> to vector<16xf32>
      %swap3A_1255 = vector.shape_cast %get3A_1250 : vector<16xf32> to vector<1x16xf32>
      tpu.vector_store %arg8[%swap3A_1251, %swap3A_1252], %swap3A_1255 {strides = array<i32>} : memref<512x64xf32, #tpu.memory_space<vmem>>, vector<1x16xf32>,
      %add3A_1256 = arith.constant 32 : i32
      %add3A_1257 = arith.addi %squeeze3A_1233, %add3A_1256 : i32
      %get3A_1258 = arith.index_cast %add3A_1231 : i32 to index
      %get3A_1259 = arith.index_cast %add3A_1257 : i32 to index
      %get3A_1260 = tpu.vector_load %arg7[%get3A_1258, %get3A_1259] {strides = array<i32>} : memref<512x128xf32, #tpu.memory_space<vmem>>, vector<1x16xf32>,
      %get3A_1261 = vector.shape_cast %get3A_1260 : vector<1x16xf32> to vector<16xf32>
      %swap3A_1262 = arith.index_cast %add3A_1231 : i32 to index
      %swap3A_1263 = arith.constant 32 : index
      %swap3A_1264 = tpu.vector_load %arg8[%swap3A_1262, %swap3A_1263] {strides = array<i32>} : memref<512x64xf32, #tpu.memory_space<vmem>>, vector<1x16xf32>,
      %swap3A_1265 = vector.shape_cast %swap3A_1264 : vector<1x16xf32> to vector<16xf32>
      %swap3A_1266 = vector.shape_cast %get3A_1261 : vector<16xf32> to vector<1x16xf32>
      tpu.vector_store %arg8[%swap3A_1262, %swap3A_1263], %swap3A_1266 {strides = array<i32>} : memref<512x64xf32, #tpu.memory_space<vmem>>, vector<1x16xf32>,
      %add3A_1267 = arith.constant 48 : i32
      %add3A_1268 = arith.addi %squeeze3A_1233, %add3A_1267 : i32
      %get3A_1269 = arith.index_cast %add3A_1231 : i32 to index
      %get3A_1270 = arith.index_cast %add3A_1268 : i32 to index
      %get3A_1271 = tpu.vector_load %arg7[%get3A_1269, %get3A_1270] {strides = array<i32>} : memref<512x128xf32, #tpu.memory_space<vmem>>, vector<1x16xf32>,
      %get3A_1272 = vector.shape_cast %get3A_1271 : vector<1x16xf32> to vector<16xf32>
      %swap3A_1273 = arith.index_cast %add3A_1231 : i32 to index
      %swap3A_1274 = arith.constant 48 : index
      %swap3A_1275 = tpu.vector_load %arg8[%swap3A_1273, %swap3A_1274] {strides = array<i32>} : memref<512x64xf32, #tpu.memory_space<vmem>>, vector<1x16xf32>,
      %swap3A_1276 = vector.shape_cast %swap3A_1275 : vector<1x16xf32> to vector<16xf32>
      %swap3A_1277 = vector.shape_cast %get3A_1272 : vector<16xf32> to vector<1x16xf32>
      tpu.vector_store %arg8[%swap3A_1273, %swap3A_1274], %swap3A_1277 {strides = array<i32>} : memref<512x64xf32, #tpu.memory_space<vmem>>, vector<1x16xf32>,
      %mul3A_1278 = arith.constant 16 : i32
      %mul3A_1279 = arith.muli %add3A_715, %mul3A_1278 : i32
      %add3A_1280 = arith.constant 11 : i32
      %add3A_1281 = arith.addi %mul3A_1279, %add3A_1280 : i32
      %slice3A_1282 = vector.extract_strided_slice %mul3A_729 {offsets = [11], sizes = [1], strides = [1]} : vector<16xi32> to vector<1xi32>
      %squeeze3A_1283 = vector.extract %slice3A_1282[0] : i32 from vector<1xi32>
      %add3A_1284 = arith.constant 0 : i32
      %add3A_1285 = arith.addi %squeeze3A_1283, %add3A_1284 : i32
      %get3A_1286 = arith.index_cast %add3A_1281 : i32 to index
      %get3A_1287 = arith.index_cast %add3A_1285 : i32 to index
      %get3A_1288 = tpu.vector_load %arg7[%get3A_1286, %get3A_1287] {strides = array<i32>} : memref<512x128xf32, #tpu.memory_space<vmem>>, vector<1x16xf32>,
      %get3A_1289 = vector.shape_cast %get3A_1288 : vector<1x16xf32> to vector<16xf32>
      %swap3A_1290 = arith.index_cast %add3A_1281 : i32 to index
      %swap3A_1291 = arith.constant 0 : index
      %swap3A_1292 = tpu.vector_load %arg8[%swap3A_1290, %swap3A_1291] {strides = array<i32>} : memref<512x64xf32, #tpu.memory_space<vmem>>, vector<1x16xf32>,
      %swap3A_1293 = vector.shape_cast %swap3A_1292 : vector<1x16xf32> to vector<16xf32>
      %swap3A_1294 = vector.shape_cast %get3A_1289 : vector<16xf32> to vector<1x16xf32>
      tpu.vector_store %arg8[%swap3A_1290, %swap3A_1291], %swap3A_1294 {strides = array<i32>} : memref<512x64xf32, #tpu.memory_space<vmem>>, vector<1x16xf32>,
      %add3A_1295 = arith.constant 16 : i32
      %add3A_1296 = arith.addi %squeeze3A_1283, %add3A_1295 : i32
      %get3A_1297 = arith.index_cast %add3A_1281 : i32 to index
      %get3A_1298 = arith.index_cast %add3A_1296 : i32 to index
      %get3A_1299 = tpu.vector_load %arg7[%get3A_1297, %get3A_1298] {strides = array<i32>} : memref<512x128xf32, #tpu.memory_space<vmem>>, vector<1x16xf32>,
      %get3A_1300 = vector.shape_cast %get3A_1299 : vector<1x16xf32> to vector<16xf32>
      %swap3A_1301 = arith.index_cast %add3A_1281 : i32 to index
      %swap3A_1302 = arith.constant 16 : index
      %swap3A_1303 = tpu.vector_load %arg8[%swap3A_1301, %swap3A_1302] {strides = array<i32>} : memref<512x64xf32, #tpu.memory_space<vmem>>, vector<1x16xf32>,
      %swap3A_1304 = vector.shape_cast %swap3A_1303 : vector<1x16xf32> to vector<16xf32>
      %swap3A_1305 = vector.shape_cast %get3A_1300 : vector<16xf32> to vector<1x16xf32>
      tpu.vector_store %arg8[%swap3A_1301, %swap3A_1302], %swap3A_1305 {strides = array<i32>} : memref<512x64xf32, #tpu.memory_space<vmem>>, vector<1x16xf32>,
      %add3A_1306 = arith.constant 32 : i32
      %add3A_1307 = arith.addi %squeeze3A_1283, %add3A_1306 : i32
      %get3A_1308 = arith.index_cast %add3A_1281 : i32 to index
      %get3A_1309 = arith.index_cast %add3A_1307 : i32 to index
      %get3A_1310 = tpu.vector_load %arg7[%get3A_1308, %get3A_1309] {strides = array<i32>} : memref<512x128xf32, #tpu.memory_space<vmem>>, vector<1x16xf32>,
      %get3A_1311 = vector.shape_cast %get3A_1310 : vector<1x16xf32> to vector<16xf32>
      %swap3A_1312 = arith.index_cast %add3A_1281 : i32 to index
      %swap3A_1313 = arith.constant 32 : index
      %swap3A_1314 = tpu.vector_load %arg8[%swap3A_1312, %swap3A_1313] {strides = array<i32>} : memref<512x64xf32, #tpu.memory_space<vmem>>, vector<1x16xf32>,
      %swap3A_1315 = vector.shape_cast %swap3A_1314 : vector<1x16xf32> to vector<16xf32>
      %swap3A_1316 = vector.shape_cast %get3A_1311 : vector<16xf32> to vector<1x16xf32>
      tpu.vector_store %arg8[%swap3A_1312, %swap3A_1313], %swap3A_1316 {strides = array<i32>} : memref<512x64xf32, #tpu.memory_space<vmem>>, vector<1x16xf32>,
      %add3A_1317 = arith.constant 48 : i32
      %add3A_1318 = arith.addi %squeeze3A_1283, %add3A_1317 : i32
      %get3A_1319 = arith.index_cast %add3A_1281 : i32 to index
      %get3A_1320 = arith.index_cast %add3A_1318 : i32 to index
      %get3A_1321 = tpu.vector_load %arg7[%get3A_1319, %get3A_1320] {strides = array<i32>} : memref<512x128xf32, #tpu.memory_space<vmem>>, vector<1x16xf32>,
      %get3A_1322 = vector.shape_cast %get3A_1321 : vector<1x16xf32> to vector<16xf32>
      %swap3A_1323 = arith.index_cast %add3A_1281 : i32 to index
      %swap3A_1324 = arith.constant 48 : index
      %swap3A_1325 = tpu.vector_load %arg8[%swap3A_1323, %swap3A_1324] {strides = array<i32>} : memref<512x64xf32, #tpu.memory_space<vmem>>, vector<1x16xf32>,
      %swap3A_1326 = vector.shape_cast %swap3A_1325 : vector<1x16xf32> to vector<16xf32>
      %swap3A_1327 = vector.shape_cast %get3A_1322 : vector<16xf32> to vector<1x16xf32>
      tpu.vector_store %arg8[%swap3A_1323, %swap3A_1324], %swap3A_1327 {strides = array<i32>} : memref<512x64xf32, #tpu.memory_space<vmem>>, vector<1x16xf32>,
      %mul3A_1328 = arith.constant 16 : i32
      %mul3A_1329 = arith.muli %add3A_715, %mul3A_1328 : i32
      %add3A_1330 = arith.constant 12 : i32
      %add3A_1331 = arith.addi %mul3A_1329, %add3A_1330 : i32
      %slice3A_1332 = vector.extract_strided_slice %mul3A_729 {offsets = [12], sizes = [1], strides = [1]} : vector<16xi32> to vector<1xi32>
      %squeeze3A_1333 = vector.extract %slice3A_1332[0] : i32 from vector<1xi32>
      %add3A_1334 = arith.constant 0 : i32
      %add3A_1335 = arith.addi %squeeze3A_1333, %add3A_1334 : i32
      %get3A_1336 = arith.index_cast %add3A_1331 : i32 to index
      %get3A_1337 = arith.index_cast %add3A_1335 : i32 to index
      %get3A_1338 = tpu.vector_load %arg7[%get3A_1336, %get3A_1337] {strides = array<i32>} : memref<512x128xf32, #tpu.memory_space<vmem>>, vector<1x16xf32>,
      %get3A_1339 = vector.shape_cast %get3A_1338 : vector<1x16xf32> to vector<16xf32>
      %swap3A_1340 = arith.index_cast %add3A_1331 : i32 to index
      %swap3A_1341 = arith.constant 0 : index
      %swap3A_1342 = tpu.vector_load %arg8[%swap3A_1340, %swap3A_1341] {strides = array<i32>} : memref<512x64xf32, #tpu.memory_space<vmem>>, vector<1x16xf32>,
      %swap3A_1343 = vector.shape_cast %swap3A_1342 : vector<1x16xf32> to vector<16xf32>
      %swap3A_1344 = vector.shape_cast %get3A_1339 : vector<16xf32> to vector<1x16xf32>
      tpu.vector_store %arg8[%swap3A_1340, %swap3A_1341], %swap3A_1344 {strides = array<i32>} : memref<512x64xf32, #tpu.memory_space<vmem>>, vector<1x16xf32>,
      %add3A_1345 = arith.constant 16 : i32
      %add3A_1346 = arith.addi %squeeze3A_1333, %add3A_1345 : i32
      %get3A_1347 = arith.index_cast %add3A_1331 : i32 to index
      %get3A_1348 = arith.index_cast %add3A_1346 : i32 to index
      %get3A_1349 = tpu.vector_load %arg7[%get3A_1347, %get3A_1348] {strides = array<i32>} : memref<512x128xf32, #tpu.memory_space<vmem>>, vector<1x16xf32>,
      %get3A_1350 = vector.shape_cast %get3A_1349 : vector<1x16xf32> to vector<16xf32>
      %swap3A_1351 = arith.index_cast %add3A_1331 : i32 to index
      %swap3A_1352 = arith.constant 16 : index
      %swap3A_1353 = tpu.vector_load %arg8[%swap3A_1351, %swap3A_1352] {strides = array<i32>} : memref<512x64xf32, #tpu.memory_space<vmem>>, vector<1x16xf32>,
      %swap3A_1354 = vector.shape_cast %swap3A_1353 : vector<1x16xf32> to vector<16xf32>
      %swap3A_1355 = vector.shape_cast %get3A_1350 : vector<16xf32> to vector<1x16xf32>
      tpu.vector_store %arg8[%swap3A_1351, %swap3A_1352], %swap3A_1355 {strides = array<i32>} : memref<512x64xf32, #tpu.memory_space<vmem>>, vector<1x16xf32>,
      %add3A_1356 = arith.constant 32 : i32
      %add3A_1357 = arith.addi %squeeze3A_1333, %add3A_1356 : i32
      %get3A_1358 = arith.index_cast %add3A_1331 : i32 to index
      %get3A_1359 = arith.index_cast %add3A_1357 : i32 to index
      %get3A_1360 = tpu.vector_load %arg7[%get3A_1358, %get3A_1359] {strides = array<i32>} : memref<512x128xf32, #tpu.memory_space<vmem>>, vector<1x16xf32>,
      %get3A_1361 = vector.shape_cast %get3A_1360 : vector<1x16xf32> to vector<16xf32>
      %swap3A_1362 = arith.index_cast %add3A_1331 : i32 to index
      %swap3A_1363 = arith.constant 32 : index
      %swap3A_1364 = tpu.vector_load %arg8[%swap3A_1362, %swap3A_1363] {strides = array<i32>} : memref<512x64xf32, #tpu.memory_space<vmem>>, vector<1x16xf32>,
      %swap3A_1365 = vector.shape_cast %swap3A_1364 : vector<1x16xf32> to vector<16xf32>
      %swap3A_1366 = vector.shape_cast %get3A_1361 : vector<16xf32> to vector<1x16xf32>
      tpu.vector_store %arg8[%swap3A_1362, %swap3A_1363], %swap3A_1366 {strides = array<i32>} : memref<512x64xf32, #tpu.memory_space<vmem>>, vector<1x16xf32>,
      %add3A_1367 = arith.constant 48 : i32
      %add3A_1368 = arith.addi %squeeze3A_1333, %add3A_1367 : i32
      %get3A_1369 = arith.index_cast %add3A_1331 : i32 to index
      %get3A_1370 = arith.index_cast %add3A_1368 : i32 to index
      %get3A_1371 = tpu.vector_load %arg7[%get3A_1369, %get3A_1370] {strides = array<i32>} : memref<512x128xf32, #tpu.memory_space<vmem>>, vector<1x16xf32>,
      %get3A_1372 = vector.shape_cast %get3A_1371 : vector<1x16xf32> to vector<16xf32>
      %swap3A_1373 = arith.index_cast %add3A_1331 : i32 to index
      %swap3A_1374 = arith.constant 48 : index
      %swap3A_1375 = tpu.vector_load %arg8[%swap3A_1373, %swap3A_1374] {strides = array<i32>} : memref<512x64xf32, #tpu.memory_space<vmem>>, vector<1x16xf32>,
      %swap3A_1376 = vector.shape_cast %swap3A_1375 : vector<1x16xf32> to vector<16xf32>
      %swap3A_1377 = vector.shape_cast %get3A_1372 : vector<16xf32> to vector<1x16xf32>
      tpu.vector_store %arg8[%swap3A_1373, %swap3A_1374], %swap3A_1377 {strides = array<i32>} : memref<512x64xf32, #tpu.memory_space<vmem>>, vector<1x16xf32>,
      %mul3A_1378 = arith.constant 16 : i32
      %mul3A_1379 = arith.muli %add3A_715, %mul3A_1378 : i32
      %add3A_1380 = arith.constant 13 : i32
      %add3A_1381 = arith.addi %mul3A_1379, %add3A_1380 : i32
      %slice3A_1382 = vector.extract_strided_slice %mul3A_729 {offsets = [13], sizes = [1], strides = [1]} : vector<16xi32> to vector<1xi32>
      %squeeze3A_1383 = vector.extract %slice3A_1382[0] : i32 from vector<1xi32>
      %add3A_1384 = arith.constant 0 : i32
      %add3A_1385 = arith.addi %squeeze3A_1383, %add3A_1384 : i32
      %get3A_1386 = arith.index_cast %add3A_1381 : i32 to index
      %get3A_1387 = arith.index_cast %add3A_1385 : i32 to index
      %get3A_1388 = tpu.vector_load %arg7[%get3A_1386, %get3A_1387] {strides = array<i32>} : memref<512x128xf32, #tpu.memory_space<vmem>>, vector<1x16xf32>,
      %get3A_1389 = vector.shape_cast %get3A_1388 : vector<1x16xf32> to vector<16xf32>
      %swap3A_1390 = arith.index_cast %add3A_1381 : i32 to index
      %swap3A_1391 = arith.constant 0 : index
      %swap3A_1392 = tpu.vector_load %arg8[%swap3A_1390, %swap3A_1391] {strides = array<i32>} : memref<512x64xf32, #tpu.memory_space<vmem>>, vector<1x16xf32>,
      %swap3A_1393 = vector.shape_cast %swap3A_1392 : vector<1x16xf32> to vector<16xf32>
      %swap3A_1394 = vector.shape_cast %get3A_1389 : vector<16xf32> to vector<1x16xf32>
      tpu.vector_store %arg8[%swap3A_1390, %swap3A_1391], %swap3A_1394 {strides = array<i32>} : memref<512x64xf32, #tpu.memory_space<vmem>>, vector<1x16xf32>,
      %add3A_1395 = arith.constant 16 : i32
      %add3A_1396 = arith.addi %squeeze3A_1383, %add3A_1395 : i32
      %get3A_1397 = arith.index_cast %add3A_1381 : i32 to index
      %get3A_1398 = arith.index_cast %add3A_1396 : i32 to index
      %get3A_1399 = tpu.vector_load %arg7[%get3A_1397, %get3A_1398] {strides = array<i32>} : memref<512x128xf32, #tpu.memory_space<vmem>>, vector<1x16xf32>,
      %get3A_1400 = vector.shape_cast %get3A_1399 : vector<1x16xf32> to vector<16xf32>
      %swap3A_1401 = arith.index_cast %add3A_1381 : i32 to index
      %swap3A_1402 = arith.constant 16 : index
      %swap3A_1403 = tpu.vector_load %arg8[%swap3A_1401, %swap3A_1402] {strides = array<i32>} : memref<512x64xf32, #tpu.memory_space<vmem>>, vector<1x16xf32>,
      %swap3A_1404 = vector.shape_cast %swap3A_1403 : vector<1x16xf32> to vector<16xf32>
      %swap3A_1405 = vector.shape_cast %get3A_1400 : vector<16xf32> to vector<1x16xf32>
      tpu.vector_store %arg8[%swap3A_1401, %swap3A_1402], %swap3A_1405 {strides = array<i32>} : memref<512x64xf32, #tpu.memory_space<vmem>>, vector<1x16xf32>,
      %add3A_1406 = arith.constant 32 : i32
      %add3A_1407 = arith.addi %squeeze3A_1383, %add3A_1406 : i32
      %get3A_1408 = arith.index_cast %add3A_1381 : i32 to index
      %get3A_1409 = arith.index_cast %add3A_1407 : i32 to index
      %get3A_1410 = tpu.vector_load %arg7[%get3A_1408, %get3A_1409] {strides = array<i32>} : memref<512x128xf32, #tpu.memory_space<vmem>>, vector<1x16xf32>,
      %get3A_1411 = vector.shape_cast %get3A_1410 : vector<1x16xf32> to vector<16xf32>
      %swap3A_1412 = arith.index_cast %add3A_1381 : i32 to index
      %swap3A_1413 = arith.constant 32 : index
      %swap3A_1414 = tpu.vector_load %arg8[%swap3A_1412, %swap3A_1413] {strides = array<i32>} : memref<512x64xf32, #tpu.memory_space<vmem>>, vector<1x16xf32>,
      %swap3A_1415 = vector.shape_cast %swap3A_1414 : vector<1x16xf32> to vector<16xf32>
      %swap3A_1416 = vector.shape_cast %get3A_1411 : vector<16xf32> to vector<1x16xf32>
      tpu.vector_store %arg8[%swap3A_1412, %swap3A_1413], %swap3A_1416 {strides = array<i32>} : memref<512x64xf32, #tpu.memory_space<vmem>>, vector<1x16xf32>,
      %add3A_1417 = arith.constant 48 : i32
      %add3A_1418 = arith.addi %squeeze3A_1383, %add3A_1417 : i32
      %get3A_1419 = arith.index_cast %add3A_1381 : i32 to index
      %get3A_1420 = arith.index_cast %add3A_1418 : i32 to index
      %get3A_1421 = tpu.vector_load %arg7[%get3A_1419, %get3A_1420] {strides = array<i32>} : memref<512x128xf32, #tpu.memory_space<vmem>>, vector<1x16xf32>,
      %get3A_1422 = vector.shape_cast %get3A_1421 : vector<1x16xf32> to vector<16xf32>
      %swap3A_1423 = arith.index_cast %add3A_1381 : i32 to index
      %swap3A_1424 = arith.constant 48 : index
      %swap3A_1425 = tpu.vector_load %arg8[%swap3A_1423, %swap3A_1424] {strides = array<i32>} : memref<512x64xf32, #tpu.memory_space<vmem>>, vector<1x16xf32>,
      %swap3A_1426 = vector.shape_cast %swap3A_1425 : vector<1x16xf32> to vector<16xf32>
      %swap3A_1427 = vector.shape_cast %get3A_1422 : vector<16xf32> to vector<1x16xf32>
      tpu.vector_store %arg8[%swap3A_1423, %swap3A_1424], %swap3A_1427 {strides = array<i32>} : memref<512x64xf32, #tpu.memory_space<vmem>>, vector<1x16xf32>,
      %mul3A_1428 = arith.constant 16 : i32
      %mul3A_1429 = arith.muli %add3A_715, %mul3A_1428 : i32
      %add3A_1430 = arith.constant 14 : i32
      %add3A_1431 = arith.addi %mul3A_1429, %add3A_1430 : i32
      %slice3A_1432 = vector.extract_strided_slice %mul3A_729 {offsets = [14], sizes = [1], strides = [1]} : vector<16xi32> to vector<1xi32>
      %squeeze3A_1433 = vector.extract %slice3A_1432[0] : i32 from vector<1xi32>
      %add3A_1434 = arith.constant 0 : i32
      %add3A_1435 = arith.addi %squeeze3A_1433, %add3A_1434 : i32
      %get3A_1436 = arith.index_cast %add3A_1431 : i32 to index
      %get3A_1437 = arith.index_cast %add3A_1435 : i32 to index
      %get3A_1438 = tpu.vector_load %arg7[%get3A_1436, %get3A_1437] {strides = array<i32>} : memref<512x128xf32, #tpu.memory_space<vmem>>, vector<1x16xf32>,
      %get3A_1439 = vector.shape_cast %get3A_1438 : vector<1x16xf32> to vector<16xf32>
      %swap3A_1440 = arith.index_cast %add3A_1431 : i32 to index
      %swap3A_1441 = arith.constant 0 : index
      %swap3A_1442 = tpu.vector_load %arg8[%swap3A_1440, %swap3A_1441] {strides = array<i32>} : memref<512x64xf32, #tpu.memory_space<vmem>>, vector<1x16xf32>,
      %swap3A_1443 = vector.shape_cast %swap3A_1442 : vector<1x16xf32> to vector<16xf32>
      %swap3A_1444 = vector.shape_cast %get3A_1439 : vector<16xf32> to vector<1x16xf32>
      tpu.vector_store %arg8[%swap3A_1440, %swap3A_1441], %swap3A_1444 {strides = array<i32>} : memref<512x64xf32, #tpu.memory_space<vmem>>, vector<1x16xf32>,
      %add3A_1445 = arith.constant 16 : i32
      %add3A_1446 = arith.addi %squeeze3A_1433, %add3A_1445 : i32
      %get3A_1447 = arith.index_cast %add3A_1431 : i32 to index
      %get3A_1448 = arith.index_cast %add3A_1446 : i32 to index
      %get3A_1449 = tpu.vector_load %arg7[%get3A_1447, %get3A_1448] {strides = array<i32>} : memref<512x128xf32, #tpu.memory_space<vmem>>, vector<1x16xf32>,
      %get3A_1450 = vector.shape_cast %get3A_1449 : vector<1x16xf32> to vector<16xf32>
      %swap3A_1451 = arith.index_cast %add3A_1431 : i32 to index
      %swap3A_1452 = arith.constant 16 : index
      %swap3A_1453 = tpu.vector_load %arg8[%swap3A_1451, %swap3A_1452] {strides = array<i32>} : memref<512x64xf32, #tpu.memory_space<vmem>>, vector<1x16xf32>,
      %swap3A_1454 = vector.shape_cast %swap3A_1453 : vector<1x16xf32> to vector<16xf32>
      %swap3A_1455 = vector.shape_cast %get3A_1450 : vector<16xf32> to vector<1x16xf32>
      tpu.vector_store %arg8[%swap3A_1451, %swap3A_1452], %swap3A_1455 {strides = array<i32>} : memref<512x64xf32, #tpu.memory_space<vmem>>, vector<1x16xf32>,
      %add3A_1456 = arith.constant 32 : i32
      %add3A_1457 = arith.addi %squeeze3A_1433, %add3A_1456 : i32
      %get3A_1458 = arith.index_cast %add3A_1431 : i32 to index
      %get3A_1459 = arith.index_cast %add3A_1457 : i32 to index
      %get3A_1460 = tpu.vector_load %arg7[%get3A_1458, %get3A_1459] {strides = array<i32>} : memref<512x128xf32, #tpu.memory_space<vmem>>, vector<1x16xf32>,
      %get3A_1461 = vector.shape_cast %get3A_1460 : vector<1x16xf32> to vector<16xf32>
      %swap3A_1462 = arith.index_cast %add3A_1431 : i32 to index
      %swap3A_1463 = arith.constant 32 : index
      %swap3A_1464 = tpu.vector_load %arg8[%swap3A_1462, %swap3A_1463] {strides = array<i32>} : memref<512x64xf32, #tpu.memory_space<vmem>>, vector<1x16xf32>,
      %swap3A_1465 = vector.shape_cast %swap3A_1464 : vector<1x16xf32> to vector<16xf32>
      %swap3A_1466 = vector.shape_cast %get3A_1461 : vector<16xf32> to vector<1x16xf32>
      tpu.vector_store %arg8[%swap3A_1462, %swap3A_1463], %swap3A_1466 {strides = array<i32>} : memref<512x64xf32, #tpu.memory_space<vmem>>, vector<1x16xf32>,
      %add3A_1467 = arith.constant 48 : i32
      %add3A_1468 = arith.addi %squeeze3A_1433, %add3A_1467 : i32
      %get3A_1469 = arith.index_cast %add3A_1431 : i32 to index
      %get3A_1470 = arith.index_cast %add3A_1468 : i32 to index
      %get3A_1471 = tpu.vector_load %arg7[%get3A_1469, %get3A_1470] {strides = array<i32>} : memref<512x128xf32, #tpu.memory_space<vmem>>, vector<1x16xf32>,
      %get3A_1472 = vector.shape_cast %get3A_1471 : vector<1x16xf32> to vector<16xf32>
      %swap3A_1473 = arith.index_cast %add3A_1431 : i32 to index
      %swap3A_1474 = arith.constant 48 : index
      %swap3A_1475 = tpu.vector_load %arg8[%swap3A_1473, %swap3A_1474] {strides = array<i32>} : memref<512x64xf32, #tpu.memory_space<vmem>>, vector<1x16xf32>,
      %swap3A_1476 = vector.shape_cast %swap3A_1475 : vector<1x16xf32> to vector<16xf32>
      %swap3A_1477 = vector.shape_cast %get3A_1472 : vector<16xf32> to vector<1x16xf32>
      tpu.vector_store %arg8[%swap3A_1473, %swap3A_1474], %swap3A_1477 {strides = array<i32>} : memref<512x64xf32, #tpu.memory_space<vmem>>, vector<1x16xf32>,
      %mul3A_1478 = arith.constant 16 : i32
      %mul3A_1479 = arith.muli %add3A_715, %mul3A_1478 : i32
      %add3A_1480 = arith.constant 15 : i32
      %add3A_1481 = arith.addi %mul3A_1479, %add3A_1480 : i32
      %slice3A_1482 = vector.extract_strided_slice %mul3A_729 {offsets = [15], sizes = [1], strides = [1]} : vector<16xi32> to vector<1xi32>
      %squeeze3A_1483 = vector.extract %slice3A_1482[0] : i32 from vector<1xi32>
      %add3A_1484 = arith.constant 0 : i32
      %add3A_1485 = arith.addi %squeeze3A_1483, %add3A_1484 : i32
      %get3A_1486 = arith.index_cast %add3A_1481 : i32 to index
      %get3A_1487 = arith.index_cast %add3A_1485 : i32 to index
      %get3A_1488 = tpu.vector_load %arg7[%get3A_1486, %get3A_1487] {strides = array<i32>} : memref<512x128xf32, #tpu.memory_space<vmem>>, vector<1x16xf32>,
      %get3A_1489 = vector.shape_cast %get3A_1488 : vector<1x16xf32> to vector<16xf32>
      %swap3A_1490 = arith.index_cast %add3A_1481 : i32 to index
      %swap3A_1491 = arith.constant 0 : index
      %swap3A_1492 = tpu.vector_load %arg8[%swap3A_1490, %swap3A_1491] {strides = array<i32>} : memref<512x64xf32, #tpu.memory_space<vmem>>, vector<1x16xf32>,
      %swap3A_1493 = vector.shape_cast %swap3A_1492 : vector<1x16xf32> to vector<16xf32>
      %swap3A_1494 = vector.shape_cast %get3A_1489 : vector<16xf32> to vector<1x16xf32>
      tpu.vector_store %arg8[%swap3A_1490, %swap3A_1491], %swap3A_1494 {strides = array<i32>} : memref<512x64xf32, #tpu.memory_space<vmem>>, vector<1x16xf32>,
      %add3A_1495 = arith.constant 16 : i32
      %add3A_1496 = arith.addi %squeeze3A_1483, %add3A_1495 : i32
      %get3A_1497 = arith.index_cast %add3A_1481 : i32 to index
      %get3A_1498 = arith.index_cast %add3A_1496 : i32 to index
      %get3A_1499 = tpu.vector_load %arg7[%get3A_1497, %get3A_1498] {strides = array<i32>} : memref<512x128xf32, #tpu.memory_space<vmem>>, vector<1x16xf32>,
      %get3A_1500 = vector.shape_cast %get3A_1499 : vector<1x16xf32> to vector<16xf32>
      %swap3A_1501 = arith.index_cast %add3A_1481 : i32 to index
      %swap3A_1502 = arith.constant 16 : index
      %swap3A_1503 = tpu.vector_load %arg8[%swap3A_1501, %swap3A_1502] {strides = array<i32>} : memref<512x64xf32, #tpu.memory_space<vmem>>, vector<1x16xf32>,
      %swap3A_1504 = vector.shape_cast %swap3A_1503 : vector<1x16xf32> to vector<16xf32>
      %swap3A_1505 = vector.shape_cast %get3A_1500 : vector<16xf32> to vector<1x16xf32>
      tpu.vector_store %arg8[%swap3A_1501, %swap3A_1502], %swap3A_1505 {strides = array<i32>} : memref<512x64xf32, #tpu.memory_space<vmem>>, vector<1x16xf32>,
      %add3A_1506 = arith.constant 32 : i32
      %add3A_1507 = arith.addi %squeeze3A_1483, %add3A_1506 : i32
      %get3A_1508 = arith.index_cast %add3A_1481 : i32 to index
      %get3A_1509 = arith.index_cast %add3A_1507 : i32 to index
      %get3A_1510 = tpu.vector_load %arg7[%get3A_1508, %get3A_1509] {strides = array<i32>} : memref<512x128xf32, #tpu.memory_space<vmem>>, vector<1x16xf32>,
      %get3A_1511 = vector.shape_cast %get3A_1510 : vector<1x16xf32> to vector<16xf32>
      %swap3A_1512 = arith.index_cast %add3A_1481 : i32 to index
      %swap3A_1513 = arith.constant 32 : index
      %swap3A_1514 = tpu.vector_load %arg8[%swap3A_1512, %swap3A_1513] {strides = array<i32>} : memref<512x64xf32, #tpu.memory_space<vmem>>, vector<1x16xf32>,
      %swap3A_1515 = vector.shape_cast %swap3A_1514 : vector<1x16xf32> to vector<16xf32>
      %swap3A_1516 = vector.shape_cast %get3A_1511 : vector<16xf32> to vector<1x16xf32>
      tpu.vector_store %arg8[%swap3A_1512, %swap3A_1513], %swap3A_1516 {strides = array<i32>} : memref<512x64xf32, #tpu.memory_space<vmem>>, vector<1x16xf32>,
      %add3A_1517 = arith.constant 48 : i32
      %add3A_1518 = arith.addi %squeeze3A_1483, %add3A_1517 : i32
      %get3A_1519 = arith.index_cast %add3A_1481 : i32 to index
      %get3A_1520 = arith.index_cast %add3A_1518 : i32 to index
      %get3A_1521 = tpu.vector_load %arg7[%get3A_1519, %get3A_1520] {strides = array<i32>} : memref<512x128xf32, #tpu.memory_space<vmem>>, vector<1x16xf32>,
      %get3A_1522 = vector.shape_cast %get3A_1521 : vector<1x16xf32> to vector<16xf32>
      %swap3A_1523 = arith.index_cast %add3A_1481 : i32 to index
      %swap3A_1524 = arith.constant 48 : index
      %swap3A_1525 = tpu.vector_load %arg8[%swap3A_1523, %swap3A_1524] {strides = array<i32>} : memref<512x64xf32, #tpu.memory_space<vmem>>, vector<1x16xf32>,
      %swap3A_1526 = vector.shape_cast %swap3A_1525 : vector<1x16xf32> to vector<16xf32>
      %swap3A_1527 = vector.shape_cast %get3A_1522 : vector<16xf32> to vector<1x16xf32>
      tpu.vector_store %arg8[%swap3A_1523, %swap3A_1524], %swap3A_1527 {strides = array<i32>} : memref<512x64xf32, #tpu.memory_space<vmem>>, vector<1x16xf32>,
    }
    %scan3A_600 = arith.constant 8 : i32
    %add3A_601 = arith.constant 128 : i32
    %add3A_602 = arith.addi %mul3A_2, %add3A_601 : i32
    %dma_start3A_603 = arith.constant 128 : i32
    %dma_start3A_604 = arith.constant 0 : i32
    %dma_start3A_605 = tpu.memref_slice %arg8[%dma_start3A_603, %dma_start3A_604] : memref<512x64xf32, #tpu.memory_space<vmem>> -> memref<128x64xf32, #tpu.memory_space<vmem>>
    %dma_start3A_606 = arith.constant 0 : i32
    %dma_start3A_607 = tpu.memref_slice %arg4[%add3A_602, %dma_start3A_606] : memref<16384x64xf32, #tpu.memory_space<hbm>> -> memref<128x64xf32, #tpu.memory_space<hbm>>
    %dma_start3A_608 = arith.constant 0 : i32
    %dma_start3A_609 = tpu.memref_slice %arg4[%add3A_602, %dma_start3A_608] : memref<16384x64xf32, #tpu.memory_space<hbm>> -> memref<128x64xf32, #tpu.memory_space<hbm>>
    %dma_start3A_610 = arith.constant 128 : i32
    %dma_start3A_611 = arith.constant 0 : i32
    %dma_start3A_612 = tpu.memref_slice %arg8[%dma_start3A_610, %dma_start3A_611] : memref<512x64xf32, #tpu.memory_space<vmem>> -> memref<128x64xf32, #tpu.memory_space<vmem>>
    tpu.enqueue_dma source(%dma_start3A_612 : memref<128x64xf32, #tpu.memory_space<vmem>>) target(%dma_start3A_609 : memref<128x64xf32, #tpu.memory_space<hbm>>) target_semaphore(%arg10 : memref<!tpu.dma_semaphore, #tpu.memory_space<semaphore_mem>>)
    %dma_start3A_613 = arith.constant 384 : i32
    %dma_start3A_614 = arith.constant 0 : i32
    %dma_start3A_615 = tpu.memref_slice %arg7[%dma_start3A_613, %dma_start3A_614] : memref<512x128xf32, #tpu.memory_space<vmem>> -> memref<128x128xf32, #tpu.memory_space<vmem>>
    %dma_start3A_616 = arith.constant 384 : i32
    %dma_start3A_617 = tpu.memref_slice %arg6[%dma_start3A_616] : memref<512xi32, #tpu.memory_space<vmem>> -> memref<128xi32, #tpu.memory_space<vmem>>
    %dma_start3A_618 = arith.constant 0 : i32
    %dma_start3A_619 = arith.constant 0 : i32
    %dma_start3A_620 = tpu.memref_slice %arg3[%dma_start3A_618, %dma_start3A_619] : memref<507904x128xf32, #tpu.memory_space<hbm>> -> memref<507904x128xf32, #tpu.memory_space<hbm>>
    tpu.enqueue_indirect_dma source(%dma_start3A_620 : memref<507904x128xf32, #tpu.memory_space<hbm>>) target(%dma_start3A_615 : memref<128x128xf32, #tpu.memory_space<vmem>>) offsets(%dma_start3A_617 : memref<128xi32, #tpu.memory_space<vmem>>) semaphore(%arg9 : memref<!tpu.dma_semaphore, #tpu.memory_space<semaphore_mem>>)
    %dma_wait3A_621 = arith.constant 256 : i32
    %dma_wait3A_622 = arith.constant 0 : i32
    %dma_wait3A_623 = tpu.memref_slice %arg7[%dma_wait3A_621, %dma_wait3A_622] : memref<512x128xf32, #tpu.memory_space<vmem>> -> memref<128x128xf32, #tpu.memory_space<vmem>>
    %dma_wait3A_624 = arith.constant 256 : i32
    %dma_wait3A_625 = tpu.memref_slice %arg6[%dma_wait3A_624] : memref<512xi32, #tpu.memory_space<vmem>> -> memref<128xi32, #tpu.memory_space<vmem>>
    %dma_wait3A_626 = arith.constant 0 : i32
    %dma_wait3A_627 = arith.constant 0 : i32
    %dma_wait3A_628 = tpu.memref_slice %arg3[%dma_wait3A_626, %dma_wait3A_627] : memref<507904x128xf32, #tpu.memory_space<hbm>> -> memref<507904x128xf32, #tpu.memory_space<hbm>>
    tpu.wait_indirect_dma semaphore(%arg9 : memref<!tpu.dma_semaphore, #tpu.memory_space<semaphore_mem>>) src(%dma_wait3A_628 : memref<507904x128xf32, #tpu.memory_space<hbm>>) dst(%dma_wait3A_623 : memref<128x128xf32, #tpu.memory_space<vmem>>)
    %scan3A_629 = arith.constant 0 : i32
    %scan3A_630 = arith.constant 8 : i32
    %scan3A_631 = arith.addi %scan3A_629, %scan3A_630 : i32
    %scan3A_632 = arith.constant 1 : i32
    scf.for %scan3A_711 = %scan3A_629 to %scan3A_631 step %scan3A_632  : i32 {
      %mul3A_712 = arith.constant 1 : i32
      %mul3A_713 = arith.muli %scan3A_711, %mul3A_712 : i32
      %add3A_714 = arith.constant 16 : i32
      %add3A_715 = arith.addi %add3A_714, %mul3A_713 : i32
      %mul3A_716 = arith.constant 16 : i32
      %mul3A_717 = arith.muli %add3A_715, %mul3A_716 : i32
      %get3A_718 = arith.index_cast %mul3A_717 : i32 to index
      %get3A_719 = tpu.vector_load %arg5[%get3A_718] {strides = array<i32>} : memref<512xi32, #tpu.memory_space<vmem>>, vector<16xi32>,
      %get3A_720 = vector.shape_cast %get3A_719 : vector<16xi32> to vector<16xi32>
      %shift_right_logical3A_721 = arith.constant 14 : i32
      %shift_right_logical3A_722 = vector.broadcast %shift_right_logical3A_721 : i32 to vector<16xi32>
      %shift_right_logical3A_723 = arith.shrui %get3A_720, %shift_right_logical3A_722 : vector<16xi32>
      %and3A_724 = arith.constant 1 : i32
      %and3A_725 = vector.broadcast %and3A_724 : i32 to vector<16xi32>
      %and3A_726 = arith.andi %shift_right_logical3A_723, %and3A_725 : vector<16xi32>
      %mul3A_727 = arith.constant 64 : i32
      %mul3A_728 = vector.broadcast %mul3A_727 : i32 to vector<16xi32>
      %mul3A_729 = arith.muli %and3A_726, %mul3A_728 : vector<16xi32>
      %mul3A_730 = arith.constant 16 : i32
      %mul3A_731 = arith.muli %add3A_715, %mul3A_730 : i32
      %add3A_732 = arith.constant 0 : i32
      %add3A_733 = arith.addi %mul3A_731, %add3A_732 : i32
      %slice3A = vector.extract_strided_slice %mul3A_729 {offsets = [0], sizes = [1], strides = [1]} : vector<16xi32> to vector<1xi32>
      %squeeze3A = vector.extract %slice3A[0] : i32 from vector<1xi32>
      %add3A_734 = arith.constant 0 : i32
      %add3A_735 = arith.addi %squeeze3A, %add3A_734 : i32
      %get3A_736 = arith.index_cast %add3A_733 : i32 to index
      %get3A_737 = arith.index_cast %add3A_735 : i32 to index
      %get3A_738 = tpu.vector_load %arg7[%get3A_736, %get3A_737] {strides = array<i32>} : memref<512x128xf32, #tpu.memory_space<vmem>>, vector<1x16xf32>,
      %get3A_739 = vector.shape_cast %get3A_738 : vector<1x16xf32> to vector<16xf32>
      %swap3A_740 = arith.index_cast %add3A_733 : i32 to index
      %swap3A_741 = arith.constant 0 : index
      %swap3A_742 = tpu.vector_load %arg8[%swap3A_740, %swap3A_741] {strides = array<i32>} : memref<512x64xf32, #tpu.memory_space<vmem>>, vector<1x16xf32>,
      %swap3A_743 = vector.shape_cast %swap3A_742 : vector<1x16xf32> to vector<16xf32>
      %swap3A_744 = vector.shape_cast %get3A_739 : vector<16xf32> to vector<1x16xf32>
      tpu.vector_store %arg8[%swap3A_740, %swap3A_741], %swap3A_744 {strides = array<i32>} : memref<512x64xf32, #tpu.memory_space<vmem>>, vector<1x16xf32>,
      %add3A_745 = arith.constant 16 : i32
      %add3A_746 = arith.addi %squeeze3A, %add3A_745 : i32
      %get3A_747 = arith.index_cast %add3A_733 : i32 to index
      %get3A_748 = arith.index_cast %add3A_746 : i32 to index
      %get3A_749 = tpu.vector_load %arg7[%get3A_747, %get3A_748] {strides = array<i32>} : memref<512x128xf32, #tpu.memory_space<vmem>>, vector<1x16xf32>,
      %get3A_750 = vector.shape_cast %get3A_749 : vector<1x16xf32> to vector<16xf32>
      %swap3A_751 = arith.index_cast %add3A_733 : i32 to index
      %swap3A_752 = arith.constant 16 : index
      %swap3A_753 = tpu.vector_load %arg8[%swap3A_751, %swap3A_752] {strides = array<i32>} : memref<512x64xf32, #tpu.memory_space<vmem>>, vector<1x16xf32>,
      %swap3A_754 = vector.shape_cast %swap3A_753 : vector<1x16xf32> to vector<16xf32>
      %swap3A_755 = vector.shape_cast %get3A_750 : vector<16xf32> to vector<1x16xf32>
      tpu.vector_store %arg8[%swap3A_751, %swap3A_752], %swap3A_755 {strides = array<i32>} : memref<512x64xf32, #tpu.memory_space<vmem>>, vector<1x16xf32>,
      %add3A_756 = arith.constant 32 : i32
      %add3A_757 = arith.addi %squeeze3A, %add3A_756 : i32
      %get3A_758 = arith.index_cast %add3A_733 : i32 to index
      %get3A_759 = arith.index_cast %add3A_757 : i32 to index
      %get3A_760 = tpu.vector_load %arg7[%get3A_758, %get3A_759] {strides = array<i32>} : memref<512x128xf32, #tpu.memory_space<vmem>>, vector<1x16xf32>,
      %get3A_761 = vector.shape_cast %get3A_760 : vector<1x16xf32> to vector<16xf32>
      %swap3A_762 = arith.index_cast %add3A_733 : i32 to index
      %swap3A_763 = arith.constant 32 : index
      %swap3A_764 = tpu.vector_load %arg8[%swap3A_762, %swap3A_763] {strides = array<i32>} : memref<512x64xf32, #tpu.memory_space<vmem>>, vector<1x16xf32>,
      %swap3A_765 = vector.shape_cast %swap3A_764 : vector<1x16xf32> to vector<16xf32>
      %swap3A_766 = vector.shape_cast %get3A_761 : vector<16xf32> to vector<1x16xf32>
      tpu.vector_store %arg8[%swap3A_762, %swap3A_763], %swap3A_766 {strides = array<i32>} : memref<512x64xf32, #tpu.memory_space<vmem>>, vector<1x16xf32>,
      %add3A_767 = arith.constant 48 : i32
      %add3A_768 = arith.addi %squeeze3A, %add3A_767 : i32
      %get3A_769 = arith.index_cast %add3A_733 : i32 to index
      %get3A_770 = arith.index_cast %add3A_768 : i32 to index
      %get3A_771 = tpu.vector_load %arg7[%get3A_769, %get3A_770] {strides = array<i32>} : memref<512x128xf32, #tpu.memory_space<vmem>>, vector<1x16xf32>,
      %get3A_772 = vector.shape_cast %get3A_771 : vector<1x16xf32> to vector<16xf32>
      %swap3A_773 = arith.index_cast %add3A_733 : i32 to index
      %swap3A_774 = arith.constant 48 : index
      %swap3A_775 = tpu.vector_load %arg8[%swap3A_773, %swap3A_774] {strides = array<i32>} : memref<512x64xf32, #tpu.memory_space<vmem>>, vector<1x16xf32>,
      %swap3A_776 = vector.shape_cast %swap3A_775 : vector<1x16xf32> to vector<16xf32>
      %swap3A_777 = vector.shape_cast %get3A_772 : vector<16xf32> to vector<1x16xf32>
      tpu.vector_store %arg8[%swap3A_773, %swap3A_774], %swap3A_777 {strides = array<i32>} : memref<512x64xf32, #tpu.memory_space<vmem>>, vector<1x16xf32>,
      %mul3A_778 = arith.constant 16 : i32
      %mul3A_779 = arith.muli %add3A_715, %mul3A_778 : i32
      %add3A_780 = arith.constant 1 : i32
      %add3A_781 = arith.addi %mul3A_779, %add3A_780 : i32
      %slice3A_782 = vector.extract_strided_slice %mul3A_729 {offsets = [1], sizes = [1], strides = [1]} : vector<16xi32> to vector<1xi32>
      %squeeze3A_783 = vector.extract %slice3A_782[0] : i32 from vector<1xi32>
      %add3A_784 = arith.constant 0 : i32
      %add3A_785 = arith.addi %squeeze3A_783, %add3A_784 : i32
      %get3A_786 = arith.index_cast %add3A_781 : i32 to index
      %get3A_787 = arith.index_cast %add3A_785 : i32 to index
      %get3A_788 = tpu.vector_load %arg7[%get3A_786, %get3A_787] {strides = array<i32>} : memref<512x128xf32, #tpu.memory_space<vmem>>, vector<1x16xf32>,
      %get3A_789 = vector.shape_cast %get3A_788 : vector<1x16xf32> to vector<16xf32>
      %swap3A_790 = arith.index_cast %add3A_781 : i32 to index
      %swap3A_791 = arith.constant 0 : index
      %swap3A_792 = tpu.vector_load %arg8[%swap3A_790, %swap3A_791] {strides = array<i32>} : memref<512x64xf32, #tpu.memory_space<vmem>>, vector<1x16xf32>,
      %swap3A_793 = vector.shape_cast %swap3A_792 : vector<1x16xf32> to vector<16xf32>
      %swap3A_794 = vector.shape_cast %get3A_789 : vector<16xf32> to vector<1x16xf32>
      tpu.vector_store %arg8[%swap3A_790, %swap3A_791], %swap3A_794 {strides = array<i32>} : memref<512x64xf32, #tpu.memory_space<vmem>>, vector<1x16xf32>,
      %add3A_795 = arith.constant 16 : i32
      %add3A_796 = arith.addi %squeeze3A_783, %add3A_795 : i32
      %get3A_797 = arith.index_cast %add3A_781 : i32 to index
      %get3A_798 = arith.index_cast %add3A_796 : i32 to index
      %get3A_799 = tpu.vector_load %arg7[%get3A_797, %get3A_798] {strides = array<i32>} : memref<512x128xf32, #tpu.memory_space<vmem>>, vector<1x16xf32>,
      %get3A_800 = vector.shape_cast %get3A_799 : vector<1x16xf32> to vector<16xf32>
      %swap3A_801 = arith.index_cast %add3A_781 : i32 to index
      %swap3A_802 = arith.constant 16 : index
      %swap3A_803 = tpu.vector_load %arg8[%swap3A_801, %swap3A_802] {strides = array<i32>} : memref<512x64xf32, #tpu.memory_space<vmem>>, vector<1x16xf32>,
      %swap3A_804 = vector.shape_cast %swap3A_803 : vector<1x16xf32> to vector<16xf32>
      %swap3A_805 = vector.shape_cast %get3A_800 : vector<16xf32> to vector<1x16xf32>
      tpu.vector_store %arg8[%swap3A_801, %swap3A_802], %swap3A_805 {strides = array<i32>} : memref<512x64xf32, #tpu.memory_space<vmem>>, vector<1x16xf32>,
      %add3A_806 = arith.constant 32 : i32
      %add3A_807 = arith.addi %squeeze3A_783, %add3A_806 : i32
      %get3A_808 = arith.index_cast %add3A_781 : i32 to index
      %get3A_809 = arith.index_cast %add3A_807 : i32 to index
      %get3A_810 = tpu.vector_load %arg7[%get3A_808, %get3A_809] {strides = array<i32>} : memref<512x128xf32, #tpu.memory_space<vmem>>, vector<1x16xf32>,
      %get3A_811 = vector.shape_cast %get3A_810 : vector<1x16xf32> to vector<16xf32>
      %swap3A_812 = arith.index_cast %add3A_781 : i32 to index
      %swap3A_813 = arith.constant 32 : index
      %swap3A_814 = tpu.vector_load %arg8[%swap3A_812, %swap3A_813] {strides = array<i32>} : memref<512x64xf32, #tpu.memory_space<vmem>>, vector<1x16xf32>,
      %swap3A_815 = vector.shape_cast %swap3A_814 : vector<1x16xf32> to vector<16xf32>
      %swap3A_816 = vector.shape_cast %get3A_811 : vector<16xf32> to vector<1x16xf32>
      tpu.vector_store %arg8[%swap3A_812, %swap3A_813], %swap3A_816 {strides = array<i32>} : memref<512x64xf32, #tpu.memory_space<vmem>>, vector<1x16xf32>,
      %add3A_817 = arith.constant 48 : i32
      %add3A_818 = arith.addi %squeeze3A_783, %add3A_817 : i32
      %get3A_819 = arith.index_cast %add3A_781 : i32 to index
      %get3A_820 = arith.index_cast %add3A_818 : i32 to index
      %get3A_821 = tpu.vector_load %arg7[%get3A_819, %get3A_820] {strides = array<i32>} : memref<512x128xf32, #tpu.memory_space<vmem>>, vector<1x16xf32>,
      %get3A_822 = vector.shape_cast %get3A_821 : vector<1x16xf32> to vector<16xf32>
      %swap3A_823 = arith.index_cast %add3A_781 : i32 to index
      %swap3A_824 = arith.constant 48 : index
      %swap3A_825 = tpu.vector_load %arg8[%swap3A_823, %swap3A_824] {strides = array<i32>} : memref<512x64xf32, #tpu.memory_space<vmem>>, vector<1x16xf32>,
      %swap3A_826 = vector.shape_cast %swap3A_825 : vector<1x16xf32> to vector<16xf32>
      %swap3A_827 = vector.shape_cast %get3A_822 : vector<16xf32> to vector<1x16xf32>
      tpu.vector_store %arg8[%swap3A_823, %swap3A_824], %swap3A_827 {strides = array<i32>} : memref<512x64xf32, #tpu.memory_space<vmem>>, vector<1x16xf32>,
      %mul3A_828 = arith.constant 16 : i32
      %mul3A_829 = arith.muli %add3A_715, %mul3A_828 : i32
      %add3A_830 = arith.constant 2 : i32
      %add3A_831 = arith.addi %mul3A_829, %add3A_830 : i32
      %slice3A_832 = vector.extract_strided_slice %mul3A_729 {offsets = [2], sizes = [1], strides = [1]} : vector<16xi32> to vector<1xi32>
      %squeeze3A_833 = vector.extract %slice3A_832[0] : i32 from vector<1xi32>
      %add3A_834 = arith.constant 0 : i32
      %add3A_835 = arith.addi %squeeze3A_833, %add3A_834 : i32
      %get3A_836 = arith.index_cast %add3A_831 : i32 to index
      %get3A_837 = arith.index_cast %add3A_835 : i32 to index
      %get3A_838 = tpu.vector_load %arg7[%get3A_836, %get3A_837] {strides = array<i32>} : memref<512x128xf32, #tpu.memory_space<vmem>>, vector<1x16xf32>,
      %get3A_839 = vector.shape_cast %get3A_838 : vector<1x16xf32> to vector<16xf32>
      %swap3A_840 = arith.index_cast %add3A_831 : i32 to index
      %swap3A_841 = arith.constant 0 : index
      %swap3A_842 = tpu.vector_load %arg8[%swap3A_840, %swap3A_841] {strides = array<i32>} : memref<512x64xf32, #tpu.memory_space<vmem>>, vector<1x16xf32>,
      %swap3A_843 = vector.shape_cast %swap3A_842 : vector<1x16xf32> to vector<16xf32>
      %swap3A_844 = vector.shape_cast %get3A_839 : vector<16xf32> to vector<1x16xf32>
      tpu.vector_store %arg8[%swap3A_840, %swap3A_841], %swap3A_844 {strides = array<i32>} : memref<512x64xf32, #tpu.memory_space<vmem>>, vector<1x16xf32>,
      %add3A_845 = arith.constant 16 : i32
      %add3A_846 = arith.addi %squeeze3A_833, %add3A_845 : i32
      %get3A_847 = arith.index_cast %add3A_831 : i32 to index
      %get3A_848 = arith.index_cast %add3A_846 : i32 to index
      %get3A_849 = tpu.vector_load %arg7[%get3A_847, %get3A_848] {strides = array<i32>} : memref<512x128xf32, #tpu.memory_space<vmem>>, vector<1x16xf32>,
      %get3A_850 = vector.shape_cast %get3A_849 : vector<1x16xf32> to vector<16xf32>
      %swap3A_851 = arith.index_cast %add3A_831 : i32 to index
      %swap3A_852 = arith.constant 16 : index
      %swap3A_853 = tpu.vector_load %arg8[%swap3A_851, %swap3A_852] {strides = array<i32>} : memref<512x64xf32, #tpu.memory_space<vmem>>, vector<1x16xf32>,
      %swap3A_854 = vector.shape_cast %swap3A_853 : vector<1x16xf32> to vector<16xf32>
      %swap3A_855 = vector.shape_cast %get3A_850 : vector<16xf32> to vector<1x16xf32>
      tpu.vector_store %arg8[%swap3A_851, %swap3A_852], %swap3A_855 {strides = array<i32>} : memref<512x64xf32, #tpu.memory_space<vmem>>, vector<1x16xf32>,
      %add3A_856 = arith.constant 32 : i32
      %add3A_857 = arith.addi %squeeze3A_833, %add3A_856 : i32
      %get3A_858 = arith.index_cast %add3A_831 : i32 to index
      %get3A_859 = arith.index_cast %add3A_857 : i32 to index
      %get3A_860 = tpu.vector_load %arg7[%get3A_858, %get3A_859] {strides = array<i32>} : memref<512x128xf32, #tpu.memory_space<vmem>>, vector<1x16xf32>,
      %get3A_861 = vector.shape_cast %get3A_860 : vector<1x16xf32> to vector<16xf32>
      %swap3A_862 = arith.index_cast %add3A_831 : i32 to index
      %swap3A_863 = arith.constant 32 : index
      %swap3A_864 = tpu.vector_load %arg8[%swap3A_862, %swap3A_863] {strides = array<i32>} : memref<512x64xf32, #tpu.memory_space<vmem>>, vector<1x16xf32>,
      %swap3A_865 = vector.shape_cast %swap3A_864 : vector<1x16xf32> to vector<16xf32>
      %swap3A_866 = vector.shape_cast %get3A_861 : vector<16xf32> to vector<1x16xf32>
      tpu.vector_store %arg8[%swap3A_862, %swap3A_863], %swap3A_866 {strides = array<i32>} : memref<512x64xf32, #tpu.memory_space<vmem>>, vector<1x16xf32>,
      %add3A_867 = arith.constant 48 : i32
      %add3A_868 = arith.addi %squeeze3A_833, %add3A_867 : i32
      %get3A_869 = arith.index_cast %add3A_831 : i32 to index
      %get3A_870 = arith.index_cast %add3A_868 : i32 to index
      %get3A_871 = tpu.vector_load %arg7[%get3A_869, %get3A_870] {strides = array<i32>} : memref<512x128xf32, #tpu.memory_space<vmem>>, vector<1x16xf32>,
      %get3A_872 = vector.shape_cast %get3A_871 : vector<1x16xf32> to vector<16xf32>
      %swap3A_873 = arith.index_cast %add3A_831 : i32 to index
      %swap3A_874 = arith.constant 48 : index
      %swap3A_875 = tpu.vector_load %arg8[%swap3A_873, %swap3A_874] {strides = array<i32>} : memref<512x64xf32, #tpu.memory_space<vmem>>, vector<1x16xf32>,
      %swap3A_876 = vector.shape_cast %swap3A_875 : vector<1x16xf32> to vector<16xf32>
      %swap3A_877 = vector.shape_cast %get3A_872 : vector<16xf32> to vector<1x16xf32>
      tpu.vector_store %arg8[%swap3A_873, %swap3A_874], %swap3A_877 {strides = array<i32>} : memref<512x64xf32, #tpu.memory_space<vmem>>, vector<1x16xf32>,
      %mul3A_878 = arith.constant 16 : i32
      %mul3A_879 = arith.muli %add3A_715, %mul3A_878 : i32
      %add3A_880 = arith.constant 3 : i32
      %add3A_881 = arith.addi %mul3A_879, %add3A_880 : i32
      %slice3A_882 = vector.extract_strided_slice %mul3A_729 {offsets = [3], sizes = [1], strides = [1]} : vector<16xi32> to vector<1xi32>
      %squeeze3A_883 = vector.extract %slice3A_882[0] : i32 from vector<1xi32>
      %add3A_884 = arith.constant 0 : i32
      %add3A_885 = arith.addi %squeeze3A_883, %add3A_884 : i32
      %get3A_886 = arith.index_cast %add3A_881 : i32 to index
      %get3A_887 = arith.index_cast %add3A_885 : i32 to index
      %get3A_888 = tpu.vector_load %arg7[%get3A_886, %get3A_887] {strides = array<i32>} : memref<512x128xf32, #tpu.memory_space<vmem>>, vector<1x16xf32>,
      %get3A_889 = vector.shape_cast %get3A_888 : vector<1x16xf32> to vector<16xf32>
      %swap3A_890 = arith.index_cast %add3A_881 : i32 to index
      %swap3A_891 = arith.constant 0 : index
      %swap3A_892 = tpu.vector_load %arg8[%swap3A_890, %swap3A_891] {strides = array<i32>} : memref<512x64xf32, #tpu.memory_space<vmem>>, vector<1x16xf32>,
      %swap3A_893 = vector.shape_cast %swap3A_892 : vector<1x16xf32> to vector<16xf32>
      %swap3A_894 = vector.shape_cast %get3A_889 : vector<16xf32> to vector<1x16xf32>
      tpu.vector_store %arg8[%swap3A_890, %swap3A_891], %swap3A_894 {strides = array<i32>} : memref<512x64xf32, #tpu.memory_space<vmem>>, vector<1x16xf32>,
      %add3A_895 = arith.constant 16 : i32
      %add3A_896 = arith.addi %squeeze3A_883, %add3A_895 : i32
      %get3A_897 = arith.index_cast %add3A_881 : i32 to index
      %get3A_898 = arith.index_cast %add3A_896 : i32 to index
      %get3A_899 = tpu.vector_load %arg7[%get3A_897, %get3A_898] {strides = array<i32>} : memref<512x128xf32, #tpu.memory_space<vmem>>, vector<1x16xf32>,
      %get3A_900 = vector.shape_cast %get3A_899 : vector<1x16xf32> to vector<16xf32>
      %swap3A_901 = arith.index_cast %add3A_881 : i32 to index
      %swap3A_902 = arith.constant 16 : index
      %swap3A_903 = tpu.vector_load %arg8[%swap3A_901, %swap3A_902] {strides = array<i32>} : memref<512x64xf32, #tpu.memory_space<vmem>>, vector<1x16xf32>,
      %swap3A_904 = vector.shape_cast %swap3A_903 : vector<1x16xf32> to vector<16xf32>
      %swap3A_905 = vector.shape_cast %get3A_900 : vector<16xf32> to vector<1x16xf32>
      tpu.vector_store %arg8[%swap3A_901, %swap3A_902], %swap3A_905 {strides = array<i32>} : memref<512x64xf32, #tpu.memory_space<vmem>>, vector<1x16xf32>,
      %add3A_906 = arith.constant 32 : i32
      %add3A_907 = arith.addi %squeeze3A_883, %add3A_906 : i32
      %get3A_908 = arith.index_cast %add3A_881 : i32 to index
      %get3A_909 = arith.index_cast %add3A_907 : i32 to index
      %get3A_910 = tpu.vector_load %arg7[%get3A_908, %get3A_909] {strides = array<i32>} : memref<512x128xf32, #tpu.memory_space<vmem>>, vector<1x16xf32>,
      %get3A_911 = vector.shape_cast %get3A_910 : vector<1x16xf32> to vector<16xf32>
      %swap3A_912 = arith.index_cast %add3A_881 : i32 to index
      %swap3A_913 = arith.constant 32 : index
      %swap3A_914 = tpu.vector_load %arg8[%swap3A_912, %swap3A_913] {strides = array<i32>} : memref<512x64xf32, #tpu.memory_space<vmem>>, vector<1x16xf32>,
      %swap3A_915 = vector.shape_cast %swap3A_914 : vector<1x16xf32> to vector<16xf32>
      %swap3A_916 = vector.shape_cast %get3A_911 : vector<16xf32> to vector<1x16xf32>
      tpu.vector_store %arg8[%swap3A_912, %swap3A_913], %swap3A_916 {strides = array<i32>} : memref<512x64xf32, #tpu.memory_space<vmem>>, vector<1x16xf32>,
      %add3A_917 = arith.constant 48 : i32
      %add3A_918 = arith.addi %squeeze3A_883, %add3A_917 : i32
      %get3A_919 = arith.index_cast %add3A_881 : i32 to index
      %get3A_920 = arith.index_cast %add3A_918 : i32 to index
      %get3A_921 = tpu.vector_load %arg7[%get3A_919, %get3A_920] {strides = array<i32>} : memref<512x128xf32, #tpu.memory_space<vmem>>, vector<1x16xf32>,
      %get3A_922 = vector.shape_cast %get3A_921 : vector<1x16xf32> to vector<16xf32>
      %swap3A_923 = arith.index_cast %add3A_881 : i32 to index
      %swap3A_924 = arith.constant 48 : index
      %swap3A_925 = tpu.vector_load %arg8[%swap3A_923, %swap3A_924] {strides = array<i32>} : memref<512x64xf32, #tpu.memory_space<vmem>>, vector<1x16xf32>,
      %swap3A_926 = vector.shape_cast %swap3A_925 : vector<1x16xf32> to vector<16xf32>
      %swap3A_927 = vector.shape_cast %get3A_922 : vector<16xf32> to vector<1x16xf32>
      tpu.vector_store %arg8[%swap3A_923, %swap3A_924], %swap3A_927 {strides = array<i32>} : memref<512x64xf32, #tpu.memory_space<vmem>>, vector<1x16xf32>,
      %mul3A_928 = arith.constant 16 : i32
      %mul3A_929 = arith.muli %add3A_715, %mul3A_928 : i32
      %add3A_930 = arith.constant 4 : i32
      %add3A_931 = arith.addi %mul3A_929, %add3A_930 : i32
      %slice3A_932 = vector.extract_strided_slice %mul3A_729 {offsets = [4], sizes = [1], strides = [1]} : vector<16xi32> to vector<1xi32>
      %squeeze3A_933 = vector.extract %slice3A_932[0] : i32 from vector<1xi32>
      %add3A_934 = arith.constant 0 : i32
      %add3A_935 = arith.addi %squeeze3A_933, %add3A_934 : i32
      %get3A_936 = arith.index_cast %add3A_931 : i32 to index
      %get3A_937 = arith.index_cast %add3A_935 : i32 to index
      %get3A_938 = tpu.vector_load %arg7[%get3A_936, %get3A_937] {strides = array<i32>} : memref<512x128xf32, #tpu.memory_space<vmem>>, vector<1x16xf32>,
      %get3A_939 = vector.shape_cast %get3A_938 : vector<1x16xf32> to vector<16xf32>
      %swap3A_940 = arith.index_cast %add3A_931 : i32 to index
      %swap3A_941 = arith.constant 0 : index
      %swap3A_942 = tpu.vector_load %arg8[%swap3A_940, %swap3A_941] {strides = array<i32>} : memref<512x64xf32, #tpu.memory_space<vmem>>, vector<1x16xf32>,
      %swap3A_943 = vector.shape_cast %swap3A_942 : vector<1x16xf32> to vector<16xf32>
      %swap3A_944 = vector.shape_cast %get3A_939 : vector<16xf32> to vector<1x16xf32>
      tpu.vector_store %arg8[%swap3A_940, %swap3A_941], %swap3A_944 {strides = array<i32>} : memref<512x64xf32, #tpu.memory_space<vmem>>, vector<1x16xf32>,
      %add3A_945 = arith.constant 16 : i32
      %add3A_946 = arith.addi %squeeze3A_933, %add3A_945 : i32
      %get3A_947 = arith.index_cast %add3A_931 : i32 to index
      %get3A_948 = arith.index_cast %add3A_946 : i32 to index
      %get3A_949 = tpu.vector_load %arg7[%get3A_947, %get3A_948] {strides = array<i32>} : memref<512x128xf32, #tpu.memory_space<vmem>>, vector<1x16xf32>,
      %get3A_950 = vector.shape_cast %get3A_949 : vector<1x16xf32> to vector<16xf32>
      %swap3A_951 = arith.index_cast %add3A_931 : i32 to index
      %swap3A_952 = arith.constant 16 : index
      %swap3A_953 = tpu.vector_load %arg8[%swap3A_951, %swap3A_952] {strides = array<i32>} : memref<512x64xf32, #tpu.memory_space<vmem>>, vector<1x16xf32>,
      %swap3A_954 = vector.shape_cast %swap3A_953 : vector<1x16xf32> to vector<16xf32>
      %swap3A_955 = vector.shape_cast %get3A_950 : vector<16xf32> to vector<1x16xf32>
      tpu.vector_store %arg8[%swap3A_951, %swap3A_952], %swap3A_955 {strides = array<i32>} : memref<512x64xf32, #tpu.memory_space<vmem>>, vector<1x16xf32>,
      %add3A_956 = arith.constant 32 : i32
      %add3A_957 = arith.addi %squeeze3A_933, %add3A_956 : i32
      %get3A_958 = arith.index_cast %add3A_931 : i32 to index
      %get3A_959 = arith.index_cast %add3A_957 : i32 to index
      %get3A_960 = tpu.vector_load %arg7[%get3A_958, %get3A_959] {strides = array<i32>} : memref<512x128xf32, #tpu.memory_space<vmem>>, vector<1x16xf32>,
      %get3A_961 = vector.shape_cast %get3A_960 : vector<1x16xf32> to vector<16xf32>
      %swap3A_962 = arith.index_cast %add3A_931 : i32 to index
      %swap3A_963 = arith.constant 32 : index
      %swap3A_964 = tpu.vector_load %arg8[%swap3A_962, %swap3A_963] {strides = array<i32>} : memref<512x64xf32, #tpu.memory_space<vmem>>, vector<1x16xf32>,
      %swap3A_965 = vector.shape_cast %swap3A_964 : vector<1x16xf32> to vector<16xf32>
      %swap3A_966 = vector.shape_cast %get3A_961 : vector<16xf32> to vector<1x16xf32>
      tpu.vector_store %arg8[%swap3A_962, %swap3A_963], %swap3A_966 {strides = array<i32>} : memref<512x64xf32, #tpu.memory_space<vmem>>, vector<1x16xf32>,
      %add3A_967 = arith.constant 48 : i32
      %add3A_968 = arith.addi %squeeze3A_933, %add3A_967 : i32
      %get3A_969 = arith.index_cast %add3A_931 : i32 to index
      %get3A_970 = arith.index_cast %add3A_968 : i32 to index
      %get3A_971 = tpu.vector_load %arg7[%get3A_969, %get3A_970] {strides = array<i32>} : memref<512x128xf32, #tpu.memory_space<vmem>>, vector<1x16xf32>,
      %get3A_972 = vector.shape_cast %get3A_971 : vector<1x16xf32> to vector<16xf32>
      %swap3A_973 = arith.index_cast %add3A_931 : i32 to index
      %swap3A_974 = arith.constant 48 : index
      %swap3A_975 = tpu.vector_load %arg8[%swap3A_973, %swap3A_974] {strides = array<i32>} : memref<512x64xf32, #tpu.memory_space<vmem>>, vector<1x16xf32>,
      %swap3A_976 = vector.shape_cast %swap3A_975 : vector<1x16xf32> to vector<16xf32>
      %swap3A_977 = vector.shape_cast %get3A_972 : vector<16xf32> to vector<1x16xf32>
      tpu.vector_store %arg8[%swap3A_973, %swap3A_974], %swap3A_977 {strides = array<i32>} : memref<512x64xf32, #tpu.memory_space<vmem>>, vector<1x16xf32>,
      %mul3A_978 = arith.constant 16 : i32
      %mul3A_979 = arith.muli %add3A_715, %mul3A_978 : i32
      %add3A_980 = arith.constant 5 : i32
      %add3A_981 = arith.addi %mul3A_979, %add3A_980 : i32
      %slice3A_982 = vector.extract_strided_slice %mul3A_729 {offsets = [5], sizes = [1], strides = [1]} : vector<16xi32> to vector<1xi32>
      %squeeze3A_983 = vector.extract %slice3A_982[0] : i32 from vector<1xi32>
      %add3A_984 = arith.constant 0 : i32
      %add3A_985 = arith.addi %squeeze3A_983, %add3A_984 : i32
      %get3A_986 = arith.index_cast %add3A_981 : i32 to index
      %get3A_987 = arith.index_cast %add3A_985 : i32 to index
      %get3A_988 = tpu.vector_load %arg7[%get3A_986, %get3A_987] {strides = array<i32>} : memref<512x128xf32, #tpu.memory_space<vmem>>, vector<1x16xf32>,
      %get3A_989 = vector.shape_cast %get3A_988 : vector<1x16xf32> to vector<16xf32>
      %swap3A_990 = arith.index_cast %add3A_981 : i32 to index
      %swap3A_991 = arith.constant 0 : index
      %swap3A_992 = tpu.vector_load %arg8[%swap3A_990, %swap3A_991] {strides = array<i32>} : memref<512x64xf32, #tpu.memory_space<vmem>>, vector<1x16xf32>,
      %swap3A_993 = vector.shape_cast %swap3A_992 : vector<1x16xf32> to vector<16xf32>
      %swap3A_994 = vector.shape_cast %get3A_989 : vector<16xf32> to vector<1x16xf32>
      tpu.vector_store %arg8[%swap3A_990, %swap3A_991], %swap3A_994 {strides = array<i32>} : memref<512x64xf32, #tpu.memory_space<vmem>>, vector<1x16xf32>,
      %add3A_995 = arith.constant 16 : i32
      %add3A_996 = arith.addi %squeeze3A_983, %add3A_995 : i32
      %get3A_997 = arith.index_cast %add3A_981 : i32 to index
      %get3A_998 = arith.index_cast %add3A_996 : i32 to index
      %get3A_999 = tpu.vector_load %arg7[%get3A_997, %get3A_998] {strides = array<i32>} : memref<512x128xf32, #tpu.memory_space<vmem>>, vector<1x16xf32>,
      %get3A_1000 = vector.shape_cast %get3A_999 : vector<1x16xf32> to vector<16xf32>
      %swap3A_1001 = arith.index_cast %add3A_981 : i32 to index
      %swap3A_1002 = arith.constant 16 : index
      %swap3A_1003 = tpu.vector_load %arg8[%swap3A_1001, %swap3A_1002] {strides = array<i32>} : memref<512x64xf32, #tpu.memory_space<vmem>>, vector<1x16xf32>,
      %swap3A_1004 = vector.shape_cast %swap3A_1003 : vector<1x16xf32> to vector<16xf32>
      %swap3A_1005 = vector.shape_cast %get3A_1000 : vector<16xf32> to vector<1x16xf32>
      tpu.vector_store %arg8[%swap3A_1001, %swap3A_1002], %swap3A_1005 {strides = array<i32>} : memref<512x64xf32, #tpu.memory_space<vmem>>, vector<1x16xf32>,
      %add3A_1006 = arith.constant 32 : i32
      %add3A_1007 = arith.addi %squeeze3A_983, %add3A_1006 : i32
      %get3A_1008 = arith.index_cast %add3A_981 : i32 to index
      %get3A_1009 = arith.index_cast %add3A_1007 : i32 to index
      %get3A_1010 = tpu.vector_load %arg7[%get3A_1008, %get3A_1009] {strides = array<i32>} : memref<512x128xf32, #tpu.memory_space<vmem>>, vector<1x16xf32>,
      %get3A_1011 = vector.shape_cast %get3A_1010 : vector<1x16xf32> to vector<16xf32>
      %swap3A_1012 = arith.index_cast %add3A_981 : i32 to index
      %swap3A_1013 = arith.constant 32 : index
      %swap3A_1014 = tpu.vector_load %arg8[%swap3A_1012, %swap3A_1013] {strides = array<i32>} : memref<512x64xf32, #tpu.memory_space<vmem>>, vector<1x16xf32>,
      %swap3A_1015 = vector.shape_cast %swap3A_1014 : vector<1x16xf32> to vector<16xf32>
      %swap3A_1016 = vector.shape_cast %get3A_1011 : vector<16xf32> to vector<1x16xf32>
      tpu.vector_store %arg8[%swap3A_1012, %swap3A_1013], %swap3A_1016 {strides = array<i32>} : memref<512x64xf32, #tpu.memory_space<vmem>>, vector<1x16xf32>,
      %add3A_1017 = arith.constant 48 : i32
      %add3A_1018 = arith.addi %squeeze3A_983, %add3A_1017 : i32
      %get3A_1019 = arith.index_cast %add3A_981 : i32 to index
      %get3A_1020 = arith.index_cast %add3A_1018 : i32 to index
      %get3A_1021 = tpu.vector_load %arg7[%get3A_1019, %get3A_1020] {strides = array<i32>} : memref<512x128xf32, #tpu.memory_space<vmem>>, vector<1x16xf32>,
      %get3A_1022 = vector.shape_cast %get3A_1021 : vector<1x16xf32> to vector<16xf32>
      %swap3A_1023 = arith.index_cast %add3A_981 : i32 to index
      %swap3A_1024 = arith.constant 48 : index
      %swap3A_1025 = tpu.vector_load %arg8[%swap3A_1023, %swap3A_1024] {strides = array<i32>} : memref<512x64xf32, #tpu.memory_space<vmem>>, vector<1x16xf32>,
      %swap3A_1026 = vector.shape_cast %swap3A_1025 : vector<1x16xf32> to vector<16xf32>
      %swap3A_1027 = vector.shape_cast %get3A_1022 : vector<16xf32> to vector<1x16xf32>
      tpu.vector_store %arg8[%swap3A_1023, %swap3A_1024], %swap3A_1027 {strides = array<i32>} : memref<512x64xf32, #tpu.memory_space<vmem>>, vector<1x16xf32>,
      %mul3A_1028 = arith.constant 16 : i32
      %mul3A_1029 = arith.muli %add3A_715, %mul3A_1028 : i32
      %add3A_1030 = arith.constant 6 : i32
      %add3A_1031 = arith.addi %mul3A_1029, %add3A_1030 : i32
      %slice3A_1032 = vector.extract_strided_slice %mul3A_729 {offsets = [6], sizes = [1], strides = [1]} : vector<16xi32> to vector<1xi32>
      %squeeze3A_1033 = vector.extract %slice3A_1032[0] : i32 from vector<1xi32>
      %add3A_1034 = arith.constant 0 : i32
      %add3A_1035 = arith.addi %squeeze3A_1033, %add3A_1034 : i32
      %get3A_1036 = arith.index_cast %add3A_1031 : i32 to index
      %get3A_1037 = arith.index_cast %add3A_1035 : i32 to index
      %get3A_1038 = tpu.vector_load %arg7[%get3A_1036, %get3A_1037] {strides = array<i32>} : memref<512x128xf32, #tpu.memory_space<vmem>>, vector<1x16xf32>,
      %get3A_1039 = vector.shape_cast %get3A_1038 : vector<1x16xf32> to vector<16xf32>
      %swap3A_1040 = arith.index_cast %add3A_1031 : i32 to index
      %swap3A_1041 = arith.constant 0 : index
      %swap3A_1042 = tpu.vector_load %arg8[%swap3A_1040, %swap3A_1041] {strides = array<i32>} : memref<512x64xf32, #tpu.memory_space<vmem>>, vector<1x16xf32>,
      %swap3A_1043 = vector.shape_cast %swap3A_1042 : vector<1x16xf32> to vector<16xf32>
      %swap3A_1044 = vector.shape_cast %get3A_1039 : vector<16xf32> to vector<1x16xf32>
      tpu.vector_store %arg8[%swap3A_1040, %swap3A_1041], %swap3A_1044 {strides = array<i32>} : memref<512x64xf32, #tpu.memory_space<vmem>>, vector<1x16xf32>,
      %add3A_1045 = arith.constant 16 : i32
      %add3A_1046 = arith.addi %squeeze3A_1033, %add3A_1045 : i32
      %get3A_1047 = arith.index_cast %add3A_1031 : i32 to index
      %get3A_1048 = arith.index_cast %add3A_1046 : i32 to index
      %get3A_1049 = tpu.vector_load %arg7[%get3A_1047, %get3A_1048] {strides = array<i32>} : memref<512x128xf32, #tpu.memory_space<vmem>>, vector<1x16xf32>,
      %get3A_1050 = vector.shape_cast %get3A_1049 : vector<1x16xf32> to vector<16xf32>
      %swap3A_1051 = arith.index_cast %add3A_1031 : i32 to index
      %swap3A_1052 = arith.constant 16 : index
      %swap3A_1053 = tpu.vector_load %arg8[%swap3A_1051, %swap3A_1052] {strides = array<i32>} : memref<512x64xf32, #tpu.memory_space<vmem>>, vector<1x16xf32>,
      %swap3A_1054 = vector.shape_cast %swap3A_1053 : vector<1x16xf32> to vector<16xf32>
      %swap3A_1055 = vector.shape_cast %get3A_1050 : vector<16xf32> to vector<1x16xf32>
      tpu.vector_store %arg8[%swap3A_1051, %swap3A_1052], %swap3A_1055 {strides = array<i32>} : memref<512x64xf32, #tpu.memory_space<vmem>>, vector<1x16xf32>,
      %add3A_1056 = arith.constant 32 : i32
      %add3A_1057 = arith.addi %squeeze3A_1033, %add3A_1056 : i32
      %get3A_1058 = arith.index_cast %add3A_1031 : i32 to index
      %get3A_1059 = arith.index_cast %add3A_1057 : i32 to index
      %get3A_1060 = tpu.vector_load %arg7[%get3A_1058, %get3A_1059] {strides = array<i32>} : memref<512x128xf32, #tpu.memory_space<vmem>>, vector<1x16xf32>,
      %get3A_1061 = vector.shape_cast %get3A_1060 : vector<1x16xf32> to vector<16xf32>
      %swap3A_1062 = arith.index_cast %add3A_1031 : i32 to index
      %swap3A_1063 = arith.constant 32 : index
      %swap3A_1064 = tpu.vector_load %arg8[%swap3A_1062, %swap3A_1063] {strides = array<i32>} : memref<512x64xf32, #tpu.memory_space<vmem>>, vector<1x16xf32>,
      %swap3A_1065 = vector.shape_cast %swap3A_1064 : vector<1x16xf32> to vector<16xf32>
      %swap3A_1066 = vector.shape_cast %get3A_1061 : vector<16xf32> to vector<1x16xf32>
      tpu.vector_store %arg8[%swap3A_1062, %swap3A_1063], %swap3A_1066 {strides = array<i32>} : memref<512x64xf32, #tpu.memory_space<vmem>>, vector<1x16xf32>,
      %add3A_1067 = arith.constant 48 : i32
      %add3A_1068 = arith.addi %squeeze3A_1033, %add3A_1067 : i32
      %get3A_1069 = arith.index_cast %add3A_1031 : i32 to index
      %get3A_1070 = arith.index_cast %add3A_1068 : i32 to index
      %get3A_1071 = tpu.vector_load %arg7[%get3A_1069, %get3A_1070] {strides = array<i32>} : memref<512x128xf32, #tpu.memory_space<vmem>>, vector<1x16xf32>,
      %get3A_1072 = vector.shape_cast %get3A_1071 : vector<1x16xf32> to vector<16xf32>
      %swap3A_1073 = arith.index_cast %add3A_1031 : i32 to index
      %swap3A_1074 = arith.constant 48 : index
      %swap3A_1075 = tpu.vector_load %arg8[%swap3A_1073, %swap3A_1074] {strides = array<i32>} : memref<512x64xf32, #tpu.memory_space<vmem>>, vector<1x16xf32>,
      %swap3A_1076 = vector.shape_cast %swap3A_1075 : vector<1x16xf32> to vector<16xf32>
      %swap3A_1077 = vector.shape_cast %get3A_1072 : vector<16xf32> to vector<1x16xf32>
      tpu.vector_store %arg8[%swap3A_1073, %swap3A_1074], %swap3A_1077 {strides = array<i32>} : memref<512x64xf32, #tpu.memory_space<vmem>>, vector<1x16xf32>,
      %mul3A_1078 = arith.constant 16 : i32
      %mul3A_1079 = arith.muli %add3A_715, %mul3A_1078 : i32
      %add3A_1080 = arith.constant 7 : i32
      %add3A_1081 = arith.addi %mul3A_1079, %add3A_1080 : i32
      %slice3A_1082 = vector.extract_strided_slice %mul3A_729 {offsets = [7], sizes = [1], strides = [1]} : vector<16xi32> to vector<1xi32>
      %squeeze3A_1083 = vector.extract %slice3A_1082[0] : i32 from vector<1xi32>
      %add3A_1084 = arith.constant 0 : i32
      %add3A_1085 = arith.addi %squeeze3A_1083, %add3A_1084 : i32
      %get3A_1086 = arith.index_cast %add3A_1081 : i32 to index
      %get3A_1087 = arith.index_cast %add3A_1085 : i32 to index
      %get3A_1088 = tpu.vector_load %arg7[%get3A_1086, %get3A_1087] {strides = array<i32>} : memref<512x128xf32, #tpu.memory_space<vmem>>, vector<1x16xf32>,
      %get3A_1089 = vector.shape_cast %get3A_1088 : vector<1x16xf32> to vector<16xf32>
      %swap3A_1090 = arith.index_cast %add3A_1081 : i32 to index
      %swap3A_1091 = arith.constant 0 : index
      %swap3A_1092 = tpu.vector_load %arg8[%swap3A_1090, %swap3A_1091] {strides = array<i32>} : memref<512x64xf32, #tpu.memory_space<vmem>>, vector<1x16xf32>,
      %swap3A_1093 = vector.shape_cast %swap3A_1092 : vector<1x16xf32> to vector<16xf32>
      %swap3A_1094 = vector.shape_cast %get3A_1089 : vector<16xf32> to vector<1x16xf32>
      tpu.vector_store %arg8[%swap3A_1090, %swap3A_1091], %swap3A_1094 {strides = array<i32>} : memref<512x64xf32, #tpu.memory_space<vmem>>, vector<1x16xf32>,
      %add3A_1095 = arith.constant 16 : i32
      %add3A_1096 = arith.addi %squeeze3A_1083, %add3A_1095 : i32
      %get3A_1097 = arith.index_cast %add3A_1081 : i32 to index
      %get3A_1098 = arith.index_cast %add3A_1096 : i32 to index
      %get3A_1099 = tpu.vector_load %arg7[%get3A_1097, %get3A_1098] {strides = array<i32>} : memref<512x128xf32, #tpu.memory_space<vmem>>, vector<1x16xf32>,
      %get3A_1100 = vector.shape_cast %get3A_1099 : vector<1x16xf32> to vector<16xf32>
      %swap3A_1101 = arith.index_cast %add3A_1081 : i32 to index
      %swap3A_1102 = arith.constant 16 : index
      %swap3A_1103 = tpu.vector_load %arg8[%swap3A_1101, %swap3A_1102] {strides = array<i32>} : memref<512x64xf32, #tpu.memory_space<vmem>>, vector<1x16xf32>,
      %swap3A_1104 = vector.shape_cast %swap3A_1103 : vector<1x16xf32> to vector<16xf32>
      %swap3A_1105 = vector.shape_cast %get3A_1100 : vector<16xf32> to vector<1x16xf32>
      tpu.vector_store %arg8[%swap3A_1101, %swap3A_1102], %swap3A_1105 {strides = array<i32>} : memref<512x64xf32, #tpu.memory_space<vmem>>, vector<1x16xf32>,
      %add3A_1106 = arith.constant 32 : i32
      %add3A_1107 = arith.addi %squeeze3A_1083, %add3A_1106 : i32
      %get3A_1108 = arith.index_cast %add3A_1081 : i32 to index
      %get3A_1109 = arith.index_cast %add3A_1107 : i32 to index
      %get3A_1110 = tpu.vector_load %arg7[%get3A_1108, %get3A_1109] {strides = array<i32>} : memref<512x128xf32, #tpu.memory_space<vmem>>, vector<1x16xf32>,
      %get3A_1111 = vector.shape_cast %get3A_1110 : vector<1x16xf32> to vector<16xf32>
      %swap3A_1112 = arith.index_cast %add3A_1081 : i32 to index
      %swap3A_1113 = arith.constant 32 : index
      %swap3A_1114 = tpu.vector_load %arg8[%swap3A_1112, %swap3A_1113] {strides = array<i32>} : memref<512x64xf32, #tpu.memory_space<vmem>>, vector<1x16xf32>,
      %swap3A_1115 = vector.shape_cast %swap3A_1114 : vector<1x16xf32> to vector<16xf32>
      %swap3A_1116 = vector.shape_cast %get3A_1111 : vector<16xf32> to vector<1x16xf32>
      tpu.vector_store %arg8[%swap3A_1112, %swap3A_1113], %swap3A_1116 {strides = array<i32>} : memref<512x64xf32, #tpu.memory_space<vmem>>, vector<1x16xf32>,
      %add3A_1117 = arith.constant 48 : i32
      %add3A_1118 = arith.addi %squeeze3A_1083, %add3A_1117 : i32
      %get3A_1119 = arith.index_cast %add3A_1081 : i32 to index
      %get3A_1120 = arith.index_cast %add3A_1118 : i32 to index
      %get3A_1121 = tpu.vector_load %arg7[%get3A_1119, %get3A_1120] {strides = array<i32>} : memref<512x128xf32, #tpu.memory_space<vmem>>, vector<1x16xf32>,
      %get3A_1122 = vector.shape_cast %get3A_1121 : vector<1x16xf32> to vector<16xf32>
      %swap3A_1123 = arith.index_cast %add3A_1081 : i32 to index
      %swap3A_1124 = arith.constant 48 : index
      %swap3A_1125 = tpu.vector_load %arg8[%swap3A_1123, %swap3A_1124] {strides = array<i32>} : memref<512x64xf32, #tpu.memory_space<vmem>>, vector<1x16xf32>,
      %swap3A_1126 = vector.shape_cast %swap3A_1125 : vector<1x16xf32> to vector<16xf32>
      %swap3A_1127 = vector.shape_cast %get3A_1122 : vector<16xf32> to vector<1x16xf32>
      tpu.vector_store %arg8[%swap3A_1123, %swap3A_1124], %swap3A_1127 {strides = array<i32>} : memref<512x64xf32, #tpu.memory_space<vmem>>, vector<1x16xf32>,
      %mul3A_1128 = arith.constant 16 : i32
      %mul3A_1129 = arith.muli %add3A_715, %mul3A_1128 : i32
      %add3A_1130 = arith.constant 8 : i32
      %add3A_1131 = arith.addi %mul3A_1129, %add3A_1130 : i32
      %slice3A_1132 = vector.extract_strided_slice %mul3A_729 {offsets = [8], sizes = [1], strides = [1]} : vector<16xi32> to vector<1xi32>
      %squeeze3A_1133 = vector.extract %slice3A_1132[0] : i32 from vector<1xi32>
      %add3A_1134 = arith.constant 0 : i32
      %add3A_1135 = arith.addi %squeeze3A_1133, %add3A_1134 : i32
      %get3A_1136 = arith.index_cast %add3A_1131 : i32 to index
      %get3A_1137 = arith.index_cast %add3A_1135 : i32 to index
      %get3A_1138 = tpu.vector_load %arg7[%get3A_1136, %get3A_1137] {strides = array<i32>} : memref<512x128xf32, #tpu.memory_space<vmem>>, vector<1x16xf32>,
      %get3A_1139 = vector.shape_cast %get3A_1138 : vector<1x16xf32> to vector<16xf32>
      %swap3A_1140 = arith.index_cast %add3A_1131 : i32 to index
      %swap3A_1141 = arith.constant 0 : index
      %swap3A_1142 = tpu.vector_load %arg8[%swap3A_1140, %swap3A_1141] {strides = array<i32>} : memref<512x64xf32, #tpu.memory_space<vmem>>, vector<1x16xf32>,
      %swap3A_1143 = vector.shape_cast %swap3A_1142 : vector<1x16xf32> to vector<16xf32>
      %swap3A_1144 = vector.shape_cast %get3A_1139 : vector<16xf32> to vector<1x16xf32>
      tpu.vector_store %arg8[%swap3A_1140, %swap3A_1141], %swap3A_1144 {strides = array<i32>} : memref<512x64xf32, #tpu.memory_space<vmem>>, vector<1x16xf32>,
      %add3A_1145 = arith.constant 16 : i32
      %add3A_1146 = arith.addi %squeeze3A_1133, %add3A_1145 : i32
      %get3A_1147 = arith.index_cast %add3A_1131 : i32 to index
      %get3A_1148 = arith.index_cast %add3A_1146 : i32 to index
      %get3A_1149 = tpu.vector_load %arg7[%get3A_1147, %get3A_1148] {strides = array<i32>} : memref<512x128xf32, #tpu.memory_space<vmem>>, vector<1x16xf32>,
      %get3A_1150 = vector.shape_cast %get3A_1149 : vector<1x16xf32> to vector<16xf32>
      %swap3A_1151 = arith.index_cast %add3A_1131 : i32 to index
      %swap3A_1152 = arith.constant 16 : index
      %swap3A_1153 = tpu.vector_load %arg8[%swap3A_1151, %swap3A_1152] {strides = array<i32>} : memref<512x64xf32, #tpu.memory_space<vmem>>, vector<1x16xf32>,
      %swap3A_1154 = vector.shape_cast %swap3A_1153 : vector<1x16xf32> to vector<16xf32>
      %swap3A_1155 = vector.shape_cast %get3A_1150 : vector<16xf32> to vector<1x16xf32>
      tpu.vector_store %arg8[%swap3A_1151, %swap3A_1152], %swap3A_1155 {strides = array<i32>} : memref<512x64xf32, #tpu.memory_space<vmem>>, vector<1x16xf32>,
      %add3A_1156 = arith.constant 32 : i32
      %add3A_1157 = arith.addi %squeeze3A_1133, %add3A_1156 : i32
      %get3A_1158 = arith.index_cast %add3A_1131 : i32 to index
      %get3A_1159 = arith.index_cast %add3A_1157 : i32 to index
      %get3A_1160 = tpu.vector_load %arg7[%get3A_1158, %get3A_1159] {strides = array<i32>} : memref<512x128xf32, #tpu.memory_space<vmem>>, vector<1x16xf32>,
      %get3A_1161 = vector.shape_cast %get3A_1160 : vector<1x16xf32> to vector<16xf32>
      %swap3A_1162 = arith.index_cast %add3A_1131 : i32 to index
      %swap3A_1163 = arith.constant 32 : index
      %swap3A_1164 = tpu.vector_load %arg8[%swap3A_1162, %swap3A_1163] {strides = array<i32>} : memref<512x64xf32, #tpu.memory_space<vmem>>, vector<1x16xf32>,
      %swap3A_1165 = vector.shape_cast %swap3A_1164 : vector<1x16xf32> to vector<16xf32>
      %swap3A_1166 = vector.shape_cast %get3A_1161 : vector<16xf32> to vector<1x16xf32>
      tpu.vector_store %arg8[%swap3A_1162, %swap3A_1163], %swap3A_1166 {strides = array<i32>} : memref<512x64xf32, #tpu.memory_space<vmem>>, vector<1x16xf32>,
      %add3A_1167 = arith.constant 48 : i32
      %add3A_1168 = arith.addi %squeeze3A_1133, %add3A_1167 : i32
      %get3A_1169 = arith.index_cast %add3A_1131 : i32 to index
      %get3A_1170 = arith.index_cast %add3A_1168 : i32 to index
      %get3A_1171 = tpu.vector_load %arg7[%get3A_1169, %get3A_1170] {strides = array<i32>} : memref<512x128xf32, #tpu.memory_space<vmem>>, vector<1x16xf32>,
      %get3A_1172 = vector.shape_cast %get3A_1171 : vector<1x16xf32> to vector<16xf32>
      %swap3A_1173 = arith.index_cast %add3A_1131 : i32 to index
      %swap3A_1174 = arith.constant 48 : index
      %swap3A_1175 = tpu.vector_load %arg8[%swap3A_1173, %swap3A_1174] {strides = array<i32>} : memref<512x64xf32, #tpu.memory_space<vmem>>, vector<1x16xf32>,
      %swap3A_1176 = vector.shape_cast %swap3A_1175 : vector<1x16xf32> to vector<16xf32>
      %swap3A_1177 = vector.shape_cast %get3A_1172 : vector<16xf32> to vector<1x16xf32>
      tpu.vector_store %arg8[%swap3A_1173, %swap3A_1174], %swap3A_1177 {strides = array<i32>} : memref<512x64xf32, #tpu.memory_space<vmem>>, vector<1x16xf32>,
      %mul3A_1178 = arith.constant 16 : i32
      %mul3A_1179 = arith.muli %add3A_715, %mul3A_1178 : i32
      %add3A_1180 = arith.constant 9 : i32
      %add3A_1181 = arith.addi %mul3A_1179, %add3A_1180 : i32
      %slice3A_1182 = vector.extract_strided_slice %mul3A_729 {offsets = [9], sizes = [1], strides = [1]} : vector<16xi32> to vector<1xi32>
      %squeeze3A_1183 = vector.extract %slice3A_1182[0] : i32 from vector<1xi32>
      %add3A_1184 = arith.constant 0 : i32
      %add3A_1185 = arith.addi %squeeze3A_1183, %add3A_1184 : i32
      %get3A_1186 = arith.index_cast %add3A_1181 : i32 to index
      %get3A_1187 = arith.index_cast %add3A_1185 : i32 to index
      %get3A_1188 = tpu.vector_load %arg7[%get3A_1186, %get3A_1187] {strides = array<i32>} : memref<512x128xf32, #tpu.memory_space<vmem>>, vector<1x16xf32>,
      %get3A_1189 = vector.shape_cast %get3A_1188 : vector<1x16xf32> to vector<16xf32>
      %swap3A_1190 = arith.index_cast %add3A_1181 : i32 to index
      %swap3A_1191 = arith.constant 0 : index
      %swap3A_1192 = tpu.vector_load %arg8[%swap3A_1190, %swap3A_1191] {strides = array<i32>} : memref<512x64xf32, #tpu.memory_space<vmem>>, vector<1x16xf32>,
      %swap3A_1193 = vector.shape_cast %swap3A_1192 : vector<1x16xf32> to vector<16xf32>
      %swap3A_1194 = vector.shape_cast %get3A_1189 : vector<16xf32> to vector<1x16xf32>
      tpu.vector_store %arg8[%swap3A_1190, %swap3A_1191], %swap3A_1194 {strides = array<i32>} : memref<512x64xf32, #tpu.memory_space<vmem>>, vector<1x16xf32>,
      %add3A_1195 = arith.constant 16 : i32
      %add3A_1196 = arith.addi %squeeze3A_1183, %add3A_1195 : i32
      %get3A_1197 = arith.index_cast %add3A_1181 : i32 to index
      %get3A_1198 = arith.index_cast %add3A_1196 : i32 to index
      %get3A_1199 = tpu.vector_load %arg7[%get3A_1197, %get3A_1198] {strides = array<i32>} : memref<512x128xf32, #tpu.memory_space<vmem>>, vector<1x16xf32>,
      %get3A_1200 = vector.shape_cast %get3A_1199 : vector<1x16xf32> to vector<16xf32>
      %swap3A_1201 = arith.index_cast %add3A_1181 : i32 to index
      %swap3A_1202 = arith.constant 16 : index
      %swap3A_1203 = tpu.vector_load %arg8[%swap3A_1201, %swap3A_1202] {strides = array<i32>} : memref<512x64xf32, #tpu.memory_space<vmem>>, vector<1x16xf32>,
      %swap3A_1204 = vector.shape_cast %swap3A_1203 : vector<1x16xf32> to vector<16xf32>
      %swap3A_1205 = vector.shape_cast %get3A_1200 : vector<16xf32> to vector<1x16xf32>
      tpu.vector_store %arg8[%swap3A_1201, %swap3A_1202], %swap3A_1205 {strides = array<i32>} : memref<512x64xf32, #tpu.memory_space<vmem>>, vector<1x16xf32>,
      %add3A_1206 = arith.constant 32 : i32
      %add3A_1207 = arith.addi %squeeze3A_1183, %add3A_1206 : i32
      %get3A_1208 = arith.index_cast %add3A_1181 : i32 to index
      %get3A_1209 = arith.index_cast %add3A_1207 : i32 to index
      %get3A_1210 = tpu.vector_load %arg7[%get3A_1208, %get3A_1209] {strides = array<i32>} : memref<512x128xf32, #tpu.memory_space<vmem>>, vector<1x16xf32>,
      %get3A_1211 = vector.shape_cast %get3A_1210 : vector<1x16xf32> to vector<16xf32>
      %swap3A_1212 = arith.index_cast %add3A_1181 : i32 to index
      %swap3A_1213 = arith.constant 32 : index
      %swap3A_1214 = tpu.vector_load %arg8[%swap3A_1212, %swap3A_1213] {strides = array<i32>} : memref<512x64xf32, #tpu.memory_space<vmem>>, vector<1x16xf32>,
      %swap3A_1215 = vector.shape_cast %swap3A_1214 : vector<1x16xf32> to vector<16xf32>
      %swap3A_1216 = vector.shape_cast %get3A_1211 : vector<16xf32> to vector<1x16xf32>
      tpu.vector_store %arg8[%swap3A_1212, %swap3A_1213], %swap3A_1216 {strides = array<i32>} : memref<512x64xf32, #tpu.memory_space<vmem>>, vector<1x16xf32>,
      %add3A_1217 = arith.constant 48 : i32
      %add3A_1218 = arith.addi %squeeze3A_1183, %add3A_1217 : i32
      %get3A_1219 = arith.index_cast %add3A_1181 : i32 to index
      %get3A_1220 = arith.index_cast %add3A_1218 : i32 to index
      %get3A_1221 = tpu.vector_load %arg7[%get3A_1219, %get3A_1220] {strides = array<i32>} : memref<512x128xf32, #tpu.memory_space<vmem>>, vector<1x16xf32>,
      %get3A_1222 = vector.shape_cast %get3A_1221 : vector<1x16xf32> to vector<16xf32>
      %swap3A_1223 = arith.index_cast %add3A_1181 : i32 to index
      %swap3A_1224 = arith.constant 48 : index
      %swap3A_1225 = tpu.vector_load %arg8[%swap3A_1223, %swap3A_1224] {strides = array<i32>} : memref<512x64xf32, #tpu.memory_space<vmem>>, vector<1x16xf32>,
      %swap3A_1226 = vector.shape_cast %swap3A_1225 : vector<1x16xf32> to vector<16xf32>
      %swap3A_1227 = vector.shape_cast %get3A_1222 : vector<16xf32> to vector<1x16xf32>
      tpu.vector_store %arg8[%swap3A_1223, %swap3A_1224], %swap3A_1227 {strides = array<i32>} : memref<512x64xf32, #tpu.memory_space<vmem>>, vector<1x16xf32>,
      %mul3A_1228 = arith.constant 16 : i32
      %mul3A_1229 = arith.muli %add3A_715, %mul3A_1228 : i32
      %add3A_1230 = arith.constant 10 : i32
      %add3A_1231 = arith.addi %mul3A_1229, %add3A_1230 : i32
      %slice3A_1232 = vector.extract_strided_slice %mul3A_729 {offsets = [10], sizes = [1], strides = [1]} : vector<16xi32> to vector<1xi32>
      %squeeze3A_1233 = vector.extract %slice3A_1232[0] : i32 from vector<1xi32>
      %add3A_1234 = arith.constant 0 : i32
      %add3A_1235 = arith.addi %squeeze3A_1233, %add3A_1234 : i32
      %get3A_1236 = arith.index_cast %add3A_1231 : i32 to index
      %get3A_1237 = arith.index_cast %add3A_1235 : i32 to index
      %get3A_1238 = tpu.vector_load %arg7[%get3A_1236, %get3A_1237] {strides = array<i32>} : memref<512x128xf32, #tpu.memory_space<vmem>>, vector<1x16xf32>,
      %get3A_1239 = vector.shape_cast %get3A_1238 : vector<1x16xf32> to vector<16xf32>
      %swap3A_1240 = arith.index_cast %add3A_1231 : i32 to index
      %swap3A_1241 = arith.constant 0 : index
      %swap3A_1242 = tpu.vector_load %arg8[%swap3A_1240, %swap3A_1241] {strides = array<i32>} : memref<512x64xf32, #tpu.memory_space<vmem>>, vector<1x16xf32>,
      %swap3A_1243 = vector.shape_cast %swap3A_1242 : vector<1x16xf32> to vector<16xf32>
      %swap3A_1244 = vector.shape_cast %get3A_1239 : vector<16xf32> to vector<1x16xf32>
      tpu.vector_store %arg8[%swap3A_1240, %swap3A_1241], %swap3A_1244 {strides = array<i32>} : memref<512x64xf32, #tpu.memory_space<vmem>>, vector<1x16xf32>,
      %add3A_1245 = arith.constant 16 : i32
      %add3A_1246 = arith.addi %squeeze3A_1233, %add3A_1245 : i32
      %get3A_1247 = arith.index_cast %add3A_1231 : i32 to index
      %get3A_1248 = arith.index_cast %add3A_1246 : i32 to index
      %get3A_1249 = tpu.vector_load %arg7[%get3A_1247, %get3A_1248] {strides = array<i32>} : memref<512x128xf32, #tpu.memory_space<vmem>>, vector<1x16xf32>,
      %get3A_1250 = vector.shape_cast %get3A_1249 : vector<1x16xf32> to vector<16xf32>
      %swap3A_1251 = arith.index_cast %add3A_1231 : i32 to index
      %swap3A_1252 = arith.constant 16 : index
      %swap3A_1253 = tpu.vector_load %arg8[%swap3A_1251, %swap3A_1252] {strides = array<i32>} : memref<512x64xf32, #tpu.memory_space<vmem>>, vector<1x16xf32>,
      %swap3A_1254 = vector.shape_cast %swap3A_1253 : vector<1x16xf32> to vector<16xf32>
      %swap3A_1255 = vector.shape_cast %get3A_1250 : vector<16xf32> to vector<1x16xf32>
      tpu.vector_store %arg8[%swap3A_1251, %swap3A_1252], %swap3A_1255 {strides = array<i32>} : memref<512x64xf32, #tpu.memory_space<vmem>>, vector<1x16xf32>,
      %add3A_1256 = arith.constant 32 : i32
      %add3A_1257 = arith.addi %squeeze3A_1233, %add3A_1256 : i32
      %get3A_1258 = arith.index_cast %add3A_1231 : i32 to index
      %get3A_1259 = arith.index_cast %add3A_1257 : i32 to index
      %get3A_1260 = tpu.vector_load %arg7[%get3A_1258, %get3A_1259] {strides = array<i32>} : memref<512x128xf32, #tpu.memory_space<vmem>>, vector<1x16xf32>,
      %get3A_1261 = vector.shape_cast %get3A_1260 : vector<1x16xf32> to vector<16xf32>
      %swap3A_1262 = arith.index_cast %add3A_1231 : i32 to index
      %swap3A_1263 = arith.constant 32 : index
      %swap3A_1264 = tpu.vector_load %arg8[%swap3A_1262, %swap3A_1263] {strides = array<i32>} : memref<512x64xf32, #tpu.memory_space<vmem>>, vector<1x16xf32>,
      %swap3A_1265 = vector.shape_cast %swap3A_1264 : vector<1x16xf32> to vector<16xf32>
      %swap3A_1266 = vector.shape_cast %get3A_1261 : vector<16xf32> to vector<1x16xf32>
      tpu.vector_store %arg8[%swap3A_1262, %swap3A_1263], %swap3A_1266 {strides = array<i32>} : memref<512x64xf32, #tpu.memory_space<vmem>>, vector<1x16xf32>,
      %add3A_1267 = arith.constant 48 : i32
      %add3A_1268 = arith.addi %squeeze3A_1233, %add3A_1267 : i32
      %get3A_1269 = arith.index_cast %add3A_1231 : i32 to index
      %get3A_1270 = arith.index_cast %add3A_1268 : i32 to index
      %get3A_1271 = tpu.vector_load %arg7[%get3A_1269, %get3A_1270] {strides = array<i32>} : memref<512x128xf32, #tpu.memory_space<vmem>>, vector<1x16xf32>,
      %get3A_1272 = vector.shape_cast %get3A_1271 : vector<1x16xf32> to vector<16xf32>
      %swap3A_1273 = arith.index_cast %add3A_1231 : i32 to index
      %swap3A_1274 = arith.constant 48 : index
      %swap3A_1275 = tpu.vector_load %arg8[%swap3A_1273, %swap3A_1274] {strides = array<i32>} : memref<512x64xf32, #tpu.memory_space<vmem>>, vector<1x16xf32>,
      %swap3A_1276 = vector.shape_cast %swap3A_1275 : vector<1x16xf32> to vector<16xf32>
      %swap3A_1277 = vector.shape_cast %get3A_1272 : vector<16xf32> to vector<1x16xf32>
      tpu.vector_store %arg8[%swap3A_1273, %swap3A_1274], %swap3A_1277 {strides = array<i32>} : memref<512x64xf32, #tpu.memory_space<vmem>>, vector<1x16xf32>,
      %mul3A_1278 = arith.constant 16 : i32
      %mul3A_1279 = arith.muli %add3A_715, %mul3A_1278 : i32
      %add3A_1280 = arith.constant 11 : i32
      %add3A_1281 = arith.addi %mul3A_1279, %add3A_1280 : i32
      %slice3A_1282 = vector.extract_strided_slice %mul3A_729 {offsets = [11], sizes = [1], strides = [1]} : vector<16xi32> to vector<1xi32>
      %squeeze3A_1283 = vector.extract %slice3A_1282[0] : i32 from vector<1xi32>
      %add3A_1284 = arith.constant 0 : i32
      %add3A_1285 = arith.addi %squeeze3A_1283, %add3A_1284 : i32
      %get3A_1286 = arith.index_cast %add3A_1281 : i32 to index
      %get3A_1287 = arith.index_cast %add3A_1285 : i32 to index
      %get3A_1288 = tpu.vector_load %arg7[%get3A_1286, %get3A_1287] {strides = array<i32>} : memref<512x128xf32, #tpu.memory_space<vmem>>, vector<1x16xf32>,
      %get3A_1289 = vector.shape_cast %get3A_1288 : vector<1x16xf32> to vector<16xf32>
      %swap3A_1290 = arith.index_cast %add3A_1281 : i32 to index
      %swap3A_1291 = arith.constant 0 : index
      %swap3A_1292 = tpu.vector_load %arg8[%swap3A_1290, %swap3A_1291] {strides = array<i32>} : memref<512x64xf32, #tpu.memory_space<vmem>>, vector<1x16xf32>,
      %swap3A_1293 = vector.shape_cast %swap3A_1292 : vector<1x16xf32> to vector<16xf32>
      %swap3A_1294 = vector.shape_cast %get3A_1289 : vector<16xf32> to vector<1x16xf32>
      tpu.vector_store %arg8[%swap3A_1290, %swap3A_1291], %swap3A_1294 {strides = array<i32>} : memref<512x64xf32, #tpu.memory_space<vmem>>, vector<1x16xf32>,
      %add3A_1295 = arith.constant 16 : i32
      %add3A_1296 = arith.addi %squeeze3A_1283, %add3A_1295 : i32
      %get3A_1297 = arith.index_cast %add3A_1281 : i32 to index
      %get3A_1298 = arith.index_cast %add3A_1296 : i32 to index
      %get3A_1299 = tpu.vector_load %arg7[%get3A_1297, %get3A_1298] {strides = array<i32>} : memref<512x128xf32, #tpu.memory_space<vmem>>, vector<1x16xf32>,
      %get3A_1300 = vector.shape_cast %get3A_1299 : vector<1x16xf32> to vector<16xf32>
      %swap3A_1301 = arith.index_cast %add3A_1281 : i32 to index
      %swap3A_1302 = arith.constant 16 : index
      %swap3A_1303 = tpu.vector_load %arg8[%swap3A_1301, %swap3A_1302] {strides = array<i32>} : memref<512x64xf32, #tpu.memory_space<vmem>>, vector<1x16xf32>,
      %swap3A_1304 = vector.shape_cast %swap3A_1303 : vector<1x16xf32> to vector<16xf32>
      %swap3A_1305 = vector.shape_cast %get3A_1300 : vector<16xf32> to vector<1x16xf32>
      tpu.vector_store %arg8[%swap3A_1301, %swap3A_1302], %swap3A_1305 {strides = array<i32>} : memref<512x64xf32, #tpu.memory_space<vmem>>, vector<1x16xf32>,
      %add3A_1306 = arith.constant 32 : i32
      %add3A_1307 = arith.addi %squeeze3A_1283, %add3A_1306 : i32
      %get3A_1308 = arith.index_cast %add3A_1281 : i32 to index
      %get3A_1309 = arith.index_cast %add3A_1307 : i32 to index
      %get3A_1310 = tpu.vector_load %arg7[%get3A_1308, %get3A_1309] {strides = array<i32>} : memref<512x128xf32, #tpu.memory_space<vmem>>, vector<1x16xf32>,
      %get3A_1311 = vector.shape_cast %get3A_1310 : vector<1x16xf32> to vector<16xf32>
      %swap3A_1312 = arith.index_cast %add3A_1281 : i32 to index
      %swap3A_1313 = arith.constant 32 : index
      %swap3A_1314 = tpu.vector_load %arg8[%swap3A_1312, %swap3A_1313] {strides = array<i32>} : memref<512x64xf32, #tpu.memory_space<vmem>>, vector<1x16xf32>,
      %swap3A_1315 = vector.shape_cast %swap3A_1314 : vector<1x16xf32> to vector<16xf32>
      %swap3A_1316 = vector.shape_cast %get3A_1311 : vector<16xf32> to vector<1x16xf32>
      tpu.vector_store %arg8[%swap3A_1312, %swap3A_1313], %swap3A_1316 {strides = array<i32>} : memref<512x64xf32, #tpu.memory_space<vmem>>, vector<1x16xf32>,
      %add3A_1317 = arith.constant 48 : i32
      %add3A_1318 = arith.addi %squeeze3A_1283, %add3A_1317 : i32
      %get3A_1319 = arith.index_cast %add3A_1281 : i32 to index
      %get3A_1320 = arith.index_cast %add3A_1318 : i32 to index
      %get3A_1321 = tpu.vector_load %arg7[%get3A_1319, %get3A_1320] {strides = array<i32>} : memref<512x128xf32, #tpu.memory_space<vmem>>, vector<1x16xf32>,
      %get3A_1322 = vector.shape_cast %get3A_1321 : vector<1x16xf32> to vector<16xf32>
      %swap3A_1323 = arith.index_cast %add3A_1281 : i32 to index
      %swap3A_1324 = arith.constant 48 : index
      %swap3A_1325 = tpu.vector_load %arg8[%swap3A_1323, %swap3A_1324] {strides = array<i32>} : memref<512x64xf32, #tpu.memory_space<vmem>>, vector<1x16xf32>,
      %swap3A_1326 = vector.shape_cast %swap3A_1325 : vector<1x16xf32> to vector<16xf32>
      %swap3A_1327 = vector.shape_cast %get3A_1322 : vector<16xf32> to vector<1x16xf32>
      tpu.vector_store %arg8[%swap3A_1323, %swap3A_1324], %swap3A_1327 {strides = array<i32>} : memref<512x64xf32, #tpu.memory_space<vmem>>, vector<1x16xf32>,
      %mul3A_1328 = arith.constant 16 : i32
      %mul3A_1329 = arith.muli %add3A_715, %mul3A_1328 : i32
      %add3A_1330 = arith.constant 12 : i32
      %add3A_1331 = arith.addi %mul3A_1329, %add3A_1330 : i32
      %slice3A_1332 = vector.extract_strided_slice %mul3A_729 {offsets = [12], sizes = [1], strides = [1]} : vector<16xi32> to vector<1xi32>
      %squeeze3A_1333 = vector.extract %slice3A_1332[0] : i32 from vector<1xi32>
      %add3A_1334 = arith.constant 0 : i32
      %add3A_1335 = arith.addi %squeeze3A_1333, %add3A_1334 : i32
      %get3A_1336 = arith.index_cast %add3A_1331 : i32 to index
      %get3A_1337 = arith.index_cast %add3A_1335 : i32 to index
      %get3A_1338 = tpu.vector_load %arg7[%get3A_1336, %get3A_1337] {strides = array<i32>} : memref<512x128xf32, #tpu.memory_space<vmem>>, vector<1x16xf32>,
      %get3A_1339 = vector.shape_cast %get3A_1338 : vector<1x16xf32> to vector<16xf32>
      %swap3A_1340 = arith.index_cast %add3A_1331 : i32 to index
      %swap3A_1341 = arith.constant 0 : index
      %swap3A_1342 = tpu.vector_load %arg8[%swap3A_1340, %swap3A_1341] {strides = array<i32>} : memref<512x64xf32, #tpu.memory_space<vmem>>, vector<1x16xf32>,
      %swap3A_1343 = vector.shape_cast %swap3A_1342 : vector<1x16xf32> to vector<16xf32>
      %swap3A_1344 = vector.shape_cast %get3A_1339 : vector<16xf32> to vector<1x16xf32>
      tpu.vector_store %arg8[%swap3A_1340, %swap3A_1341], %swap3A_1344 {strides = array<i32>} : memref<512x64xf32, #tpu.memory_space<vmem>>, vector<1x16xf32>,
      %add3A_1345 = arith.constant 16 : i32
      %add3A_1346 = arith.addi %squeeze3A_1333, %add3A_1345 : i32
      %get3A_1347 = arith.index_cast %add3A_1331 : i32 to index
      %get3A_1348 = arith.index_cast %add3A_1346 : i32 to index
      %get3A_1349 = tpu.vector_load %arg7[%get3A_1347, %get3A_1348] {strides = array<i32>} : memref<512x128xf32, #tpu.memory_space<vmem>>, vector<1x16xf32>,
      %get3A_1350 = vector.shape_cast %get3A_1349 : vector<1x16xf32> to vector<16xf32>
      %swap3A_1351 = arith.index_cast %add3A_1331 : i32 to index
      %swap3A_1352 = arith.constant 16 : index
      %swap3A_1353 = tpu.vector_load %arg8[%swap3A_1351, %swap3A_1352] {strides = array<i32>} : memref<512x64xf32, #tpu.memory_space<vmem>>, vector<1x16xf32>,
      %swap3A_1354 = vector.shape_cast %swap3A_1353 : vector<1x16xf32> to vector<16xf32>
      %swap3A_1355 = vector.shape_cast %get3A_1350 : vector<16xf32> to vector<1x16xf32>
      tpu.vector_store %arg8[%swap3A_1351, %swap3A_1352], %swap3A_1355 {strides = array<i32>} : memref<512x64xf32, #tpu.memory_space<vmem>>, vector<1x16xf32>,
      %add3A_1356 = arith.constant 32 : i32
      %add3A_1357 = arith.addi %squeeze3A_1333, %add3A_1356 : i32
      %get3A_1358 = arith.index_cast %add3A_1331 : i32 to index
      %get3A_1359 = arith.index_cast %add3A_1357 : i32 to index
      %get3A_1360 = tpu.vector_load %arg7[%get3A_1358, %get3A_1359] {strides = array<i32>} : memref<512x128xf32, #tpu.memory_space<vmem>>, vector<1x16xf32>,
      %get3A_1361 = vector.shape_cast %get3A_1360 : vector<1x16xf32> to vector<16xf32>
      %swap3A_1362 = arith.index_cast %add3A_1331 : i32 to index
      %swap3A_1363 = arith.constant 32 : index
      %swap3A_1364 = tpu.vector_load %arg8[%swap3A_1362, %swap3A_1363] {strides = array<i32>} : memref<512x64xf32, #tpu.memory_space<vmem>>, vector<1x16xf32>,
      %swap3A_1365 = vector.shape_cast %swap3A_1364 : vector<1x16xf32> to vector<16xf32>
      %swap3A_1366 = vector.shape_cast %get3A_1361 : vector<16xf32> to vector<1x16xf32>
      tpu.vector_store %arg8[%swap3A_1362, %swap3A_1363], %swap3A_1366 {strides = array<i32>} : memref<512x64xf32, #tpu.memory_space<vmem>>, vector<1x16xf32>,
      %add3A_1367 = arith.constant 48 : i32
      %add3A_1368 = arith.addi %squeeze3A_1333, %add3A_1367 : i32
      %get3A_1369 = arith.index_cast %add3A_1331 : i32 to index
      %get3A_1370 = arith.index_cast %add3A_1368 : i32 to index
      %get3A_1371 = tpu.vector_load %arg7[%get3A_1369, %get3A_1370] {strides = array<i32>} : memref<512x128xf32, #tpu.memory_space<vmem>>, vector<1x16xf32>,
      %get3A_1372 = vector.shape_cast %get3A_1371 : vector<1x16xf32> to vector<16xf32>
      %swap3A_1373 = arith.index_cast %add3A_1331 : i32 to index
      %swap3A_1374 = arith.constant 48 : index
      %swap3A_1375 = tpu.vector_load %arg8[%swap3A_1373, %swap3A_1374] {strides = array<i32>} : memref<512x64xf32, #tpu.memory_space<vmem>>, vector<1x16xf32>,
      %swap3A_1376 = vector.shape_cast %swap3A_1375 : vector<1x16xf32> to vector<16xf32>
      %swap3A_1377 = vector.shape_cast %get3A_1372 : vector<16xf32> to vector<1x16xf32>
      tpu.vector_store %arg8[%swap3A_1373, %swap3A_1374], %swap3A_1377 {strides = array<i32>} : memref<512x64xf32, #tpu.memory_space<vmem>>, vector<1x16xf32>,
      %mul3A_1378 = arith.constant 16 : i32
      %mul3A_1379 = arith.muli %add3A_715, %mul3A_1378 : i32
      %add3A_1380 = arith.constant 13 : i32
      %add3A_1381 = arith.addi %mul3A_1379, %add3A_1380 : i32
      %slice3A_1382 = vector.extract_strided_slice %mul3A_729 {offsets = [13], sizes = [1], strides = [1]} : vector<16xi32> to vector<1xi32>
      %squeeze3A_1383 = vector.extract %slice3A_1382[0] : i32 from vector<1xi32>
      %add3A_1384 = arith.constant 0 : i32
      %add3A_1385 = arith.addi %squeeze3A_1383, %add3A_1384 : i32
      %get3A_1386 = arith.index_cast %add3A_1381 : i32 to index
      %get3A_1387 = arith.index_cast %add3A_1385 : i32 to index
      %get3A_1388 = tpu.vector_load %arg7[%get3A_1386, %get3A_1387] {strides = array<i32>} : memref<512x128xf32, #tpu.memory_space<vmem>>, vector<1x16xf32>,
      %get3A_1389 = vector.shape_cast %get3A_1388 : vector<1x16xf32> to vector<16xf32>
      %swap3A_1390 = arith.index_cast %add3A_1381 : i32 to index
      %swap3A_1391 = arith.constant 0 : index
      %swap3A_1392 = tpu.vector_load %arg8[%swap3A_1390, %swap3A_1391] {strides = array<i32>} : memref<512x64xf32, #tpu.memory_space<vmem>>, vector<1x16xf32>,
      %swap3A_1393 = vector.shape_cast %swap3A_1392 : vector<1x16xf32> to vector<16xf32>
      %swap3A_1394 = vector.shape_cast %get3A_1389 : vector<16xf32> to vector<1x16xf32>
      tpu.vector_store %arg8[%swap3A_1390, %swap3A_1391], %swap3A_1394 {strides = array<i32>} : memref<512x64xf32, #tpu.memory_space<vmem>>, vector<1x16xf32>,
      %add3A_1395 = arith.constant 16 : i32
      %add3A_1396 = arith.addi %squeeze3A_1383, %add3A_1395 : i32
      %get3A_1397 = arith.index_cast %add3A_1381 : i32 to index
      %get3A_1398 = arith.index_cast %add3A_1396 : i32 to index
      %get3A_1399 = tpu.vector_load %arg7[%get3A_1397, %get3A_1398] {strides = array<i32>} : memref<512x128xf32, #tpu.memory_space<vmem>>, vector<1x16xf32>,
      %get3A_1400 = vector.shape_cast %get3A_1399 : vector<1x16xf32> to vector<16xf32>
      %swap3A_1401 = arith.index_cast %add3A_1381 : i32 to index
      %swap3A_1402 = arith.constant 16 : index
      %swap3A_1403 = tpu.vector_load %arg8[%swap3A_1401, %swap3A_1402] {strides = array<i32>} : memref<512x64xf32, #tpu.memory_space<vmem>>, vector<1x16xf32>,
      %swap3A_1404 = vector.shape_cast %swap3A_1403 : vector<1x16xf32> to vector<16xf32>
      %swap3A_1405 = vector.shape_cast %get3A_1400 : vector<16xf32> to vector<1x16xf32>
      tpu.vector_store %arg8[%swap3A_1401, %swap3A_1402], %swap3A_1405 {strides = array<i32>} : memref<512x64xf32, #tpu.memory_space<vmem>>, vector<1x16xf32>,
      %add3A_1406 = arith.constant 32 : i32
      %add3A_1407 = arith.addi %squeeze3A_1383, %add3A_1406 : i32
      %get3A_1408 = arith.index_cast %add3A_1381 : i32 to index
      %get3A_1409 = arith.index_cast %add3A_1407 : i32 to index
      %get3A_1410 = tpu.vector_load %arg7[%get3A_1408, %get3A_1409] {strides = array<i32>} : memref<512x128xf32, #tpu.memory_space<vmem>>, vector<1x16xf32>,
      %get3A_1411 = vector.shape_cast %get3A_1410 : vector<1x16xf32> to vector<16xf32>
      %swap3A_1412 = arith.index_cast %add3A_1381 : i32 to index
      %swap3A_1413 = arith.constant 32 : index
      %swap3A_1414 = tpu.vector_load %arg8[%swap3A_1412, %swap3A_1413] {strides = array<i32>} : memref<512x64xf32, #tpu.memory_space<vmem>>, vector<1x16xf32>,
      %swap3A_1415 = vector.shape_cast %swap3A_1414 : vector<1x16xf32> to vector<16xf32>
      %swap3A_1416 = vector.shape_cast %get3A_1411 : vector<16xf32> to vector<1x16xf32>
      tpu.vector_store %arg8[%swap3A_1412, %swap3A_1413], %swap3A_1416 {strides = array<i32>} : memref<512x64xf32, #tpu.memory_space<vmem>>, vector<1x16xf32>,
      %add3A_1417 = arith.constant 48 : i32
      %add3A_1418 = arith.addi %squeeze3A_1383, %add3A_1417 : i32
      %get3A_1419 = arith.index_cast %add3A_1381 : i32 to index
      %get3A_1420 = arith.index_cast %add3A_1418 : i32 to index
      %get3A_1421 = tpu.vector_load %arg7[%get3A_1419, %get3A_1420] {strides = array<i32>} : memref<512x128xf32, #tpu.memory_space<vmem>>, vector<1x16xf32>,
      %get3A_1422 = vector.shape_cast %get3A_1421 : vector<1x16xf32> to vector<16xf32>
      %swap3A_1423 = arith.index_cast %add3A_1381 : i32 to index
      %swap3A_1424 = arith.constant 48 : index
      %swap3A_1425 = tpu.vector_load %arg8[%swap3A_1423, %swap3A_1424] {strides = array<i32>} : memref<512x64xf32, #tpu.memory_space<vmem>>, vector<1x16xf32>,
      %swap3A_1426 = vector.shape_cast %swap3A_1425 : vector<1x16xf32> to vector<16xf32>
      %swap3A_1427 = vector.shape_cast %get3A_1422 : vector<16xf32> to vector<1x16xf32>
      tpu.vector_store %arg8[%swap3A_1423, %swap3A_1424], %swap3A_1427 {strides = array<i32>} : memref<512x64xf32, #tpu.memory_space<vmem>>, vector<1x16xf32>,
      %mul3A_1428 = arith.constant 16 : i32
      %mul3A_1429 = arith.muli %add3A_715, %mul3A_1428 : i32
      %add3A_1430 = arith.constant 14 : i32
      %add3A_1431 = arith.addi %mul3A_1429, %add3A_1430 : i32
      %slice3A_1432 = vector.extract_strided_slice %mul3A_729 {offsets = [14], sizes = [1], strides = [1]} : vector<16xi32> to vector<1xi32>
      %squeeze3A_1433 = vector.extract %slice3A_1432[0] : i32 from vector<1xi32>
      %add3A_1434 = arith.constant 0 : i32
      %add3A_1435 = arith.addi %squeeze3A_1433, %add3A_1434 : i32
      %get3A_1436 = arith.index_cast %add3A_1431 : i32 to index
      %get3A_1437 = arith.index_cast %add3A_1435 : i32 to index
      %get3A_1438 = tpu.vector_load %arg7[%get3A_1436, %get3A_1437] {strides = array<i32>} : memref<512x128xf32, #tpu.memory_space<vmem>>, vector<1x16xf32>,
      %get3A_1439 = vector.shape_cast %get3A_1438 : vector<1x16xf32> to vector<16xf32>
      %swap3A_1440 = arith.index_cast %add3A_1431 : i32 to index
      %swap3A_1441 = arith.constant 0 : index
      %swap3A_1442 = tpu.vector_load %arg8[%swap3A_1440, %swap3A_1441] {strides = array<i32>} : memref<512x64xf32, #tpu.memory_space<vmem>>, vector<1x16xf32>,
      %swap3A_1443 = vector.shape_cast %swap3A_1442 : vector<1x16xf32> to vector<16xf32>
      %swap3A_1444 = vector.shape_cast %get3A_1439 : vector<16xf32> to vector<1x16xf32>
      tpu.vector_store %arg8[%swap3A_1440, %swap3A_1441], %swap3A_1444 {strides = array<i32>} : memref<512x64xf32, #tpu.memory_space<vmem>>, vector<1x16xf32>,
      %add3A_1445 = arith.constant 16 : i32
      %add3A_1446 = arith.addi %squeeze3A_1433, %add3A_1445 : i32
      %get3A_1447 = arith.index_cast %add3A_1431 : i32 to index
      %get3A_1448 = arith.index_cast %add3A_1446 : i32 to index
      %get3A_1449 = tpu.vector_load %arg7[%get3A_1447, %get3A_1448] {strides = array<i32>} : memref<512x128xf32, #tpu.memory_space<vmem>>, vector<1x16xf32>,
      %get3A_1450 = vector.shape_cast %get3A_1449 : vector<1x16xf32> to vector<16xf32>
      %swap3A_1451 = arith.index_cast %add3A_1431 : i32 to index
      %swap3A_1452 = arith.constant 16 : index
      %swap3A_1453 = tpu.vector_load %arg8[%swap3A_1451, %swap3A_1452] {strides = array<i32>} : memref<512x64xf32, #tpu.memory_space<vmem>>, vector<1x16xf32>,
      %swap3A_1454 = vector.shape_cast %swap3A_1453 : vector<1x16xf32> to vector<16xf32>
      %swap3A_1455 = vector.shape_cast %get3A_1450 : vector<16xf32> to vector<1x16xf32>
      tpu.vector_store %arg8[%swap3A_1451, %swap3A_1452], %swap3A_1455 {strides = array<i32>} : memref<512x64xf32, #tpu.memory_space<vmem>>, vector<1x16xf32>,
      %add3A_1456 = arith.constant 32 : i32
      %add3A_1457 = arith.addi %squeeze3A_1433, %add3A_1456 : i32
      %get3A_1458 = arith.index_cast %add3A_1431 : i32 to index
      %get3A_1459 = arith.index_cast %add3A_1457 : i32 to index
      %get3A_1460 = tpu.vector_load %arg7[%get3A_1458, %get3A_1459] {strides = array<i32>} : memref<512x128xf32, #tpu.memory_space<vmem>>, vector<1x16xf32>,
      %get3A_1461 = vector.shape_cast %get3A_1460 : vector<1x16xf32> to vector<16xf32>
      %swap3A_1462 = arith.index_cast %add3A_1431 : i32 to index
      %swap3A_1463 = arith.constant 32 : index
      %swap3A_1464 = tpu.vector_load %arg8[%swap3A_1462, %swap3A_1463] {strides = array<i32>} : memref<512x64xf32, #tpu.memory_space<vmem>>, vector<1x16xf32>,
      %swap3A_1465 = vector.shape_cast %swap3A_1464 : vector<1x16xf32> to vector<16xf32>
      %swap3A_1466 = vector.shape_cast %get3A_1461 : vector<16xf32> to vector<1x16xf32>
      tpu.vector_store %arg8[%swap3A_1462, %swap3A_1463], %swap3A_1466 {strides = array<i32>} : memref<512x64xf32, #tpu.memory_space<vmem>>, vector<1x16xf32>,
      %add3A_1467 = arith.constant 48 : i32
      %add3A_1468 = arith.addi %squeeze3A_1433, %add3A_1467 : i32
      %get3A_1469 = arith.index_cast %add3A_1431 : i32 to index
      %get3A_1470 = arith.index_cast %add3A_1468 : i32 to index
      %get3A_1471 = tpu.vector_load %arg7[%get3A_1469, %get3A_1470] {strides = array<i32>} : memref<512x128xf32, #tpu.memory_space<vmem>>, vector<1x16xf32>,
      %get3A_1472 = vector.shape_cast %get3A_1471 : vector<1x16xf32> to vector<16xf32>
      %swap3A_1473 = arith.index_cast %add3A_1431 : i32 to index
      %swap3A_1474 = arith.constant 48 : index
      %swap3A_1475 = tpu.vector_load %arg8[%swap3A_1473, %swap3A_1474] {strides = array<i32>} : memref<512x64xf32, #tpu.memory_space<vmem>>, vector<1x16xf32>,
      %swap3A_1476 = vector.shape_cast %swap3A_1475 : vector<1x16xf32> to vector<16xf32>
      %swap3A_1477 = vector.shape_cast %get3A_1472 : vector<16xf32> to vector<1x16xf32>
      tpu.vector_store %arg8[%swap3A_1473, %swap3A_1474], %swap3A_1477 {strides = array<i32>} : memref<512x64xf32, #tpu.memory_space<vmem>>, vector<1x16xf32>,
      %mul3A_1478 = arith.constant 16 : i32
      %mul3A_1479 = arith.muli %add3A_715, %mul3A_1478 : i32
      %add3A_1480 = arith.constant 15 : i32
      %add3A_1481 = arith.addi %mul3A_1479, %add3A_1480 : i32
      %slice3A_1482 = vector.extract_strided_slice %mul3A_729 {offsets = [15], sizes = [1], strides = [1]} : vector<16xi32> to vector<1xi32>
      %squeeze3A_1483 = vector.extract %slice3A_1482[0] : i32 from vector<1xi32>
      %add3A_1484 = arith.constant 0 : i32
      %add3A_1485 = arith.addi %squeeze3A_1483, %add3A_1484 : i32
      %get3A_1486 = arith.index_cast %add3A_1481 : i32 to index
      %get3A_1487 = arith.index_cast %add3A_1485 : i32 to index
      %get3A_1488 = tpu.vector_load %arg7[%get3A_1486, %get3A_1487] {strides = array<i32>} : memref<512x128xf32, #tpu.memory_space<vmem>>, vector<1x16xf32>,
      %get3A_1489 = vector.shape_cast %get3A_1488 : vector<1x16xf32> to vector<16xf32>
      %swap3A_1490 = arith.index_cast %add3A_1481 : i32 to index
      %swap3A_1491 = arith.constant 0 : index
      %swap3A_1492 = tpu.vector_load %arg8[%swap3A_1490, %swap3A_1491] {strides = array<i32>} : memref<512x64xf32, #tpu.memory_space<vmem>>, vector<1x16xf32>,
      %swap3A_1493 = vector.shape_cast %swap3A_1492 : vector<1x16xf32> to vector<16xf32>
      %swap3A_1494 = vector.shape_cast %get3A_1489 : vector<16xf32> to vector<1x16xf32>
      tpu.vector_store %arg8[%swap3A_1490, %swap3A_1491], %swap3A_1494 {strides = array<i32>} : memref<512x64xf32, #tpu.memory_space<vmem>>, vector<1x16xf32>,
      %add3A_1495 = arith.constant 16 : i32
      %add3A_1496 = arith.addi %squeeze3A_1483, %add3A_1495 : i32
      %get3A_1497 = arith.index_cast %add3A_1481 : i32 to index
      %get3A_1498 = arith.index_cast %add3A_1496 : i32 to index
      %get3A_1499 = tpu.vector_load %arg7[%get3A_1497, %get3A_1498] {strides = array<i32>} : memref<512x128xf32, #tpu.memory_space<vmem>>, vector<1x16xf32>,
      %get3A_1500 = vector.shape_cast %get3A_1499 : vector<1x16xf32> to vector<16xf32>
      %swap3A_1501 = arith.index_cast %add3A_1481 : i32 to index
      %swap3A_1502 = arith.constant 16 : index
      %swap3A_1503 = tpu.vector_load %arg8[%swap3A_1501, %swap3A_1502] {strides = array<i32>} : memref<512x64xf32, #tpu.memory_space<vmem>>, vector<1x16xf32>,
      %swap3A_1504 = vector.shape_cast %swap3A_1503 : vector<1x16xf32> to vector<16xf32>
      %swap3A_1505 = vector.shape_cast %get3A_1500 : vector<16xf32> to vector<1x16xf32>
      tpu.vector_store %arg8[%swap3A_1501, %swap3A_1502], %swap3A_1505 {strides = array<i32>} : memref<512x64xf32, #tpu.memory_space<vmem>>, vector<1x16xf32>,
      %add3A_1506 = arith.constant 32 : i32
      %add3A_1507 = arith.addi %squeeze3A_1483, %add3A_1506 : i32
      %get3A_1508 = arith.index_cast %add3A_1481 : i32 to index
      %get3A_1509 = arith.index_cast %add3A_1507 : i32 to index
      %get3A_1510 = tpu.vector_load %arg7[%get3A_1508, %get3A_1509] {strides = array<i32>} : memref<512x128xf32, #tpu.memory_space<vmem>>, vector<1x16xf32>,
      %get3A_1511 = vector.shape_cast %get3A_1510 : vector<1x16xf32> to vector<16xf32>
      %swap3A_1512 = arith.index_cast %add3A_1481 : i32 to index
      %swap3A_1513 = arith.constant 32 : index
      %swap3A_1514 = tpu.vector_load %arg8[%swap3A_1512, %swap3A_1513] {strides = array<i32>} : memref<512x64xf32, #tpu.memory_space<vmem>>, vector<1x16xf32>,
      %swap3A_1515 = vector.shape_cast %swap3A_1514 : vector<1x16xf32> to vector<16xf32>
      %swap3A_1516 = vector.shape_cast %get3A_1511 : vector<16xf32> to vector<1x16xf32>
      tpu.vector_store %arg8[%swap3A_1512, %swap3A_1513], %swap3A_1516 {strides = array<i32>} : memref<512x64xf32, #tpu.memory_space<vmem>>, vector<1x16xf32>,
      %add3A_1517 = arith.constant 48 : i32
      %add3A_1518 = arith.addi %squeeze3A_1483, %add3A_1517 : i32
      %get3A_1519 = arith.index_cast %add3A_1481 : i32 to index
      %get3A_1520 = arith.index_cast %add3A_1518 : i32 to index
      %get3A_1521 = tpu.vector_load %arg7[%get3A_1519, %get3A_1520] {strides = array<i32>} : memref<512x128xf32, #tpu.memory_space<vmem>>, vector<1x16xf32>,
      %get3A_1522 = vector.shape_cast %get3A_1521 : vector<1x16xf32> to vector<16xf32>
      %swap3A_1523 = arith.index_cast %add3A_1481 : i32 to index
      %swap3A_1524 = arith.constant 48 : index
      %swap3A_1525 = tpu.vector_load %arg8[%swap3A_1523, %swap3A_1524] {strides = array<i32>} : memref<512x64xf32, #tpu.memory_space<vmem>>, vector<1x16xf32>,
      %swap3A_1526 = vector.shape_cast %swap3A_1525 : vector<1x16xf32> to vector<16xf32>
      %swap3A_1527 = vector.shape_cast %get3A_1522 : vector<16xf32> to vector<1x16xf32>
      tpu.vector_store %arg8[%swap3A_1523, %swap3A_1524], %swap3A_1527 {strides = array<i32>} : memref<512x64xf32, #tpu.memory_space<vmem>>, vector<1x16xf32>,
    }
    %scan3A_633 = arith.constant 8 : i32
    %add3A_634 = arith.constant 256 : i32
    %add3A_635 = arith.addi %mul3A_2, %add3A_634 : i32
    %dma_start3A_636 = arith.constant 256 : i32
    %dma_start3A_637 = arith.constant 0 : i32
    %dma_start3A_638 = tpu.memref_slice %arg8[%dma_start3A_636, %dma_start3A_637] : memref<512x64xf32, #tpu.memory_space<vmem>> -> memref<128x64xf32, #tpu.memory_space<vmem>>
    %dma_start3A_639 = arith.constant 0 : i32
    %dma_start3A_640 = tpu.memref_slice %arg4[%add3A_635, %dma_start3A_639] : memref<16384x64xf32, #tpu.memory_space<hbm>> -> memref<128x64xf32, #tpu.memory_space<hbm>>
    %dma_start3A_641 = arith.constant 0 : i32
    %dma_start3A_642 = tpu.memref_slice %arg4[%add3A_635, %dma_start3A_641] : memref<16384x64xf32, #tpu.memory_space<hbm>> -> memref<128x64xf32, #tpu.memory_space<hbm>>
    %dma_start3A_643 = arith.constant 256 : i32
    %dma_start3A_644 = arith.constant 0 : i32
    %dma_start3A_645 = tpu.memref_slice %arg8[%dma_start3A_643, %dma_start3A_644] : memref<512x64xf32, #tpu.memory_space<vmem>> -> memref<128x64xf32, #tpu.memory_space<vmem>>
    tpu.enqueue_dma source(%dma_start3A_645 : memref<128x64xf32, #tpu.memory_space<vmem>>) target(%dma_start3A_642 : memref<128x64xf32, #tpu.memory_space<hbm>>) target_semaphore(%arg10 : memref<!tpu.dma_semaphore, #tpu.memory_space<semaphore_mem>>)
    %dma_wait3A_646 = arith.constant 384 : i32
    %dma_wait3A_647 = arith.constant 0 : i32
    %dma_wait3A_648 = tpu.memref_slice %arg7[%dma_wait3A_646, %dma_wait3A_647] : memref<512x128xf32, #tpu.memory_space<vmem>> -> memref<128x128xf32, #tpu.memory_space<vmem>>
    %dma_wait3A_649 = arith.constant 384 : i32
    %dma_wait3A_650 = tpu.memref_slice %arg6[%dma_wait3A_649] : memref<512xi32, #tpu.memory_space<vmem>> -> memref<128xi32, #tpu.memory_space<vmem>>
    %dma_wait3A_651 = arith.constant 0 : i32
    %dma_wait3A_652 = arith.constant 0 : i32
    %dma_wait3A_653 = tpu.memref_slice %arg3[%dma_wait3A_651, %dma_wait3A_652] : memref<507904x128xf32, #tpu.memory_space<hbm>> -> memref<507904x128xf32, #tpu.memory_space<hbm>>
    tpu.wait_indirect_dma semaphore(%arg9 : memref<!tpu.dma_semaphore, #tpu.memory_space<semaphore_mem>>) src(%dma_wait3A_653 : memref<507904x128xf32, #tpu.memory_space<hbm>>) dst(%dma_wait3A_648 : memref<128x128xf32, #tpu.memory_space<vmem>>)
    %scan3A_654 = arith.constant 0 : i32
    %scan3A_655 = arith.constant 8 : i32
    %scan3A_656 = arith.addi %scan3A_654, %scan3A_655 : i32
    %scan3A_657 = arith.constant 1 : i32
    scf.for %scan3A_711 = %scan3A_654 to %scan3A_656 step %scan3A_657  : i32 {
      %mul3A_712 = arith.constant 1 : i32
      %mul3A_713 = arith.muli %scan3A_711, %mul3A_712 : i32
      %add3A_714 = arith.constant 24 : i32
      %add3A_715 = arith.addi %add3A_714, %mul3A_713 : i32
      %mul3A_716 = arith.constant 16 : i32
      %mul3A_717 = arith.muli %add3A_715, %mul3A_716 : i32
      %get3A_718 = arith.index_cast %mul3A_717 : i32 to index
      %get3A_719 = tpu.vector_load %arg5[%get3A_718] {strides = array<i32>} : memref<512xi32, #tpu.memory_space<vmem>>, vector<16xi32>,
      %get3A_720 = vector.shape_cast %get3A_719 : vector<16xi32> to vector<16xi32>
      %shift_right_logical3A_721 = arith.constant 14 : i32
      %shift_right_logical3A_722 = vector.broadcast %shift_right_logical3A_721 : i32 to vector<16xi32>
      %shift_right_logical3A_723 = arith.shrui %get3A_720, %shift_right_logical3A_722 : vector<16xi32>
      %and3A_724 = arith.constant 1 : i32
      %and3A_725 = vector.broadcast %and3A_724 : i32 to vector<16xi32>
      %and3A_726 = arith.andi %shift_right_logical3A_723, %and3A_725 : vector<16xi32>
      %mul3A_727 = arith.constant 64 : i32
      %mul3A_728 = vector.broadcast %mul3A_727 : i32 to vector<16xi32>
      %mul3A_729 = arith.muli %and3A_726, %mul3A_728 : vector<16xi32>
      %mul3A_730 = arith.constant 16 : i32
      %mul3A_731 = arith.muli %add3A_715, %mul3A_730 : i32
      %add3A_732 = arith.constant 0 : i32
      %add3A_733 = arith.addi %mul3A_731, %add3A_732 : i32
      %slice3A = vector.extract_strided_slice %mul3A_729 {offsets = [0], sizes = [1], strides = [1]} : vector<16xi32> to vector<1xi32>
      %squeeze3A = vector.extract %slice3A[0] : i32 from vector<1xi32>
      %add3A_734 = arith.constant 0 : i32
      %add3A_735 = arith.addi %squeeze3A, %add3A_734 : i32
      %get3A_736 = arith.index_cast %add3A_733 : i32 to index
      %get3A_737 = arith.index_cast %add3A_735 : i32 to index
      %get3A_738 = tpu.vector_load %arg7[%get3A_736, %get3A_737] {strides = array<i32>} : memref<512x128xf32, #tpu.memory_space<vmem>>, vector<1x16xf32>,
      %get3A_739 = vector.shape_cast %get3A_738 : vector<1x16xf32> to vector<16xf32>
      %swap3A_740 = arith.index_cast %add3A_733 : i32 to index
      %swap3A_741 = arith.constant 0 : index
      %swap3A_742 = tpu.vector_load %arg8[%swap3A_740, %swap3A_741] {strides = array<i32>} : memref<512x64xf32, #tpu.memory_space<vmem>>, vector<1x16xf32>,
      %swap3A_743 = vector.shape_cast %swap3A_742 : vector<1x16xf32> to vector<16xf32>
      %swap3A_744 = vector.shape_cast %get3A_739 : vector<16xf32> to vector<1x16xf32>
      tpu.vector_store %arg8[%swap3A_740, %swap3A_741], %swap3A_744 {strides = array<i32>} : memref<512x64xf32, #tpu.memory_space<vmem>>, vector<1x16xf32>,
      %add3A_745 = arith.constant 16 : i32
      %add3A_746 = arith.addi %squeeze3A, %add3A_745 : i32
      %get3A_747 = arith.index_cast %add3A_733 : i32 to index
      %get3A_748 = arith.index_cast %add3A_746 : i32 to index
      %get3A_749 = tpu.vector_load %arg7[%get3A_747, %get3A_748] {strides = array<i32>} : memref<512x128xf32, #tpu.memory_space<vmem>>, vector<1x16xf32>,
      %get3A_750 = vector.shape_cast %get3A_749 : vector<1x16xf32> to vector<16xf32>
      %swap3A_751 = arith.index_cast %add3A_733 : i32 to index
      %swap3A_752 = arith.constant 16 : index
      %swap3A_753 = tpu.vector_load %arg8[%swap3A_751, %swap3A_752] {strides = array<i32>} : memref<512x64xf32, #tpu.memory_space<vmem>>, vector<1x16xf32>,
      %swap3A_754 = vector.shape_cast %swap3A_753 : vector<1x16xf32> to vector<16xf32>
      %swap3A_755 = vector.shape_cast %get3A_750 : vector<16xf32> to vector<1x16xf32>
      tpu.vector_store %arg8[%swap3A_751, %swap3A_752], %swap3A_755 {strides = array<i32>} : memref<512x64xf32, #tpu.memory_space<vmem>>, vector<1x16xf32>,
      %add3A_756 = arith.constant 32 : i32
      %add3A_757 = arith.addi %squeeze3A, %add3A_756 : i32
      %get3A_758 = arith.index_cast %add3A_733 : i32 to index
      %get3A_759 = arith.index_cast %add3A_757 : i32 to index
      %get3A_760 = tpu.vector_load %arg7[%get3A_758, %get3A_759] {strides = array<i32>} : memref<512x128xf32, #tpu.memory_space<vmem>>, vector<1x16xf32>,
      %get3A_761 = vector.shape_cast %get3A_760 : vector<1x16xf32> to vector<16xf32>
      %swap3A_762 = arith.index_cast %add3A_733 : i32 to index
      %swap3A_763 = arith.constant 32 : index
      %swap3A_764 = tpu.vector_load %arg8[%swap3A_762, %swap3A_763] {strides = array<i32>} : memref<512x64xf32, #tpu.memory_space<vmem>>, vector<1x16xf32>,
      %swap3A_765 = vector.shape_cast %swap3A_764 : vector<1x16xf32> to vector<16xf32>
      %swap3A_766 = vector.shape_cast %get3A_761 : vector<16xf32> to vector<1x16xf32>
      tpu.vector_store %arg8[%swap3A_762, %swap3A_763], %swap3A_766 {strides = array<i32>} : memref<512x64xf32, #tpu.memory_space<vmem>>, vector<1x16xf32>,
      %add3A_767 = arith.constant 48 : i32
      %add3A_768 = arith.addi %squeeze3A, %add3A_767 : i32
      %get3A_769 = arith.index_cast %add3A_733 : i32 to index
      %get3A_770 = arith.index_cast %add3A_768 : i32 to index
      %get3A_771 = tpu.vector_load %arg7[%get3A_769, %get3A_770] {strides = array<i32>} : memref<512x128xf32, #tpu.memory_space<vmem>>, vector<1x16xf32>,
      %get3A_772 = vector.shape_cast %get3A_771 : vector<1x16xf32> to vector<16xf32>
      %swap3A_773 = arith.index_cast %add3A_733 : i32 to index
      %swap3A_774 = arith.constant 48 : index
      %swap3A_775 = tpu.vector_load %arg8[%swap3A_773, %swap3A_774] {strides = array<i32>} : memref<512x64xf32, #tpu.memory_space<vmem>>, vector<1x16xf32>,
      %swap3A_776 = vector.shape_cast %swap3A_775 : vector<1x16xf32> to vector<16xf32>
      %swap3A_777 = vector.shape_cast %get3A_772 : vector<16xf32> to vector<1x16xf32>
      tpu.vector_store %arg8[%swap3A_773, %swap3A_774], %swap3A_777 {strides = array<i32>} : memref<512x64xf32, #tpu.memory_space<vmem>>, vector<1x16xf32>,
      %mul3A_778 = arith.constant 16 : i32
      %mul3A_779 = arith.muli %add3A_715, %mul3A_778 : i32
      %add3A_780 = arith.constant 1 : i32
      %add3A_781 = arith.addi %mul3A_779, %add3A_780 : i32
      %slice3A_782 = vector.extract_strided_slice %mul3A_729 {offsets = [1], sizes = [1], strides = [1]} : vector<16xi32> to vector<1xi32>
      %squeeze3A_783 = vector.extract %slice3A_782[0] : i32 from vector<1xi32>
      %add3A_784 = arith.constant 0 : i32
      %add3A_785 = arith.addi %squeeze3A_783, %add3A_784 : i32
      %get3A_786 = arith.index_cast %add3A_781 : i32 to index
      %get3A_787 = arith.index_cast %add3A_785 : i32 to index
      %get3A_788 = tpu.vector_load %arg7[%get3A_786, %get3A_787] {strides = array<i32>} : memref<512x128xf32, #tpu.memory_space<vmem>>, vector<1x16xf32>,
      %get3A_789 = vector.shape_cast %get3A_788 : vector<1x16xf32> to vector<16xf32>
      %swap3A_790 = arith.index_cast %add3A_781 : i32 to index
      %swap3A_791 = arith.constant 0 : index
      %swap3A_792 = tpu.vector_load %arg8[%swap3A_790, %swap3A_791] {strides = array<i32>} : memref<512x64xf32, #tpu.memory_space<vmem>>, vector<1x16xf32>,
      %swap3A_793 = vector.shape_cast %swap3A_792 : vector<1x16xf32> to vector<16xf32>
      %swap3A_794 = vector.shape_cast %get3A_789 : vector<16xf32> to vector<1x16xf32>
      tpu.vector_store %arg8[%swap3A_790, %swap3A_791], %swap3A_794 {strides = array<i32>} : memref<512x64xf32, #tpu.memory_space<vmem>>, vector<1x16xf32>,
      %add3A_795 = arith.constant 16 : i32
      %add3A_796 = arith.addi %squeeze3A_783, %add3A_795 : i32
      %get3A_797 = arith.index_cast %add3A_781 : i32 to index
      %get3A_798 = arith.index_cast %add3A_796 : i32 to index
      %get3A_799 = tpu.vector_load %arg7[%get3A_797, %get3A_798] {strides = array<i32>} : memref<512x128xf32, #tpu.memory_space<vmem>>, vector<1x16xf32>,
      %get3A_800 = vector.shape_cast %get3A_799 : vector<1x16xf32> to vector<16xf32>
      %swap3A_801 = arith.index_cast %add3A_781 : i32 to index
      %swap3A_802 = arith.constant 16 : index
      %swap3A_803 = tpu.vector_load %arg8[%swap3A_801, %swap3A_802] {strides = array<i32>} : memref<512x64xf32, #tpu.memory_space<vmem>>, vector<1x16xf32>,
      %swap3A_804 = vector.shape_cast %swap3A_803 : vector<1x16xf32> to vector<16xf32>
      %swap3A_805 = vector.shape_cast %get3A_800 : vector<16xf32> to vector<1x16xf32>
      tpu.vector_store %arg8[%swap3A_801, %swap3A_802], %swap3A_805 {strides = array<i32>} : memref<512x64xf32, #tpu.memory_space<vmem>>, vector<1x16xf32>,
      %add3A_806 = arith.constant 32 : i32
      %add3A_807 = arith.addi %squeeze3A_783, %add3A_806 : i32
      %get3A_808 = arith.index_cast %add3A_781 : i32 to index
      %get3A_809 = arith.index_cast %add3A_807 : i32 to index
      %get3A_810 = tpu.vector_load %arg7[%get3A_808, %get3A_809] {strides = array<i32>} : memref<512x128xf32, #tpu.memory_space<vmem>>, vector<1x16xf32>,
      %get3A_811 = vector.shape_cast %get3A_810 : vector<1x16xf32> to vector<16xf32>
      %swap3A_812 = arith.index_cast %add3A_781 : i32 to index
      %swap3A_813 = arith.constant 32 : index
      %swap3A_814 = tpu.vector_load %arg8[%swap3A_812, %swap3A_813] {strides = array<i32>} : memref<512x64xf32, #tpu.memory_space<vmem>>, vector<1x16xf32>,
      %swap3A_815 = vector.shape_cast %swap3A_814 : vector<1x16xf32> to vector<16xf32>
      %swap3A_816 = vector.shape_cast %get3A_811 : vector<16xf32> to vector<1x16xf32>
      tpu.vector_store %arg8[%swap3A_812, %swap3A_813], %swap3A_816 {strides = array<i32>} : memref<512x64xf32, #tpu.memory_space<vmem>>, vector<1x16xf32>,
      %add3A_817 = arith.constant 48 : i32
      %add3A_818 = arith.addi %squeeze3A_783, %add3A_817 : i32
      %get3A_819 = arith.index_cast %add3A_781 : i32 to index
      %get3A_820 = arith.index_cast %add3A_818 : i32 to index
      %get3A_821 = tpu.vector_load %arg7[%get3A_819, %get3A_820] {strides = array<i32>} : memref<512x128xf32, #tpu.memory_space<vmem>>, vector<1x16xf32>,
      %get3A_822 = vector.shape_cast %get3A_821 : vector<1x16xf32> to vector<16xf32>
      %swap3A_823 = arith.index_cast %add3A_781 : i32 to index
      %swap3A_824 = arith.constant 48 : index
      %swap3A_825 = tpu.vector_load %arg8[%swap3A_823, %swap3A_824] {strides = array<i32>} : memref<512x64xf32, #tpu.memory_space<vmem>>, vector<1x16xf32>,
      %swap3A_826 = vector.shape_cast %swap3A_825 : vector<1x16xf32> to vector<16xf32>
      %swap3A_827 = vector.shape_cast %get3A_822 : vector<16xf32> to vector<1x16xf32>
      tpu.vector_store %arg8[%swap3A_823, %swap3A_824], %swap3A_827 {strides = array<i32>} : memref<512x64xf32, #tpu.memory_space<vmem>>, vector<1x16xf32>,
      %mul3A_828 = arith.constant 16 : i32
      %mul3A_829 = arith.muli %add3A_715, %mul3A_828 : i32
      %add3A_830 = arith.constant 2 : i32
      %add3A_831 = arith.addi %mul3A_829, %add3A_830 : i32
      %slice3A_832 = vector.extract_strided_slice %mul3A_729 {offsets = [2], sizes = [1], strides = [1]} : vector<16xi32> to vector<1xi32>
      %squeeze3A_833 = vector.extract %slice3A_832[0] : i32 from vector<1xi32>
      %add3A_834 = arith.constant 0 : i32
      %add3A_835 = arith.addi %squeeze3A_833, %add3A_834 : i32
      %get3A_836 = arith.index_cast %add3A_831 : i32 to index
      %get3A_837 = arith.index_cast %add3A_835 : i32 to index
      %get3A_838 = tpu.vector_load %arg7[%get3A_836, %get3A_837] {strides = array<i32>} : memref<512x128xf32, #tpu.memory_space<vmem>>, vector<1x16xf32>,
      %get3A_839 = vector.shape_cast %get3A_838 : vector<1x16xf32> to vector<16xf32>
      %swap3A_840 = arith.index_cast %add3A_831 : i32 to index
      %swap3A_841 = arith.constant 0 : index
      %swap3A_842 = tpu.vector_load %arg8[%swap3A_840, %swap3A_841] {strides = array<i32>} : memref<512x64xf32, #tpu.memory_space<vmem>>, vector<1x16xf32>,
      %swap3A_843 = vector.shape_cast %swap3A_842 : vector<1x16xf32> to vector<16xf32>
      %swap3A_844 = vector.shape_cast %get3A_839 : vector<16xf32> to vector<1x16xf32>
      tpu.vector_store %arg8[%swap3A_840, %swap3A_841], %swap3A_844 {strides = array<i32>} : memref<512x64xf32, #tpu.memory_space<vmem>>, vector<1x16xf32>,
      %add3A_845 = arith.constant 16 : i32
      %add3A_846 = arith.addi %squeeze3A_833, %add3A_845 : i32
      %get3A_847 = arith.index_cast %add3A_831 : i32 to index
      %get3A_848 = arith.index_cast %add3A_846 : i32 to index
      %get3A_849 = tpu.vector_load %arg7[%get3A_847, %get3A_848] {strides = array<i32>} : memref<512x128xf32, #tpu.memory_space<vmem>>, vector<1x16xf32>,
      %get3A_850 = vector.shape_cast %get3A_849 : vector<1x16xf32> to vector<16xf32>
      %swap3A_851 = arith.index_cast %add3A_831 : i32 to index
      %swap3A_852 = arith.constant 16 : index
      %swap3A_853 = tpu.vector_load %arg8[%swap3A_851, %swap3A_852] {strides = array<i32>} : memref<512x64xf32, #tpu.memory_space<vmem>>, vector<1x16xf32>,
      %swap3A_854 = vector.shape_cast %swap3A_853 : vector<1x16xf32> to vector<16xf32>
      %swap3A_855 = vector.shape_cast %get3A_850 : vector<16xf32> to vector<1x16xf32>
      tpu.vector_store %arg8[%swap3A_851, %swap3A_852], %swap3A_855 {strides = array<i32>} : memref<512x64xf32, #tpu.memory_space<vmem>>, vector<1x16xf32>,
      %add3A_856 = arith.constant 32 : i32
      %add3A_857 = arith.addi %squeeze3A_833, %add3A_856 : i32
      %get3A_858 = arith.index_cast %add3A_831 : i32 to index
      %get3A_859 = arith.index_cast %add3A_857 : i32 to index
      %get3A_860 = tpu.vector_load %arg7[%get3A_858, %get3A_859] {strides = array<i32>} : memref<512x128xf32, #tpu.memory_space<vmem>>, vector<1x16xf32>,
      %get3A_861 = vector.shape_cast %get3A_860 : vector<1x16xf32> to vector<16xf32>
      %swap3A_862 = arith.index_cast %add3A_831 : i32 to index
      %swap3A_863 = arith.constant 32 : index
      %swap3A_864 = tpu.vector_load %arg8[%swap3A_862, %swap3A_863] {strides = array<i32>} : memref<512x64xf32, #tpu.memory_space<vmem>>, vector<1x16xf32>,
      %swap3A_865 = vector.shape_cast %swap3A_864 : vector<1x16xf32> to vector<16xf32>
      %swap3A_866 = vector.shape_cast %get3A_861 : vector<16xf32> to vector<1x16xf32>
      tpu.vector_store %arg8[%swap3A_862, %swap3A_863], %swap3A_866 {strides = array<i32>} : memref<512x64xf32, #tpu.memory_space<vmem>>, vector<1x16xf32>,
      %add3A_867 = arith.constant 48 : i32
      %add3A_868 = arith.addi %squeeze3A_833, %add3A_867 : i32
      %get3A_869 = arith.index_cast %add3A_831 : i32 to index
      %get3A_870 = arith.index_cast %add3A_868 : i32 to index
      %get3A_871 = tpu.vector_load %arg7[%get3A_869, %get3A_870] {strides = array<i32>} : memref<512x128xf32, #tpu.memory_space<vmem>>, vector<1x16xf32>,
      %get3A_872 = vector.shape_cast %get3A_871 : vector<1x16xf32> to vector<16xf32>
      %swap3A_873 = arith.index_cast %add3A_831 : i32 to index
      %swap3A_874 = arith.constant 48 : index
      %swap3A_875 = tpu.vector_load %arg8[%swap3A_873, %swap3A_874] {strides = array<i32>} : memref<512x64xf32, #tpu.memory_space<vmem>>, vector<1x16xf32>,
      %swap3A_876 = vector.shape_cast %swap3A_875 : vector<1x16xf32> to vector<16xf32>
      %swap3A_877 = vector.shape_cast %get3A_872 : vector<16xf32> to vector<1x16xf32>
      tpu.vector_store %arg8[%swap3A_873, %swap3A_874], %swap3A_877 {strides = array<i32>} : memref<512x64xf32, #tpu.memory_space<vmem>>, vector<1x16xf32>,
      %mul3A_878 = arith.constant 16 : i32
      %mul3A_879 = arith.muli %add3A_715, %mul3A_878 : i32
      %add3A_880 = arith.constant 3 : i32
      %add3A_881 = arith.addi %mul3A_879, %add3A_880 : i32
      %slice3A_882 = vector.extract_strided_slice %mul3A_729 {offsets = [3], sizes = [1], strides = [1]} : vector<16xi32> to vector<1xi32>
      %squeeze3A_883 = vector.extract %slice3A_882[0] : i32 from vector<1xi32>
      %add3A_884 = arith.constant 0 : i32
      %add3A_885 = arith.addi %squeeze3A_883, %add3A_884 : i32
      %get3A_886 = arith.index_cast %add3A_881 : i32 to index
      %get3A_887 = arith.index_cast %add3A_885 : i32 to index
      %get3A_888 = tpu.vector_load %arg7[%get3A_886, %get3A_887] {strides = array<i32>} : memref<512x128xf32, #tpu.memory_space<vmem>>, vector<1x16xf32>,
      %get3A_889 = vector.shape_cast %get3A_888 : vector<1x16xf32> to vector<16xf32>
      %swap3A_890 = arith.index_cast %add3A_881 : i32 to index
      %swap3A_891 = arith.constant 0 : index
      %swap3A_892 = tpu.vector_load %arg8[%swap3A_890, %swap3A_891] {strides = array<i32>} : memref<512x64xf32, #tpu.memory_space<vmem>>, vector<1x16xf32>,
      %swap3A_893 = vector.shape_cast %swap3A_892 : vector<1x16xf32> to vector<16xf32>
      %swap3A_894 = vector.shape_cast %get3A_889 : vector<16xf32> to vector<1x16xf32>
      tpu.vector_store %arg8[%swap3A_890, %swap3A_891], %swap3A_894 {strides = array<i32>} : memref<512x64xf32, #tpu.memory_space<vmem>>, vector<1x16xf32>,
      %add3A_895 = arith.constant 16 : i32
      %add3A_896 = arith.addi %squeeze3A_883, %add3A_895 : i32
      %get3A_897 = arith.index_cast %add3A_881 : i32 to index
      %get3A_898 = arith.index_cast %add3A_896 : i32 to index
      %get3A_899 = tpu.vector_load %arg7[%get3A_897, %get3A_898] {strides = array<i32>} : memref<512x128xf32, #tpu.memory_space<vmem>>, vector<1x16xf32>,
      %get3A_900 = vector.shape_cast %get3A_899 : vector<1x16xf32> to vector<16xf32>
      %swap3A_901 = arith.index_cast %add3A_881 : i32 to index
      %swap3A_902 = arith.constant 16 : index
      %swap3A_903 = tpu.vector_load %arg8[%swap3A_901, %swap3A_902] {strides = array<i32>} : memref<512x64xf32, #tpu.memory_space<vmem>>, vector<1x16xf32>,
      %swap3A_904 = vector.shape_cast %swap3A_903 : vector<1x16xf32> to vector<16xf32>
      %swap3A_905 = vector.shape_cast %get3A_900 : vector<16xf32> to vector<1x16xf32>
      tpu.vector_store %arg8[%swap3A_901, %swap3A_902], %swap3A_905 {strides = array<i32>} : memref<512x64xf32, #tpu.memory_space<vmem>>, vector<1x16xf32>,
      %add3A_906 = arith.constant 32 : i32
      %add3A_907 = arith.addi %squeeze3A_883, %add3A_906 : i32
      %get3A_908 = arith.index_cast %add3A_881 : i32 to index
      %get3A_909 = arith.index_cast %add3A_907 : i32 to index
      %get3A_910 = tpu.vector_load %arg7[%get3A_908, %get3A_909] {strides = array<i32>} : memref<512x128xf32, #tpu.memory_space<vmem>>, vector<1x16xf32>,
      %get3A_911 = vector.shape_cast %get3A_910 : vector<1x16xf32> to vector<16xf32>
      %swap3A_912 = arith.index_cast %add3A_881 : i32 to index
      %swap3A_913 = arith.constant 32 : index
      %swap3A_914 = tpu.vector_load %arg8[%swap3A_912, %swap3A_913] {strides = array<i32>} : memref<512x64xf32, #tpu.memory_space<vmem>>, vector<1x16xf32>,
      %swap3A_915 = vector.shape_cast %swap3A_914 : vector<1x16xf32> to vector<16xf32>
      %swap3A_916 = vector.shape_cast %get3A_911 : vector<16xf32> to vector<1x16xf32>
      tpu.vector_store %arg8[%swap3A_912, %swap3A_913], %swap3A_916 {strides = array<i32>} : memref<512x64xf32, #tpu.memory_space<vmem>>, vector<1x16xf32>,
      %add3A_917 = arith.constant 48 : i32
      %add3A_918 = arith.addi %squeeze3A_883, %add3A_917 : i32
      %get3A_919 = arith.index_cast %add3A_881 : i32 to index
      %get3A_920 = arith.index_cast %add3A_918 : i32 to index
      %get3A_921 = tpu.vector_load %arg7[%get3A_919, %get3A_920] {strides = array<i32>} : memref<512x128xf32, #tpu.memory_space<vmem>>, vector<1x16xf32>,
      %get3A_922 = vector.shape_cast %get3A_921 : vector<1x16xf32> to vector<16xf32>
      %swap3A_923 = arith.index_cast %add3A_881 : i32 to index
      %swap3A_924 = arith.constant 48 : index
      %swap3A_925 = tpu.vector_load %arg8[%swap3A_923, %swap3A_924] {strides = array<i32>} : memref<512x64xf32, #tpu.memory_space<vmem>>, vector<1x16xf32>,
      %swap3A_926 = vector.shape_cast %swap3A_925 : vector<1x16xf32> to vector<16xf32>
      %swap3A_927 = vector.shape_cast %get3A_922 : vector<16xf32> to vector<1x16xf32>
      tpu.vector_store %arg8[%swap3A_923, %swap3A_924], %swap3A_927 {strides = array<i32>} : memref<512x64xf32, #tpu.memory_space<vmem>>, vector<1x16xf32>,
      %mul3A_928 = arith.constant 16 : i32
      %mul3A_929 = arith.muli %add3A_715, %mul3A_928 : i32
      %add3A_930 = arith.constant 4 : i32
      %add3A_931 = arith.addi %mul3A_929, %add3A_930 : i32
      %slice3A_932 = vector.extract_strided_slice %mul3A_729 {offsets = [4], sizes = [1], strides = [1]} : vector<16xi32> to vector<1xi32>
      %squeeze3A_933 = vector.extract %slice3A_932[0] : i32 from vector<1xi32>
      %add3A_934 = arith.constant 0 : i32
      %add3A_935 = arith.addi %squeeze3A_933, %add3A_934 : i32
      %get3A_936 = arith.index_cast %add3A_931 : i32 to index
      %get3A_937 = arith.index_cast %add3A_935 : i32 to index
      %get3A_938 = tpu.vector_load %arg7[%get3A_936, %get3A_937] {strides = array<i32>} : memref<512x128xf32, #tpu.memory_space<vmem>>, vector<1x16xf32>,
      %get3A_939 = vector.shape_cast %get3A_938 : vector<1x16xf32> to vector<16xf32>
      %swap3A_940 = arith.index_cast %add3A_931 : i32 to index
      %swap3A_941 = arith.constant 0 : index
      %swap3A_942 = tpu.vector_load %arg8[%swap3A_940, %swap3A_941] {strides = array<i32>} : memref<512x64xf32, #tpu.memory_space<vmem>>, vector<1x16xf32>,
      %swap3A_943 = vector.shape_cast %swap3A_942 : vector<1x16xf32> to vector<16xf32>
      %swap3A_944 = vector.shape_cast %get3A_939 : vector<16xf32> to vector<1x16xf32>
      tpu.vector_store %arg8[%swap3A_940, %swap3A_941], %swap3A_944 {strides = array<i32>} : memref<512x64xf32, #tpu.memory_space<vmem>>, vector<1x16xf32>,
      %add3A_945 = arith.constant 16 : i32
      %add3A_946 = arith.addi %squeeze3A_933, %add3A_945 : i32
      %get3A_947 = arith.index_cast %add3A_931 : i32 to index
      %get3A_948 = arith.index_cast %add3A_946 : i32 to index
      %get3A_949 = tpu.vector_load %arg7[%get3A_947, %get3A_948] {strides = array<i32>} : memref<512x128xf32, #tpu.memory_space<vmem>>, vector<1x16xf32>,
      %get3A_950 = vector.shape_cast %get3A_949 : vector<1x16xf32> to vector<16xf32>
      %swap3A_951 = arith.index_cast %add3A_931 : i32 to index
      %swap3A_952 = arith.constant 16 : index
      %swap3A_953 = tpu.vector_load %arg8[%swap3A_951, %swap3A_952] {strides = array<i32>} : memref<512x64xf32, #tpu.memory_space<vmem>>, vector<1x16xf32>,
      %swap3A_954 = vector.shape_cast %swap3A_953 : vector<1x16xf32> to vector<16xf32>
      %swap3A_955 = vector.shape_cast %get3A_950 : vector<16xf32> to vector<1x16xf32>
      tpu.vector_store %arg8[%swap3A_951, %swap3A_952], %swap3A_955 {strides = array<i32>} : memref<512x64xf32, #tpu.memory_space<vmem>>, vector<1x16xf32>,
      %add3A_956 = arith.constant 32 : i32
      %add3A_957 = arith.addi %squeeze3A_933, %add3A_956 : i32
      %get3A_958 = arith.index_cast %add3A_931 : i32 to index
      %get3A_959 = arith.index_cast %add3A_957 : i32 to index
      %get3A_960 = tpu.vector_load %arg7[%get3A_958, %get3A_959] {strides = array<i32>} : memref<512x128xf32, #tpu.memory_space<vmem>>, vector<1x16xf32>,
      %get3A_961 = vector.shape_cast %get3A_960 : vector<1x16xf32> to vector<16xf32>
      %swap3A_962 = arith.index_cast %add3A_931 : i32 to index
      %swap3A_963 = arith.constant 32 : index
      %swap3A_964 = tpu.vector_load %arg8[%swap3A_962, %swap3A_963] {strides = array<i32>} : memref<512x64xf32, #tpu.memory_space<vmem>>, vector<1x16xf32>,
      %swap3A_965 = vector.shape_cast %swap3A_964 : vector<1x16xf32> to vector<16xf32>
      %swap3A_966 = vector.shape_cast %get3A_961 : vector<16xf32> to vector<1x16xf32>
      tpu.vector_store %arg8[%swap3A_962, %swap3A_963], %swap3A_966 {strides = array<i32>} : memref<512x64xf32, #tpu.memory_space<vmem>>, vector<1x16xf32>,
      %add3A_967 = arith.constant 48 : i32
      %add3A_968 = arith.addi %squeeze3A_933, %add3A_967 : i32
      %get3A_969 = arith.index_cast %add3A_931 : i32 to index
      %get3A_970 = arith.index_cast %add3A_968 : i32 to index
      %get3A_971 = tpu.vector_load %arg7[%get3A_969, %get3A_970] {strides = array<i32>} : memref<512x128xf32, #tpu.memory_space<vmem>>, vector<1x16xf32>,
      %get3A_972 = vector.shape_cast %get3A_971 : vector<1x16xf32> to vector<16xf32>
      %swap3A_973 = arith.index_cast %add3A_931 : i32 to index
      %swap3A_974 = arith.constant 48 : index
      %swap3A_975 = tpu.vector_load %arg8[%swap3A_973, %swap3A_974] {strides = array<i32>} : memref<512x64xf32, #tpu.memory_space<vmem>>, vector<1x16xf32>,
      %swap3A_976 = vector.shape_cast %swap3A_975 : vector<1x16xf32> to vector<16xf32>
      %swap3A_977 = vector.shape_cast %get3A_972 : vector<16xf32> to vector<1x16xf32>
      tpu.vector_store %arg8[%swap3A_973, %swap3A_974], %swap3A_977 {strides = array<i32>} : memref<512x64xf32, #tpu.memory_space<vmem>>, vector<1x16xf32>,
      %mul3A_978 = arith.constant 16 : i32
      %mul3A_979 = arith.muli %add3A_715, %mul3A_978 : i32
      %add3A_980 = arith.constant 5 : i32
      %add3A_981 = arith.addi %mul3A_979, %add3A_980 : i32
      %slice3A_982 = vector.extract_strided_slice %mul3A_729 {offsets = [5], sizes = [1], strides = [1]} : vector<16xi32> to vector<1xi32>
      %squeeze3A_983 = vector.extract %slice3A_982[0] : i32 from vector<1xi32>
      %add3A_984 = arith.constant 0 : i32
      %add3A_985 = arith.addi %squeeze3A_983, %add3A_984 : i32
      %get3A_986 = arith.index_cast %add3A_981 : i32 to index
      %get3A_987 = arith.index_cast %add3A_985 : i32 to index
      %get3A_988 = tpu.vector_load %arg7[%get3A_986, %get3A_987] {strides = array<i32>} : memref<512x128xf32, #tpu.memory_space<vmem>>, vector<1x16xf32>,
      %get3A_989 = vector.shape_cast %get3A_988 : vector<1x16xf32> to vector<16xf32>
      %swap3A_990 = arith.index_cast %add3A_981 : i32 to index
      %swap3A_991 = arith.constant 0 : index
      %swap3A_992 = tpu.vector_load %arg8[%swap3A_990, %swap3A_991] {strides = array<i32>} : memref<512x64xf32, #tpu.memory_space<vmem>>, vector<1x16xf32>,
      %swap3A_993 = vector.shape_cast %swap3A_992 : vector<1x16xf32> to vector<16xf32>
      %swap3A_994 = vector.shape_cast %get3A_989 : vector<16xf32> to vector<1x16xf32>
      tpu.vector_store %arg8[%swap3A_990, %swap3A_991], %swap3A_994 {strides = array<i32>} : memref<512x64xf32, #tpu.memory_space<vmem>>, vector<1x16xf32>,
      %add3A_995 = arith.constant 16 : i32
      %add3A_996 = arith.addi %squeeze3A_983, %add3A_995 : i32
      %get3A_997 = arith.index_cast %add3A_981 : i32 to index
      %get3A_998 = arith.index_cast %add3A_996 : i32 to index
      %get3A_999 = tpu.vector_load %arg7[%get3A_997, %get3A_998] {strides = array<i32>} : memref<512x128xf32, #tpu.memory_space<vmem>>, vector<1x16xf32>,
      %get3A_1000 = vector.shape_cast %get3A_999 : vector<1x16xf32> to vector<16xf32>
      %swap3A_1001 = arith.index_cast %add3A_981 : i32 to index
      %swap3A_1002 = arith.constant 16 : index
      %swap3A_1003 = tpu.vector_load %arg8[%swap3A_1001, %swap3A_1002] {strides = array<i32>} : memref<512x64xf32, #tpu.memory_space<vmem>>, vector<1x16xf32>,
      %swap3A_1004 = vector.shape_cast %swap3A_1003 : vector<1x16xf32> to vector<16xf32>
      %swap3A_1005 = vector.shape_cast %get3A_1000 : vector<16xf32> to vector<1x16xf32>
      tpu.vector_store %arg8[%swap3A_1001, %swap3A_1002], %swap3A_1005 {strides = array<i32>} : memref<512x64xf32, #tpu.memory_space<vmem>>, vector<1x16xf32>,
      %add3A_1006 = arith.constant 32 : i32
      %add3A_1007 = arith.addi %squeeze3A_983, %add3A_1006 : i32
      %get3A_1008 = arith.index_cast %add3A_981 : i32 to index
      %get3A_1009 = arith.index_cast %add3A_1007 : i32 to index
      %get3A_1010 = tpu.vector_load %arg7[%get3A_1008, %get3A_1009] {strides = array<i32>} : memref<512x128xf32, #tpu.memory_space<vmem>>, vector<1x16xf32>,
      %get3A_1011 = vector.shape_cast %get3A_1010 : vector<1x16xf32> to vector<16xf32>
      %swap3A_1012 = arith.index_cast %add3A_981 : i32 to index
      %swap3A_1013 = arith.constant 32 : index
      %swap3A_1014 = tpu.vector_load %arg8[%swap3A_1012, %swap3A_1013] {strides = array<i32>} : memref<512x64xf32, #tpu.memory_space<vmem>>, vector<1x16xf32>,
      %swap3A_1015 = vector.shape_cast %swap3A_1014 : vector<1x16xf32> to vector<16xf32>
      %swap3A_1016 = vector.shape_cast %get3A_1011 : vector<16xf32> to vector<1x16xf32>
      tpu.vector_store %arg8[%swap3A_1012, %swap3A_1013], %swap3A_1016 {strides = array<i32>} : memref<512x64xf32, #tpu.memory_space<vmem>>, vector<1x16xf32>,
      %add3A_1017 = arith.constant 48 : i32
      %add3A_1018 = arith.addi %squeeze3A_983, %add3A_1017 : i32
      %get3A_1019 = arith.index_cast %add3A_981 : i32 to index
      %get3A_1020 = arith.index_cast %add3A_1018 : i32 to index
      %get3A_1021 = tpu.vector_load %arg7[%get3A_1019, %get3A_1020] {strides = array<i32>} : memref<512x128xf32, #tpu.memory_space<vmem>>, vector<1x16xf32>,
      %get3A_1022 = vector.shape_cast %get3A_1021 : vector<1x16xf32> to vector<16xf32>
      %swap3A_1023 = arith.index_cast %add3A_981 : i32 to index
      %swap3A_1024 = arith.constant 48 : index
      %swap3A_1025 = tpu.vector_load %arg8[%swap3A_1023, %swap3A_1024] {strides = array<i32>} : memref<512x64xf32, #tpu.memory_space<vmem>>, vector<1x16xf32>,
      %swap3A_1026 = vector.shape_cast %swap3A_1025 : vector<1x16xf32> to vector<16xf32>
      %swap3A_1027 = vector.shape_cast %get3A_1022 : vector<16xf32> to vector<1x16xf32>
      tpu.vector_store %arg8[%swap3A_1023, %swap3A_1024], %swap3A_1027 {strides = array<i32>} : memref<512x64xf32, #tpu.memory_space<vmem>>, vector<1x16xf32>,
      %mul3A_1028 = arith.constant 16 : i32
      %mul3A_1029 = arith.muli %add3A_715, %mul3A_1028 : i32
      %add3A_1030 = arith.constant 6 : i32
      %add3A_1031 = arith.addi %mul3A_1029, %add3A_1030 : i32
      %slice3A_1032 = vector.extract_strided_slice %mul3A_729 {offsets = [6], sizes = [1], strides = [1]} : vector<16xi32> to vector<1xi32>
      %squeeze3A_1033 = vector.extract %slice3A_1032[0] : i32 from vector<1xi32>
      %add3A_1034 = arith.constant 0 : i32
      %add3A_1035 = arith.addi %squeeze3A_1033, %add3A_1034 : i32
      %get3A_1036 = arith.index_cast %add3A_1031 : i32 to index
      %get3A_1037 = arith.index_cast %add3A_1035 : i32 to index
      %get3A_1038 = tpu.vector_load %arg7[%get3A_1036, %get3A_1037] {strides = array<i32>} : memref<512x128xf32, #tpu.memory_space<vmem>>, vector<1x16xf32>,
      %get3A_1039 = vector.shape_cast %get3A_1038 : vector<1x16xf32> to vector<16xf32>
      %swap3A_1040 = arith.index_cast %add3A_1031 : i32 to index
      %swap3A_1041 = arith.constant 0 : index
      %swap3A_1042 = tpu.vector_load %arg8[%swap3A_1040, %swap3A_1041] {strides = array<i32>} : memref<512x64xf32, #tpu.memory_space<vmem>>, vector<1x16xf32>,
      %swap3A_1043 = vector.shape_cast %swap3A_1042 : vector<1x16xf32> to vector<16xf32>
      %swap3A_1044 = vector.shape_cast %get3A_1039 : vector<16xf32> to vector<1x16xf32>
      tpu.vector_store %arg8[%swap3A_1040, %swap3A_1041], %swap3A_1044 {strides = array<i32>} : memref<512x64xf32, #tpu.memory_space<vmem>>, vector<1x16xf32>,
      %add3A_1045 = arith.constant 16 : i32
      %add3A_1046 = arith.addi %squeeze3A_1033, %add3A_1045 : i32
      %get3A_1047 = arith.index_cast %add3A_1031 : i32 to index
      %get3A_1048 = arith.index_cast %add3A_1046 : i32 to index
      %get3A_1049 = tpu.vector_load %arg7[%get3A_1047, %get3A_1048] {strides = array<i32>} : memref<512x128xf32, #tpu.memory_space<vmem>>, vector<1x16xf32>,
      %get3A_1050 = vector.shape_cast %get3A_1049 : vector<1x16xf32> to vector<16xf32>
      %swap3A_1051 = arith.index_cast %add3A_1031 : i32 to index
      %swap3A_1052 = arith.constant 16 : index
      %swap3A_1053 = tpu.vector_load %arg8[%swap3A_1051, %swap3A_1052] {strides = array<i32>} : memref<512x64xf32, #tpu.memory_space<vmem>>, vector<1x16xf32>,
      %swap3A_1054 = vector.shape_cast %swap3A_1053 : vector<1x16xf32> to vector<16xf32>
      %swap3A_1055 = vector.shape_cast %get3A_1050 : vector<16xf32> to vector<1x16xf32>
      tpu.vector_store %arg8[%swap3A_1051, %swap3A_1052], %swap3A_1055 {strides = array<i32>} : memref<512x64xf32, #tpu.memory_space<vmem>>, vector<1x16xf32>,
      %add3A_1056 = arith.constant 32 : i32
      %add3A_1057 = arith.addi %squeeze3A_1033, %add3A_1056 : i32
      %get3A_1058 = arith.index_cast %add3A_1031 : i32 to index
      %get3A_1059 = arith.index_cast %add3A_1057 : i32 to index
      %get3A_1060 = tpu.vector_load %arg7[%get3A_1058, %get3A_1059] {strides = array<i32>} : memref<512x128xf32, #tpu.memory_space<vmem>>, vector<1x16xf32>,
      %get3A_1061 = vector.shape_cast %get3A_1060 : vector<1x16xf32> to vector<16xf32>
      %swap3A_1062 = arith.index_cast %add3A_1031 : i32 to index
      %swap3A_1063 = arith.constant 32 : index
      %swap3A_1064 = tpu.vector_load %arg8[%swap3A_1062, %swap3A_1063] {strides = array<i32>} : memref<512x64xf32, #tpu.memory_space<vmem>>, vector<1x16xf32>,
      %swap3A_1065 = vector.shape_cast %swap3A_1064 : vector<1x16xf32> to vector<16xf32>
      %swap3A_1066 = vector.shape_cast %get3A_1061 : vector<16xf32> to vector<1x16xf32>
      tpu.vector_store %arg8[%swap3A_1062, %swap3A_1063], %swap3A_1066 {strides = array<i32>} : memref<512x64xf32, #tpu.memory_space<vmem>>, vector<1x16xf32>,
      %add3A_1067 = arith.constant 48 : i32
      %add3A_1068 = arith.addi %squeeze3A_1033, %add3A_1067 : i32
      %get3A_1069 = arith.index_cast %add3A_1031 : i32 to index
      %get3A_1070 = arith.index_cast %add3A_1068 : i32 to index
      %get3A_1071 = tpu.vector_load %arg7[%get3A_1069, %get3A_1070] {strides = array<i32>} : memref<512x128xf32, #tpu.memory_space<vmem>>, vector<1x16xf32>,
      %get3A_1072 = vector.shape_cast %get3A_1071 : vector<1x16xf32> to vector<16xf32>
      %swap3A_1073 = arith.index_cast %add3A_1031 : i32 to index
      %swap3A_1074 = arith.constant 48 : index
      %swap3A_1075 = tpu.vector_load %arg8[%swap3A_1073, %swap3A_1074] {strides = array<i32>} : memref<512x64xf32, #tpu.memory_space<vmem>>, vector<1x16xf32>,
      %swap3A_1076 = vector.shape_cast %swap3A_1075 : vector<1x16xf32> to vector<16xf32>
      %swap3A_1077 = vector.shape_cast %get3A_1072 : vector<16xf32> to vector<1x16xf32>
      tpu.vector_store %arg8[%swap3A_1073, %swap3A_1074], %swap3A_1077 {strides = array<i32>} : memref<512x64xf32, #tpu.memory_space<vmem>>, vector<1x16xf32>,
      %mul3A_1078 = arith.constant 16 : i32
      %mul3A_1079 = arith.muli %add3A_715, %mul3A_1078 : i32
      %add3A_1080 = arith.constant 7 : i32
      %add3A_1081 = arith.addi %mul3A_1079, %add3A_1080 : i32
      %slice3A_1082 = vector.extract_strided_slice %mul3A_729 {offsets = [7], sizes = [1], strides = [1]} : vector<16xi32> to vector<1xi32>
      %squeeze3A_1083 = vector.extract %slice3A_1082[0] : i32 from vector<1xi32>
      %add3A_1084 = arith.constant 0 : i32
      %add3A_1085 = arith.addi %squeeze3A_1083, %add3A_1084 : i32
      %get3A_1086 = arith.index_cast %add3A_1081 : i32 to index
      %get3A_1087 = arith.index_cast %add3A_1085 : i32 to index
      %get3A_1088 = tpu.vector_load %arg7[%get3A_1086, %get3A_1087] {strides = array<i32>} : memref<512x128xf32, #tpu.memory_space<vmem>>, vector<1x16xf32>,
      %get3A_1089 = vector.shape_cast %get3A_1088 : vector<1x16xf32> to vector<16xf32>
      %swap3A_1090 = arith.index_cast %add3A_1081 : i32 to index
      %swap3A_1091 = arith.constant 0 : index
      %swap3A_1092 = tpu.vector_load %arg8[%swap3A_1090, %swap3A_1091] {strides = array<i32>} : memref<512x64xf32, #tpu.memory_space<vmem>>, vector<1x16xf32>,
      %swap3A_1093 = vector.shape_cast %swap3A_1092 : vector<1x16xf32> to vector<16xf32>
      %swap3A_1094 = vector.shape_cast %get3A_1089 : vector<16xf32> to vector<1x16xf32>
      tpu.vector_store %arg8[%swap3A_1090, %swap3A_1091], %swap3A_1094 {strides = array<i32>} : memref<512x64xf32, #tpu.memory_space<vmem>>, vector<1x16xf32>,
      %add3A_1095 = arith.constant 16 : i32
      %add3A_1096 = arith.addi %squeeze3A_1083, %add3A_1095 : i32
      %get3A_1097 = arith.index_cast %add3A_1081 : i32 to index
      %get3A_1098 = arith.index_cast %add3A_1096 : i32 to index
      %get3A_1099 = tpu.vector_load %arg7[%get3A_1097, %get3A_1098] {strides = array<i32>} : memref<512x128xf32, #tpu.memory_space<vmem>>, vector<1x16xf32>,
      %get3A_1100 = vector.shape_cast %get3A_1099 : vector<1x16xf32> to vector<16xf32>
      %swap3A_1101 = arith.index_cast %add3A_1081 : i32 to index
      %swap3A_1102 = arith.constant 16 : index
      %swap3A_1103 = tpu.vector_load %arg8[%swap3A_1101, %swap3A_1102] {strides = array<i32>} : memref<512x64xf32, #tpu.memory_space<vmem>>, vector<1x16xf32>,
      %swap3A_1104 = vector.shape_cast %swap3A_1103 : vector<1x16xf32> to vector<16xf32>
      %swap3A_1105 = vector.shape_cast %get3A_1100 : vector<16xf32> to vector<1x16xf32>
      tpu.vector_store %arg8[%swap3A_1101, %swap3A_1102], %swap3A_1105 {strides = array<i32>} : memref<512x64xf32, #tpu.memory_space<vmem>>, vector<1x16xf32>,
      %add3A_1106 = arith.constant 32 : i32
      %add3A_1107 = arith.addi %squeeze3A_1083, %add3A_1106 : i32
      %get3A_1108 = arith.index_cast %add3A_1081 : i32 to index
      %get3A_1109 = arith.index_cast %add3A_1107 : i32 to index
      %get3A_1110 = tpu.vector_load %arg7[%get3A_1108, %get3A_1109] {strides = array<i32>} : memref<512x128xf32, #tpu.memory_space<vmem>>, vector<1x16xf32>,
      %get3A_1111 = vector.shape_cast %get3A_1110 : vector<1x16xf32> to vector<16xf32>
      %swap3A_1112 = arith.index_cast %add3A_1081 : i32 to index
      %swap3A_1113 = arith.constant 32 : index
      %swap3A_1114 = tpu.vector_load %arg8[%swap3A_1112, %swap3A_1113] {strides = array<i32>} : memref<512x64xf32, #tpu.memory_space<vmem>>, vector<1x16xf32>,
      %swap3A_1115 = vector.shape_cast %swap3A_1114 : vector<1x16xf32> to vector<16xf32>
      %swap3A_1116 = vector.shape_cast %get3A_1111 : vector<16xf32> to vector<1x16xf32>
      tpu.vector_store %arg8[%swap3A_1112, %swap3A_1113], %swap3A_1116 {strides = array<i32>} : memref<512x64xf32, #tpu.memory_space<vmem>>, vector<1x16xf32>,
      %add3A_1117 = arith.constant 48 : i32
      %add3A_1118 = arith.addi %squeeze3A_1083, %add3A_1117 : i32
      %get3A_1119 = arith.index_cast %add3A_1081 : i32 to index
      %get3A_1120 = arith.index_cast %add3A_1118 : i32 to index
      %get3A_1121 = tpu.vector_load %arg7[%get3A_1119, %get3A_1120] {strides = array<i32>} : memref<512x128xf32, #tpu.memory_space<vmem>>, vector<1x16xf32>,
      %get3A_1122 = vector.shape_cast %get3A_1121 : vector<1x16xf32> to vector<16xf32>
      %swap3A_1123 = arith.index_cast %add3A_1081 : i32 to index
      %swap3A_1124 = arith.constant 48 : index
      %swap3A_1125 = tpu.vector_load %arg8[%swap3A_1123, %swap3A_1124] {strides = array<i32>} : memref<512x64xf32, #tpu.memory_space<vmem>>, vector<1x16xf32>,
      %swap3A_1126 = vector.shape_cast %swap3A_1125 : vector<1x16xf32> to vector<16xf32>
      %swap3A_1127 = vector.shape_cast %get3A_1122 : vector<16xf32> to vector<1x16xf32>
      tpu.vector_store %arg8[%swap3A_1123, %swap3A_1124], %swap3A_1127 {strides = array<i32>} : memref<512x64xf32, #tpu.memory_space<vmem>>, vector<1x16xf32>,
      %mul3A_1128 = arith.constant 16 : i32
      %mul3A_1129 = arith.muli %add3A_715, %mul3A_1128 : i32
      %add3A_1130 = arith.constant 8 : i32
      %add3A_1131 = arith.addi %mul3A_1129, %add3A_1130 : i32
      %slice3A_1132 = vector.extract_strided_slice %mul3A_729 {offsets = [8], sizes = [1], strides = [1]} : vector<16xi32> to vector<1xi32>
      %squeeze3A_1133 = vector.extract %slice3A_1132[0] : i32 from vector<1xi32>
      %add3A_1134 = arith.constant 0 : i32
      %add3A_1135 = arith.addi %squeeze3A_1133, %add3A_1134 : i32
      %get3A_1136 = arith.index_cast %add3A_1131 : i32 to index
      %get3A_1137 = arith.index_cast %add3A_1135 : i32 to index
      %get3A_1138 = tpu.vector_load %arg7[%get3A_1136, %get3A_1137] {strides = array<i32>} : memref<512x128xf32, #tpu.memory_space<vmem>>, vector<1x16xf32>,
      %get3A_1139 = vector.shape_cast %get3A_1138 : vector<1x16xf32> to vector<16xf32>
      %swap3A_1140 = arith.index_cast %add3A_1131 : i32 to index
      %swap3A_1141 = arith.constant 0 : index
      %swap3A_1142 = tpu.vector_load %arg8[%swap3A_1140, %swap3A_1141] {strides = array<i32>} : memref<512x64xf32, #tpu.memory_space<vmem>>, vector<1x16xf32>,
      %swap3A_1143 = vector.shape_cast %swap3A_1142 : vector<1x16xf32> to vector<16xf32>
      %swap3A_1144 = vector.shape_cast %get3A_1139 : vector<16xf32> to vector<1x16xf32>
      tpu.vector_store %arg8[%swap3A_1140, %swap3A_1141], %swap3A_1144 {strides = array<i32>} : memref<512x64xf32, #tpu.memory_space<vmem>>, vector<1x16xf32>,
      %add3A_1145 = arith.constant 16 : i32
      %add3A_1146 = arith.addi %squeeze3A_1133, %add3A_1145 : i32
      %get3A_1147 = arith.index_cast %add3A_1131 : i32 to index
      %get3A_1148 = arith.index_cast %add3A_1146 : i32 to index
      %get3A_1149 = tpu.vector_load %arg7[%get3A_1147, %get3A_1148] {strides = array<i32>} : memref<512x128xf32, #tpu.memory_space<vmem>>, vector<1x16xf32>,
      %get3A_1150 = vector.shape_cast %get3A_1149 : vector<1x16xf32> to vector<16xf32>
      %swap3A_1151 = arith.index_cast %add3A_1131 : i32 to index
      %swap3A_1152 = arith.constant 16 : index
      %swap3A_1153 = tpu.vector_load %arg8[%swap3A_1151, %swap3A_1152] {strides = array<i32>} : memref<512x64xf32, #tpu.memory_space<vmem>>, vector<1x16xf32>,
      %swap3A_1154 = vector.shape_cast %swap3A_1153 : vector<1x16xf32> to vector<16xf32>
      %swap3A_1155 = vector.shape_cast %get3A_1150 : vector<16xf32> to vector<1x16xf32>
      tpu.vector_store %arg8[%swap3A_1151, %swap3A_1152], %swap3A_1155 {strides = array<i32>} : memref<512x64xf32, #tpu.memory_space<vmem>>, vector<1x16xf32>,
      %add3A_1156 = arith.constant 32 : i32
      %add3A_1157 = arith.addi %squeeze3A_1133, %add3A_1156 : i32
      %get3A_1158 = arith.index_cast %add3A_1131 : i32 to index
      %get3A_1159 = arith.index_cast %add3A_1157 : i32 to index
      %get3A_1160 = tpu.vector_load %arg7[%get3A_1158, %get3A_1159] {strides = array<i32>} : memref<512x128xf32, #tpu.memory_space<vmem>>, vector<1x16xf32>,
      %get3A_1161 = vector.shape_cast %get3A_1160 : vector<1x16xf32> to vector<16xf32>
      %swap3A_1162 = arith.index_cast %add3A_1131 : i32 to index
      %swap3A_1163 = arith.constant 32 : index
      %swap3A_1164 = tpu.vector_load %arg8[%swap3A_1162, %swap3A_1163] {strides = array<i32>} : memref<512x64xf32, #tpu.memory_space<vmem>>, vector<1x16xf32>,
      %swap3A_1165 = vector.shape_cast %swap3A_1164 : vector<1x16xf32> to vector<16xf32>
      %swap3A_1166 = vector.shape_cast %get3A_1161 : vector<16xf32> to vector<1x16xf32>
      tpu.vector_store %arg8[%swap3A_1162, %swap3A_1163], %swap3A_1166 {strides = array<i32>} : memref<512x64xf32, #tpu.memory_space<vmem>>, vector<1x16xf32>,
      %add3A_1167 = arith.constant 48 : i32
      %add3A_1168 = arith.addi %squeeze3A_1133, %add3A_1167 : i32
      %get3A_1169 = arith.index_cast %add3A_1131 : i32 to index
      %get3A_1170 = arith.index_cast %add3A_1168 : i32 to index
      %get3A_1171 = tpu.vector_load %arg7[%get3A_1169, %get3A_1170] {strides = array<i32>} : memref<512x128xf32, #tpu.memory_space<vmem>>, vector<1x16xf32>,
      %get3A_1172 = vector.shape_cast %get3A_1171 : vector<1x16xf32> to vector<16xf32>
      %swap3A_1173 = arith.index_cast %add3A_1131 : i32 to index
      %swap3A_1174 = arith.constant 48 : index
      %swap3A_1175 = tpu.vector_load %arg8[%swap3A_1173, %swap3A_1174] {strides = array<i32>} : memref<512x64xf32, #tpu.memory_space<vmem>>, vector<1x16xf32>,
      %swap3A_1176 = vector.shape_cast %swap3A_1175 : vector<1x16xf32> to vector<16xf32>
      %swap3A_1177 = vector.shape_cast %get3A_1172 : vector<16xf32> to vector<1x16xf32>
      tpu.vector_store %arg8[%swap3A_1173, %swap3A_1174], %swap3A_1177 {strides = array<i32>} : memref<512x64xf32, #tpu.memory_space<vmem>>, vector<1x16xf32>,
      %mul3A_1178 = arith.constant 16 : i32
      %mul3A_1179 = arith.muli %add3A_715, %mul3A_1178 : i32
      %add3A_1180 = arith.constant 9 : i32
      %add3A_1181 = arith.addi %mul3A_1179, %add3A_1180 : i32
      %slice3A_1182 = vector.extract_strided_slice %mul3A_729 {offsets = [9], sizes = [1], strides = [1]} : vector<16xi32> to vector<1xi32>
      %squeeze3A_1183 = vector.extract %slice3A_1182[0] : i32 from vector<1xi32>
      %add3A_1184 = arith.constant 0 : i32
      %add3A_1185 = arith.addi %squeeze3A_1183, %add3A_1184 : i32
      %get3A_1186 = arith.index_cast %add3A_1181 : i32 to index
      %get3A_1187 = arith.index_cast %add3A_1185 : i32 to index
      %get3A_1188 = tpu.vector_load %arg7[%get3A_1186, %get3A_1187] {strides = array<i32>} : memref<512x128xf32, #tpu.memory_space<vmem>>, vector<1x16xf32>,
      %get3A_1189 = vector.shape_cast %get3A_1188 : vector<1x16xf32> to vector<16xf32>
      %swap3A_1190 = arith.index_cast %add3A_1181 : i32 to index
      %swap3A_1191 = arith.constant 0 : index
      %swap3A_1192 = tpu.vector_load %arg8[%swap3A_1190, %swap3A_1191] {strides = array<i32>} : memref<512x64xf32, #tpu.memory_space<vmem>>, vector<1x16xf32>,
      %swap3A_1193 = vector.shape_cast %swap3A_1192 : vector<1x16xf32> to vector<16xf32>
      %swap3A_1194 = vector.shape_cast %get3A_1189 : vector<16xf32> to vector<1x16xf32>
      tpu.vector_store %arg8[%swap3A_1190, %swap3A_1191], %swap3A_1194 {strides = array<i32>} : memref<512x64xf32, #tpu.memory_space<vmem>>, vector<1x16xf32>,
      %add3A_1195 = arith.constant 16 : i32
      %add3A_1196 = arith.addi %squeeze3A_1183, %add3A_1195 : i32
      %get3A_1197 = arith.index_cast %add3A_1181 : i32 to index
      %get3A_1198 = arith.index_cast %add3A_1196 : i32 to index
      %get3A_1199 = tpu.vector_load %arg7[%get3A_1197, %get3A_1198] {strides = array<i32>} : memref<512x128xf32, #tpu.memory_space<vmem>>, vector<1x16xf32>,
      %get3A_1200 = vector.shape_cast %get3A_1199 : vector<1x16xf32> to vector<16xf32>
      %swap3A_1201 = arith.index_cast %add3A_1181 : i32 to index
      %swap3A_1202 = arith.constant 16 : index
      %swap3A_1203 = tpu.vector_load %arg8[%swap3A_1201, %swap3A_1202] {strides = array<i32>} : memref<512x64xf32, #tpu.memory_space<vmem>>, vector<1x16xf32>,
      %swap3A_1204 = vector.shape_cast %swap3A_1203 : vector<1x16xf32> to vector<16xf32>
      %swap3A_1205 = vector.shape_cast %get3A_1200 : vector<16xf32> to vector<1x16xf32>
      tpu.vector_store %arg8[%swap3A_1201, %swap3A_1202], %swap3A_1205 {strides = array<i32>} : memref<512x64xf32, #tpu.memory_space<vmem>>, vector<1x16xf32>,
      %add3A_1206 = arith.constant 32 : i32
      %add3A_1207 = arith.addi %squeeze3A_1183, %add3A_1206 : i32
      %get3A_1208 = arith.index_cast %add3A_1181 : i32 to index
      %get3A_1209 = arith.index_cast %add3A_1207 : i32 to index
      %get3A_1210 = tpu.vector_load %arg7[%get3A_1208, %get3A_1209] {strides = array<i32>} : memref<512x128xf32, #tpu.memory_space<vmem>>, vector<1x16xf32>,
      %get3A_1211 = vector.shape_cast %get3A_1210 : vector<1x16xf32> to vector<16xf32>
      %swap3A_1212 = arith.index_cast %add3A_1181 : i32 to index
      %swap3A_1213 = arith.constant 32 : index
      %swap3A_1214 = tpu.vector_load %arg8[%swap3A_1212, %swap3A_1213] {strides = array<i32>} : memref<512x64xf32, #tpu.memory_space<vmem>>, vector<1x16xf32>,
      %swap3A_1215 = vector.shape_cast %swap3A_1214 : vector<1x16xf32> to vector<16xf32>
      %swap3A_1216 = vector.shape_cast %get3A_1211 : vector<16xf32> to vector<1x16xf32>
      tpu.vector_store %arg8[%swap3A_1212, %swap3A_1213], %swap3A_1216 {strides = array<i32>} : memref<512x64xf32, #tpu.memory_space<vmem>>, vector<1x16xf32>,
      %add3A_1217 = arith.constant 48 : i32
      %add3A_1218 = arith.addi %squeeze3A_1183, %add3A_1217 : i32
      %get3A_1219 = arith.index_cast %add3A_1181 : i32 to index
      %get3A_1220 = arith.index_cast %add3A_1218 : i32 to index
      %get3A_1221 = tpu.vector_load %arg7[%get3A_1219, %get3A_1220] {strides = array<i32>} : memref<512x128xf32, #tpu.memory_space<vmem>>, vector<1x16xf32>,
      %get3A_1222 = vector.shape_cast %get3A_1221 : vector<1x16xf32> to vector<16xf32>
      %swap3A_1223 = arith.index_cast %add3A_1181 : i32 to index
      %swap3A_1224 = arith.constant 48 : index
      %swap3A_1225 = tpu.vector_load %arg8[%swap3A_1223, %swap3A_1224] {strides = array<i32>} : memref<512x64xf32, #tpu.memory_space<vmem>>, vector<1x16xf32>,
      %swap3A_1226 = vector.shape_cast %swap3A_1225 : vector<1x16xf32> to vector<16xf32>
      %swap3A_1227 = vector.shape_cast %get3A_1222 : vector<16xf32> to vector<1x16xf32>
      tpu.vector_store %arg8[%swap3A_1223, %swap3A_1224], %swap3A_1227 {strides = array<i32>} : memref<512x64xf32, #tpu.memory_space<vmem>>, vector<1x16xf32>,
      %mul3A_1228 = arith.constant 16 : i32
      %mul3A_1229 = arith.muli %add3A_715, %mul3A_1228 : i32
      %add3A_1230 = arith.constant 10 : i32
      %add3A_1231 = arith.addi %mul3A_1229, %add3A_1230 : i32
      %slice3A_1232 = vector.extract_strided_slice %mul3A_729 {offsets = [10], sizes = [1], strides = [1]} : vector<16xi32> to vector<1xi32>
      %squeeze3A_1233 = vector.extract %slice3A_1232[0] : i32 from vector<1xi32>
      %add3A_1234 = arith.constant 0 : i32
      %add3A_1235 = arith.addi %squeeze3A_1233, %add3A_1234 : i32
      %get3A_1236 = arith.index_cast %add3A_1231 : i32 to index
      %get3A_1237 = arith.index_cast %add3A_1235 : i32 to index
      %get3A_1238 = tpu.vector_load %arg7[%get3A_1236, %get3A_1237] {strides = array<i32>} : memref<512x128xf32, #tpu.memory_space<vmem>>, vector<1x16xf32>,
      %get3A_1239 = vector.shape_cast %get3A_1238 : vector<1x16xf32> to vector<16xf32>
      %swap3A_1240 = arith.index_cast %add3A_1231 : i32 to index
      %swap3A_1241 = arith.constant 0 : index
      %swap3A_1242 = tpu.vector_load %arg8[%swap3A_1240, %swap3A_1241] {strides = array<i32>} : memref<512x64xf32, #tpu.memory_space<vmem>>, vector<1x16xf32>,
      %swap3A_1243 = vector.shape_cast %swap3A_1242 : vector<1x16xf32> to vector<16xf32>
      %swap3A_1244 = vector.shape_cast %get3A_1239 : vector<16xf32> to vector<1x16xf32>
      tpu.vector_store %arg8[%swap3A_1240, %swap3A_1241], %swap3A_1244 {strides = array<i32>} : memref<512x64xf32, #tpu.memory_space<vmem>>, vector<1x16xf32>,
      %add3A_1245 = arith.constant 16 : i32
      %add3A_1246 = arith.addi %squeeze3A_1233, %add3A_1245 : i32
      %get3A_1247 = arith.index_cast %add3A_1231 : i32 to index
      %get3A_1248 = arith.index_cast %add3A_1246 : i32 to index
      %get3A_1249 = tpu.vector_load %arg7[%get3A_1247, %get3A_1248] {strides = array<i32>} : memref<512x128xf32, #tpu.memory_space<vmem>>, vector<1x16xf32>,
      %get3A_1250 = vector.shape_cast %get3A_1249 : vector<1x16xf32> to vector<16xf32>
      %swap3A_1251 = arith.index_cast %add3A_1231 : i32 to index
      %swap3A_1252 = arith.constant 16 : index
      %swap3A_1253 = tpu.vector_load %arg8[%swap3A_1251, %swap3A_1252] {strides = array<i32>} : memref<512x64xf32, #tpu.memory_space<vmem>>, vector<1x16xf32>,
      %swap3A_1254 = vector.shape_cast %swap3A_1253 : vector<1x16xf32> to vector<16xf32>
      %swap3A_1255 = vector.shape_cast %get3A_1250 : vector<16xf32> to vector<1x16xf32>
      tpu.vector_store %arg8[%swap3A_1251, %swap3A_1252], %swap3A_1255 {strides = array<i32>} : memref<512x64xf32, #tpu.memory_space<vmem>>, vector<1x16xf32>,
      %add3A_1256 = arith.constant 32 : i32
      %add3A_1257 = arith.addi %squeeze3A_1233, %add3A_1256 : i32
      %get3A_1258 = arith.index_cast %add3A_1231 : i32 to index
      %get3A_1259 = arith.index_cast %add3A_1257 : i32 to index
      %get3A_1260 = tpu.vector_load %arg7[%get3A_1258, %get3A_1259] {strides = array<i32>} : memref<512x128xf32, #tpu.memory_space<vmem>>, vector<1x16xf32>,
      %get3A_1261 = vector.shape_cast %get3A_1260 : vector<1x16xf32> to vector<16xf32>
      %swap3A_1262 = arith.index_cast %add3A_1231 : i32 to index
      %swap3A_1263 = arith.constant 32 : index
      %swap3A_1264 = tpu.vector_load %arg8[%swap3A_1262, %swap3A_1263] {strides = array<i32>} : memref<512x64xf32, #tpu.memory_space<vmem>>, vector<1x16xf32>,
      %swap3A_1265 = vector.shape_cast %swap3A_1264 : vector<1x16xf32> to vector<16xf32>
      %swap3A_1266 = vector.shape_cast %get3A_1261 : vector<16xf32> to vector<1x16xf32>
      tpu.vector_store %arg8[%swap3A_1262, %swap3A_1263], %swap3A_1266 {strides = array<i32>} : memref<512x64xf32, #tpu.memory_space<vmem>>, vector<1x16xf32>,
      %add3A_1267 = arith.constant 48 : i32
      %add3A_1268 = arith.addi %squeeze3A_1233, %add3A_1267 : i32
      %get3A_1269 = arith.index_cast %add3A_1231 : i32 to index
      %get3A_1270 = arith.index_cast %add3A_1268 : i32 to index
      %get3A_1271 = tpu.vector_load %arg7[%get3A_1269, %get3A_1270] {strides = array<i32>} : memref<512x128xf32, #tpu.memory_space<vmem>>, vector<1x16xf32>,
      %get3A_1272 = vector.shape_cast %get3A_1271 : vector<1x16xf32> to vector<16xf32>
      %swap3A_1273 = arith.index_cast %add3A_1231 : i32 to index
      %swap3A_1274 = arith.constant 48 : index
      %swap3A_1275 = tpu.vector_load %arg8[%swap3A_1273, %swap3A_1274] {strides = array<i32>} : memref<512x64xf32, #tpu.memory_space<vmem>>, vector<1x16xf32>,
      %swap3A_1276 = vector.shape_cast %swap3A_1275 : vector<1x16xf32> to vector<16xf32>
      %swap3A_1277 = vector.shape_cast %get3A_1272 : vector<16xf32> to vector<1x16xf32>
      tpu.vector_store %arg8[%swap3A_1273, %swap3A_1274], %swap3A_1277 {strides = array<i32>} : memref<512x64xf32, #tpu.memory_space<vmem>>, vector<1x16xf32>,
      %mul3A_1278 = arith.constant 16 : i32
      %mul3A_1279 = arith.muli %add3A_715, %mul3A_1278 : i32
      %add3A_1280 = arith.constant 11 : i32
      %add3A_1281 = arith.addi %mul3A_1279, %add3A_1280 : i32
      %slice3A_1282 = vector.extract_strided_slice %mul3A_729 {offsets = [11], sizes = [1], strides = [1]} : vector<16xi32> to vector<1xi32>
      %squeeze3A_1283 = vector.extract %slice3A_1282[0] : i32 from vector<1xi32>
      %add3A_1284 = arith.constant 0 : i32
      %add3A_1285 = arith.addi %squeeze3A_1283, %add3A_1284 : i32
      %get3A_1286 = arith.index_cast %add3A_1281 : i32 to index
      %get3A_1287 = arith.index_cast %add3A_1285 : i32 to index
      %get3A_1288 = tpu.vector_load %arg7[%get3A_1286, %get3A_1287] {strides = array<i32>} : memref<512x128xf32, #tpu.memory_space<vmem>>, vector<1x16xf32>,
      %get3A_1289 = vector.shape_cast %get3A_1288 : vector<1x16xf32> to vector<16xf32>
      %swap3A_1290 = arith.index_cast %add3A_1281 : i32 to index
      %swap3A_1291 = arith.constant 0 : index
      %swap3A_1292 = tpu.vector_load %arg8[%swap3A_1290, %swap3A_1291] {strides = array<i32>} : memref<512x64xf32, #tpu.memory_space<vmem>>, vector<1x16xf32>,
      %swap3A_1293 = vector.shape_cast %swap3A_1292 : vector<1x16xf32> to vector<16xf32>
      %swap3A_1294 = vector.shape_cast %get3A_1289 : vector<16xf32> to vector<1x16xf32>
      tpu.vector_store %arg8[%swap3A_1290, %swap3A_1291], %swap3A_1294 {strides = array<i32>} : memref<512x64xf32, #tpu.memory_space<vmem>>, vector<1x16xf32>,
      %add3A_1295 = arith.constant 16 : i32
      %add3A_1296 = arith.addi %squeeze3A_1283, %add3A_1295 : i32
      %get3A_1297 = arith.index_cast %add3A_1281 : i32 to index
      %get3A_1298 = arith.index_cast %add3A_1296 : i32 to index
      %get3A_1299 = tpu.vector_load %arg7[%get3A_1297, %get3A_1298] {strides = array<i32>} : memref<512x128xf32, #tpu.memory_space<vmem>>, vector<1x16xf32>,
      %get3A_1300 = vector.shape_cast %get3A_1299 : vector<1x16xf32> to vector<16xf32>
      %swap3A_1301 = arith.index_cast %add3A_1281 : i32 to index
      %swap3A_1302 = arith.constant 16 : index
      %swap3A_1303 = tpu.vector_load %arg8[%swap3A_1301, %swap3A_1302] {strides = array<i32>} : memref<512x64xf32, #tpu.memory_space<vmem>>, vector<1x16xf32>,
      %swap3A_1304 = vector.shape_cast %swap3A_1303 : vector<1x16xf32> to vector<16xf32>
      %swap3A_1305 = vector.shape_cast %get3A_1300 : vector<16xf32> to vector<1x16xf32>
      tpu.vector_store %arg8[%swap3A_1301, %swap3A_1302], %swap3A_1305 {strides = array<i32>} : memref<512x64xf32, #tpu.memory_space<vmem>>, vector<1x16xf32>,
      %add3A_1306 = arith.constant 32 : i32
      %add3A_1307 = arith.addi %squeeze3A_1283, %add3A_1306 : i32
      %get3A_1308 = arith.index_cast %add3A_1281 : i32 to index
      %get3A_1309 = arith.index_cast %add3A_1307 : i32 to index
      %get3A_1310 = tpu.vector_load %arg7[%get3A_1308, %get3A_1309] {strides = array<i32>} : memref<512x128xf32, #tpu.memory_space<vmem>>, vector<1x16xf32>,
      %get3A_1311 = vector.shape_cast %get3A_1310 : vector<1x16xf32> to vector<16xf32>
      %swap3A_1312 = arith.index_cast %add3A_1281 : i32 to index
      %swap3A_1313 = arith.constant 32 : index
      %swap3A_1314 = tpu.vector_load %arg8[%swap3A_1312, %swap3A_1313] {strides = array<i32>} : memref<512x64xf32, #tpu.memory_space<vmem>>, vector<1x16xf32>,
      %swap3A_1315 = vector.shape_cast %swap3A_1314 : vector<1x16xf32> to vector<16xf32>
      %swap3A_1316 = vector.shape_cast %get3A_1311 : vector<16xf32> to vector<1x16xf32>
      tpu.vector_store %arg8[%swap3A_1312, %swap3A_1313], %swap3A_1316 {strides = array<i32>} : memref<512x64xf32, #tpu.memory_space<vmem>>, vector<1x16xf32>,
      %add3A_1317 = arith.constant 48 : i32
      %add3A_1318 = arith.addi %squeeze3A_1283, %add3A_1317 : i32
      %get3A_1319 = arith.index_cast %add3A_1281 : i32 to index
      %get3A_1320 = arith.index_cast %add3A_1318 : i32 to index
      %get3A_1321 = tpu.vector_load %arg7[%get3A_1319, %get3A_1320] {strides = array<i32>} : memref<512x128xf32, #tpu.memory_space<vmem>>, vector<1x16xf32>,
      %get3A_1322 = vector.shape_cast %get3A_1321 : vector<1x16xf32> to vector<16xf32>
      %swap3A_1323 = arith.index_cast %add3A_1281 : i32 to index
      %swap3A_1324 = arith.constant 48 : index
      %swap3A_1325 = tpu.vector_load %arg8[%swap3A_1323, %swap3A_1324] {strides = array<i32>} : memref<512x64xf32, #tpu.memory_space<vmem>>, vector<1x16xf32>,
      %swap3A_1326 = vector.shape_cast %swap3A_1325 : vector<1x16xf32> to vector<16xf32>
      %swap3A_1327 = vector.shape_cast %get3A_1322 : vector<16xf32> to vector<1x16xf32>
      tpu.vector_store %arg8[%swap3A_1323, %swap3A_1324], %swap3A_1327 {strides = array<i32>} : memref<512x64xf32, #tpu.memory_space<vmem>>, vector<1x16xf32>,
      %mul3A_1328 = arith.constant 16 : i32
      %mul3A_1329 = arith.muli %add3A_715, %mul3A_1328 : i32
      %add3A_1330 = arith.constant 12 : i32
      %add3A_1331 = arith.addi %mul3A_1329, %add3A_1330 : i32
      %slice3A_1332 = vector.extract_strided_slice %mul3A_729 {offsets = [12], sizes = [1], strides = [1]} : vector<16xi32> to vector<1xi32>
      %squeeze3A_1333 = vector.extract %slice3A_1332[0] : i32 from vector<1xi32>
      %add3A_1334 = arith.constant 0 : i32
      %add3A_1335 = arith.addi %squeeze3A_1333, %add3A_1334 : i32
      %get3A_1336 = arith.index_cast %add3A_1331 : i32 to index
      %get3A_1337 = arith.index_cast %add3A_1335 : i32 to index
      %get3A_1338 = tpu.vector_load %arg7[%get3A_1336, %get3A_1337] {strides = array<i32>} : memref<512x128xf32, #tpu.memory_space<vmem>>, vector<1x16xf32>,
      %get3A_1339 = vector.shape_cast %get3A_1338 : vector<1x16xf32> to vector<16xf32>
      %swap3A_1340 = arith.index_cast %add3A_1331 : i32 to index
      %swap3A_1341 = arith.constant 0 : index
      %swap3A_1342 = tpu.vector_load %arg8[%swap3A_1340, %swap3A_1341] {strides = array<i32>} : memref<512x64xf32, #tpu.memory_space<vmem>>, vector<1x16xf32>,
      %swap3A_1343 = vector.shape_cast %swap3A_1342 : vector<1x16xf32> to vector<16xf32>
      %swap3A_1344 = vector.shape_cast %get3A_1339 : vector<16xf32> to vector<1x16xf32>
      tpu.vector_store %arg8[%swap3A_1340, %swap3A_1341], %swap3A_1344 {strides = array<i32>} : memref<512x64xf32, #tpu.memory_space<vmem>>, vector<1x16xf32>,
      %add3A_1345 = arith.constant 16 : i32
      %add3A_1346 = arith.addi %squeeze3A_1333, %add3A_1345 : i32
      %get3A_1347 = arith.index_cast %add3A_1331 : i32 to index
      %get3A_1348 = arith.index_cast %add3A_1346 : i32 to index
      %get3A_1349 = tpu.vector_load %arg7[%get3A_1347, %get3A_1348] {strides = array<i32>} : memref<512x128xf32, #tpu.memory_space<vmem>>, vector<1x16xf32>,
      %get3A_1350 = vector.shape_cast %get3A_1349 : vector<1x16xf32> to vector<16xf32>
      %swap3A_1351 = arith.index_cast %add3A_1331 : i32 to index
      %swap3A_1352 = arith.constant 16 : index
      %swap3A_1353 = tpu.vector_load %arg8[%swap3A_1351, %swap3A_1352] {strides = array<i32>} : memref<512x64xf32, #tpu.memory_space<vmem>>, vector<1x16xf32>,
      %swap3A_1354 = vector.shape_cast %swap3A_1353 : vector<1x16xf32> to vector<16xf32>
      %swap3A_1355 = vector.shape_cast %get3A_1350 : vector<16xf32> to vector<1x16xf32>
      tpu.vector_store %arg8[%swap3A_1351, %swap3A_1352], %swap3A_1355 {strides = array<i32>} : memref<512x64xf32, #tpu.memory_space<vmem>>, vector<1x16xf32>,
      %add3A_1356 = arith.constant 32 : i32
      %add3A_1357 = arith.addi %squeeze3A_1333, %add3A_1356 : i32
      %get3A_1358 = arith.index_cast %add3A_1331 : i32 to index
      %get3A_1359 = arith.index_cast %add3A_1357 : i32 to index
      %get3A_1360 = tpu.vector_load %arg7[%get3A_1358, %get3A_1359] {strides = array<i32>} : memref<512x128xf32, #tpu.memory_space<vmem>>, vector<1x16xf32>,
      %get3A_1361 = vector.shape_cast %get3A_1360 : vector<1x16xf32> to vector<16xf32>
      %swap3A_1362 = arith.index_cast %add3A_1331 : i32 to index
      %swap3A_1363 = arith.constant 32 : index
      %swap3A_1364 = tpu.vector_load %arg8[%swap3A_1362, %swap3A_1363] {strides = array<i32>} : memref<512x64xf32, #tpu.memory_space<vmem>>, vector<1x16xf32>,
      %swap3A_1365 = vector.shape_cast %swap3A_1364 : vector<1x16xf32> to vector<16xf32>
      %swap3A_1366 = vector.shape_cast %get3A_1361 : vector<16xf32> to vector<1x16xf32>
      tpu.vector_store %arg8[%swap3A_1362, %swap3A_1363], %swap3A_1366 {strides = array<i32>} : memref<512x64xf32, #tpu.memory_space<vmem>>, vector<1x16xf32>,
      %add3A_1367 = arith.constant 48 : i32
      %add3A_1368 = arith.addi %squeeze3A_1333, %add3A_1367 : i32
      %get3A_1369 = arith.index_cast %add3A_1331 : i32 to index
      %get3A_1370 = arith.index_cast %add3A_1368 : i32 to index
      %get3A_1371 = tpu.vector_load %arg7[%get3A_1369, %get3A_1370] {strides = array<i32>} : memref<512x128xf32, #tpu.memory_space<vmem>>, vector<1x16xf32>,
      %get3A_1372 = vector.shape_cast %get3A_1371 : vector<1x16xf32> to vector<16xf32>
      %swap3A_1373 = arith.index_cast %add3A_1331 : i32 to index
      %swap3A_1374 = arith.constant 48 : index
      %swap3A_1375 = tpu.vector_load %arg8[%swap3A_1373, %swap3A_1374] {strides = array<i32>} : memref<512x64xf32, #tpu.memory_space<vmem>>, vector<1x16xf32>,
      %swap3A_1376 = vector.shape_cast %swap3A_1375 : vector<1x16xf32> to vector<16xf32>
      %swap3A_1377 = vector.shape_cast %get3A_1372 : vector<16xf32> to vector<1x16xf32>
      tpu.vector_store %arg8[%swap3A_1373, %swap3A_1374], %swap3A_1377 {strides = array<i32>} : memref<512x64xf32, #tpu.memory_space<vmem>>, vector<1x16xf32>,
      %mul3A_1378 = arith.constant 16 : i32
      %mul3A_1379 = arith.muli %add3A_715, %mul3A_1378 : i32
      %add3A_1380 = arith.constant 13 : i32
      %add3A_1381 = arith.addi %mul3A_1379, %add3A_1380 : i32
      %slice3A_1382 = vector.extract_strided_slice %mul3A_729 {offsets = [13], sizes = [1], strides = [1]} : vector<16xi32> to vector<1xi32>
      %squeeze3A_1383 = vector.extract %slice3A_1382[0] : i32 from vector<1xi32>
      %add3A_1384 = arith.constant 0 : i32
      %add3A_1385 = arith.addi %squeeze3A_1383, %add3A_1384 : i32
      %get3A_1386 = arith.index_cast %add3A_1381 : i32 to index
      %get3A_1387 = arith.index_cast %add3A_1385 : i32 to index
      %get3A_1388 = tpu.vector_load %arg7[%get3A_1386, %get3A_1387] {strides = array<i32>} : memref<512x128xf32, #tpu.memory_space<vmem>>, vector<1x16xf32>,
      %get3A_1389 = vector.shape_cast %get3A_1388 : vector<1x16xf32> to vector<16xf32>
      %swap3A_1390 = arith.index_cast %add3A_1381 : i32 to index
      %swap3A_1391 = arith.constant 0 : index
      %swap3A_1392 = tpu.vector_load %arg8[%swap3A_1390, %swap3A_1391] {strides = array<i32>} : memref<512x64xf32, #tpu.memory_space<vmem>>, vector<1x16xf32>,
      %swap3A_1393 = vector.shape_cast %swap3A_1392 : vector<1x16xf32> to vector<16xf32>
      %swap3A_1394 = vector.shape_cast %get3A_1389 : vector<16xf32> to vector<1x16xf32>
      tpu.vector_store %arg8[%swap3A_1390, %swap3A_1391], %swap3A_1394 {strides = array<i32>} : memref<512x64xf32, #tpu.memory_space<vmem>>, vector<1x16xf32>,
      %add3A_1395 = arith.constant 16 : i32
      %add3A_1396 = arith.addi %squeeze3A_1383, %add3A_1395 : i32
      %get3A_1397 = arith.index_cast %add3A_1381 : i32 to index
      %get3A_1398 = arith.index_cast %add3A_1396 : i32 to index
      %get3A_1399 = tpu.vector_load %arg7[%get3A_1397, %get3A_1398] {strides = array<i32>} : memref<512x128xf32, #tpu.memory_space<vmem>>, vector<1x16xf32>,
      %get3A_1400 = vector.shape_cast %get3A_1399 : vector<1x16xf32> to vector<16xf32>
      %swap3A_1401 = arith.index_cast %add3A_1381 : i32 to index
      %swap3A_1402 = arith.constant 16 : index
      %swap3A_1403 = tpu.vector_load %arg8[%swap3A_1401, %swap3A_1402] {strides = array<i32>} : memref<512x64xf32, #tpu.memory_space<vmem>>, vector<1x16xf32>,
      %swap3A_1404 = vector.shape_cast %swap3A_1403 : vector<1x16xf32> to vector<16xf32>
      %swap3A_1405 = vector.shape_cast %get3A_1400 : vector<16xf32> to vector<1x16xf32>
      tpu.vector_store %arg8[%swap3A_1401, %swap3A_1402], %swap3A_1405 {strides = array<i32>} : memref<512x64xf32, #tpu.memory_space<vmem>>, vector<1x16xf32>,
      %add3A_1406 = arith.constant 32 : i32
      %add3A_1407 = arith.addi %squeeze3A_1383, %add3A_1406 : i32
      %get3A_1408 = arith.index_cast %add3A_1381 : i32 to index
      %get3A_1409 = arith.index_cast %add3A_1407 : i32 to index
      %get3A_1410 = tpu.vector_load %arg7[%get3A_1408, %get3A_1409] {strides = array<i32>} : memref<512x128xf32, #tpu.memory_space<vmem>>, vector<1x16xf32>,
      %get3A_1411 = vector.shape_cast %get3A_1410 : vector<1x16xf32> to vector<16xf32>
      %swap3A_1412 = arith.index_cast %add3A_1381 : i32 to index
      %swap3A_1413 = arith.constant 32 : index
      %swap3A_1414 = tpu.vector_load %arg8[%swap3A_1412, %swap3A_1413] {strides = array<i32>} : memref<512x64xf32, #tpu.memory_space<vmem>>, vector<1x16xf32>,
      %swap3A_1415 = vector.shape_cast %swap3A_1414 : vector<1x16xf32> to vector<16xf32>
      %swap3A_1416 = vector.shape_cast %get3A_1411 : vector<16xf32> to vector<1x16xf32>
      tpu.vector_store %arg8[%swap3A_1412, %swap3A_1413], %swap3A_1416 {strides = array<i32>} : memref<512x64xf32, #tpu.memory_space<vmem>>, vector<1x16xf32>,
      %add3A_1417 = arith.constant 48 : i32
      %add3A_1418 = arith.addi %squeeze3A_1383, %add3A_1417 : i32
      %get3A_1419 = arith.index_cast %add3A_1381 : i32 to index
      %get3A_1420 = arith.index_cast %add3A_1418 : i32 to index
      %get3A_1421 = tpu.vector_load %arg7[%get3A_1419, %get3A_1420] {strides = array<i32>} : memref<512x128xf32, #tpu.memory_space<vmem>>, vector<1x16xf32>,
      %get3A_1422 = vector.shape_cast %get3A_1421 : vector<1x16xf32> to vector<16xf32>
      %swap3A_1423 = arith.index_cast %add3A_1381 : i32 to index
      %swap3A_1424 = arith.constant 48 : index
      %swap3A_1425 = tpu.vector_load %arg8[%swap3A_1423, %swap3A_1424] {strides = array<i32>} : memref<512x64xf32, #tpu.memory_space<vmem>>, vector<1x16xf32>,
      %swap3A_1426 = vector.shape_cast %swap3A_1425 : vector<1x16xf32> to vector<16xf32>
      %swap3A_1427 = vector.shape_cast %get3A_1422 : vector<16xf32> to vector<1x16xf32>
      tpu.vector_store %arg8[%swap3A_1423, %swap3A_1424], %swap3A_1427 {strides = array<i32>} : memref<512x64xf32, #tpu.memory_space<vmem>>, vector<1x16xf32>,
      %mul3A_1428 = arith.constant 16 : i32
      %mul3A_1429 = arith.muli %add3A_715, %mul3A_1428 : i32
      %add3A_1430 = arith.constant 14 : i32
      %add3A_1431 = arith.addi %mul3A_1429, %add3A_1430 : i32
      %slice3A_1432 = vector.extract_strided_slice %mul3A_729 {offsets = [14], sizes = [1], strides = [1]} : vector<16xi32> to vector<1xi32>
      %squeeze3A_1433 = vector.extract %slice3A_1432[0] : i32 from vector<1xi32>
      %add3A_1434 = arith.constant 0 : i32
      %add3A_1435 = arith.addi %squeeze3A_1433, %add3A_1434 : i32
      %get3A_1436 = arith.index_cast %add3A_1431 : i32 to index
      %get3A_1437 = arith.index_cast %add3A_1435 : i32 to index
      %get3A_1438 = tpu.vector_load %arg7[%get3A_1436, %get3A_1437] {strides = array<i32>} : memref<512x128xf32, #tpu.memory_space<vmem>>, vector<1x16xf32>,
      %get3A_1439 = vector.shape_cast %get3A_1438 : vector<1x16xf32> to vector<16xf32>
      %swap3A_1440 = arith.index_cast %add3A_1431 : i32 to index
      %swap3A_1441 = arith.constant 0 : index
      %swap3A_1442 = tpu.vector_load %arg8[%swap3A_1440, %swap3A_1441] {strides = array<i32>} : memref<512x64xf32, #tpu.memory_space<vmem>>, vector<1x16xf32>,
      %swap3A_1443 = vector.shape_cast %swap3A_1442 : vector<1x16xf32> to vector<16xf32>
      %swap3A_1444 = vector.shape_cast %get3A_1439 : vector<16xf32> to vector<1x16xf32>
      tpu.vector_store %arg8[%swap3A_1440, %swap3A_1441], %swap3A_1444 {strides = array<i32>} : memref<512x64xf32, #tpu.memory_space<vmem>>, vector<1x16xf32>,
      %add3A_1445 = arith.constant 16 : i32
      %add3A_1446 = arith.addi %squeeze3A_1433, %add3A_1445 : i32
      %get3A_1447 = arith.index_cast %add3A_1431 : i32 to index
      %get3A_1448 = arith.index_cast %add3A_1446 : i32 to index
      %get3A_1449 = tpu.vector_load %arg7[%get3A_1447, %get3A_1448] {strides = array<i32>} : memref<512x128xf32, #tpu.memory_space<vmem>>, vector<1x16xf32>,
      %get3A_1450 = vector.shape_cast %get3A_1449 : vector<1x16xf32> to vector<16xf32>
      %swap3A_1451 = arith.index_cast %add3A_1431 : i32 to index
      %swap3A_1452 = arith.constant 16 : index
      %swap3A_1453 = tpu.vector_load %arg8[%swap3A_1451, %swap3A_1452] {strides = array<i32>} : memref<512x64xf32, #tpu.memory_space<vmem>>, vector<1x16xf32>,
      %swap3A_1454 = vector.shape_cast %swap3A_1453 : vector<1x16xf32> to vector<16xf32>
      %swap3A_1455 = vector.shape_cast %get3A_1450 : vector<16xf32> to vector<1x16xf32>
      tpu.vector_store %arg8[%swap3A_1451, %swap3A_1452], %swap3A_1455 {strides = array<i32>} : memref<512x64xf32, #tpu.memory_space<vmem>>, vector<1x16xf32>,
      %add3A_1456 = arith.constant 32 : i32
      %add3A_1457 = arith.addi %squeeze3A_1433, %add3A_1456 : i32
      %get3A_1458 = arith.index_cast %add3A_1431 : i32 to index
      %get3A_1459 = arith.index_cast %add3A_1457 : i32 to index
      %get3A_1460 = tpu.vector_load %arg7[%get3A_1458, %get3A_1459] {strides = array<i32>} : memref<512x128xf32, #tpu.memory_space<vmem>>, vector<1x16xf32>,
      %get3A_1461 = vector.shape_cast %get3A_1460 : vector<1x16xf32> to vector<16xf32>
      %swap3A_1462 = arith.index_cast %add3A_1431 : i32 to index
      %swap3A_1463 = arith.constant 32 : index
      %swap3A_1464 = tpu.vector_load %arg8[%swap3A_1462, %swap3A_1463] {strides = array<i32>} : memref<512x64xf32, #tpu.memory_space<vmem>>, vector<1x16xf32>,
      %swap3A_1465 = vector.shape_cast %swap3A_1464 : vector<1x16xf32> to vector<16xf32>
      %swap3A_1466 = vector.shape_cast %get3A_1461 : vector<16xf32> to vector<1x16xf32>
      tpu.vector_store %arg8[%swap3A_1462, %swap3A_1463], %swap3A_1466 {strides = array<i32>} : memref<512x64xf32, #tpu.memory_space<vmem>>, vector<1x16xf32>,
      %add3A_1467 = arith.constant 48 : i32
      %add3A_1468 = arith.addi %squeeze3A_1433, %add3A_1467 : i32
      %get3A_1469 = arith.index_cast %add3A_1431 : i32 to index
      %get3A_1470 = arith.index_cast %add3A_1468 : i32 to index
      %get3A_1471 = tpu.vector_load %arg7[%get3A_1469, %get3A_1470] {strides = array<i32>} : memref<512x128xf32, #tpu.memory_space<vmem>>, vector<1x16xf32>,
      %get3A_1472 = vector.shape_cast %get3A_1471 : vector<1x16xf32> to vector<16xf32>
      %swap3A_1473 = arith.index_cast %add3A_1431 : i32 to index
      %swap3A_1474 = arith.constant 48 : index
      %swap3A_1475 = tpu.vector_load %arg8[%swap3A_1473, %swap3A_1474] {strides = array<i32>} : memref<512x64xf32, #tpu.memory_space<vmem>>, vector<1x16xf32>,
      %swap3A_1476 = vector.shape_cast %swap3A_1475 : vector<1x16xf32> to vector<16xf32>
      %swap3A_1477 = vector.shape_cast %get3A_1472 : vector<16xf32> to vector<1x16xf32>
      tpu.vector_store %arg8[%swap3A_1473, %swap3A_1474], %swap3A_1477 {strides = array<i32>} : memref<512x64xf32, #tpu.memory_space<vmem>>, vector<1x16xf32>,
      %mul3A_1478 = arith.constant 16 : i32
      %mul3A_1479 = arith.muli %add3A_715, %mul3A_1478 : i32
      %add3A_1480 = arith.constant 15 : i32
      %add3A_1481 = arith.addi %mul3A_1479, %add3A_1480 : i32
      %slice3A_1482 = vector.extract_strided_slice %mul3A_729 {offsets = [15], sizes = [1], strides = [1]} : vector<16xi32> to vector<1xi32>
      %squeeze3A_1483 = vector.extract %slice3A_1482[0] : i32 from vector<1xi32>
      %add3A_1484 = arith.constant 0 : i32
      %add3A_1485 = arith.addi %squeeze3A_1483, %add3A_1484 : i32
      %get3A_1486 = arith.index_cast %add3A_1481 : i32 to index
      %get3A_1487 = arith.index_cast %add3A_1485 : i32 to index
      %get3A_1488 = tpu.vector_load %arg7[%get3A_1486, %get3A_1487] {strides = array<i32>} : memref<512x128xf32, #tpu.memory_space<vmem>>, vector<1x16xf32>,
      %get3A_1489 = vector.shape_cast %get3A_1488 : vector<1x16xf32> to vector<16xf32>
      %swap3A_1490 = arith.index_cast %add3A_1481 : i32 to index
      %swap3A_1491 = arith.constant 0 : index
      %swap3A_1492 = tpu.vector_load %arg8[%swap3A_1490, %swap3A_1491] {strides = array<i32>} : memref<512x64xf32, #tpu.memory_space<vmem>>, vector<1x16xf32>,
      %swap3A_1493 = vector.shape_cast %swap3A_1492 : vector<1x16xf32> to vector<16xf32>
      %swap3A_1494 = vector.shape_cast %get3A_1489 : vector<16xf32> to vector<1x16xf32>
      tpu.vector_store %arg8[%swap3A_1490, %swap3A_1491], %swap3A_1494 {strides = array<i32>} : memref<512x64xf32, #tpu.memory_space<vmem>>, vector<1x16xf32>,
      %add3A_1495 = arith.constant 16 : i32
      %add3A_1496 = arith.addi %squeeze3A_1483, %add3A_1495 : i32
      %get3A_1497 = arith.index_cast %add3A_1481 : i32 to index
      %get3A_1498 = arith.index_cast %add3A_1496 : i32 to index
      %get3A_1499 = tpu.vector_load %arg7[%get3A_1497, %get3A_1498] {strides = array<i32>} : memref<512x128xf32, #tpu.memory_space<vmem>>, vector<1x16xf32>,
      %get3A_1500 = vector.shape_cast %get3A_1499 : vector<1x16xf32> to vector<16xf32>
      %swap3A_1501 = arith.index_cast %add3A_1481 : i32 to index
      %swap3A_1502 = arith.constant 16 : index
      %swap3A_1503 = tpu.vector_load %arg8[%swap3A_1501, %swap3A_1502] {strides = array<i32>} : memref<512x64xf32, #tpu.memory_space<vmem>>, vector<1x16xf32>,
      %swap3A_1504 = vector.shape_cast %swap3A_1503 : vector<1x16xf32> to vector<16xf32>
      %swap3A_1505 = vector.shape_cast %get3A_1500 : vector<16xf32> to vector<1x16xf32>
      tpu.vector_store %arg8[%swap3A_1501, %swap3A_1502], %swap3A_1505 {strides = array<i32>} : memref<512x64xf32, #tpu.memory_space<vmem>>, vector<1x16xf32>,
      %add3A_1506 = arith.constant 32 : i32
      %add3A_1507 = arith.addi %squeeze3A_1483, %add3A_1506 : i32
      %get3A_1508 = arith.index_cast %add3A_1481 : i32 to index
      %get3A_1509 = arith.index_cast %add3A_1507 : i32 to index
      %get3A_1510 = tpu.vector_load %arg7[%get3A_1508, %get3A_1509] {strides = array<i32>} : memref<512x128xf32, #tpu.memory_space<vmem>>, vector<1x16xf32>,
      %get3A_1511 = vector.shape_cast %get3A_1510 : vector<1x16xf32> to vector<16xf32>
      %swap3A_1512 = arith.index_cast %add3A_1481 : i32 to index
      %swap3A_1513 = arith.constant 32 : index
      %swap3A_1514 = tpu.vector_load %arg8[%swap3A_1512, %swap3A_1513] {strides = array<i32>} : memref<512x64xf32, #tpu.memory_space<vmem>>, vector<1x16xf32>,
      %swap3A_1515 = vector.shape_cast %swap3A_1514 : vector<1x16xf32> to vector<16xf32>
      %swap3A_1516 = vector.shape_cast %get3A_1511 : vector<16xf32> to vector<1x16xf32>
      tpu.vector_store %arg8[%swap3A_1512, %swap3A_1513], %swap3A_1516 {strides = array<i32>} : memref<512x64xf32, #tpu.memory_space<vmem>>, vector<1x16xf32>,
      %add3A_1517 = arith.constant 48 : i32
      %add3A_1518 = arith.addi %squeeze3A_1483, %add3A_1517 : i32
      %get3A_1519 = arith.index_cast %add3A_1481 : i32 to index
      %get3A_1520 = arith.index_cast %add3A_1518 : i32 to index
      %get3A_1521 = tpu.vector_load %arg7[%get3A_1519, %get3A_1520] {strides = array<i32>} : memref<512x128xf32, #tpu.memory_space<vmem>>, vector<1x16xf32>,
      %get3A_1522 = vector.shape_cast %get3A_1521 : vector<1x16xf32> to vector<16xf32>
      %swap3A_1523 = arith.index_cast %add3A_1481 : i32 to index
      %swap3A_1524 = arith.constant 48 : index
      %swap3A_1525 = tpu.vector_load %arg8[%swap3A_1523, %swap3A_1524] {strides = array<i32>} : memref<512x64xf32, #tpu.memory_space<vmem>>, vector<1x16xf32>,
      %swap3A_1526 = vector.shape_cast %swap3A_1525 : vector<1x16xf32> to vector<16xf32>
      %swap3A_1527 = vector.shape_cast %get3A_1522 : vector<16xf32> to vector<1x16xf32>
      tpu.vector_store %arg8[%swap3A_1523, %swap3A_1524], %swap3A_1527 {strides = array<i32>} : memref<512x64xf32, #tpu.memory_space<vmem>>, vector<1x16xf32>,
    }
    %scan3A_658 = arith.constant 8 : i32
    %add3A_659 = arith.constant 384 : i32
    %add3A_660 = arith.addi %mul3A_2, %add3A_659 : i32
    %dma_start3A_661 = arith.constant 384 : i32
    %dma_start3A_662 = arith.constant 0 : i32
    %dma_start3A_663 = tpu.memref_slice %arg8[%dma_start3A_661, %dma_start3A_662] : memref<512x64xf32, #tpu.memory_space<vmem>> -> memref<128x64xf32, #tpu.memory_space<vmem>>
    %dma_start3A_664 = arith.constant 0 : i32
    %dma_start3A_665 = tpu.memref_slice %arg4[%add3A_660, %dma_start3A_664] : memref<16384x64xf32, #tpu.memory_space<hbm>> -> memref<128x64xf32, #tpu.memory_space<hbm>>
    %dma_start3A_666 = arith.constant 0 : i32
    %dma_start3A_667 = tpu.memref_slice %arg4[%add3A_660, %dma_start3A_666] : memref<16384x64xf32, #tpu.memory_space<hbm>> -> memref<128x64xf32, #tpu.memory_space<hbm>>
    %dma_start3A_668 = arith.constant 384 : i32
    %dma_start3A_669 = arith.constant 0 : i32
    %dma_start3A_670 = tpu.memref_slice %arg8[%dma_start3A_668, %dma_start3A_669] : memref<512x64xf32, #tpu.memory_space<vmem>> -> memref<128x64xf32, #tpu.memory_space<vmem>>
    tpu.enqueue_dma source(%dma_start3A_670 : memref<128x64xf32, #tpu.memory_space<vmem>>) target(%dma_start3A_667 : memref<128x64xf32, #tpu.memory_space<hbm>>) target_semaphore(%arg10 : memref<!tpu.dma_semaphore, #tpu.memory_space<semaphore_mem>>)
    %dma_wait3A_671 = arith.constant 0 : i32
    %dma_wait3A_672 = arith.constant 0 : i32
    %dma_wait3A_673 = tpu.memref_slice %arg8[%dma_wait3A_671, %dma_wait3A_672] : memref<512x64xf32, #tpu.memory_space<vmem>> -> memref<128x64xf32, #tpu.memory_space<vmem>>
    %dma_wait3A_674 = arith.constant 0 : i32
    %dma_wait3A_675 = tpu.memref_slice %arg4[%add3A_569, %dma_wait3A_674] : memref<16384x64xf32, #tpu.memory_space<hbm>> -> memref<128x64xf32, #tpu.memory_space<hbm>>
    %dma_wait3A_676 = arith.constant 0 : i32
    %dma_wait3A_677 = tpu.memref_slice %arg4[%add3A_569, %dma_wait3A_676] : memref<16384x64xf32, #tpu.memory_space<hbm>> -> memref<128x64xf32, #tpu.memory_space<hbm>>
    %dma_wait3A_678 = arith.constant 0 : i32
    %dma_wait3A_679 = arith.constant 0 : i32
    %dma_wait3A_680 = tpu.memref_slice %arg8[%dma_wait3A_678, %dma_wait3A_679] : memref<512x64xf32, #tpu.memory_space<vmem>> -> memref<128x64xf32, #tpu.memory_space<vmem>>
    tpu.wait_dma2 semaphore(%arg10 : memref<!tpu.dma_semaphore, #tpu.memory_space<semaphore_mem>>) src(%dma_wait3A_680 : memref<128x64xf32, #tpu.memory_space<vmem>>) dst(%dma_wait3A_677 : memref<128x64xf32, #tpu.memory_space<hbm>>)
    %dma_wait3A_681 = arith.constant 128 : i32
    %dma_wait3A_682 = arith.constant 0 : i32
    %dma_wait3A_683 = tpu.memref_slice %arg8[%dma_wait3A_681, %dma_wait3A_682] : memref<512x64xf32, #tpu.memory_space<vmem>> -> memref<128x64xf32, #tpu.memory_space<vmem>>
    %dma_wait3A_684 = arith.constant 0 : i32
    %dma_wait3A_685 = tpu.memref_slice %arg4[%add3A_602, %dma_wait3A_684] : memref<16384x64xf32, #tpu.memory_space<hbm>> -> memref<128x64xf32, #tpu.memory_space<hbm>>
    %dma_wait3A_686 = arith.constant 0 : i32
    %dma_wait3A_687 = tpu.memref_slice %arg4[%add3A_602, %dma_wait3A_686] : memref<16384x64xf32, #tpu.memory_space<hbm>> -> memref<128x64xf32, #tpu.memory_space<hbm>>
    %dma_wait3A_688 = arith.constant 128 : i32
    %dma_wait3A_689 = arith.constant 0 : i32
    %dma_wait3A_690 = tpu.memref_slice %arg8[%dma_wait3A_688, %dma_wait3A_689] : memref<512x64xf32, #tpu.memory_space<vmem>> -> memref<128x64xf32, #tpu.memory_space<vmem>>
    tpu.wait_dma2 semaphore(%arg10 : memref<!tpu.dma_semaphore, #tpu.memory_space<semaphore_mem>>) src(%dma_wait3A_690 : memref<128x64xf32, #tpu.memory_space<vmem>>) dst(%dma_wait3A_687 : memref<128x64xf32, #tpu.memory_space<hbm>>)
    %dma_wait3A_691 = arith.constant 256 : i32
    %dma_wait3A_692 = arith.constant 0 : i32
    %dma_wait3A_693 = tpu.memref_slice %arg8[%dma_wait3A_691, %dma_wait3A_692] : memref<512x64xf32, #tpu.memory_space<vmem>> -> memref<128x64xf32, #tpu.memory_space<vmem>>
    %dma_wait3A_694 = arith.constant 0 : i32
    %dma_wait3A_695 = tpu.memref_slice %arg4[%add3A_635, %dma_wait3A_694] : memref<16384x64xf32, #tpu.memory_space<hbm>> -> memref<128x64xf32, #tpu.memory_space<hbm>>
    %dma_wait3A_696 = arith.constant 0 : i32
    %dma_wait3A_697 = tpu.memref_slice %arg4[%add3A_635, %dma_wait3A_696] : memref<16384x64xf32, #tpu.memory_space<hbm>> -> memref<128x64xf32, #tpu.memory_space<hbm>>
    %dma_wait3A_698 = arith.constant 256 : i32
    %dma_wait3A_699 = arith.constant 0 : i32
    %dma_wait3A_700 = tpu.memref_slice %arg8[%dma_wait3A_698, %dma_wait3A_699] : memref<512x64xf32, #tpu.memory_space<vmem>> -> memref<128x64xf32, #tpu.memory_space<vmem>>
    tpu.wait_dma2 semaphore(%arg10 : memref<!tpu.dma_semaphore, #tpu.memory_space<semaphore_mem>>) src(%dma_wait3A_700 : memref<128x64xf32, #tpu.memory_space<vmem>>) dst(%dma_wait3A_697 : memref<128x64xf32, #tpu.memory_space<hbm>>)
    %dma_wait3A_701 = arith.constant 384 : i32
    %dma_wait3A_702 = arith.constant 0 : i32
    %dma_wait3A_703 = tpu.memref_slice %arg8[%dma_wait3A_701, %dma_wait3A_702] : memref<512x64xf32, #tpu.memory_space<vmem>> -> memref<128x64xf32, #tpu.memory_space<vmem>>
    %dma_wait3A_704 = arith.constant 0 : i32
    %dma_wait3A_705 = tpu.memref_slice %arg4[%add3A_660, %dma_wait3A_704] : memref<16384x64xf32, #tpu.memory_space<hbm>> -> memref<128x64xf32, #tpu.memory_space<hbm>>
    %dma_wait3A_706 = arith.constant 0 : i32
    %dma_wait3A_707 = tpu.memref_slice %arg4[%add3A_660, %dma_wait3A_706] : memref<16384x64xf32, #tpu.memory_space<hbm>> -> memref<128x64xf32, #tpu.memory_space<hbm>>
    %dma_wait3A_708 = arith.constant 384 : i32
    %dma_wait3A_709 = arith.constant 0 : i32
    %dma_wait3A_710 = tpu.memref_slice %arg8[%dma_wait3A_708, %dma_wait3A_709] : memref<512x64xf32, #tpu.memory_space<vmem>> -> memref<128x64xf32, #tpu.memory_space<vmem>>
    tpu.wait_dma2 semaphore(%arg10 : memref<!tpu.dma_semaphore, #tpu.memory_space<semaphore_mem>>) src(%dma_wait3A_710 : memref<128x64xf32, #tpu.memory_space<vmem>>) dst(%dma_wait3A_707 : memref<128x64xf32, #tpu.memory_space<hbm>>)
    return
  }
}

module attributes {stable_mosaic.version = 14 : i64} {
  func.func @_repack_body(%arg0: i32, %arg1: memref<64x32768xf32, #tpu.memory_space<vmem>>, %arg2: memref<16384x128xf32, #tpu.memory_space<vmem>>) attributes {dimension_semantics = [#tpu.dimension_semantics<arbitrary>], iteration_bounds = array<i64: 31>, scalar_prefetch = 0 : i64, scratch_operands = 0 : i64, tpu.core_type = #tpu.core_type<tc>, window_params = [{transform_indices = @transform_0, window_bounds = array<i64: 64, 32768>}, {transform_indices = @transform_1, window_bounds = array<i64: 16384, 128>}]} {
    %get3A = arith.constant 0 : index
    %get3A_0 = arith.constant 0 : index
    %get3A_1 = vector.load %arg1[%get3A, %get3A_0] : memref<64x32768xf32, #tpu.memory_space<vmem>>, vector<64x2048xf32>
    %get3A_2 = arith.constant 0 : index
    %get3A_3 = arith.constant 16384 : index
    %get3A_4 = vector.load %arg1[%get3A_2, %get3A_3] : memref<64x32768xf32, #tpu.memory_space<vmem>>, vector<64x2048xf32>
    %concatenate3A = tpu.concatenate %get3A_1, %get3A_4 in 0 : vector<64x2048xf32>, vector<64x2048xf32> -> vector<128x2048xf32>
    %transpose3A = tpu.transpose %concatenate3A, [1, 0] : vector<128x2048xf32> -> vector<2048x128xf32>
    %swap3A = arith.constant 0 : index
    %swap3A_5 = arith.constant 0 : index
    %swap3A_6 = vector.load %arg2[%swap3A, %swap3A_5] : memref<16384x128xf32, #tpu.memory_space<vmem>>, vector<2048x128xf32>
    tpu.vector_store %arg2[%swap3A, %swap3A_5], %transpose3A {strides = array<i32>} : memref<16384x128xf32, #tpu.memory_space<vmem>>, vector<2048x128xf32>,
    %get3A_7 = arith.constant 0 : index
    %get3A_8 = arith.constant 2048 : index
    %get3A_9 = vector.load %arg1[%get3A_7, %get3A_8] : memref<64x32768xf32, #tpu.memory_space<vmem>>, vector<64x2048xf32>
    %get3A_10 = arith.constant 0 : index
    %get3A_11 = arith.constant 18432 : index
    %get3A_12 = vector.load %arg1[%get3A_10, %get3A_11] : memref<64x32768xf32, #tpu.memory_space<vmem>>, vector<64x2048xf32>
    %concatenate3A_13 = tpu.concatenate %get3A_9, %get3A_12 in 0 : vector<64x2048xf32>, vector<64x2048xf32> -> vector<128x2048xf32>
    %transpose3A_14 = tpu.transpose %concatenate3A_13, [1, 0] : vector<128x2048xf32> -> vector<2048x128xf32>
    %swap3A_15 = arith.constant 2048 : index
    %swap3A_16 = arith.constant 0 : index
    %swap3A_17 = vector.load %arg2[%swap3A_15, %swap3A_16] : memref<16384x128xf32, #tpu.memory_space<vmem>>, vector<2048x128xf32>
    tpu.vector_store %arg2[%swap3A_15, %swap3A_16], %transpose3A_14 {strides = array<i32>} : memref<16384x128xf32, #tpu.memory_space<vmem>>, vector<2048x128xf32>,
    %get3A_18 = arith.constant 0 : index
    %get3A_19 = arith.constant 4096 : index
    %get3A_20 = vector.load %arg1[%get3A_18, %get3A_19] : memref<64x32768xf32, #tpu.memory_space<vmem>>, vector<64x2048xf32>
    %get3A_21 = arith.constant 0 : index
    %get3A_22 = arith.constant 20480 : index
    %get3A_23 = vector.load %arg1[%get3A_21, %get3A_22] : memref<64x32768xf32, #tpu.memory_space<vmem>>, vector<64x2048xf32>
    %concatenate3A_24 = tpu.concatenate %get3A_20, %get3A_23 in 0 : vector<64x2048xf32>, vector<64x2048xf32> -> vector<128x2048xf32>
    %transpose3A_25 = tpu.transpose %concatenate3A_24, [1, 0] : vector<128x2048xf32> -> vector<2048x128xf32>
    %swap3A_26 = arith.constant 4096 : index
    %swap3A_27 = arith.constant 0 : index
    %swap3A_28 = vector.load %arg2[%swap3A_26, %swap3A_27] : memref<16384x128xf32, #tpu.memory_space<vmem>>, vector<2048x128xf32>
    tpu.vector_store %arg2[%swap3A_26, %swap3A_27], %transpose3A_25 {strides = array<i32>} : memref<16384x128xf32, #tpu.memory_space<vmem>>, vector<2048x128xf32>,
    %get3A_29 = arith.constant 0 : index
    %get3A_30 = arith.constant 6144 : index
    %get3A_31 = vector.load %arg1[%get3A_29, %get3A_30] : memref<64x32768xf32, #tpu.memory_space<vmem>>, vector<64x2048xf32>
    %get3A_32 = arith.constant 0 : index
    %get3A_33 = arith.constant 22528 : index
    %get3A_34 = vector.load %arg1[%get3A_32, %get3A_33] : memref<64x32768xf32, #tpu.memory_space<vmem>>, vector<64x2048xf32>
    %concatenate3A_35 = tpu.concatenate %get3A_31, %get3A_34 in 0 : vector<64x2048xf32>, vector<64x2048xf32> -> vector<128x2048xf32>
    %transpose3A_36 = tpu.transpose %concatenate3A_35, [1, 0] : vector<128x2048xf32> -> vector<2048x128xf32>
    %swap3A_37 = arith.constant 6144 : index
    %swap3A_38 = arith.constant 0 : index
    %swap3A_39 = vector.load %arg2[%swap3A_37, %swap3A_38] : memref<16384x128xf32, #tpu.memory_space<vmem>>, vector<2048x128xf32>
    tpu.vector_store %arg2[%swap3A_37, %swap3A_38], %transpose3A_36 {strides = array<i32>} : memref<16384x128xf32, #tpu.memory_space<vmem>>, vector<2048x128xf32>,
    %get3A_40 = arith.constant 0 : index
    %get3A_41 = arith.constant 8192 : index
    %get3A_42 = vector.load %arg1[%get3A_40, %get3A_41] : memref<64x32768xf32, #tpu.memory_space<vmem>>, vector<64x2048xf32>
    %get3A_43 = arith.constant 0 : index
    %get3A_44 = arith.constant 24576 : index
    %get3A_45 = vector.load %arg1[%get3A_43, %get3A_44] : memref<64x32768xf32, #tpu.memory_space<vmem>>, vector<64x2048xf32>
    %concatenate3A_46 = tpu.concatenate %get3A_42, %get3A_45 in 0 : vector<64x2048xf32>, vector<64x2048xf32> -> vector<128x2048xf32>
    %transpose3A_47 = tpu.transpose %concatenate3A_46, [1, 0] : vector<128x2048xf32> -> vector<2048x128xf32>
    %swap3A_48 = arith.constant 8192 : index
    %swap3A_49 = arith.constant 0 : index
    %swap3A_50 = vector.load %arg2[%swap3A_48, %swap3A_49] : memref<16384x128xf32, #tpu.memory_space<vmem>>, vector<2048x128xf32>
    tpu.vector_store %arg2[%swap3A_48, %swap3A_49], %transpose3A_47 {strides = array<i32>} : memref<16384x128xf32, #tpu.memory_space<vmem>>, vector<2048x128xf32>,
    %get3A_51 = arith.constant 0 : index
    %get3A_52 = arith.constant 10240 : index
    %get3A_53 = vector.load %arg1[%get3A_51, %get3A_52] : memref<64x32768xf32, #tpu.memory_space<vmem>>, vector<64x2048xf32>
    %get3A_54 = arith.constant 0 : index
    %get3A_55 = arith.constant 26624 : index
    %get3A_56 = vector.load %arg1[%get3A_54, %get3A_55] : memref<64x32768xf32, #tpu.memory_space<vmem>>, vector<64x2048xf32>
    %concatenate3A_57 = tpu.concatenate %get3A_53, %get3A_56 in 0 : vector<64x2048xf32>, vector<64x2048xf32> -> vector<128x2048xf32>
    %transpose3A_58 = tpu.transpose %concatenate3A_57, [1, 0] : vector<128x2048xf32> -> vector<2048x128xf32>
    %swap3A_59 = arith.constant 10240 : index
    %swap3A_60 = arith.constant 0 : index
    %swap3A_61 = vector.load %arg2[%swap3A_59, %swap3A_60] : memref<16384x128xf32, #tpu.memory_space<vmem>>, vector<2048x128xf32>
    tpu.vector_store %arg2[%swap3A_59, %swap3A_60], %transpose3A_58 {strides = array<i32>} : memref<16384x128xf32, #tpu.memory_space<vmem>>, vector<2048x128xf32>,
    %get3A_62 = arith.constant 0 : index
    %get3A_63 = arith.constant 12288 : index
    %get3A_64 = vector.load %arg1[%get3A_62, %get3A_63] : memref<64x32768xf32, #tpu.memory_space<vmem>>, vector<64x2048xf32>
    %get3A_65 = arith.constant 0 : index
    %get3A_66 = arith.constant 28672 : index
    %get3A_67 = vector.load %arg1[%get3A_65, %get3A_66] : memref<64x32768xf32, #tpu.memory_space<vmem>>, vector<64x2048xf32>
    %concatenate3A_68 = tpu.concatenate %get3A_64, %get3A_67 in 0 : vector<64x2048xf32>, vector<64x2048xf32> -> vector<128x2048xf32>
    %transpose3A_69 = tpu.transpose %concatenate3A_68, [1, 0] : vector<128x2048xf32> -> vector<2048x128xf32>
    %swap3A_70 = arith.constant 12288 : index
    %swap3A_71 = arith.constant 0 : index
    %swap3A_72 = vector.load %arg2[%swap3A_70, %swap3A_71] : memref<16384x128xf32, #tpu.memory_space<vmem>>, vector<2048x128xf32>
    tpu.vector_store %arg2[%swap3A_70, %swap3A_71], %transpose3A_69 {strides = array<i32>} : memref<16384x128xf32, #tpu.memory_space<vmem>>, vector<2048x128xf32>,
    %get3A_73 = arith.constant 0 : index
    %get3A_74 = arith.constant 14336 : index
    %get3A_75 = vector.load %arg1[%get3A_73, %get3A_74] : memref<64x32768xf32, #tpu.memory_space<vmem>>, vector<64x2048xf32>
    %get3A_76 = arith.constant 0 : index
    %get3A_77 = arith.constant 30720 : index
    %get3A_78 = vector.load %arg1[%get3A_76, %get3A_77] : memref<64x32768xf32, #tpu.memory_space<vmem>>, vector<64x2048xf32>
    %concatenate3A_79 = tpu.concatenate %get3A_75, %get3A_78 in 0 : vector<64x2048xf32>, vector<64x2048xf32> -> vector<128x2048xf32>
    %transpose3A_80 = tpu.transpose %concatenate3A_79, [1, 0] : vector<128x2048xf32> -> vector<2048x128xf32>
    %swap3A_81 = arith.constant 14336 : index
    %swap3A_82 = arith.constant 0 : index
    %swap3A_83 = vector.load %arg2[%swap3A_81, %swap3A_82] : memref<16384x128xf32, #tpu.memory_space<vmem>>, vector<2048x128xf32>
    tpu.vector_store %arg2[%swap3A_81, %swap3A_82], %transpose3A_80 {strides = array<i32>} : memref<16384x128xf32, #tpu.memory_space<vmem>>, vector<2048x128xf32>,
    return
  }
  func.func @transform_0(%arg0: i32) -> (i32, i32) {
    %c0_i32 = arith.constant 0 : i32
    %c0_i32_0 = arith.constant 0 : i32
    return %c0_i32, %arg0 : i32, i32
  }
  func.func @transform_1(%arg0: i32) -> (i32, i32) {
    %c0_i32 = arith.constant 0 : i32
    %c0_i32_0 = arith.constant 0 : i32
    return %arg0, %c0_i32 : i32, i32
  }
}

</mosaic_0001>

<sc_bundles>
// kernel: kernel.4.cloned.1.call-start
scs
__scs_entry_jumppad:
0x0: {  	(pc) =	sbr.rel $0x88, $3  }
0x1: {  	(tag) =	ssettag $0x0;
	lr =	simm.s32 $0x1  }
0x2: {  	[smem:$0x3F9F] =	sst lr;
	_ =	strace $0xD0000000  }
0x3: {  	_ = 	snop  }
0x4: {  	_ = 	snop  }
0x5: {  	_ = 	snop  }
0x6: {  	_ = 	snop  }
0x7: {  	_ = 	snop  }
__scs_overlays_trampoline_lowered:
0x8: {  	[smem:$0x3FAE] =	sst s0  }
0x9: {  	[smem:$0x3FAF] =	sst s1  }
0xa: {  	[smem:$0x3FB0] =	sst s2  }
0xb: {  	[smem:$0x3FB1] =	sst s3  }
0xc: {  	[smem:$0x3FB2] =	sst s4  }
0xd: {  	[smem:$0x3FB3] =	sst s5  }
0xe: {  	[smem:$0x3FB4] =	sst s6  }
0xf: {  	[smem:$0x3FB5] =	sst s7  }
0x10: {  	[smem:$0x3FB6] =	sst s8  }
0x11: {  	[smem:$0x3FB7] =	sst s9;
	s0 =	simm.s32 @!p0 $0x0  }
0x12: {  	s1 =	sld [smem:$0x3F9D];
	s0 =	simm.s32 @p0 $0x1  }
0x13: {  	[smem:$0x3FB8] =	sst s0;
	s0 =	simm.s32 @!p1 $0x0  }
0x14: {  	s2 =	sld [smem:$0x3F9C];
	s0 =	simm.s32 @p1 $0x1  }
0x15: {  	[smem:$0x3FB9] =	sst s0;
	s0 =	simm.s32 @!p2 $0x0  }
0x16: {  	s3 =	sld [smem:$0x3FDB];
	s0 =	simm.s32 @p2 $0x1  }
0x17: {  	s4 =	simm.s32 $0x1BF5;
	[smem:$0x3FBB] =	sst s0  }
0x18: {  	s0 =	sld [smem:$0x3F9E];
	_ =	swait.ge [sflag:s4], $0x0  }
0x19: {  	s7 =	sld [smem:$0x3F9F]  }
0x1a: {  	s8 =	sadd.s32 $0xFFFFE003, lr  }
0x1b: {  	s9 =	sadd.s32 $0xFFFFFEF7, lr;
	s5 =	simm.s32 $0xFFFFFFFF;
	p2 =	slt.u32 s8, $0xFFFFF086  }
0x1c: {  	p1 =	slt.u32 s9, $0xF7A;
	s5 =	simm.s32 @!p2 $0x0  }
0x1d: {  	s5 =	simm.s32 @p1 $0x1;
	p0 =	seq.s32 s7, s2  }
0x1e: {  	s7 =	smul.u32 @!p0 $0xF7A, s2;
	p2 =	seq.s32 @!p0 s5, $0x0  }
0x1f: {  	s9 =	smul.u32 $0xF7A, s1;
	s8 =	simm.s32 @!p0 $0x1BF5;
	p2 =	por !p2, p0  }
0x20: {  	[sflag:s8] =	ssyncset.s32 @!p0 $0xFFFFF086;
	s6 =	sadd.s32 @!p0 s3, s7;
	s7 =	simm.s32 @!p0 $0x108  }
0x21: {  	s3 =	sadd.s32 s3, s9;
	s6 =	sadd.s32 @!p0 $0x88, s6;
	s7 =	simm.s32 @p2 $0x1082  }
0x22: {  	[simem:s7], [sflag:s8] =	dma.local @!p0 [hbm:s6], $0xF7A  }
0x23: {  	s9 =	sor.u32 $0xD0000000, s2;
	s6 =	simm.s32 $0x108;
	_ =	swait.ge @!p0 [sflag:s8], $0x0  }
0x24: {  	s3 =	sadd.s32 $0x88, s3;
	s6 =	simm.s32 @!p1 $0x1082;
	[sflag:s4] =	ssyncset.s32 $0xFFFFF086  }
0x25: {  	[simem:s6], [sflag:s4] =	dma.local [hbm:s3], $0xF7A  }
0x26: {  	[smem:$0x3F9F] =	sst s1;
	(tag) =	ssettag s2;
	_ =	strace s9  }
0x27: {  	s1 =	sld [smem:$0x3FAF]  }
0x28: {  	s2 =	sld [smem:$0x3FB0]  }
0x29: {  	s4 =	sld [smem:$0x3FB2]  }
0x2a: {  	p0 =	seq.s32 s5, $0x0;
	s5 =	sld [smem:$0x3FB3]  }
0x2b: {  	s6 =	sld [smem:$0x3FB4]  }
0x2c: {  	s7 =	sld [smem:$0x3FB5]  }
0x2d: {  	s3 =	simm.s32 $0x108;
	s8 =	sld [smem:$0x3FB6]  }
0x2e: {  	s3 =	simm.s32 @!p0 $0x1082;
	s9 =	sld [smem:$0x3FB7]  }
0x2f: {  	lr =	sadd.s32 s0, s3;
	s0 =	sld [smem:$0x3FAE]  }
0x30: {  	s3 =	sld [smem:$0x3FB1]  }
0x31: {  	[smem:$0x3FBA] =	sst s10  }
0x32: {  	s10 =	sld [smem:$0x3FB8];
	_ =	sdelay $0x3  }
0x33: {  	p0 =	seq.s32 s10, $0x1;
	s10 =	sld [smem:$0x3FBA];
	_ =	sdelay $0x3  }
0x34: {  	[smem:$0x3FBA] =	sst s10  }
0x35: {  	s10 =	sld [smem:$0x3FB9];
	_ =	sdelay $0x3  }
0x36: {  	p1 =	seq.s32 s10, $0x1;
	s10 =	sld [smem:$0x3FBA];
	_ =	sdelay $0x3  }
0x37: {  	[smem:$0x3FBA] =	sst s10  }
0x38: {  	s10 =	sld [smem:$0x3FBB]  }
0x39: {  	_ = 	snop;
	(pc) =	sbr.ind lr, $3  }
0x3a: {  	_ = 	snop  }
0x3b: {  	_ = 	snop  }
0x3c: {  	p2 =	seq.s32 s10, $0x1;
	s10 =	sld [smem:$0x3FBA]  }
0x3d: {  	_ =	shalt  }
0x3e: {  	_ =	shalt  }
0x3f: {  	_ =	shalt  }
0x40: {  	_ =	shalt  }
0x41: {  	_ =	shalt  }
0x42: {  	_ =	shalt  }
0x43: {  	_ =	shalt  }
0x44: {  	_ =	shalt  }
0x45: {  	_ =	shalt  }
0x46: {  	_ =	shalt  }
0x47: {  	_ =	shalt  }
0x48: {  	_ =	shalt  }
0x49: {  	_ =	shalt  }
0x4a: {  	_ =	shalt  }
0x4b: {  	_ =	shalt  }
0x4c: {  	_ =	shalt  }
0x4d: {  	_ =	shalt  }
0x4e: {  	_ =	shalt  }
0x4f: {  	_ =	shalt  }
0x50: {  	_ =	shalt  }
0x51: {  	_ =	shalt  }
0x52: {  	_ =	shalt  }
0x53: {  	_ =	shalt  }
0x54: {  	_ =	shalt  }
0x55: {  	_ =	shalt  }
0x56: {  	_ =	shalt  }
0x57: {  	_ =	shalt  }
0x58: {  	_ =	shalt  }
0x59: {  	_ =	shalt  }
0x5a: {  	_ =	shalt  }
0x5b: {  	_ =	shalt  }
0x5c: {  	_ =	shalt  }
0x5d: {  	_ =	shalt  }
0x5e: {  	_ =	shalt  }
0x5f: {  	_ =	shalt  }
0x60: {  	_ =	shalt  }
0x61: {  	_ =	shalt  }
0x62: {  	_ =	shalt  }
0x63: {  	_ =	shalt  }
0x64: {  	_ =	shalt  }
0x65: {  	_ =	shalt  }
0x66: {  	_ =	shalt  }
0x67: {  	_ =	shalt  }
0x68: {  	_ =	shalt  }
0x69: {  	_ =	shalt  }
0x6a: {  	_ =	shalt  }
0x6b: {  	_ =	shalt  }
0x6c: {  	_ =	shalt  }
0x6d: {  	_ =	shalt  }
0x6e: {  	_ =	shalt  }
0x6f: {  	_ =	shalt  }
0x70: {  	_ =	shalt  }
0x71: {  	_ =	shalt  }
0x72: {  	_ =	shalt  }
0x73: {  	_ =	shalt  }
0x74: {  	_ =	shalt  }
0x75: {  	_ =	shalt  }
0x76: {  	_ =	shalt  }
0x77: {  	_ =	shalt  }
0x78: {  	_ =	shalt  }
0x79: {  	_ =	shalt  }
0x7a: {  	_ =	shalt  }
0x7b: {  	_ =	shalt  }
0x7c: {  	_ =	shalt  }
0x7d: {  	_ =	shalt  }
0x7e: {  	_ =	shalt  }
0x7f: {  	_ =	shalt  }
0x80: {  	_ =	shalt  }
0x81: {  	_ =	shalt  }
0x82: {  	_ =	shalt  }
0x83: {  	_ =	shalt  }
0x84: {  	_ =	shalt  }
0x85: {  	_ =	shalt  }
0x86: {  	_ =	shalt  }
0x87: {  	_ =	shalt  }
.Lfunc_end0:
.L_simem_size_0:
called_computation_lowered:
.L_overlay_start_0:
0x88: {  	s2 =	sld [smem:$0x3FD9]  }
0x89: {  	s3 =	sld [smem:$0x3FFE];
	_ =	sdelay $0x1  }
0x8a: {  	s1 =	srdreg.scid  }
0x8b: {  	s0 =	sand.u32 $0x1, s1  }
0x8c: {  	s17 =	sshll.u32 s0, $0xA;
	s2 =	sadd.s32 s3, s2  }
0x8d: {  	s2 =	sadd.s32 s2, s17  }
0x8e: {  	[smem:$0x3FC6] =	sst s2  }
0x8f: {  	_ = 	snop  }
0x90: {  	s2 =	sld [smem:$0x3FC9]  }
0x91: {  	s18 =	sld [smem:$0x3FD0];
	(tm) =	ssettm $0x1  }
0x92: {  	s4 =	sld [smem:$0x3FFB];
	_ =	sdelay $0x3  }
0x93: {  	_ =	strace s4  }
0x94: {  	s4 =	sld [smem:$0x3FFC];
	_ =	sdelay $0x3  }
0x95: {  	_ =	strace s4  }
0x96: {  	s4 =	sld [smem:$0x3FFD];
	_ =	sdelay $0x3  }
0x97: {  	_ =	strace s4  }
0x98: {  	_ =	strace $0x8FFFFFFF  }
0x99: {  	s19 =	sld [smem:$0x3FDB];
	_ =	sdelay $0x1  }
0x9a: {  	s5 =	simm.s32 $_scs_section_size  }
0x9b: {  	s6 =	simm.s32 $_size__tile_overlayer_lowered;
	s7 =	simm.s32 $_tile_overlayer_lowered  }
0x9c: {  	s22 =	simm.s32 $0x1BFF;
	s21 =	sshll.u32 s7, $0x1;
	s4 =	sadd.s32 s5, s19  }
0x9d: {  	s8 =	simm.s32 $0x0;
	s20 =	sshll.u32 s6, $0x1;
	s6 =	sadd.s32 s21, s4  }
0x9e: {  	[timem:s8], [sflag:s22] =	dma.local [hbm:s6], s20  }
0x9f: {  	_ =	swait.ge [sflag:s22], s20  }
0xa0: {  	s5 =	ssub.s32 $0x0, s20;
	[sflag:s22] =	ssyncset.done $0x0  }
0xa1: {  	[sflag:s22] =	ssyncadd.s32 s5;
	_ =	sdelay $0x1  }
0xa2: {  	s23 =	simm.s32 $0x1B8B  }
0xa3: {  	_ =	swait.ge [sflag:s23], $0x1  }
0xa4: {  	[sflag:s23] =	ssyncset.done $0x0  }
0xa5: {  	s25 =	simm.s32 $0x1B8E;
	s24 =	sld [smem:$0x3FFE];
	[sflag:s23] =	ssyncadd.s32 $0xFFFFFFFF  }
0xa6: {  	s26 =	simm.s32 $execute0_lowered;
	[smem:$0x3FD2] =	sst s25  }
0xa7: {  	s6 =	sshll.u32 s26, $0x1;
	_ =	strace $0x80000046;
	[dreg:$0x1] =	wrdreg $0xFFFFFFFF  }
0xa8: {  	s28 =	simm.s32 $_size_execute0_lowered;
	s4 =	sadd.s32 s4, s6;
	[dreg:$0x0] =	wrdreg $0x0  }
0xa9: {  	s6 =	sshll.u32 s28, $0x1;
	[dreg:$0x2] =	wrdreg s4  }
0xaa: {  	[dreg:$0x3] =	wrdreg s6  }
0xab: {  	[dreg:$0x4] =	wrdreg $0xC0  }
0xac: {  	_ =	task [dreg:s8], $0x5FFFF  }
0xad: {  	[dreg:$0x1] =	wrdreg $0xFFFFFFFF  }
0xae: {  	[dreg:$0x0] =	wrdreg $0x60  }
0xaf: {  	[dreg:$0x2] =	wrdreg s2  }
0xb0: {  	[dreg:$0x3] =	wrdreg s24  }
0xb1: {  	[dreg:$0x4] =	wrdreg s18  }
0xb2: {  	[dreg:$0x5] =	wrdreg $0x9  }
0xb3: {  	_ =	task.clear_ibuf [dreg:s8], $0x6FFFF;
	_ =	strace $0x90000046  }
0xb4: {  	s29 =	simm.s32 $0x9;
	_ =	strace $0x80000048  }
0xb5: {  	_ =	swait.ge [sflag:s29], $0x1  }
0xb6: {  	[sflag:s29] =	ssyncadd.s32 $0xFFFFFFFF  }
0xb7: {  	_ =	strace $0x90000048  }
0xb8: {  	_ =	sfence  }
0xb9: {  	s30 =	sld [smem:$0x0];
	_ =	sdelay $0x2  }
0xba: {  	s31 =	sshll.u32 s1, $0xD;
	s1 =	sshrl.u32 s1, $0x2  }
0xbb: {  	s3 =	sand.u32 $0x4000, s31;
	s1 =	sadd.s32 s1, s30  }
0xbc: {  	s0 =	sor.u32 s3, s0;
	s1 =	sshll.u32 s1, $0x11  }
0xbd: {  	s0 =	sor.u32 s1, s0  }
0xbe: {  	s0 =	sadd.s32 $0x8F2B, s0  }
0xbf: {  	[sflag:s0] =	ssyncadd.remote.s32 $0x1  }
0xc0: {  	_ =	sfence.sel $0xFFFF  }
0xc1: {  	[dreg:$0x0] =	wrdreg $0xFFFFFFFF;
	(pc) =	sbr.abs _section_cstart, $3  }
0xc2: {  	[dreg:$0x1] =	wrdreg $0xFFFFFFFF  }
0xc3: {  	_ =	task.clear_ibuf [dreg:s8], $0x2FFFF;
	_ =	strace $0x9FFFFFFF  }
0xc4: {  	(tm) =	ssettm $0x7FFFFFFF  }
0xc5: {  	_ =	shalt  }
tec
execute0_lowered:
.L_overlay_start_1:
0x0: {  	(tag) =	ssettag $0x1  }
0x1: {  	s4 =	rddreg [dreg:$0x0]  }
0x2: {  	s3 =	rddreg [dreg:$0x1]  }
0x3: {  	s5 =	rddreg [dreg:$0x2];
	s2 =	simm.s32 $0x0;
	s6 =	srdreg.scid  }
0x4: {  	s0 =	stileid.u32;
	s11 =	simm.s32 $0x80;
	s12 =	simm.s32 $0x200  }
0x5: {  	s13 =	simm.s32 $0x400;
	s14 =	simm.s32 $0x280;
	s15 =	simm.s32 $0x4400  }
0x6: {  	s16 =	simm.s32 $0x1;
	s17 =	simm.s32 $0x10400;
	s18 =	simm.s32 $0x300  }
0x7: {  	s19 =	simm.s32 $0x8400;
	s20 =	simm.s32 $0x12400;
	s21 =	simm.s32 $0x380  }
0x8: {  	s22 =	simm.s32 $0xC400;
	s23 =	simm.s32 $0x14400;
	s24 =	simm.s32 $0x16400  }
0x9: {  	s25 =	simm.s32 $0x2;
	s26 =	simm.s32 $0x0;
	s6 =	sand.u32 $0x1, s6  }
0xa: {  	[smem:$0x7FF] =	sst s2;
	s7 =	sshll.u32 s0, $0xA;
	s8 =	sshll.u32 s6, $0x9  }
0xb: {  	s3 =	sadd.s32 $0x400, s3;
	s6 =	ssub.s32 $0x2, s6;
	s7 =	sor.u32 s8, s7  }
0xc: {  	_ =	strace $0x80000047;
	s31 =	sshrl.u32 s6, $0x1;
	s9 =	sshrl.u32 s7, $0x3  }
0xd: {  	s7 =	sshll.u32 s7, $0x3;
	s10 =	ssub.s32 s6, s31;
	s4 =	sadd.s32 s4, s9  }
0xe: {  	s5 =	sadd.s32 s5, s7;
	s9 =	smax.u32 s10, $0x1;
	s10 =	simm.s32 $0x3  }
0xf: {  	s6 =	sadd.s32 $0x400, s5;
	s7 =	sadd.s32 $0x800, s5;
	s8 =	sadd.s32 $0xC00, s5  }
.LBB2_1:
0x10: {  	[tilespmem:s2], [sflag:$0x3] =	stream.linear.gather [hbm4b:s4+s2], $0x200, $0x38;
	[tilespmem:$0x18400] =	vst v63  }
0x11: {  	_ =	swait.ge [sflag:s10], $0x200  }
0x12: {  	[sflag:s10] =	ssyncset.done $0x0  }
0x13: {  	[sflag:s10] =	ssyncadd.s32 $0xFFFFFE00  }
0x14: {  	v0 =	vld [tilespmem:$0x0]  }
0x15: {  	v1 =	vld [tilespmem:$0x10]  }
0x16: {  	v2 =	vld [tilespmem:$0x20]  }
0x17: {  	v3 =	vld [tilespmem:$0x30]  }
0x18: {  	v5 =	vld [tilespmem:$0x40]  }
0x19: {  	v7 =	vld [tilespmem:$0x50]  }
0x1a: {  	v8 =	vld [tilespmem:$0x60]  }
0x1b: {  	v63 =	vld [tilespmem:$0x70]  }
0x1c: {  	v10 =	vld [tilespmem:$0x80]  }
0x1d: {  	v11 =	vld [tilespmem:$0x90]  }
0x1e: {  	v20 =	vld [tilespmem:$0xA0]  }
0x1f: {  	v13 =	vld [tilespmem:$0xB0];
	v4 =	vshrl.u32 v0, $0x1  }
0x20: {  	v14 =	vld [tilespmem:$0xC0];
	v0 =	vand.u32 $0x3FFF, v0;
	v6 =	vshrl.u32 v1, $0x1;
	v61 =	vshrl.u32 v2, $0x1  }
0x21: {  	v25 =	vld [tilespmem:$0xD0];
	v1 =	vand.u32 $0x3FFF, v1;
	v2 =	vand.u32 $0x3FFF, v2;
	v62 =	vshrl.u32 v3, $0x1  }
0x22: {  	v15 =	vld [tilespmem:$0xE0];
	v3 =	vand.u32 $0x3FFF, v3;
	v9 =	vshrl.u32 v5, $0x1;
	v17 =	vshrl.u32 v7, $0x1  }
0x23: {  	v34 =	vld [tilespmem:$0xF0];
	v5 =	vand.u32 $0x3FFF, v5;
	v7 =	vand.u32 $0x3FFF, v7;
	v19 =	vshrl.u32 v8, $0x1  }
0x24: {  	v37 =	vld [tilespmem:$0x100];
	v8 =	vand.u32 $0x3FFF, v8;
	v12 =	vshrl.u32 v63, $0x1;
	v22 =	vshrl.u32 v10, $0x1  }
0x25: {  	v40 =	vld [tilespmem:$0x110];
	v10 =	vand.u32 $0x3FFF, v10;
	v24 =	vshrl.u32 v11, $0x1;
	v27 =	vand.u32 $0x3FFF, v11  }
0x26: {  	v28 =	vshrl.u32 v20, $0x1;
	v30 =	vshrl.u32 v13, $0x1;
	v31 =	vand.u32 $0x3FFF, v20  }
0x27: {  	v33 =	vand.u32 $0x3FFF, v13;
	v36 =	vshrl.u32 v14, $0x1;
	v38 =	vand.u32 $0x3FFF, v14  }
0x28: {  	v39 =	vshrl.u32 v25, $0x1;
	v42 =	vshrl.u32 v15, $0x1;
	v43 =	vand.u32 $0x3FFF, v25  }
0x29: {  	v45 =	vld [tilespmem:$0x120];
	v44 =	vand.u32 $0x3FFF, v15;
	v46 =	vshrl.u32 v34, $0x1;
	v48 =	vand.u32 $0x3FFF, v34  }
0x2a: {  	v47 =	vld [tilespmem:$0x130];
	v49 =	vshrl.u32 v37, $0x1;
	v53 =	vshrl.u32 v40, $0x1;
	v4 =	vand.u32 $0x7FFFC000, v4  }
0x2b: {  	v50 =	vld [tilespmem:$0x140];
	v54 =	vand.u32 $0x3FFF, v37;
	v60 =	vand.u32 $0x7FFFC000, v6;
	v0 =	vor.u32 v0, v4  }
0x2c: {  	v56 =	vld [tilespmem:$0x150];
	v55 =	vand.u32 $0x3FFF, v40;
	v6 =	vand.u32 $0x7FFFC000, v61;
	v1 =	vor.u32 v1, v60;
	[tilespmem:$0x200] =	vst v0  }
0x2d: {  	v16 =	vand.u32 $0x7FFFC000, v9;
	v9 =	vand.u32 $0x7FFFC000, v17;
	v2 =	vor.u32 v2, v6;
	[tilespmem:$0x210] =	vst v1  }
0x2e: {  	v21 =	vand.u32 $0x7FFFC000, v12;
	v12 =	vand.u32 $0x7FFFC000, v22;
	v18 =	vor.u32 v7, v9;
	[tilespmem:$0x220] =	vst v2  }
0x2f: {  	v58 =	vshrl.u32 v45, $0x1;
	v32 =	vand.u32 $0x7FFFC000, v30;
	v23 =	vor.u32 v10, v12;
	[tilespmem:$0x250] =	vst v18  }
0x30: {  	v14 =	vshrl.u32 v50, $0x1;
	v4 =	vand.u32 $0x7FFFC000, v62;
	v35 =	vor.u32 v33, v32;
	[tilespmem:$0x280] =	vst v23  }
0x31: {  	v59 =	vld [tilespmem:$0x160];
	v15 =	vand.u32 $0x3FFF, v47;
	v20 =	vshrl.u32 v56, $0x1;
	v3 =	vor.u32 v3, v4;
	[tilespmem:$0x2B0] =	vst v35  }
0x32: {  	v26 =	vand.u32 $0x7FFFC000, v24;
	v7 =	vand.u32 $0x7FFFC000, v19;
	v4 =	vor.u32 v5, v16;
	[tilespmem:$0x230] =	vst v3  }
0x33: {  	v29 =	vand.u32 $0x7FFFC000, v28;
	v6 =	vand.u32 $0x3FFF, v63;
	v7 =	vor.u32 v8, v7;
	[tilespmem:$0x240] =	vst v4  }
0x34: {  	v41 =	vand.u32 $0x7FFFC000, v39;
	v52 =	vand.u32 $0x7FFFC000, v49;
	v6 =	vor.u32 v6, v21;
	[tilespmem:$0x260] =	vst v7  }
0x35: {  	v61 =	vand.u32 $0x3FFF, v45;
	v22 =	vand.u32 $0x7FFFC000, v20;
	v0 =	vor.u32 v27, v26;
	[tilespmem:$0x270] =	vst v6  }
0x36: {  	v24 =	vshrl.u32 v59, $0x1;
	v28 =	vand.u32 $0x3FFF, v59;
	v1 =	vor.u32 v31, v29;
	[tilespmem:$0x290] =	vst v0  }
0x37: {  	v25 =	vld [tilespmem:$0x1A0];
	v60 =	vand.u32 $0x7FFFC000, v58;
	v5 =	vand.u32 $0x7FFFC000, v42;
	v4 =	vor.u32 v43, v41;
	[tilespmem:$0x2A0] =	vst v1  }
0x38: {  	v34 =	vld [tilespmem:$0x1C0];
	v62 =	vshrl.u32 v47, $0x1;
	v8 =	vand.u32 $0x7FFFC000, v53;
	v5 =	vor.u32 v44, v5;
	[tilespmem:$0x2D0] =	vst v4  }
0x39: {  	v37 =	vld [tilespmem:$0x1D0];
	v13 =	vand.u32 $0x7FFFC000, v62;
	v16 =	vand.u32 $0x3FFF, v50;
	v1 =	vor.u32 v54, v52;
	[tilespmem:$0x2E0] =	vst v5  }
0x3a: {  	v23 =	vand.u32 $0x3FFF, v56;
	v26 =	vand.u32 $0x7FFFC000, v24;
	v57 =	vor.u32 v55, v8;
	[tilespmem:$0x300] =	vst v1  }
0x3b: {  	v17 =	vld [tilespmem:$0x180];
	v3 =	vand.u32 $0x7FFFC000, v36;
	v6 =	vand.u32 $0x7FFFC000, v46;
	v18 =	vor.u32 v15, v13;
	[tilespmem:$0x310] =	vst v57  }
0x3c: {  	v30 =	vld [tilespmem:$0x1B0];
	v31 =	vor.u32 v28, v26;
	v3 =	vor.u32 v38, v3;
	v51 =	vor.u32 v48, v6;
	[tilespmem:$0x330] =	vst v18  }
0x3d: {  	v63 =	vld [tilespmem:$0x170];
	v6 =	vand.u32 $0x7FFFC000, v14;
	v1 =	vor.u32 v23, v22;
	v40 =	vshrl.u32 v25, $0x1;
	[tilespmem:$0x360] =	vst v31  }
0x3e: {  	v42 =	vand.u32 $0x3FFF, v25;
	v49 =	vshrl.u32 v34, $0x1;
	v52 =	vshrl.u32 v37, $0x1;
	[tilespmem:$0x2C0] =	vst v3  }
0x3f: {  	v53 =	vand.u32 $0x3FFF, v34;
	v54 =	vand.u32 $0x3FFF, v37;
	v3 =	vor.u32 v61, v60;
	[tilespmem:$0x2F0] =	vst v51  }
0x40: {  	v21 =	vld [tilespmem:$0x190];
	v19 =	vor.u32 v16, v6;
	v33 =	vshrl.u32 v17, $0x1;
	v35 =	vand.u32 $0x3FFF, v17;
	[tilespmem:$0x350] =	vst v1  }
0x41: {  	v4 =	vand.u32 $0x7FFFC000, v40;
	v45 =	vshrl.u32 v30, $0x1;
	v48 =	vand.u32 $0x3FFF, v30;
	[tilespmem:$0x320] =	vst v3  }
0x42: {  	v43 =	vld [tilespmem:$0x1E0];
	v51 =	vand.u32 $0x7FFFC000, v49;
	v27 =	vshrl.u32 v63, $0x1;
	[tilespmem:$0x340] =	vst v19;
	v44 =	vor.u32 v42, v4  }
0x43: {  	v46 =	vld [tilespmem:$0x1F0];
	v29 =	vand.u32 $0x3FFF, v63;
	v3 =	vand.u32 $0x7FFFC000, v33;
	v55 =	vor.u32 v53, v51;
	[tilespmem:$0x3A0] =	vst v44  }
0x44: {  	v47 =	vand.u32 $0x7FFFC000, v45;
	v5 =	vand.u32 $0x7FFFC000, v27;
	v38 =	vor.u32 v35, v3;
	[tilespmem:$0x3C0] =	vst v55  }
0x45: {  	v36 =	vshrl.u32 v21, $0x1;
	v41 =	vand.u32 $0x3FFF, v21;
	v50 =	vor.u32 v48, v47;
	[tilespmem:$0x380] =	vst v38  }
0x46: {  	v3 =	vand.u32 $0x7FFFC000, v52;
	v32 =	vor.u32 v29, v5;
	v39 =	vand.u32 $0x7FFFC000, v36;
	[tilespmem:$0x3B0] =	vst v50  }
0x47: {  	v56 =	vor.u32 v54, v3;
	v57 =	vshrl.u32 v43, $0x1;
	v59 =	vand.u32 $0x3FFF, v43;
	[tilespmem:$0x370] =	vst v32  }
0x48: {  	v60 =	vshrl.u32 v46, $0x1;
	v0 =	vor.u32 v41, v39;
	v58 =	vand.u32 $0x7FFFC000, v57;
	[tilespmem:$0x3D0] =	vst v56  }
0x49: {  	v62 =	vand.u32 $0x3FFF, v46;
	v61 =	vand.u32 $0x7FFFC000, v60;
	[tilespmem:$0x390] =	vst v0;
	v0 =	vor.u32 v59, v58  }
0x4a: {  	v63 =	vor.u32 v62, v61;
	[tilespmem:$0x3E0] =	vst v0  }
0x4b: {  	[tilespmem:$0x3F0] =	vst v63  }
0x4c: {  	[tilespmem:s13], [sflag:$0x1] =	stream.indirect.gather [hbm4b:s3+s11], $0x80, s12, s11, $0xb8;
	[tilespmem:$0x18400] =	vst v63  }
0x4d: {  	_ = 	snop  }
0x4e: {  	[tilespmem:s15], [sflag:$0x1] =	stream.indirect.gather [hbm4b:s3+s11], $0x80, s14, s11, $0xb8;
	[tilespmem:$0x18400] =	vst v63  }
0x4f: {  	_ =	swait.ge [sflag:s16], $0x4000  }
0x50: {  	s28 =	simm.s32 $0x10600;
	[sflag:s16] =	ssyncset.done $0x0  }
0x51: {  	s29 =	simm.s32 $0x0;
	s30 =	simm.s32 $0x0;
	[sflag:s16] =	ssyncadd.s32 $0xFFFFC000  }
.LBB2_2:
0x52: {  	v0 =	vld [tilespmem:s29+$0x0];
	_ =	sdelay $0x4  }
0x53: {  	v0 =	vshrl.u32 v0, $0x8  }
0x54: {  	s31 =	sshra.s32 s30, $0x2;
	v0 =	vand.u32 $0x40, v0  }
0x55: {  	v0 =	vadd.s32 s31, v0  }
0x56: {  	(v2sf) =	vpush v0, $0x1  }
0x57: {  	(v2sf) =	vpush v0, $0x0;
	_ =	sdelay $0xd  }
0x58: {  	s1 =	spop (v2sf)  }
0x59: {  	s0 =	spop (v2sf)  }
0x5a: {  	v1 =	vld [tilespmem:s0+$0x400];
	_ =	sdelay $0x4  }
0x5b: {  	[tilespmem:s28+$0xFFFFFE00] =	vst v1  }
0x5c: {  	v1 =	vld [tilespmem:s0+$0x410];
	_ =	sdelay $0x4  }
0x5d: {  	[tilespmem:s28+$0xFFFFFE10] =	vst v1  }
0x5e: {  	v1 =	vld [tilespmem:s0+$0x420];
	_ =	sdelay $0x4  }
0x5f: {  	[tilespmem:s28+$0xFFFFFE20] =	vst v1  }
0x60: {  	v1 =	vld [tilespmem:s0+$0x430];
	_ =	sdelay $0x4  }
0x61: {  	[tilespmem:s28+$0xFFFFFE30] =	vst v1  }
0x62: {  	v1 =	vld [tilespmem:s1+$0x480];
	_ =	sdelay $0x4  }
0x63: {  	[tilespmem:s28+$0xFFFFFE40] =	vst v1  }
0x64: {  	v1 =	vld [tilespmem:s1+$0x490]  }
0x65: {  	(v2sf) =	vpush v0, $0x3  }
0x66: {  	(v2sf) =	vpush v0, $0x2;
	_ =	sdelay $0x2  }
0x67: {  	[tilespmem:s28+$0xFFFFFE50] =	vst v1  }
0x68: {  	v1 =	vld [tilespmem:s1+$0x4A0];
	_ =	sdelay $0x4  }
0x69: {  	[tilespmem:s28+$0xFFFFFE60] =	vst v1  }
0x6a: {  	v1 =	vld [tilespmem:s1+$0x4B0];
	_ =	sdelay $0x3  }
0x6b: {  	s0 =	spop (v2sf)  }
0x6c: {  	s1 =	spop (v2sf);
	[tilespmem:s28+$0xFFFFFE70] =	vst v1  }
0x6d: {  	v1 =	vld [tilespmem:s1+$0x500];
	_ =	sdelay $0x4  }
0x6e: {  	[tilespmem:s28+$0xFFFFFE80] =	vst v1  }
0x6f: {  	v1 =	vld [tilespmem:s1+$0x510];
	_ =	sdelay $0x4  }
0x70: {  	[tilespmem:s28+$0xFFFFFE90] =	vst v1  }
0x71: {  	v1 =	vld [tilespmem:s1+$0x520];
	_ =	sdelay $0x4  }
0x72: {  	[tilespmem:s28+$0xFFFFFEA0] =	vst v1  }
0x73: {  	v1 =	vld [tilespmem:s1+$0x530];
	_ =	sdelay $0x4  }
0x74: {  	[tilespmem:s28+$0xFFFFFEB0] =	vst v1  }
0x75: {  	v1 =	vld [tilespmem:s0+$0x580];
	_ =	sdelay $0x4  }
0x76: {  	[tilespmem:s28+$0xFFFFFEC0] =	vst v1  }
0x77: {  	v1 =	vld [tilespmem:s0+$0x590]  }
0x78: {  	(v2sf) =	vpush v0, $0x5  }
0x79: {  	(v2sf) =	vpush v0, $0x4;
	_ =	sdelay $0x2  }
0x7a: {  	[tilespmem:s28+$0xFFFFFED0] =	vst v1  }
0x7b: {  	v1 =	vld [tilespmem:s0+$0x5A0];
	_ =	sdelay $0x4  }
0x7c: {  	[tilespmem:s28+$0xFFFFFEE0] =	vst v1  }
0x7d: {  	v1 =	vld [tilespmem:s0+$0x5B0];
	_ =	sdelay $0x3  }
0x7e: {  	s0 =	spop (v2sf)  }
0x7f: {  	s1 =	spop (v2sf);
	[tilespmem:s28+$0xFFFFFEF0] =	vst v1  }
0x80: {  	v1 =	vld [tilespmem:s1+$0x600];
	_ =	sdelay $0x4  }
0x81: {  	[tilespmem:s28+$0xFFFFFF00] =	vst v1  }
0x82: {  	v1 =	vld [tilespmem:s1+$0x610];
	_ =	sdelay $0x4  }
0x83: {  	[tilespmem:s28+$0xFFFFFF10] =	vst v1  }
0x84: {  	v1 =	vld [tilespmem:s1+$0x620];
	_ =	sdelay $0x4  }
0x85: {  	[tilespmem:s28+$0xFFFFFF20] =	vst v1  }
0x86: {  	v1 =	vld [tilespmem:s1+$0x630];
	_ =	sdelay $0x4  }
0x87: {  	[tilespmem:s28+$0xFFFFFF30] =	vst v1  }
0x88: {  	v1 =	vld [tilespmem:s0+$0x680];
	_ =	sdelay $0x4  }
0x89: {  	[tilespmem:s28+$0xFFFFFF40] =	vst v1  }
0x8a: {  	v1 =	vld [tilespmem:s0+$0x690]  }
0x8b: {  	(v2sf) =	vpush v0, $0x7  }
0x8c: {  	(v2sf) =	vpush v0, $0x6;
	_ =	sdelay $0x2  }
0x8d: {  	[tilespmem:s28+$0xFFFFFF50] =	vst v1  }
0x8e: {  	v1 =	vld [tilespmem:s0+$0x6A0];
	_ =	sdelay $0x4  }
0x8f: {  	[tilespmem:s28+$0xFFFFFF60] =	vst v1  }
0x90: {  	v1 =	vld [tilespmem:s0+$0x6B0];
	_ =	sdelay $0x3  }
0x91: {  	s0 =	spop (v2sf)  }
0x92: {  	s1 =	spop (v2sf);
	[tilespmem:s28+$0xFFFFFF70] =	vst v1  }
0x93: {  	v1 =	vld [tilespmem:s1+$0x700];
	_ =	sdelay $0x4  }
0x94: {  	[tilespmem:s28+$0xFFFFFF80] =	vst v1  }
0x95: {  	v1 =	vld [tilespmem:s1+$0x710];
	_ =	sdelay $0x4  }
0x96: {  	[tilespmem:s28+$0xFFFFFF90] =	vst v1  }
0x97: {  	v1 =	vld [tilespmem:s1+$0x720];
	_ =	sdelay $0x4  }
0x98: {  	[tilespmem:s28+$0xFFFFFFA0] =	vst v1  }
0x99: {  	v1 =	vld [tilespmem:s1+$0x730];
	_ =	sdelay $0x4  }
0x9a: {  	[tilespmem:s28+$0xFFFFFFB0] =	vst v1  }
0x9b: {  	v1 =	vld [tilespmem:s0+$0x780];
	_ =	sdelay $0x4  }
0x9c: {  	[tilespmem:s28+$0xFFFFFFC0] =	vst v1  }
0x9d: {  	v1 =	vld [tilespmem:s0+$0x790]  }
0x9e: {  	(v2sf) =	vpush v0, $0x9  }
0x9f: {  	(v2sf) =	vpush v0, $0x8;
	_ =	sdelay $0x2  }
0xa0: {  	[tilespmem:s28+$0xFFFFFFD0] =	vst v1  }
0xa1: {  	v1 =	vld [tilespmem:s0+$0x7A0];
	_ =	sdelay $0x4  }
0xa2: {  	[tilespmem:s28+$0xFFFFFFE0] =	vst v1  }
0xa3: {  	v1 =	vld [tilespmem:s0+$0x7B0];
	_ =	sdelay $0x3  }
0xa4: {  	s0 =	spop (v2sf)  }
0xa5: {  	s1 =	spop (v2sf);
	[tilespmem:s28+$0xFFFFFFF0] =	vst v1  }
0xa6: {  	v1 =	vld [tilespmem:s1+$0x800];
	_ =	sdelay $0x4  }
0xa7: {  	[tilespmem:s28+$0x0] =	vst v1  }
0xa8: {  	v1 =	vld [tilespmem:s1+$0x810];
	_ =	sdelay $0x4  }
0xa9: {  	[tilespmem:s28+$0x10] =	vst v1  }
0xaa: {  	v1 =	vld [tilespmem:s1+$0x820];
	_ =	sdelay $0x4  }
0xab: {  	[tilespmem:s28+$0x20] =	vst v1  }
0xac: {  	v1 =	vld [tilespmem:s1+$0x830];
	_ =	sdelay $0x4  }
0xad: {  	[tilespmem:s28+$0x30] =	vst v1  }
0xae: {  	v1 =	vld [tilespmem:s0+$0x880];
	_ =	sdelay $0x4  }
0xaf: {  	[tilespmem:s28+$0x40] =	vst v1  }
0xb0: {  	v1 =	vld [tilespmem:s0+$0x890]  }
0xb1: {  	(v2sf) =	vpush v0, $0xB  }
0xb2: {  	(v2sf) =	vpush v0, $0xA;
	_ =	sdelay $0x2  }
0xb3: {  	[tilespmem:s28+$0x50] =	vst v1  }
0xb4: {  	v1 =	vld [tilespmem:s0+$0x8A0];
	_ =	sdelay $0x4  }
0xb5: {  	[tilespmem:s28+$0x60] =	vst v1  }
0xb6: {  	v1 =	vld [tilespmem:s0+$0x8B0];
	_ =	sdelay $0x3  }
0xb7: {  	s0 =	spop (v2sf)  }
0xb8: {  	s1 =	spop (v2sf);
	[tilespmem:s28+$0x70] =	vst v1  }
0xb9: {  	v1 =	vld [tilespmem:s1+$0x900];
	_ =	sdelay $0x4  }
0xba: {  	[tilespmem:s28+$0x80] =	vst v1  }
0xbb: {  	v1 =	vld [tilespmem:s1+$0x910];
	_ =	sdelay $0x4  }
0xbc: {  	[tilespmem:s28+$0x90] =	vst v1  }
0xbd: {  	v1 =	vld [tilespmem:s1+$0x920];
	_ =	sdelay $0x4  }
0xbe: {  	[tilespmem:s28+$0xA0] =	vst v1  }
0xbf: {  	v1 =	vld [tilespmem:s1+$0x930];
	_ =	sdelay $0x4  }
0xc0: {  	[tilespmem:s28+$0xB0] =	vst v1  }
0xc1: {  	v1 =	vld [tilespmem:s0+$0x980];
	_ =	sdelay $0x4  }
0xc2: {  	[tilespmem:s28+$0xC0] =	vst v1  }
0xc3: {  	v1 =	vld [tilespmem:s0+$0x990]  }
0xc4: {  	(v2sf) =	vpush v0, $0xD  }
0xc5: {  	(v2sf) =	vpush v0, $0xC;
	_ =	sdelay $0x2  }
0xc6: {  	[tilespmem:s28+$0xD0] =	vst v1  }
0xc7: {  	v1 =	vld [tilespmem:s0+$0x9A0];
	_ =	sdelay $0x4  }
0xc8: {  	[tilespmem:s28+$0xE0] =	vst v1  }
0xc9: {  	v1 =	vld [tilespmem:s0+$0x9B0];
	_ =	sdelay $0x3  }
0xca: {  	s0 =	spop (v2sf)  }
0xcb: {  	s1 =	spop (v2sf);
	[tilespmem:s28+$0xF0] =	vst v1  }
0xcc: {  	v1 =	vld [tilespmem:s1+$0xA00];
	_ =	sdelay $0x4  }
0xcd: {  	[tilespmem:s28+$0x100] =	vst v1  }
0xce: {  	v1 =	vld [tilespmem:s1+$0xA10];
	_ =	sdelay $0x4  }
0xcf: {  	[tilespmem:s28+$0x110] =	vst v1  }
0xd0: {  	v1 =	vld [tilespmem:s1+$0xA20];
	_ =	sdelay $0x4  }
0xd1: {  	[tilespmem:s28+$0x120] =	vst v1  }
0xd2: {  	v1 =	vld [tilespmem:s1+$0xA30];
	_ =	sdelay $0x4  }
0xd3: {  	[tilespmem:s28+$0x130] =	vst v1  }
0xd4: {  	v1 =	vld [tilespmem:s0+$0xA80];
	_ =	sdelay $0x4  }
0xd5: {  	[tilespmem:s28+$0x140] =	vst v1  }
0xd6: {  	v1 =	vld [tilespmem:s0+$0xA90]  }
0xd7: {  	(v2sf) =	vpush v0, $0xF  }
0xd8: {  	(v2sf) =	vpush v0, $0xE;
	_ =	sdelay $0x2  }
0xd9: {  	[tilespmem:s28+$0x150] =	vst v1  }
0xda: {  	v63 =	vld [tilespmem:s0+$0xAA0];
	_ =	sdelay $0x4  }
0xdb: {  	[tilespmem:s28+$0x160] =	vst v63  }
0xdc: {  	v0 =	vld [tilespmem:s0+$0xAB0];
	_ =	sdelay $0x3  }
0xdd: {  	s0 =	spop (v2sf)  }
0xde: {  	s1 =	spop (v2sf);
	[tilespmem:s28+$0x170] =	vst v0  }
0xdf: {  	v0 =	vld [tilespmem:s1+$0xB00];
	_ =	sdelay $0x4  }
0xe0: {  	[tilespmem:s28+$0x180] =	vst v0  }
0xe1: {  	v0 =	vld [tilespmem:s1+$0xB10];
	_ =	sdelay $0x4  }
0xe2: {  	[tilespmem:s28+$0x190] =	vst v0  }
0xe3: {  	v0 =	vld [tilespmem:s1+$0xB20];
	_ =	sdelay $0x4  }
0xe4: {  	[tilespmem:s28+$0x1A0] =	vst v0  }
0xe5: {  	v0 =	vld [tilespmem:s1+$0xB30];
	_ =	sdelay $0x4  }
0xe6: {  	[tilespmem:s28+$0x1B0] =	vst v0  }
0xe7: {  	v0 =	vld [tilespmem:s0+$0xB80];
	_ =	sdelay $0x4  }
0xe8: {  	[tilespmem:s28+$0x1C0] =	vst v0  }
0xe9: {  	v0 =	vld [tilespmem:s0+$0xB90];
	_ =	sdelay $0x4  }
0xea: {  	[tilespmem:s28+$0x1D0] =	vst v0  }
0xeb: {  	v0 =	vld [tilespmem:s0+$0xBA0];
	_ =	sdelay $0x4  }
0xec: {  	[tilespmem:s28+$0x1E0] =	vst v0  }
0xed: {  	p0 =	sne.s32 s30, $0xE000;
	v0 =	vld [tilespmem:s0+$0xBB0]  }
.Ltmp0:
0xee: {  	_ = 	snop;
	(pc) =	sbr.rel @p0 .LBB2_2-.Ltmp0, $2  }
0xef: {  	_ =	sdelay $0x2  }
0xf0: {  	s29 =	sadd.s32 $0x10, s29;
	s30 =	sadd.s32 $0x2000, s30;
	[tilespmem:s28+$0x1F0] =	vst v0;
	s28 =	sadd.s32 $0x400, s28  }
0xf1: {  	s28 =	simm.s32 $0x0  }
0xf2: {  	[hbm4b:s5+s28] =	stream.linear.scatter [tilespmem:s17], [sflag:$0x2], $0x2000, $0x38;
	[tilespmem:$0x18400] =	vst v63  }
0xf3: {  	s29 =	simm.s32 $0x80  }
0xf4: {  	[tilespmem:s19], [sflag:$0x1] =	stream.indirect.gather [hbm4b:s3+s29], $0x80, s18, s29, $0xb8;
	[tilespmem:$0x18400] =	vst v63  }
0xf5: {  	_ =	swait.ge [sflag:s16], $0x4000  }
0xf6: {  	[sflag:s16] =	ssyncset.done $0x0  }
0xf7: {  	s30 =	simm.s32 $0x127F0;
	[sflag:s16] =	ssyncadd.s32 $0xFFFFC000  }
.LBB2_4:
0xf8: {  	v0 =	vld [tilespmem:s29+$0x0];
	_ =	sdelay $0x4  }
0xf9: {  	v0 =	vshrl.u32 v0, $0x8  }
0xfa: {  	s0 =	sshra.s32 s28, $0x2;
	v0 =	vand.u32 $0x40, v0  }
0xfb: {  	v0 =	vadd.s32 s0, v0  }
0xfc: {  	(v2sf) =	vpush v0, $0x1  }
0xfd: {  	(v2sf) =	vpush v0, $0x0;
	_ =	sdelay $0xd  }
0xfe: {  	s1 =	spop (v2sf)  }
0xff: {  	s31 =	spop (v2sf)  }
0x100: {  	v1 =	vld [tilespmem:s31+$0x4400];
	_ =	sdelay $0x4  }
0x101: {  	[tilespmem:s30+$0xFFFFFC10] =	vst v1  }
0x102: {  	v1 =	vld [tilespmem:s31+$0x4410];
	_ =	sdelay $0x4  }
0x103: {  	[tilespmem:s30+$0xFFFFFC20] =	vst v1  }
0x104: {  	v1 =	vld [tilespmem:s31+$0x4420];
	_ =	sdelay $0x4  }
0x105: {  	[tilespmem:s30+$0xFFFFFC30] =	vst v1  }
0x106: {  	v1 =	vld [tilespmem:s31+$0x4430];
	_ =	sdelay $0x4  }
0x107: {  	[tilespmem:s30+$0xFFFFFC40] =	vst v1  }
0x108: {  	v1 =	vld [tilespmem:s1+$0x4480];
	_ =	sdelay $0x4  }
0x109: {  	[tilespmem:s30+$0xFFFFFC50] =	vst v1  }
0x10a: {  	v1 =	vld [tilespmem:s1+$0x4490]  }
0x10b: {  	(v2sf) =	vpush v0, $0x3  }
0x10c: {  	(v2sf) =	vpush v0, $0x2;
	_ =	sdelay $0x2  }
0x10d: {  	[tilespmem:s30+$0xFFFFFC60] =	vst v1  }
0x10e: {  	v1 =	vld [tilespmem:s1+$0x44A0];
	_ =	sdelay $0x4  }
0x10f: {  	[tilespmem:s30+$0xFFFFFC70] =	vst v1  }
0x110: {  	v1 =	vld [tilespmem:s1+$0x44B0];
	_ =	sdelay $0x3  }
0x111: {  	s0 =	spop (v2sf)  }
0x112: {  	s1 =	spop (v2sf);
	[tilespmem:s30+$0xFFFFFC80] =	vst v1  }
0x113: {  	v1 =	vld [tilespmem:s1+$0x4500];
	_ =	sdelay $0x4  }
0x114: {  	[tilespmem:s30+$0xFFFFFC90] =	vst v1  }
0x115: {  	v1 =	vld [tilespmem:s1+$0x4510];
	_ =	sdelay $0x4  }
0x116: {  	[tilespmem:s30+$0xFFFFFCA0] =	vst v1  }
0x117: {  	v1 =	vld [tilespmem:s1+$0x4520];
	_ =	sdelay $0x4  }
0x118: {  	[tilespmem:s30+$0xFFFFFCB0] =	vst v1  }
0x119: {  	v1 =	vld [tilespmem:s1+$0x4530];
	_ =	sdelay $0x4  }
0x11a: {  	[tilespmem:s30+$0xFFFFFCC0] =	vst v1  }
0x11b: {  	v1 =	vld [tilespmem:s0+$0x4580];
	_ =	sdelay $0x4  }
0x11c: {  	[tilespmem:s30+$0xFFFFFCD0] =	vst v1  }
0x11d: {  	v1 =	vld [tilespmem:s0+$0x4590]  }
0x11e: {  	(v2sf) =	vpush v0, $0x5  }
0x11f: {  	(v2sf) =	vpush v0, $0x4;
	_ =	sdelay $0x2  }
0x120: {  	[tilespmem:s30+$0xFFFFFCE0] =	vst v1  }
0x121: {  	v1 =	vld [tilespmem:s0+$0x45A0];
	_ =	sdelay $0x4  }
0x122: {  	[tilespmem:s30+$0xFFFFFCF0] =	vst v1  }
0x123: {  	v1 =	vld [tilespmem:s0+$0x45B0];
	_ =	sdelay $0x3  }
0x124: {  	s0 =	spop (v2sf)  }
0x125: {  	s1 =	spop (v2sf);
	[tilespmem:s30+$0xFFFFFD00] =	vst v1  }
0x126: {  	v1 =	vld [tilespmem:s1+$0x4600];
	_ =	sdelay $0x4  }
0x127: {  	[tilespmem:s30+$0xFFFFFD10] =	vst v1  }
0x128: {  	v1 =	vld [tilespmem:s1+$0x4610];
	_ =	sdelay $0x4  }
0x129: {  	[tilespmem:s30+$0xFFFFFD20] =	vst v1  }
0x12a: {  	v1 =	vld [tilespmem:s1+$0x4620];
	_ =	sdelay $0x4  }
0x12b: {  	[tilespmem:s30+$0xFFFFFD30] =	vst v1  }
0x12c: {  	v1 =	vld [tilespmem:s1+$0x4630];
	_ =	sdelay $0x4  }
0x12d: {  	[tilespmem:s30+$0xFFFFFD40] =	vst v1  }
0x12e: {  	v1 =	vld [tilespmem:s0+$0x4680];
	_ =	sdelay $0x4  }
0x12f: {  	[tilespmem:s30+$0xFFFFFD50] =	vst v1  }
0x130: {  	v1 =	vld [tilespmem:s0+$0x4690]  }
0x131: {  	(v2sf) =	vpush v0, $0x7  }
0x132: {  	(v2sf) =	vpush v0, $0x6;
	_ =	sdelay $0x2  }
0x133: {  	[tilespmem:s30+$0xFFFFFD60] =	vst v1  }
0x134: {  	v1 =	vld [tilespmem:s0+$0x46A0];
	_ =	sdelay $0x4  }
0x135: {  	[tilespmem:s30+$0xFFFFFD70] =	vst v1  }
0x136: {  	v1 =	vld [tilespmem:s0+$0x46B0];
	_ =	sdelay $0x3  }
0x137: {  	s0 =	spop (v2sf)  }
0x138: {  	s1 =	spop (v2sf);
	[tilespmem:s30+$0xFFFFFD80] =	vst v1  }
0x139: {  	v1 =	vld [tilespmem:s1+$0x4700];
	_ =	sdelay $0x4  }
0x13a: {  	[tilespmem:s30+$0xFFFFFD90] =	vst v1  }
0x13b: {  	v1 =	vld [tilespmem:s1+$0x4710];
	_ =	sdelay $0x4  }
0x13c: {  	[tilespmem:s30+$0xFFFFFDA0] =	vst v1  }
0x13d: {  	v1 =	vld [tilespmem:s1+$0x4720];
	_ =	sdelay $0x4  }
0x13e: {  	[tilespmem:s30+$0xFFFFFDB0] =	vst v1  }
0x13f: {  	v1 =	vld [tilespmem:s1+$0x4730];
	_ =	sdelay $0x4  }
0x140: {  	[tilespmem:s30+$0xFFFFFDC0] =	vst v1  }
0x141: {  	v1 =	vld [tilespmem:s0+$0x4780];
	_ =	sdelay $0x4  }
0x142: {  	[tilespmem:s30+$0xFFFFFDD0] =	vst v1  }
0x143: {  	v1 =	vld [tilespmem:s0+$0x4790]  }
0x144: {  	(v2sf) =	vpush v0, $0x9  }
0x145: {  	(v2sf) =	vpush v0, $0x8;
	_ =	sdelay $0x2  }
0x146: {  	[tilespmem:s30+$0xFFFFFDE0] =	vst v1  }
0x147: {  	v1 =	vld [tilespmem:s0+$0x47A0];
	_ =	sdelay $0x4  }
0x148: {  	[tilespmem:s30+$0xFFFFFDF0] =	vst v1  }
0x149: {  	v1 =	vld [tilespmem:s0+$0x47B0];
	_ =	sdelay $0x3  }
0x14a: {  	s0 =	spop (v2sf)  }
0x14b: {  	s1 =	spop (v2sf);
	[tilespmem:s30+$0xFFFFFE00] =	vst v1  }
0x14c: {  	v1 =	vld [tilespmem:s1+$0x4800];
	_ =	sdelay $0x4  }
0x14d: {  	[tilespmem:s30+$0xFFFFFE10] =	vst v1  }
0x14e: {  	v1 =	vld [tilespmem:s1+$0x4810];
	_ =	sdelay $0x4  }
0x14f: {  	[tilespmem:s30+$0xFFFFFE20] =	vst v1  }
0x150: {  	v1 =	vld [tilespmem:s1+$0x4820];
	_ =	sdelay $0x4  }
0x151: {  	[tilespmem:s30+$0xFFFFFE30] =	vst v1  }
0x152: {  	v1 =	vld [tilespmem:s1+$0x4830];
	_ =	sdelay $0x4  }
0x153: {  	[tilespmem:s30+$0xFFFFFE40] =	vst v1  }
0x154: {  	v1 =	vld [tilespmem:s0+$0x4880];
	_ =	sdelay $0x4  }
0x155: {  	[tilespmem:s30+$0xFFFFFE50] =	vst v1  }
0x156: {  	v1 =	vld [tilespmem:s0+$0x4890]  }
0x157: {  	(v2sf) =	vpush v0, $0xB  }
0x158: {  	(v2sf) =	vpush v0, $0xA;
	_ =	sdelay $0x2  }
0x159: {  	[tilespmem:s30+$0xFFFFFE60] =	vst v1  }
0x15a: {  	v1 =	vld [tilespmem:s0+$0x48A0];
	_ =	sdelay $0x4  }
0x15b: {  	[tilespmem:s30+$0xFFFFFE70] =	vst v1  }
0x15c: {  	v1 =	vld [tilespmem:s0+$0x48B0];
	_ =	sdelay $0x3  }
0x15d: {  	s0 =	spop (v2sf)  }
0x15e: {  	s1 =	spop (v2sf);
	[tilespmem:s30+$0xFFFFFE80] =	vst v1  }
0x15f: {  	v1 =	vld [tilespmem:s1+$0x4900];
	_ =	sdelay $0x4  }
0x160: {  	[tilespmem:s30+$0xFFFFFE90] =	vst v1  }
0x161: {  	v1 =	vld [tilespmem:s1+$0x4910];
	_ =	sdelay $0x4  }
0x162: {  	[tilespmem:s30+$0xFFFFFEA0] =	vst v1  }
0x163: {  	v1 =	vld [tilespmem:s1+$0x4920];
	_ =	sdelay $0x4  }
0x164: {  	[tilespmem:s30+$0xFFFFFEB0] =	vst v1  }
0x165: {  	v1 =	vld [tilespmem:s1+$0x4930];
	_ =	sdelay $0x4  }
0x166: {  	[tilespmem:s30+$0xFFFFFEC0] =	vst v1  }
0x167: {  	v1 =	vld [tilespmem:s0+$0x4980];
	_ =	sdelay $0x4  }
0x168: {  	[tilespmem:s30+$0xFFFFFED0] =	vst v1  }
0x169: {  	v1 =	vld [tilespmem:s0+$0x4990]  }
0x16a: {  	(v2sf) =	vpush v0, $0xD  }
0x16b: {  	(v2sf) =	vpush v0, $0xC;
	_ =	sdelay $0x2  }
0x16c: {  	[tilespmem:s30+$0xFFFFFEE0] =	vst v1  }
0x16d: {  	v1 =	vld [tilespmem:s0+$0x49A0];
	_ =	sdelay $0x4  }
0x16e: {  	[tilespmem:s30+$0xFFFFFEF0] =	vst v1  }
0x16f: {  	v1 =	vld [tilespmem:s0+$0x49B0];
	_ =	sdelay $0x3  }
0x170: {  	s0 =	spop (v2sf)  }
0x171: {  	s1 =	spop (v2sf);
	[tilespmem:s30+$0xFFFFFF00] =	vst v1  }
0x172: {  	v1 =	vld [tilespmem:s1+$0x4A00];
	_ =	sdelay $0x4  }
0x173: {  	[tilespmem:s30+$0xFFFFFF10] =	vst v1  }
0x174: {  	v1 =	vld [tilespmem:s1+$0x4A10];
	_ =	sdelay $0x4  }
0x175: {  	[tilespmem:s30+$0xFFFFFF20] =	vst v1  }
0x176: {  	v1 =	vld [tilespmem:s1+$0x4A20];
	_ =	sdelay $0x4  }
0x177: {  	[tilespmem:s30+$0xFFFFFF30] =	vst v1  }
0x178: {  	v1 =	vld [tilespmem:s1+$0x4A30];
	_ =	sdelay $0x4  }
0x179: {  	[tilespmem:s30+$0xFFFFFF40] =	vst v1  }
0x17a: {  	v1 =	vld [tilespmem:s0+$0x4A80];
	_ =	sdelay $0x4  }
0x17b: {  	[tilespmem:s30+$0xFFFFFF50] =	vst v1  }
0x17c: {  	v1 =	vld [tilespmem:s0+$0x4A90]  }
0x17d: {  	(v2sf) =	vpush v0, $0xF  }
0x17e: {  	(v2sf) =	vpush v0, $0xE;
	_ =	sdelay $0x2  }
0x17f: {  	[tilespmem:s30+$0xFFFFFF60] =	vst v1  }
0x180: {  	v63 =	vld [tilespmem:s0+$0x4AA0];
	_ =	sdelay $0x4  }
0x181: {  	[tilespmem:s30+$0xFFFFFF70] =	vst v63  }
0x182: {  	v0 =	vld [tilespmem:s0+$0x4AB0];
	_ =	sdelay $0x3  }
0x183: {  	s0 =	spop (v2sf)  }
0x184: {  	s1 =	spop (v2sf);
	[tilespmem:s30+$0xFFFFFF80] =	vst v0  }
0x185: {  	v0 =	vld [tilespmem:s1+$0x4B00];
	_ =	sdelay $0x4  }
0x186: {  	[tilespmem:s30+$0xFFFFFF90] =	vst v0  }
0x187: {  	v0 =	vld [tilespmem:s1+$0x4B10];
	_ =	sdelay $0x4  }
0x188: {  	[tilespmem:s30+$0xFFFFFFA0] =	vst v0  }
0x189: {  	v0 =	vld [tilespmem:s1+$0x4B20];
	_ =	sdelay $0x4  }
0x18a: {  	[tilespmem:s30+$0xFFFFFFB0] =	vst v0  }
0x18b: {  	v0 =	vld [tilespmem:s1+$0x4B30];
	_ =	sdelay $0x4  }
0x18c: {  	[tilespmem:s30+$0xFFFFFFC0] =	vst v0  }
0x18d: {  	v0 =	vld [tilespmem:s0+$0x4B80];
	_ =	sdelay $0x4  }
0x18e: {  	[tilespmem:s30+$0xFFFFFFD0] =	vst v0  }
0x18f: {  	v0 =	vld [tilespmem:s0+$0x4B90];
	_ =	sdelay $0x4  }
0x190: {  	[tilespmem:s30+$0xFFFFFFE0] =	vst v0  }
0x191: {  	v0 =	vld [tilespmem:s0+$0x4BA0];
	_ =	sdelay $0x4  }
0x192: {  	[tilespmem:s30+$0xFFFFFFF0] =	vst v0  }
0x193: {  	p0 =	sne.s32 s28, $0xE000;
	v0 =	vld [tilespmem:s0+$0x4BB0]  }
.Ltmp1:
0x194: {  	_ = 	snop;
	(pc) =	sbr.rel @p0 .LBB2_4-.Ltmp1, $2  }
0x195: {  	_ =	sdelay $0x2  }
0x196: {  	s29 =	sadd.s32 $0x10, s29;
	s28 =	sadd.s32 $0x2000, s28;
	[tilespmem:s30+$0x0] =	vst v0;
	s30 =	sadd.s32 $0x400, s30  }
0x197: {  	s28 =	simm.s32 $0x0  }
0x198: {  	[hbm4b:s6+s28] =	stream.linear.scatter [tilespmem:s20], [sflag:$0x2], $0x2000, $0x38;
	[tilespmem:$0x18400] =	vst v63  }
0x199: {  	_ = 	snop  }
0x19a: {  	[tilespmem:s22], [sflag:$0x1] =	stream.indirect.gather [hbm4b:s3+s11], $0x80, s21, s11, $0xb8;
	[tilespmem:$0x18400] =	vst v63  }
0x19b: {  	_ =	swait.ge [sflag:s16], $0x4000  }
0x19c: {  	[sflag:s16] =	ssyncset.done $0x0  }
0x19d: {  	s29 =	simm.s32 $0x8BB0;
	s30 =	simm.s32 $0x100;
	[sflag:s16] =	ssyncadd.s32 $0xFFFFC000  }
.LBB2_6:
0x19e: {  	v0 =	vld [tilespmem:s30+$0x0];
	_ =	sdelay $0x4  }
0x19f: {  	v0 =	vshrl.u32 v0, $0x8  }
0x1a0: {  	v0 =	vand.u32 $0x40, v0  }
0x1a1: {  	v0 =	vadd.s32 s29, v0  }
0x1a2: {  	(v2sf) =	vpush v0, $0x1  }
0x1a3: {  	(v2sf) =	vpush v0, $0x0;
	_ =	sdelay $0xd  }
0x1a4: {  	s0 =	spop (v2sf)  }
0x1a5: {  	s1 =	spop (v2sf)  }
0x1a6: {  	v1 =	vld [tilespmem:s1+$0xFFFFF850];
	_ =	sdelay $0x3  }
0x1a7: {  	s31 =	sshra.s32 s28, $0x2  }
0x1a8: {  	[tilespmem:s31+$0x14400] =	vst v1  }
0x1a9: {  	v1 =	vld [tilespmem:s1+$0xFFFFF860];
	_ =	sdelay $0x4  }
0x1aa: {  	[tilespmem:s31+$0x14410] =	vst v1  }
0x1ab: {  	v1 =	vld [tilespmem:s1+$0xFFFFF870];
	_ =	sdelay $0x4  }
0x1ac: {  	[tilespmem:s31+$0x14420] =	vst v1  }
0x1ad: {  	v1 =	vld [tilespmem:s1+$0xFFFFF880];
	_ =	sdelay $0x4  }
0x1ae: {  	[tilespmem:s31+$0x14430] =	vst v1  }
0x1af: {  	v1 =	vld [tilespmem:s0+$0xFFFFF8D0];
	_ =	sdelay $0x4  }
0x1b0: {  	[tilespmem:s31+$0x14440] =	vst v1  }
0x1b1: {  	v1 =	vld [tilespmem:s0+$0xFFFFF8E0]  }
0x1b2: {  	(v2sf) =	vpush v0, $0x3  }
0x1b3: {  	(v2sf) =	vpush v0, $0x2;
	_ =	sdelay $0x2  }
0x1b4: {  	[tilespmem:s31+$0x14450] =	vst v1  }
0x1b5: {  	v1 =	vld [tilespmem:s0+$0xFFFFF8F0];
	_ =	sdelay $0x4  }
0x1b6: {  	[tilespmem:s31+$0x14460] =	vst v1  }
0x1b7: {  	v1 =	vld [tilespmem:s0+$0xFFFFF900];
	_ =	sdelay $0x3  }
0x1b8: {  	s0 =	spop (v2sf)  }
0x1b9: {  	s1 =	spop (v2sf);
	[tilespmem:s31+$0x14470] =	vst v1  }
0x1ba: {  	v1 =	vld [tilespmem:s1+$0xFFFFF950];
	_ =	sdelay $0x4  }
0x1bb: {  	[tilespmem:s31+$0x14480] =	vst v1  }
0x1bc: {  	v1 =	vld [tilespmem:s1+$0xFFFFF960];
	_ =	sdelay $0x4  }
0x1bd: {  	[tilespmem:s31+$0x14490] =	vst v1  }
0x1be: {  	v1 =	vld [tilespmem:s1+$0xFFFFF970];
	_ =	sdelay $0x4  }
0x1bf: {  	[tilespmem:s31+$0x144A0] =	vst v1  }
0x1c0: {  	v1 =	vld [tilespmem:s1+$0xFFFFF980];
	_ =	sdelay $0x4  }
0x1c1: {  	[tilespmem:s31+$0x144B0] =	vst v1  }
0x1c2: {  	v1 =	vld [tilespmem:s0+$0xFFFFF9D0];
	_ =	sdelay $0x4  }
0x1c3: {  	[tilespmem:s31+$0x144C0] =	vst v1  }
0x1c4: {  	v1 =	vld [tilespmem:s0+$0xFFFFF9E0]  }
0x1c5: {  	(v2sf) =	vpush v0, $0x5  }
0x1c6: {  	(v2sf) =	vpush v0, $0x4;
	_ =	sdelay $0x2  }
0x1c7: {  	[tilespmem:s31+$0x144D0] =	vst v1  }
0x1c8: {  	v1 =	vld [tilespmem:s0+$0xFFFFF9F0];
	_ =	sdelay $0x4  }
0x1c9: {  	[tilespmem:s31+$0x144E0] =	vst v1  }
0x1ca: {  	v1 =	vld [tilespmem:s0+$0xFFFFFA00];
	_ =	sdelay $0x3  }
0x1cb: {  	s0 =	spop (v2sf)  }
0x1cc: {  	s1 =	spop (v2sf);
	[tilespmem:s31+$0x144F0] =	vst v1  }
0x1cd: {  	v1 =	vld [tilespmem:s1+$0xFFFFFA50];
	_ =	sdelay $0x4  }
0x1ce: {  	[tilespmem:s31+$0x14500] =	vst v1  }
0x1cf: {  	v1 =	vld [tilespmem:s1+$0xFFFFFA60];
	_ =	sdelay $0x4  }
0x1d0: {  	[tilespmem:s31+$0x14510] =	vst v1  }
0x1d1: {  	v1 =	vld [tilespmem:s1+$0xFFFFFA70];
	_ =	sdelay $0x4  }
0x1d2: {  	[tilespmem:s31+$0x14520] =	vst v1  }
0x1d3: {  	v1 =	vld [tilespmem:s1+$0xFFFFFA80];
	_ =	sdelay $0x4  }
0x1d4: {  	[tilespmem:s31+$0x14530] =	vst v1  }
0x1d5: {  	v1 =	vld [tilespmem:s0+$0xFFFFFAD0];
	_ =	sdelay $0x4  }
0x1d6: {  	[tilespmem:s31+$0x14540] =	vst v1  }
0x1d7: {  	v1 =	vld [tilespmem:s0+$0xFFFFFAE0]  }
0x1d8: {  	(v2sf) =	vpush v0, $0x7  }
0x1d9: {  	(v2sf) =	vpush v0, $0x6;
	_ =	sdelay $0x2  }
0x1da: {  	[tilespmem:s31+$0x14550] =	vst v1  }
0x1db: {  	v1 =	vld [tilespmem:s0+$0xFFFFFAF0];
	_ =	sdelay $0x4  }
0x1dc: {  	[tilespmem:s31+$0x14560] =	vst v1  }
0x1dd: {  	v1 =	vld [tilespmem:s0+$0xFFFFFB00];
	_ =	sdelay $0x3  }
0x1de: {  	s0 =	spop (v2sf)  }
0x1df: {  	s1 =	spop (v2sf);
	[tilespmem:s31+$0x14570] =	vst v1  }
0x1e0: {  	v1 =	vld [tilespmem:s1+$0xFFFFFB50];
	_ =	sdelay $0x4  }
0x1e1: {  	[tilespmem:s31+$0x14580] =	vst v1  }
0x1e2: {  	v1 =	vld [tilespmem:s1+$0xFFFFFB60];
	_ =	sdelay $0x4  }
0x1e3: {  	[tilespmem:s31+$0x14590] =	vst v1  }
0x1e4: {  	v1 =	vld [tilespmem:s1+$0xFFFFFB70];
	_ =	sdelay $0x4  }
0x1e5: {  	[tilespmem:s31+$0x145A0] =	vst v1  }
0x1e6: {  	v1 =	vld [tilespmem:s1+$0xFFFFFB80];
	_ =	sdelay $0x4  }
0x1e7: {  	[tilespmem:s31+$0x145B0] =	vst v1  }
0x1e8: {  	v1 =	vld [tilespmem:s0+$0xFFFFFBD0];
	_ =	sdelay $0x4  }
0x1e9: {  	[tilespmem:s31+$0x145C0] =	vst v1  }
0x1ea: {  	v1 =	vld [tilespmem:s0+$0xFFFFFBE0]  }
0x1eb: {  	(v2sf) =	vpush v0, $0x9  }
0x1ec: {  	(v2sf) =	vpush v0, $0x8;
	_ =	sdelay $0x2  }
0x1ed: {  	[tilespmem:s31+$0x145D0] =	vst v1  }
0x1ee: {  	v1 =	vld [tilespmem:s0+$0xFFFFFBF0];
	_ =	sdelay $0x4  }
0x1ef: {  	[tilespmem:s31+$0x145E0] =	vst v1  }
0x1f0: {  	v1 =	vld [tilespmem:s0+$0xFFFFFC00];
	_ =	sdelay $0x3  }
0x1f1: {  	s0 =	spop (v2sf)  }
0x1f2: {  	s1 =	spop (v2sf);
	[tilespmem:s31+$0x145F0] =	vst v1  }
0x1f3: {  	v1 =	vld [tilespmem:s1+$0xFFFFFC50];
	_ =	sdelay $0x4  }
0x1f4: {  	[tilespmem:s31+$0x14600] =	vst v1  }
0x1f5: {  	v1 =	vld [tilespmem:s1+$0xFFFFFC60];
	_ =	sdelay $0x4  }
0x1f6: {  	[tilespmem:s31+$0x14610] =	vst v1  }
0x1f7: {  	v1 =	vld [tilespmem:s1+$0xFFFFFC70];
	_ =	sdelay $0x4  }
0x1f8: {  	[tilespmem:s31+$0x14620] =	vst v1  }
0x1f9: {  	v1 =	vld [tilespmem:s1+$0xFFFFFC80];
	_ =	sdelay $0x4  }
0x1fa: {  	[tilespmem:s31+$0x14630] =	vst v1  }
0x1fb: {  	v1 =	vld [tilespmem:s0+$0xFFFFFCD0];
	_ =	sdelay $0x4  }
0x1fc: {  	[tilespmem:s31+$0x14640] =	vst v1  }
0x1fd: {  	v1 =	vld [tilespmem:s0+$0xFFFFFCE0]  }
0x1fe: {  	(v2sf) =	vpush v0, $0xB  }
0x1ff: {  	(v2sf) =	vpush v0, $0xA;
	_ =	sdelay $0x2  }
0x200: {  	[tilespmem:s31+$0x14650] =	vst v1  }
0x201: {  	v1 =	vld [tilespmem:s0+$0xFFFFFCF0];
	_ =	sdelay $0x4  }
0x202: {  	[tilespmem:s31+$0x14660] =	vst v1  }
0x203: {  	v1 =	vld [tilespmem:s0+$0xFFFFFD00];
	_ =	sdelay $0x3  }
0x204: {  	s0 =	spop (v2sf)  }
0x205: {  	s1 =	spop (v2sf);
	[tilespmem:s31+$0x14670] =	vst v1  }
0x206: {  	v1 =	vld [tilespmem:s1+$0xFFFFFD50];
	_ =	sdelay $0x4  }
0x207: {  	[tilespmem:s31+$0x14680] =	vst v1  }
0x208: {  	v1 =	vld [tilespmem:s1+$0xFFFFFD60];
	_ =	sdelay $0x4  }
0x209: {  	[tilespmem:s31+$0x14690] =	vst v1  }
0x20a: {  	v1 =	vld [tilespmem:s1+$0xFFFFFD70];
	_ =	sdelay $0x4  }
0x20b: {  	[tilespmem:s31+$0x146A0] =	vst v1  }
0x20c: {  	v1 =	vld [tilespmem:s1+$0xFFFFFD80];
	_ =	sdelay $0x4  }
0x20d: {  	[tilespmem:s31+$0x146B0] =	vst v1  }
0x20e: {  	v1 =	vld [tilespmem:s0+$0xFFFFFDD0];
	_ =	sdelay $0x4  }
0x20f: {  	[tilespmem:s31+$0x146C0] =	vst v1  }
0x210: {  	v1 =	vld [tilespmem:s0+$0xFFFFFDE0]  }
0x211: {  	(v2sf) =	vpush v0, $0xD  }
0x212: {  	(v2sf) =	vpush v0, $0xC;
	_ =	sdelay $0x2  }
0x213: {  	[tilespmem:s31+$0x146D0] =	vst v1  }
0x214: {  	v1 =	vld [tilespmem:s0+$0xFFFFFDF0];
	_ =	sdelay $0x4  }
0x215: {  	[tilespmem:s31+$0x146E0] =	vst v1  }
0x216: {  	v1 =	vld [tilespmem:s0+$0xFFFFFE00];
	_ =	sdelay $0x3  }
0x217: {  	s0 =	spop (v2sf)  }
0x218: {  	s1 =	spop (v2sf);
	[tilespmem:s31+$0x146F0] =	vst v1  }
0x219: {  	v1 =	vld [tilespmem:s1+$0xFFFFFE50];
	_ =	sdelay $0x4  }
0x21a: {  	[tilespmem:s31+$0x14700] =	vst v1  }
0x21b: {  	v1 =	vld [tilespmem:s1+$0xFFFFFE60];
	_ =	sdelay $0x4  }
0x21c: {  	[tilespmem:s31+$0x14710] =	vst v1  }
0x21d: {  	v1 =	vld [tilespmem:s1+$0xFFFFFE70];
	_ =	sdelay $0x4  }
0x21e: {  	[tilespmem:s31+$0x14720] =	vst v1  }
0x21f: {  	v1 =	vld [tilespmem:s1+$0xFFFFFE80];
	_ =	sdelay $0x4  }
0x220: {  	[tilespmem:s31+$0x14730] =	vst v1  }
0x221: {  	v1 =	vld [tilespmem:s0+$0xFFFFFED0];
	_ =	sdelay $0x4  }
0x222: {  	[tilespmem:s31+$0x14740] =	vst v1  }
0x223: {  	v1 =	vld [tilespmem:s0+$0xFFFFFEE0]  }
0x224: {  	(v2sf) =	vpush v0, $0xF  }
0x225: {  	(v2sf) =	vpush v0, $0xE;
	_ =	sdelay $0x2  }
0x226: {  	[tilespmem:s31+$0x14750] =	vst v1  }
0x227: {  	v63 =	vld [tilespmem:s0+$0xFFFFFEF0];
	_ =	sdelay $0x4  }
0x228: {  	[tilespmem:s31+$0x14760] =	vst v63  }
0x229: {  	v0 =	vld [tilespmem:s0+$0xFFFFFF00];
	_ =	sdelay $0x3  }
0x22a: {  	s0 =	spop (v2sf)  }
0x22b: {  	s1 =	spop (v2sf);
	[tilespmem:s31+$0x14770] =	vst v0  }
0x22c: {  	v0 =	vld [tilespmem:s1+$0xFFFFFF50];
	_ =	sdelay $0x4  }
0x22d: {  	[tilespmem:s31+$0x14780] =	vst v0  }
0x22e: {  	v0 =	vld [tilespmem:s1+$0xFFFFFF60];
	_ =	sdelay $0x4  }
0x22f: {  	[tilespmem:s31+$0x14790] =	vst v0  }
0x230: {  	v0 =	vld [tilespmem:s1+$0xFFFFFF70];
	_ =	sdelay $0x4  }
0x231: {  	[tilespmem:s31+$0x147A0] =	vst v0  }
0x232: {  	v0 =	vld [tilespmem:s1+$0xFFFFFF80];
	_ =	sdelay $0x4  }
0x233: {  	[tilespmem:s31+$0x147B0] =	vst v0  }
0x234: {  	v0 =	vld [tilespmem:s0+$0xFFFFFFD0];
	_ =	sdelay $0x4  }
0x235: {  	[tilespmem:s31+$0x147C0] =	vst v0  }
0x236: {  	v0 =	vld [tilespmem:s0+$0xFFFFFFE0];
	_ =	sdelay $0x4  }
0x237: {  	[tilespmem:s31+$0x147D0] =	vst v0  }
0x238: {  	v0 =	vld [tilespmem:s0+$0xFFFFFFF0];
	_ =	sdelay $0x4  }
0x239: {  	[tilespmem:s31+$0x147E0] =	vst v0  }
0x23a: {  	p0 =	sne.s32 s28, $0x7000;
	v0 =	vld [tilespmem:s0+$0x0]  }
.Ltmp2:
0x23b: {  	_ = 	snop;
	(pc) =	sbr.rel @p0 .LBB2_6-.Ltmp2, $2  }
0x23c: {  	_ =	sdelay $0x2  }
0x23d: {  	s30 =	sadd.s32 $0x10, s30;
	s28 =	sadd.s32 $0x1000, s28;
	s29 =	sadd.s32 $0x800, s29;
	[tilespmem:s31+$0x147F0] =	vst v0  }
0x23e: {  	s28 =	simm.s32 $0x0  }
0x23f: {  	[hbm4b:s7+s28] =	stream.linear.scatter [tilespmem:s23], [sflag:$0x2], $0x2000, $0x38;
	[tilespmem:$0x18400] =	vst v63  }
0x240: {  	_ =	swait.ge [sflag:s16], $0x4000  }
0x241: {  	[sflag:s16] =	ssyncset.done $0x0  }
0x242: {  	s29 =	simm.s32 $0xCBB0;
	s30 =	simm.s32 $0x180;
	[sflag:s16] =	ssyncadd.s32 $0xFFFFC000  }
.LBB2_8:
0x243: {  	v0 =	vld [tilespmem:s30+$0x0];
	_ =	sdelay $0x4  }
0x244: {  	v0 =	vshrl.u32 v0, $0x8  }
0x245: {  	v0 =	vand.u32 $0x40, v0  }
0x246: {  	v0 =	vadd.s32 s29, v0  }
0x247: {  	(v2sf) =	vpush v0, $0x1  }
0x248: {  	(v2sf) =	vpush v0, $0x0;
	_ =	sdelay $0xd  }
0x249: {  	s0 =	spop (v2sf)  }
0x24a: {  	s1 =	spop (v2sf)  }
0x24b: {  	v1 =	vld [tilespmem:s1+$0xFFFFF850];
	_ =	sdelay $0x3  }
0x24c: {  	s31 =	sshra.s32 s28, $0x2  }
0x24d: {  	[tilespmem:s31+$0x16400] =	vst v1  }
0x24e: {  	v1 =	vld [tilespmem:s1+$0xFFFFF860];
	_ =	sdelay $0x4  }
0x24f: {  	[tilespmem:s31+$0x16410] =	vst v1  }
0x250: {  	v1 =	vld [tilespmem:s1+$0xFFFFF870];
	_ =	sdelay $0x4  }
0x251: {  	[tilespmem:s31+$0x16420] =	vst v1  }
0x252: {  	v1 =	vld [tilespmem:s1+$0xFFFFF880];
	_ =	sdelay $0x4  }
0x253: {  	[tilespmem:s31+$0x16430] =	vst v1  }
0x254: {  	v1 =	vld [tilespmem:s0+$0xFFFFF8D0];
	_ =	sdelay $0x4  }
0x255: {  	[tilespmem:s31+$0x16440] =	vst v1  }
0x256: {  	v1 =	vld [tilespmem:s0+$0xFFFFF8E0]  }
0x257: {  	(v2sf) =	vpush v0, $0x3  }
0x258: {  	(v2sf) =	vpush v0, $0x2;
	_ =	sdelay $0x2  }
0x259: {  	[tilespmem:s31+$0x16450] =	vst v1  }
0x25a: {  	v1 =	vld [tilespmem:s0+$0xFFFFF8F0];
	_ =	sdelay $0x4  }
0x25b: {  	[tilespmem:s31+$0x16460] =	vst v1  }
0x25c: {  	v1 =	vld [tilespmem:s0+$0xFFFFF900];
	_ =	sdelay $0x3  }
0x25d: {  	s0 =	spop (v2sf)  }
0x25e: {  	s1 =	spop (v2sf);
	[tilespmem:s31+$0x16470] =	vst v1  }
0x25f: {  	v1 =	vld [tilespmem:s1+$0xFFFFF950];
	_ =	sdelay $0x4  }
0x260: {  	[tilespmem:s31+$0x16480] =	vst v1  }
0x261: {  	v1 =	vld [tilespmem:s1+$0xFFFFF960];
	_ =	sdelay $0x4  }
0x262: {  	[tilespmem:s31+$0x16490] =	vst v1  }
0x263: {  	v1 =	vld [tilespmem:s1+$0xFFFFF970];
	_ =	sdelay $0x4  }
0x264: {  	[tilespmem:s31+$0x164A0] =	vst v1  }
0x265: {  	v1 =	vld [tilespmem:s1+$0xFFFFF980];
	_ =	sdelay $0x4  }
0x266: {  	[tilespmem:s31+$0x164B0] =	vst v1  }
0x267: {  	v1 =	vld [tilespmem:s0+$0xFFFFF9D0];
	_ =	sdelay $0x4  }
0x268: {  	[tilespmem:s31+$0x164C0] =	vst v1  }
0x269: {  	v1 =	vld [tilespmem:s0+$0xFFFFF9E0]  }
0x26a: {  	(v2sf) =	vpush v0, $0x5  }
0x26b: {  	(v2sf) =	vpush v0, $0x4;
	_ =	sdelay $0x2  }
0x26c: {  	[tilespmem:s31+$0x164D0] =	vst v1  }
0x26d: {  	v1 =	vld [tilespmem:s0+$0xFFFFF9F0];
	_ =	sdelay $0x4  }
0x26e: {  	[tilespmem:s31+$0x164E0] =	vst v1  }
0x26f: {  	v1 =	vld [tilespmem:s0+$0xFFFFFA00];
	_ =	sdelay $0x3  }
0x270: {  	s0 =	spop (v2sf)  }
0x271: {  	s1 =	spop (v2sf);
	[tilespmem:s31+$0x164F0] =	vst v1  }
0x272: {  	v1 =	vld [tilespmem:s1+$0xFFFFFA50];
	_ =	sdelay $0x4  }
0x273: {  	[tilespmem:s31+$0x16500] =	vst v1  }
0x274: {  	v1 =	vld [tilespmem:s1+$0xFFFFFA60];
	_ =	sdelay $0x4  }
0x275: {  	[tilespmem:s31+$0x16510] =	vst v1  }
0x276: {  	v1 =	vld [tilespmem:s1+$0xFFFFFA70];
	_ =	sdelay $0x4  }
0x277: {  	[tilespmem:s31+$0x16520] =	vst v1  }
0x278: {  	v1 =	vld [tilespmem:s1+$0xFFFFFA80];
	_ =	sdelay $0x4  }
0x279: {  	[tilespmem:s31+$0x16530] =	vst v1  }
0x27a: {  	v1 =	vld [tilespmem:s0+$0xFFFFFAD0];
	_ =	sdelay $0x4  }
0x27b: {  	[tilespmem:s31+$0x16540] =	vst v1  }
0x27c: {  	v1 =	vld [tilespmem:s0+$0xFFFFFAE0]  }
0x27d: {  	(v2sf) =	vpush v0, $0x7  }
0x27e: {  	(v2sf) =	vpush v0, $0x6;
	_ =	sdelay $0x2  }
0x27f: {  	[tilespmem:s31+$0x16550] =	vst v1  }
0x280: {  	v1 =	vld [tilespmem:s0+$0xFFFFFAF0];
	_ =	sdelay $0x4  }
0x281: {  	[tilespmem:s31+$0x16560] =	vst v1  }
0x282: {  	v1 =	vld [tilespmem:s0+$0xFFFFFB00];
	_ =	sdelay $0x3  }
0x283: {  	s0 =	spop (v2sf)  }
0x284: {  	s1 =	spop (v2sf);
	[tilespmem:s31+$0x16570] =	vst v1  }
0x285: {  	v1 =	vld [tilespmem:s1+$0xFFFFFB50];
	_ =	sdelay $0x4  }
0x286: {  	[tilespmem:s31+$0x16580] =	vst v1  }
0x287: {  	v1 =	vld [tilespmem:s1+$0xFFFFFB60];
	_ =	sdelay $0x4  }
0x288: {  	[tilespmem:s31+$0x16590] =	vst v1  }
0x289: {  	v1 =	vld [tilespmem:s1+$0xFFFFFB70];
	_ =	sdelay $0x4  }
0x28a: {  	[tilespmem:s31+$0x165A0] =	vst v1  }
0x28b: {  	v1 =	vld [tilespmem:s1+$0xFFFFFB80];
	_ =	sdelay $0x4  }
0x28c: {  	[tilespmem:s31+$0x165B0] =	vst v1  }
0x28d: {  	v1 =	vld [tilespmem:s0+$0xFFFFFBD0];
	_ =	sdelay $0x4  }
0x28e: {  	[tilespmem:s31+$0x165C0] =	vst v1  }
0x28f: {  	v1 =	vld [tilespmem:s0+$0xFFFFFBE0]  }
0x290: {  	(v2sf) =	vpush v0, $0x9  }
0x291: {  	(v2sf) =	vpush v0, $0x8;
	_ =	sdelay $0x2  }
0x292: {  	[tilespmem:s31+$0x165D0] =	vst v1  }
0x293: {  	v1 =	vld [tilespmem:s0+$0xFFFFFBF0];
	_ =	sdelay $0x4  }
0x294: {  	[tilespmem:s31+$0x165E0] =	vst v1  }
0x295: {  	v1 =	vld [tilespmem:s0+$0xFFFFFC00];
	_ =	sdelay $0x3  }
0x296: {  	s0 =	spop (v2sf)  }
0x297: {  	s1 =	spop (v2sf);
	[tilespmem:s31+$0x165F0] =	vst v1  }
0x298: {  	v1 =	vld [tilespmem:s1+$0xFFFFFC50];
	_ =	sdelay $0x4  }
0x299: {  	[tilespmem:s31+$0x16600] =	vst v1  }
0x29a: {  	v1 =	vld [tilespmem:s1+$0xFFFFFC60];
	_ =	sdelay $0x4  }
0x29b: {  	[tilespmem:s31+$0x16610] =	vst v1  }
0x29c: {  	v1 =	vld [tilespmem:s1+$0xFFFFFC70];
	_ =	sdelay $0x4  }
0x29d: {  	[tilespmem:s31+$0x16620] =	vst v1  }
0x29e: {  	v1 =	vld [tilespmem:s1+$0xFFFFFC80];
	_ =	sdelay $0x4  }
0x29f: {  	[tilespmem:s31+$0x16630] =	vst v1  }
0x2a0: {  	v1 =	vld [tilespmem:s0+$0xFFFFFCD0];
	_ =	sdelay $0x4  }
0x2a1: {  	[tilespmem:s31+$0x16640] =	vst v1  }
0x2a2: {  	v1 =	vld [tilespmem:s0+$0xFFFFFCE0]  }
0x2a3: {  	(v2sf) =	vpush v0, $0xB  }
0x2a4: {  	(v2sf) =	vpush v0, $0xA;
	_ =	sdelay $0x2  }
0x2a5: {  	[tilespmem:s31+$0x16650] =	vst v1  }
0x2a6: {  	v1 =	vld [tilespmem:s0+$0xFFFFFCF0];
	_ =	sdelay $0x4  }
0x2a7: {  	[tilespmem:s31+$0x16660] =	vst v1  }
0x2a8: {  	v1 =	vld [tilespmem:s0+$0xFFFFFD00];
	_ =	sdelay $0x3  }
0x2a9: {  	s0 =	spop (v2sf)  }
0x2aa: {  	s1 =	spop (v2sf);
	[tilespmem:s31+$0x16670] =	vst v1  }
0x2ab: {  	v1 =	vld [tilespmem:s1+$0xFFFFFD50];
	_ =	sdelay $0x4  }
0x2ac: {  	[tilespmem:s31+$0x16680] =	vst v1  }
0x2ad: {  	v1 =	vld [tilespmem:s1+$0xFFFFFD60];
	_ =	sdelay $0x4  }
0x2ae: {  	[tilespmem:s31+$0x16690] =	vst v1  }
0x2af: {  	v1 =	vld [tilespmem:s1+$0xFFFFFD70];
	_ =	sdelay $0x4  }
0x2b0: {  	[tilespmem:s31+$0x166A0] =	vst v1  }
0x2b1: {  	v1 =	vld [tilespmem:s1+$0xFFFFFD80];
	_ =	sdelay $0x4  }
0x2b2: {  	[tilespmem:s31+$0x166B0] =	vst v1  }
0x2b3: {  	v1 =	vld [tilespmem:s0+$0xFFFFFDD0];
	_ =	sdelay $0x4  }
0x2b4: {  	[tilespmem:s31+$0x166C0] =	vst v1  }
0x2b5: {  	v1 =	vld [tilespmem:s0+$0xFFFFFDE0]  }
0x2b6: {  	(v2sf) =	vpush v0, $0xD  }
0x2b7: {  	(v2sf) =	vpush v0, $0xC;
	_ =	sdelay $0x2  }
0x2b8: {  	[tilespmem:s31+$0x166D0] =	vst v1  }
0x2b9: {  	v1 =	vld [tilespmem:s0+$0xFFFFFDF0];
	_ =	sdelay $0x4  }
0x2ba: {  	[tilespmem:s31+$0x166E0] =	vst v1  }
0x2bb: {  	v1 =	vld [tilespmem:s0+$0xFFFFFE00];
	_ =	sdelay $0x3  }
0x2bc: {  	s0 =	spop (v2sf)  }
0x2bd: {  	s1 =	spop (v2sf);
	[tilespmem:s31+$0x166F0] =	vst v1  }
0x2be: {  	v1 =	vld [tilespmem:s1+$0xFFFFFE50];
	_ =	sdelay $0x4  }
0x2bf: {  	[tilespmem:s31+$0x16700] =	vst v1  }
0x2c0: {  	v1 =	vld [tilespmem:s1+$0xFFFFFE60];
	_ =	sdelay $0x4  }
0x2c1: {  	[tilespmem:s31+$0x16710] =	vst v1  }
0x2c2: {  	v1 =	vld [tilespmem:s1+$0xFFFFFE70];
	_ =	sdelay $0x4  }
0x2c3: {  	[tilespmem:s31+$0x16720] =	vst v1  }
0x2c4: {  	v1 =	vld [tilespmem:s1+$0xFFFFFE80];
	_ =	sdelay $0x4  }
0x2c5: {  	[tilespmem:s31+$0x16730] =	vst v1  }
0x2c6: {  	v1 =	vld [tilespmem:s0+$0xFFFFFED0];
	_ =	sdelay $0x4  }
0x2c7: {  	[tilespmem:s31+$0x16740] =	vst v1  }
0x2c8: {  	v1 =	vld [tilespmem:s0+$0xFFFFFEE0]  }
0x2c9: {  	(v2sf) =	vpush v0, $0xF  }
0x2ca: {  	(v2sf) =	vpush v0, $0xE;
	_ =	sdelay $0x2  }
0x2cb: {  	[tilespmem:s31+$0x16750] =	vst v1  }
0x2cc: {  	v63 =	vld [tilespmem:s0+$0xFFFFFEF0];
	_ =	sdelay $0x4  }
0x2cd: {  	[tilespmem:s31+$0x16760] =	vst v63  }
0x2ce: {  	v0 =	vld [tilespmem:s0+$0xFFFFFF00];
	_ =	sdelay $0x3  }
0x2cf: {  	s0 =	spop (v2sf)  }
0x2d0: {  	s1 =	spop (v2sf);
	[tilespmem:s31+$0x16770] =	vst v0  }
0x2d1: {  	v0 =	vld [tilespmem:s1+$0xFFFFFF50];
	_ =	sdelay $0x4  }
0x2d2: {  	[tilespmem:s31+$0x16780] =	vst v0  }
0x2d3: {  	v0 =	vld [tilespmem:s1+$0xFFFFFF60];
	_ =	sdelay $0x4  }
0x2d4: {  	[tilespmem:s31+$0x16790] =	vst v0  }
0x2d5: {  	v0 =	vld [tilespmem:s1+$0xFFFFFF70];
	_ =	sdelay $0x4  }
0x2d6: {  	[tilespmem:s31+$0x167A0] =	vst v0  }
0x2d7: {  	v0 =	vld [tilespmem:s1+$0xFFFFFF80];
	_ =	sdelay $0x4  }
0x2d8: {  	[tilespmem:s31+$0x167B0] =	vst v0  }
0x2d9: {  	v0 =	vld [tilespmem:s0+$0xFFFFFFD0];
	_ =	sdelay $0x4  }
0x2da: {  	[tilespmem:s31+$0x167C0] =	vst v0  }
0x2db: {  	v0 =	vld [tilespmem:s0+$0xFFFFFFE0];
	_ =	sdelay $0x4  }
0x2dc: {  	[tilespmem:s31+$0x167D0] =	vst v0  }
0x2dd: {  	v0 =	vld [tilespmem:s0+$0xFFFFFFF0];
	_ =	sdelay $0x4  }
0x2de: {  	[tilespmem:s31+$0x167E0] =	vst v0  }
0x2df: {  	p0 =	sne.s32 s28, $0x7000;
	v0 =	vld [tilespmem:s0+$0x0]  }
.Ltmp3:
0x2e0: {  	_ = 	snop;
	(pc) =	sbr.rel @p0 .LBB2_8-.Ltmp3, $2  }
0x2e1: {  	_ =	sdelay $0x2  }
0x2e2: {  	s30 =	sadd.s32 $0x10, s30;
	s28 =	sadd.s32 $0x1000, s28;
	s29 =	sadd.s32 $0x800, s29;
	[tilespmem:s31+$0x167F0] =	vst v0  }
0x2e3: {  	[hbm4b:s8+s2] =	stream.linear.scatter [tilespmem:s24], [sflag:$0x2], $0x2000, $0x38;
	[tilespmem:$0x18400] =	vst v63  }
0x2e4: {  	_ =	swait.ge [sflag:s25], $0x2000  }
0x2e5: {  	[sflag:s25] =	ssyncset.done $0x0  }
0x2e6: {  	[sflag:s25] =	ssyncadd.s32 $0xFFFFE000  }
0x2e7: {  	_ =	swait.ge [sflag:s25], $0x2000  }
0x2e8: {  	[sflag:s25] =	ssyncset.done $0x0  }
0x2e9: {  	s26 =	sadd.s32 $0x1, s26;
	[sflag:s25] =	ssyncadd.s32 $0xFFFFE000  }
0x2ea: {  	p0 =	sne.s32 s26, s9;
	_ =	swait.ge [sflag:s25], $0x2000  }
.Ltmp4:
0x2eb: {  	[sflag:s25] =	ssyncset.done $0x0;
	(pc) =	sbr.rel @p0 .LBB2_1-.Ltmp4, $4  }
0x2ec: {  	[sflag:s25] =	ssyncadd.s32 $0xFFFFE000  }
0x2ed: {  	_ =	swait.ge [sflag:s25], $0x2000  }
0x2ee: {  	[sflag:s25] =	ssyncset.done $0x0  }
0x2ef: {  	[sflag:s25] =	ssyncadd.s32 $0xFFFFE000  }
0x2f0: {  	_ =	sfence.sel $0x180000  }
0x2f1: {  	[bflag:$0x0] =	sbarrier.arrive $0xFFFF  }
0x2f2: {  	_ =	strace $0x90000047  }
0x2f3: {  	s0 =	stileid.u32;
	[bflag:$0x2] =	sbarrier.arrive $0xFFFF  }
0x2f4: {  	p0 =	sne.s32 s0, $0x0;
	s0 =	rddreg [dreg:$0x3]  }
0x2f5: {  	s0 =	sadd.s32 @!p0 $0x100000, s0  }
0x2f6: {  	[sflag:s0] =	ssyncadd.tile.s32 @!p0 $0x1;
	_ =	shalt  }
.Lfunc_end2:
_tile_overlayer_lowered:
.L_overlay_start_2:
0x2f7: {  	(tag) =	ssettag $0x2  }
0x2f8: {  	s0 =	rddreg [dreg:$0x0];
	s2 =	stileid.u32  }
0x2f9: {  	s1 =	rddreg [dreg:$0x1];
	p0 =	sne.s32 s2, $0x0  }
0x2fa: {  	s3 =	rddreg [dreg:$0x2];
	[bflag:$0x3] =	sbarrier.arrive $0xFFFF;
	s2 =	simm.s32 @!p0 $0x1C03  }
0x2fb: {  	[timem:s3], [sflag:s2] =	dma.local @!p0 [hbm:s0], s1  }
0x2fc: {  	s0 =	simm.s32 @!p0 $0x3  }
0x2fd: {  	_ =	swait.ge @!p0 [sflag:s0], s1  }
0x2fe: {  	s1 =	ssub.s32 @!p0 $0x0, s1;
	[sflag:s0] =	ssyncset.done @!p0 $0x0  }
0x2ff: {  	[sflag:s0] =	ssyncadd.s32 @!p0 s1  }
0x300: {  	[bflag:$0x3] =	sbarrier.arrive $0xFFFF  }
0x301: {  	_ =	shalt  }

</sc_bundles>
